<compile_context>
chip_gen: v7x
topology: tpu7x:2x2x1
jax: 0.10.2.dev20260603
libtpu: 0.0.44.dev20260713+nightly
codegen_flags: <defaults>
</compile_context>

<pallas_src>
import functools
import jax
import jax.numpy as jnp
from jax import lax
from jax.experimental import pallas as pl
from jax.experimental.pallas import tpu as pltpu
from jax.experimental.pallas import tpu_sc as plsc

_S3 = 3.0 ** 0.5
_EB = 4096
_NW = 32
_CB = 128


def _sc_gather_rows(table, idx3):
    nw, ch, cb = idx3.shape
    rows_out = nw * ch * cb
    mesh = plsc.VectorSubcoreMesh(core_axis_name="c", subcore_axis_name="s")

    @functools.partial(
        pl.kernel,
        mesh=mesh,
        out_type=jax.ShapeDtypeStruct((rows_out, 128), jnp.float32),
        scratch_types=[
            pltpu.VMEM((ch, cb), jnp.int32),
            pltpu.VMEM((cb, 128), jnp.float32),
            pltpu.VMEM((cb, 128), jnp.float32),
            pltpu.SemaphoreType.DMA,
            pltpu.SemaphoreType.DMA,
        ],
    )
    def k(idx_hbm, table_hbm, out_hbm, idx_v, buf0, buf1, sem0, sem1):
        wid = lax.axis_index("s") * 2 + lax.axis_index("c")
        base = wid * (ch * cb)
        pltpu.sync_copy(idx_hbm.at[wid], idx_v)
        bufs = (buf0, buf1)
        sems = (sem0, sem1)
        cps = [None, None]
        cps[0] = pltpu.async_copy(table_hbm.at[idx_v.at[0]], bufs[0], sems[0])
        for c in range(ch):
            if c + 1 < ch:
                nxt = (c + 1) % 2
                cps[nxt] = pltpu.async_copy(
                    table_hbm.at[idx_v.at[c + 1]], bufs[nxt], sems[nxt])
            cps[c % 2].wait()
            pltpu.sync_copy(bufs[c % 2], out_hbm.at[pl.ds(base + c * cb, cb)])

    return k(idx3, table)


def _tc_body(ef_ref, src_ref, dst_ref, shT_ref, nodeT_ref, l1fT_ref,
             WpT_ref, bp_ref, Wqd0T_ref,
             lngk_ref, lnbk_ref, Wk1T_ref, bk1_ref, Wk2T_ref, bk2_ref,
             lngv_ref, lnbv_ref, Wv1T_ref, bv1_ref, Wv2T_ref, bv2_ref,
             WhoT_ref, WpnT_ref, bpnT_ref,
             Wqd1_ref, Whoo_ref,
             outT_ref, l1outT_ref,
             xq_s, acc_s, y_s, wk_s, wv_s, xs_s, qd_s):
    step = pl.program_id(0)
    nstep = pl.num_programs(0)
    f32 = jnp.float32

    @pl.when(step == 0)
    def _pre():
        x0T = jnp.dot(WpT_ref[...], nodeT_ref[...],
                      preferred_element_type=f32) + bp_ref[...]
        x1T = l1fT_ref[...]
        qd0T = jnp.dot(Wqd0T_ref[...], x0T, preferred_element_type=f32)
        xq_s[0:16, :] = x0T
        xq_s[16:28, :] = x1T
        xq_s[28:32, :] = jnp.zeros((4, 768), f32)
        xq_s[32:48, :] = qd0T
        for v in range(4):
            for i in range(3):
                r = sum(Wqd1_ref[w, v] * x1T[3 * w + i:3 * w + i + 1, :]
                        for w in range(4))
                xq_s[48 + 3 * v + i:49 + 3 * v + i, :] = r
        xq_s[60:64, :] = jnp.zeros((4, 768), f32)
        acc_s[...] = jnp.zeros((48, 768), f32)
        y_s[28:32, :] = jnp.zeros((4, _EB), f32)
        y_s[46:48, :] = jnp.zeros((2, _EB), f32)

    efb = ef_ref[...]
    mu = jnp.mean(efb, axis=1, keepdims=True)
    var = jnp.mean((efb - mu) ** 2, axis=1, keepdims=True)
    nrm = (efb - mu) * lax.rsqrt(var + 1e-5)
    tdims = (((1,), (1,)), ((), ()))
    bf16 = jnp.bfloat16

    lnk = (nrm * lngk_ref[...] + lnbk_ref[...]).astype(bf16)
    hk = jnp.maximum(lax.dot_general(Wk1T_ref[...].astype(bf16), lnk, tdims,
                                     preferred_element_type=f32)
                     + bk1_ref[...], 0.0)
    wk_s[...] = jnp.dot(Wk2T_ref[...].astype(bf16), hk.astype(bf16),
                        preferred_element_type=f32) + bk2_ref[...]

    lnv = (nrm * lngv_ref[...] + lnbv_ref[...]).astype(bf16)
    hv = jnp.maximum(lax.dot_general(Wv1T_ref[...].astype(bf16), lnv, tdims,
                                     preferred_element_type=f32)
                     + bv1_ref[...], 0.0)
    wv_s[...] = jnp.dot(Wv2T_ref[...].astype(bf16), hv.astype(bf16),
                        preferred_element_type=f32) + bv2_ref[...]

    srcb = src_ref[0]
    dstb = dst_ref[0]
    iota = lax.broadcasted_iota(jnp.int32, (768, _EB), 0)
    ohs = (iota == srcb).astype(f32)
    ohd = (iota == dstb).astype(f32)
    xs_s[...] = jnp.dot(xq_s[0:28, :], ohs, preferred_element_type=f32)
    qd_s[...] = jnp.dot(xq_s[32:60, :], ohd, preferred_element_type=f32)
    xsT = xs_s
    qdT = qd_s
    wkT = wk_s
    wvT = wv_s

    shT = shT_ref[...]
    sh0 = shT[0:1]
    sh1 = [shT[1 + i:2 + i] for i in range(3)]
    a_ = shT[4:5]; b_ = shT[5:6]; c_ = shT[6:7]; d_ = shT[7:8]; e_ = shT[8:9]

    x0T = xsT[0:16]
    x1r = [xsT[16 + k:17 + k] for k in range(12)]
    x0sT = x0T * sh0
    inv3 = 1.0 / _S3
    dot11r = [(x1r[3*u] * sh1[0] + x1r[3*u+1] * sh1[1] + x1r[3*u+2] * sh1[2])
              * inv3 for u in range(4)]
    m00 = e_ - c_ * inv3
    m11 = -e_ - c_ * inv3
    m22 = c_ * (2.0 * inv3)
    i5 = 1.0 / (5.0 ** 0.5)
    i2 = 1.0 / (2.0 ** 0.5)
    m12r, y1r, crr = [], [], []
    for u in range(4):
        p0, p1, p2 = x1r[3*u], x1r[3*u+1], x1r[3*u+2]
        m12r += [(m00*p0 + a_*p1 + d_*p2) * i5,
                 (a_*p0 + m11*p1 + b_*p2) * i5,
                 (d_*p0 + b_*p1 + m22*p2) * i5]
        y1r += [p0 * sh0, p1 * sh0, p2 * sh0]
        crr += [(p1*sh1[2] - p2*sh1[1]) * i2,
                (p2*sh1[0] - p0*sh1[2]) * i2,
                (p0*sh1[1] - p1*sh1[0]) * i2]

    i20 = 1.0 / (20.0 ** 0.5)
    i24 = 1.0 / (24.0 ** 0.5)

    def fctp(wT, need_1e):
        out0 = sum(wT[16*u:16*u+16] * x0sT[u:u+1] for u in range(16))
        out0 = out0 + sum(wT[256+16*u:256+16*u+16] * dot11r[u]
                          for u in range(4))
        out0 = out0 * i20
        t011 = [sum(wT[320+4*u+v:321+4*u+v] * x0T[u:u+1] for u in range(16))
                for v in range(4)]
        o1o = []
        for v in range(4):
            for i in range(3):
                r = t011[v] * sh1[i]
                r = r + sum(wT[384+4*u+v:385+4*u+v] * y1r[3*u+i]
                            for u in range(4))
                r = r + sum(wT[400+4*u+v:401+4*u+v] * m12r[3*u+i]
                            for u in range(4))
                o1o.append(r * i24)
        if not need_1e:
            return out0, o1o, None
        o1e = [sum(wT[416+4*u+v:417+4*u+v] * crr[3*u+i] for u in range(4))
               * 0.5
               for v in range(4) for i in range(3)]
        return out0, o1o, o1e

    k0, k1o, _ = fctp(wkT, False)
    v0, v1o, v1e = fctp(wvT, True)

    d0 = jnp.sum(qdT[0:16] * k0, axis=0, keepdims=True)
    d1 = sum(qdT[16+k:17+k] * k1o[k] for k in range(12)) * inv3
    dd = (d0 + d1) * (1.0 / (288.0 ** 0.5))
    ex = jnp.exp(dd * (1.0 / (40.0 ** 0.5)))

    y_s[0:16, :] = v0 * ex
    for k in range(12):
        y_s[16 + k:17 + k, :] = v1o[k] * ex
        y_s[32 + k:33 + k, :] = v1e[k] * ex
    y_s[44:45, :] = ex
    y_s[45:46, :] = jnp.ones((1, _EB), f32)
    acc_s[...] = acc_s[...] + lax.dot_general(
        y_s[...], ohd, (((1,), (1,)), ((), ())), preferred_element_type=f32)

    @pl.when(step == nstep - 1)
    def _post():
        acc = acc_s[...]
        z = acc[44:45]
        cnt = acc[45:46]
        scale = 1.0 / ((z + 1e-5) * jnp.maximum(cnt, 1.0))
        o0T = acc[0:16] * scale
        f0T = jnp.dot(WhoT_ref[...], o0T, preferred_element_type=f32)
        node_outT = (jnp.dot(WpnT_ref[...], f0T, preferred_element_type=f32)
                     + bpnT_ref[...] + nodeT_ref[...])
        outT_ref[...] = node_outT
        for v in range(4):
            for i in range(3):
                r = sum(Whoo_ref[w, v] * acc[16+3*w+i:17+3*w+i]
                        for w in range(4)) * scale
                l1outT_ref[3*v+i:3*v+i+1, :] = r + l1fT_ref[3*v+i:3*v+i+1, :]


def _tc_main(ef, src3, dst3, shT, nodeT, l1fT, consts):
    (WpT, bp_c, Wqd0T, lngk, lnbk, Wk1T, bk1c, Wk2T, bk2c,
     lngv, lnbv, Wv1T, bv1c, Wv2T, bv2c, WhoT, WpnT, bpnT,
     Wqd1, Whoo) = consts
    nblk = ef.shape[0] // _EB
    whole = lambda s: pl.BlockSpec(s, lambda i: (0, 0))
    in_specs = [
        pl.BlockSpec((_EB, 128), lambda i: (i, 0)),
        pl.BlockSpec((1, 1, _EB), lambda i: (i, 0, 0)),
        pl.BlockSpec((1, 1, _EB), lambda i: (i, 0, 0)),
        pl.BlockSpec((9, _EB), lambda i: (0, i)),
        whole((256, 768)), whole((12, 768)),
        whole(WpT.shape), whole(bp_c.shape), whole(Wqd0T.shape),
        whole(lngk.shape), whole(lnbk.shape), whole(Wk1T.shape),
        whole(bk1c.shape), whole(Wk2T.shape), whole(bk2c.shape),
        whole(lngv.shape), whole(lnbv.shape), whole(Wv1T.shape),
        whole(bv1c.shape), whole(Wv2T.shape), whole(bv2c.shape),
        whole(WhoT.shape), whole(WpnT.shape), whole(bpnT.shape),
        pl.BlockSpec(memory_space=pltpu.SMEM),
        pl.BlockSpec(memory_space=pltpu.SMEM),
    ]
    out_specs = [whole((256, 768)), whole((12, 768))]
    return pl.pallas_call(
        _tc_body,
        grid=(nblk,),
        in_specs=in_specs,
        out_specs=out_specs,
        out_shape=[jax.ShapeDtypeStruct((256, 768), jnp.float32),
                   jax.ShapeDtypeStruct((12, 768), jnp.float32)],
        scratch_shapes=[pltpu.VMEM((64, 768), jnp.float32),
                        pltpu.VMEM((48, 768), jnp.float32),
                        pltpu.VMEM((48, _EB), jnp.float32),
                        pltpu.VMEM((432, _EB), jnp.float32),
                        pltpu.VMEM((432, _EB), jnp.float32),
                        pltpu.VMEM((28, _EB), jnp.float32),
                        pltpu.VMEM((28, _EB), jnp.float32)],
        compiler_params=pltpu.CompilerParams(
            dimension_semantics=("arbitrary",)),
    )(ef, src3, dst3, shT, nodeT, l1fT,
      WpT, bp_c, Wqd0T, lngk, lnbk, Wk1T, bk1c, Wk2T, bk2c,
      lngv, lnbv, Wv1T, bv1c, Wv2T, bv2c, WhoT, WpnT, bpnT, Wqd1, Whoo)


def kernel(node, pair, l1_feats, pair_index, edge_src, edge_dst, edge_sh,
           Wp, bp, Wq0, Wq1, ln_g_k, ln_b_k, Wk1, bk1, Wk2, bk2,
           ln_g_v, ln_b_v, Wv1, bv1, Wv2, bv2, Wd0, Wd1o, Wd1e,
           Wh0, Wh1o, Wh1e, Wo0, Wo1o, Wpn, bpn):
    B, L = node.shape[0], node.shape[1]
    n = B * L
    E = edge_src.shape[0]

    flat = (pair_index[0] * (L * L) + pair_index[1] * L
            + pair_index[2]).astype(jnp.int32)
    ch = E // (_NW * _CB)
    ef = _sc_gather_rows(pair.reshape(B * L * L, 128),
                         flat.reshape(_NW, ch, _CB))

    f32 = jnp.float32
    src3 = edge_src.reshape(E // _EB, 1, _EB)
    dst3 = edge_dst.reshape(E // _EB, 1, _EB)
    shT = edge_sh.T
    nodeT = node.reshape(n, 256).T
    l1fT = l1_feats.reshape(n, 12).T
    consts = (
        Wp.T, bp.reshape(16, 1),
        (Wq0 @ Wd0).T / 4.0,
        ln_g_k.reshape(1, 128), ln_b_k.reshape(1, 128),
        Wk1.T, bk1.reshape(128, 1), Wk2.T, bk2.reshape(432, 1),
        ln_g_v.reshape(1, 128), ln_b_v.reshape(1, 128),
        Wv1.T, bv1.reshape(128, 1), Wv2.T, bv2.reshape(432, 1),
        (Wh0 @ Wo0).T / 16.0,
        Wpn.T, bpn.reshape(256, 1),
        (Wq1 @ Wd1o) / 2.0,
        (Wh1o @ Wo1o) / 4.0,
    )
    consts = tuple(c.astype(f32) for c in consts)

    outT, l1outT = _tc_main(ef, src3, dst3, shT, nodeT, l1fT, consts)
    node_out = outT.T.reshape(B, L, 256)
    l1_out = l1outT.T.reshape(B, L, 12)
    return node_out, l1_out

# --- scband reference (transcript-rebuilt; emitter-appended) ---
"""Pipeline reference for scband-e3-transformer-42528766165476 (READ-ONLY COPY).

The authoritative reference and input builder live on the scoring server;
editing this copy changes nothing except your own understanding.
"""

import jax, jax.numpy as jnp
import numpy as np

B, L = 2, 384
N = B * L
E = 49152
S3 = 3.0 ** 0.5

def _layernorm(x, g, b):
    mu = x.mean(-1, keepdims=True)
    var = ((x - mu) ** 2).mean(-1, keepdims=True)
    return (x - mu) / jnp.sqrt(var + 1e-5) * g + b

def _sh2_matrix(s):
    a = s[:, 0]; bb = s[:, 1]; c = s[:, 2]; d = s[:, 3]; e = s[:, 4]
    r0 = jnp.stack([e - c / S3, a, d], -1)
    r1 = jnp.stack([a, -e - c / S3, bb], -1)
    r2 = jnp.stack([d, bb, 2.0 * c / S3], -1)
    return jnp.stack([r0, r1, r2], -2)

def _fctp(x, sh, w):
    # FullyConnectedTensorProduct(16x0e+4x1o, 1x0e+1x1o+1x2e -> 16x0e+4x1o+4x1e), per-edge weights w [E,432]
    x0 = x[:, :16]; x1 = x[:, 16:28].reshape(-1, 4, 3)
    sh0 = sh[:, 0:1]; sh1 = sh[:, 1:4]; sh2 = sh[:, 4:9]
    w000 = w[:, 0:256].reshape(-1, 16, 16)
    w110 = w[:, 256:320].reshape(-1, 4, 16)
    w011 = w[:, 320:384].reshape(-1, 16, 4)
    w101 = w[:, 384:400].reshape(-1, 4, 4)
    w121 = w[:, 400:416].reshape(-1, 4, 4)
    w111 = w[:, 416:432].reshape(-1, 4, 4)
    dot11 = jnp.einsum('eui,ei->eu', x1, sh1) / S3
    out0 = (jnp.einsum('euv,eu->ev', w000, x0 * sh0) + jnp.einsum('euv,eu->ev', w110, dot11)) / (20.0 ** 0.5)
    m12 = jnp.einsum('eij,euj->eui', _sh2_matrix(sh2), x1) / (5.0 ** 0.5)
    out1o = (jnp.einsum('euv,eu,ei->evi', w011, x0, sh1) + jnp.einsum('euv,eui->evi', w101, x1 * sh0[:, :, None]) + jnp.einsum('euv,eui->evi', w121, m12)) / (24.0 ** 0.5)
    cr = jnp.cross(x1, sh1[:, None, :]) / (2.0 ** 0.5)
    out1e = jnp.einsum('euv,eui->evi', w111, cr) / 2.0
    return jnp.concatenate([out0, out1o.reshape(-1, 12), out1e.reshape(-1, 12)], -1)

def _dot_tp(q, k, Wd0, Wd1o, Wd1e):
    q0 = q[:, :16]; k0 = k[:, :16]
    q1o = q[:, 16:28].reshape(-1, 4, 3); k1o = k[:, 16:28].reshape(-1, 4, 3)
    q1e = q[:, 28:40].reshape(-1, 4, 3); k1e = k[:, 28:40].reshape(-1, 4, 3)
    d = (jnp.einsum('uv,eu,ev->e', Wd0, q0, k0) + jnp.einsum('uv,eui,evi->e', Wd1o, q1o, k1o) / S3 + jnp.einsum('uv,eui,evi->e', Wd1e, q1e, k1e) / S3) / (288.0 ** 0.5)
    return d[:, None]

def setup_inputs(seed: int = 0):
    key = jax.random.key(seed)
    ks = [jax.random.fold_in(key, t) for t in range(40)]
    inp = {}
    inp['node'] = jax.random.normal(ks[0], (B, L, 256), jnp.float32)
    inp['pair'] = jax.random.normal(ks[1], (B, L, L, 128), jnp.float32)
    inp['l1_feats'] = jax.random.normal(ks[2], (B, L, 12), jnp.float32)
    bidx = jax.random.randint(ks[3], (E,), 0, B)
    iidx = jax.random.randint(ks[4], (E,), 0, L)
    jidx = jax.random.randint(ks[5], (E,), 0, L)
    inp['pair_index'] = jnp.stack([bidx, iidx, jidx], 0).astype(jnp.int32)
    inp['edge_src'] = jax.random.randint(ks[6], (E,), 0, N, dtype=jnp.int32)
    inp['edge_dst'] = jax.random.randint(ks[7], (E,), 0, N, dtype=jnp.int32)
    inp['edge_sh'] = jax.random.normal(ks[8], (E, 9), jnp.float32)
    def w(k, shape, s=0.1):
        return jax.random.normal(k, shape, jnp.float32) * s
    inp['Wp'] = w(ks[9], (256, 16)); inp['bp'] = jnp.zeros((16,), jnp.float32)
    inp['Wq0'] = w(ks[10], (16, 16)); inp['Wq1'] = w(ks[11], (4, 4))
    inp['ln_g_k'] = jnp.ones((128,), jnp.float32); inp['ln_b_k'] = jnp.zeros((128,), jnp.float32)
    inp['Wk1'] = w(ks[12], (128, 128)); inp['bk1'] = jnp.zeros((128,), jnp.float32)
    inp['Wk2'] = w(ks[13], (128, 432)); inp['bk2'] = jnp.zeros((432,), jnp.float32)
    inp['ln_g_v'] = jnp.ones((128,), jnp.float32); inp['ln_b_v'] = jnp.zeros((128,), jnp.float32)
    inp['Wv1'] = w(ks[14], (128, 128)); inp['bv1'] = jnp.zeros((128,), jnp.float32)
    inp['Wv2'] = w(ks[15], (128, 432)); inp['bv2'] = jnp.zeros((432,), jnp.float32)
    inp['Wd0'] = w(ks[16], (16, 16)); inp['Wd1o'] = w(ks[17], (4, 4)); inp['Wd1e'] = w(ks[18], (4, 4))
    inp['Wh0'] = w(ks[19], (16, 16)); inp['Wh1o'] = w(ks[20], (4, 4)); inp['Wh1e'] = w(ks[21], (4, 4))
    inp['Wo0'] = w(ks[22], (16, 16)); inp['Wo1o'] = w(ks[23], (4, 4))
    inp['Wpn'] = w(ks[24], (16, 256)); inp['bpn'] = jnp.zeros((256,), jnp.float32)
    return inp

def reference(node, pair, l1_feats, pair_index, edge_src, edge_dst, edge_sh, Wp, bp, Wq0, Wq1, ln_g_k, ln_b_k, Wk1, bk1, Wk2, bk2, ln_g_v, ln_b_v, Wv1, bv1, Wv2, bv2, Wd0, Wd1o, Wd1e, Wh0, Wh1o, Wh1e, Wo0, Wo1o, Wpn, bpn):
    Bb, Ll = node.shape[0], node.shape[1]
    n = Bb * Ll
    l0 = node @ Wp + bp
    x = jnp.concatenate([l0, l1_feats], -1).reshape(n, -1)
    edge_feats = pair[pair_index[0], pair_index[1], pair_index[2]]
    x0 = x[:, :16]; x1 = x[:, 16:28].reshape(n, 4, 3)
    q0 = (x0 @ Wq0) / 4.0
    q1o = jnp.einsum('nui,uv->nvi', x1, Wq1) / 2.0
    q_all = jnp.concatenate([q0, q1o.reshape(n, 12), jnp.zeros((n, 12), x.dtype)], -1)
    q = q_all[edge_dst]
    wk = jax.nn.relu(_layernorm(edge_feats, ln_g_k, ln_b_k) @ Wk1 + bk1) @ Wk2 + bk2
    wv = jax.nn.relu(_layernorm(edge_feats, ln_g_v, ln_b_v) @ Wv1 + bv1) @ Wv2 + bv2
    xs = x[edge_src]
    kk = _fctp(xs, edge_sh, wk)
    vv = _fctp(xs, edge_sh, wv)
    ex = jnp.exp(_dot_tp(q, kk, Wd0, Wd1o, Wd1e) / (40.0 ** 0.5))
    z = jax.ops.segment_sum(ex, edge_dst, num_segments=n)
    alpha = ex / (z[edge_dst] + 1e-5)
    msg = alpha * vv
    s = jax.ops.segment_sum(msg, edge_dst, num_segments=n)
    cnt = jax.ops.segment_sum(jnp.ones((msg.shape[0], 1), msg.dtype), edge_dst, num_segments=n)
    out = s / jnp.clip(cnt, 1.0, None)
    o0 = out[:, :16]; o1o = out[:, 16:28].reshape(n, 4, 3); o1e = out[:, 28:40].reshape(n, 4, 3)
    h0 = (o0 @ Wh0) / 4.0
    h1o = jnp.einsum('nui,uv->nvi', o1o, Wh1o) / 2.0
    h1e = jnp.einsum('nui,uv->nvi', o1e, Wh1e) / 2.0  # no 1e path into output irreps; dropped by h_out
    f0 = (h0 @ Wo0) / 4.0
    f1 = jnp.einsum('nui,uv->nvi', h1o, Wo1o) / 2.0
    outr = jnp.concatenate([f0, f1.reshape(n, 12)], -1).reshape(Bb, Ll, -1)
    l0_out = outr[:, :, :16]
    l1_out = outr[:, :, 16:] + l1_feats
    node_out = l0_out @ Wpn + bpn + node
    return (node_out, l1_out)

if __name__ == "__main__":
    import jax
    _d = setup_inputs()
    print(jax.jit(kernel)(*tuple(_d.values())))

</pallas_src>

<mosaic_0001>
#map = affine_map<(d0, d1) -> (0, 0, 0)>
#map1 = affine_map<(d0, d1) -> (0, 0)>
module attributes {stable_mosaic.version = 14 : i64} {
  func.func @k(%arg0: i32, %arg1: i32, %arg2: memref<32x12x128xi32, #tpu.memory_space<hbm>>, %arg3: memref<294912x128xf32, #tpu.memory_space<hbm>>, %arg4: memref<49152x128xf32, #tpu.memory_space<hbm>>, %arg5: memref<12x128xi32, #tpu.memory_space<vmem>>, %arg6: memref<128x128xf32, #tpu.memory_space<vmem>>, %arg7: memref<128x128xf32, #tpu.memory_space<vmem>>, %arg8: memref<!tpu.dma_semaphore, #tpu.memory_space<semaphore_mem>>, %arg9: memref<!tpu.dma_semaphore, #tpu.memory_space<semaphore_mem>>) attributes {dimension_semantics = [#tpu.dimension_semantics<core_parallel>, #tpu.dimension_semantics<subcore_parallel>], iteration_bounds = array<i64: 2, 16>, scalar_prefetch = 0 : i64, scratch_operands = 5 : i64, tpu.core_type = #tpu.core_type<sc_vector_subcore>, window_params = [{transform_indices = #map}, {transform_indices = #map1}, {transform_indices = #map1}]} {
    %mul3A = arith.constant 2 : i32
    %mul3A_0 = arith.muli %arg1, %mul3A : i32
    %add3A = arith.addi %mul3A_0, %arg0 : i32
    %mul3A_1 = arith.constant 1536 : i32
    %mul3A_2 = arith.muli %add3A, %mul3A_1 : i32
    "tpu.region"() ({
      %run_scoped3A = tpu.sem_alloc : memref<!tpu.dma_semaphore, #tpu.memory_space<semaphore_mem>>
      %dma_start3A_193 = arith.constant 0 : i32
      %dma_start3A_194 = arith.constant 0 : i32
      %dma_start3A_195 = tpu.memref_slice %arg2[%add3A, %dma_start3A_193, %dma_start3A_194] : memref<32x12x128xi32, #tpu.memory_space<hbm>> -> memref<1x12x128xi32, #tpu.memory_space<hbm>>
      %dma_start3A_196 = tpu.memref_squeeze %dma_start3A_195 : memref<1x12x128xi32, #tpu.memory_space<hbm>> -> memref<12x128xi32, #tpu.memory_space<hbm>>
      %dma_start3A_197 = arith.constant 0 : i32
      %dma_start3A_198 = arith.constant 0 : i32
      %dma_start3A_199 = tpu.memref_slice %arg2[%add3A, %dma_start3A_197, %dma_start3A_198] : memref<32x12x128xi32, #tpu.memory_space<hbm>> -> memref<1x12x128xi32, #tpu.memory_space<hbm>>
      %dma_start3A_200 = tpu.memref_squeeze %dma_start3A_199 : memref<1x12x128xi32, #tpu.memory_space<hbm>> -> memref<12x128xi32, #tpu.memory_space<hbm>>
      tpu.enqueue_dma source(%dma_start3A_200 : memref<12x128xi32, #tpu.memory_space<hbm>>) target(%arg5 : memref<12x128xi32, #tpu.memory_space<vmem>>) target_semaphore(%run_scoped3A : memref<!tpu.dma_semaphore, #tpu.memory_space<semaphore_mem>>)
      %dma_wait3A_201 = arith.constant 0 : i32
      %dma_wait3A_202 = arith.constant 0 : i32
      %dma_wait3A_203 = tpu.memref_slice %arg2[%add3A, %dma_wait3A_201, %dma_wait3A_202] : memref<32x12x128xi32, #tpu.memory_space<hbm>> -> memref<1x12x128xi32, #tpu.memory_space<hbm>>
      %dma_wait3A_204 = tpu.memref_squeeze %dma_wait3A_203 : memref<1x12x128xi32, #tpu.memory_space<hbm>> -> memref<12x128xi32, #tpu.memory_space<hbm>>
      %dma_wait3A_205 = arith.constant 0 : i32
      %dma_wait3A_206 = arith.constant 0 : i32
      %dma_wait3A_207 = tpu.memref_slice %arg2[%add3A, %dma_wait3A_205, %dma_wait3A_206] : memref<32x12x128xi32, #tpu.memory_space<hbm>> -> memref<1x12x128xi32, #tpu.memory_space<hbm>>
      %dma_wait3A_208 = tpu.memref_squeeze %dma_wait3A_207 : memref<1x12x128xi32, #tpu.memory_space<hbm>> -> memref<12x128xi32, #tpu.memory_space<hbm>>
      tpu.wait_dma2 semaphore(%run_scoped3A : memref<!tpu.dma_semaphore, #tpu.memory_space<semaphore_mem>>) src(%dma_wait3A_208 : memref<12x128xi32, #tpu.memory_space<hbm>>) dst(%arg5 : memref<12x128xi32, #tpu.memory_space<vmem>>)
      tpu.yield
    }) : () -> ()
    %dma_start3A = arith.constant 0 : i32
    %dma_start3A_3 = arith.constant 0 : i32
    %dma_start3A_4 = tpu.memref_slice %arg5[%dma_start3A, %dma_start3A_3] : memref<12x128xi32, #tpu.memory_space<vmem>> -> memref<1x128xi32, #tpu.memory_space<vmem>>
    %dma_start3A_5 = tpu.memref_squeeze %dma_start3A_4 : memref<1x128xi32, #tpu.memory_space<vmem>> -> memref<128xi32, #tpu.memory_space<vmem>>
    %dma_start3A_6 = arith.constant 0 : i32
    %dma_start3A_7 = arith.constant 0 : i32
    %dma_start3A_8 = tpu.memref_slice %arg3[%dma_start3A_6, %dma_start3A_7] : memref<294912x128xf32, #tpu.memory_space<hbm>> -> memref<294912x128xf32, #tpu.memory_space<hbm>>
    tpu.enqueue_indirect_dma source(%dma_start3A_8 : memref<294912x128xf32, #tpu.memory_space<hbm>>) target(%arg6 : memref<128x128xf32, #tpu.memory_space<vmem>>) offsets(%dma_start3A_5 : memref<128xi32, #tpu.memory_space<vmem>>) semaphore(%arg8 : memref<!tpu.dma_semaphore, #tpu.memory_space<semaphore_mem>>)
    %dma_start3A_9 = arith.constant 1 : i32
    %dma_start3A_10 = arith.constant 0 : i32
    %dma_start3A_11 = tpu.memref_slice %arg5[%dma_start3A_9, %dma_start3A_10] : memref<12x128xi32, #tpu.memory_space<vmem>> -> memref<1x128xi32, #tpu.memory_space<vmem>>
    %dma_start3A_12 = tpu.memref_squeeze %dma_start3A_11 : memref<1x128xi32, #tpu.memory_space<vmem>> -> memref<128xi32, #tpu.memory_space<vmem>>
    %dma_start3A_13 = arith.constant 0 : i32
    %dma_start3A_14 = arith.constant 0 : i32
    %dma_start3A_15 = tpu.memref_slice %arg3[%dma_start3A_13, %dma_start3A_14] : memref<294912x128xf32, #tpu.memory_space<hbm>> -> memref<294912x128xf32, #tpu.memory_space<hbm>>
    tpu.enqueue_indirect_dma source(%dma_start3A_15 : memref<294912x128xf32, #tpu.memory_space<hbm>>) target(%arg7 : memref<128x128xf32, #tpu.memory_space<vmem>>) offsets(%dma_start3A_12 : memref<128xi32, #tpu.memory_space<vmem>>) semaphore(%arg9 : memref<!tpu.dma_semaphore, #tpu.memory_space<semaphore_mem>>)
    %dma_wait3A = arith.constant 0 : i32
    %dma_wait3A_16 = arith.constant 0 : i32
    %dma_wait3A_17 = tpu.memref_slice %arg5[%dma_wait3A, %dma_wait3A_16] : memref<12x128xi32, #tpu.memory_space<vmem>> -> memref<1x128xi32, #tpu.memory_space<vmem>>
    %dma_wait3A_18 = tpu.memref_squeeze %dma_wait3A_17 : memref<1x128xi32, #tpu.memory_space<vmem>> -> memref<128xi32, #tpu.memory_space<vmem>>
    %dma_wait3A_19 = arith.constant 0 : i32
    %dma_wait3A_20 = arith.constant 0 : i32
    %dma_wait3A_21 = tpu.memref_slice %arg3[%dma_wait3A_19, %dma_wait3A_20] : memref<294912x128xf32, #tpu.memory_space<hbm>> -> memref<294912x128xf32, #tpu.memory_space<hbm>>
    tpu.wait_indirect_dma semaphore(%arg8 : memref<!tpu.dma_semaphore, #tpu.memory_space<semaphore_mem>>) src(%dma_wait3A_21 : memref<294912x128xf32, #tpu.memory_space<hbm>>) dst(%arg6 : memref<128x128xf32, #tpu.memory_space<vmem>>)
    %add3A_22 = arith.constant 0 : i32
    %add3A_23 = arith.addi %mul3A_2, %add3A_22 : i32
    "tpu.region"() ({
      %run_scoped3A = tpu.sem_alloc : memref<!tpu.dma_semaphore, #tpu.memory_space<semaphore_mem>>
      %dma_start3A_193 = arith.constant 0 : i32
      %dma_start3A_194 = tpu.memref_slice %arg4[%add3A_23, %dma_start3A_193] : memref<49152x128xf32, #tpu.memory_space<hbm>> -> memref<128x128xf32, #tpu.memory_space<hbm>>
      %dma_start3A_195 = arith.constant 0 : i32
      %dma_start3A_196 = tpu.memref_slice %arg4[%add3A_23, %dma_start3A_195] : memref<49152x128xf32, #tpu.memory_space<hbm>> -> memref<128x128xf32, #tpu.memory_space<hbm>>
      tpu.enqueue_dma source(%arg6 : memref<128x128xf32, #tpu.memory_space<vmem>>) target(%dma_start3A_196 : memref<128x128xf32, #tpu.memory_space<hbm>>) target_semaphore(%run_scoped3A : memref<!tpu.dma_semaphore, #tpu.memory_space<semaphore_mem>>)
      %dma_wait3A_197 = arith.constant 0 : i32
      %dma_wait3A_198 = tpu.memref_slice %arg4[%add3A_23, %dma_wait3A_197] : memref<49152x128xf32, #tpu.memory_space<hbm>> -> memref<128x128xf32, #tpu.memory_space<hbm>>
      %dma_wait3A_199 = arith.constant 0 : i32
      %dma_wait3A_200 = tpu.memref_slice %arg4[%add3A_23, %dma_wait3A_199] : memref<49152x128xf32, #tpu.memory_space<hbm>> -> memref<128x128xf32, #tpu.memory_space<hbm>>
      tpu.wait_dma2 semaphore(%run_scoped3A : memref<!tpu.dma_semaphore, #tpu.memory_space<semaphore_mem>>) src(%arg6 : memref<128x128xf32, #tpu.memory_space<vmem>>) dst(%dma_wait3A_200 : memref<128x128xf32, #tpu.memory_space<hbm>>)
      tpu.yield
    }) : () -> ()
    %dma_start3A_24 = arith.constant 2 : i32
    %dma_start3A_25 = arith.constant 0 : i32
    %dma_start3A_26 = tpu.memref_slice %arg5[%dma_start3A_24, %dma_start3A_25] : memref<12x128xi32, #tpu.memory_space<vmem>> -> memref<1x128xi32, #tpu.memory_space<vmem>>
    %dma_start3A_27 = tpu.memref_squeeze %dma_start3A_26 : memref<1x128xi32, #tpu.memory_space<vmem>> -> memref<128xi32, #tpu.memory_space<vmem>>
    %dma_start3A_28 = arith.constant 0 : i32
    %dma_start3A_29 = arith.constant 0 : i32
    %dma_start3A_30 = tpu.memref_slice %arg3[%dma_start3A_28, %dma_start3A_29] : memref<294912x128xf32, #tpu.memory_space<hbm>> -> memref<294912x128xf32, #tpu.memory_space<hbm>>
    tpu.enqueue_indirect_dma source(%dma_start3A_30 : memref<294912x128xf32, #tpu.memory_space<hbm>>) target(%arg6 : memref<128x128xf32, #tpu.memory_space<vmem>>) offsets(%dma_start3A_27 : memref<128xi32, #tpu.memory_space<vmem>>) semaphore(%arg8 : memref<!tpu.dma_semaphore, #tpu.memory_space<semaphore_mem>>)
    %dma_wait3A_31 = arith.constant 1 : i32
    %dma_wait3A_32 = arith.constant 0 : i32
    %dma_wait3A_33 = tpu.memref_slice %arg5[%dma_wait3A_31, %dma_wait3A_32] : memref<12x128xi32, #tpu.memory_space<vmem>> -> memref<1x128xi32, #tpu.memory_space<vmem>>
    %dma_wait3A_34 = tpu.memref_squeeze %dma_wait3A_33 : memref<1x128xi32, #tpu.memory_space<vmem>> -> memref<128xi32, #tpu.memory_space<vmem>>
    %dma_wait3A_35 = arith.constant 0 : i32
    %dma_wait3A_36 = arith.constant 0 : i32
    %dma_wait3A_37 = tpu.memref_slice %arg3[%dma_wait3A_35, %dma_wait3A_36] : memref<294912x128xf32, #tpu.memory_space<hbm>> -> memref<294912x128xf32, #tpu.memory_space<hbm>>
    tpu.wait_indirect_dma semaphore(%arg9 : memref<!tpu.dma_semaphore, #tpu.memory_space<semaphore_mem>>) src(%dma_wait3A_37 : memref<294912x128xf32, #tpu.memory_space<hbm>>) dst(%arg7 : memref<128x128xf32, #tpu.memory_space<vmem>>)
    %add3A_38 = arith.constant 128 : i32
    %add3A_39 = arith.addi %mul3A_2, %add3A_38 : i32
    "tpu.region"() ({
      %run_scoped3A = tpu.sem_alloc : memref<!tpu.dma_semaphore, #tpu.memory_space<semaphore_mem>>
      %dma_start3A_193 = arith.constant 0 : i32
      %dma_start3A_194 = tpu.memref_slice %arg4[%add3A_39, %dma_start3A_193] : memref<49152x128xf32, #tpu.memory_space<hbm>> -> memref<128x128xf32, #tpu.memory_space<hbm>>
      %dma_start3A_195 = arith.constant 0 : i32
      %dma_start3A_196 = tpu.memref_slice %arg4[%add3A_39, %dma_start3A_195] : memref<49152x128xf32, #tpu.memory_space<hbm>> -> memref<128x128xf32, #tpu.memory_space<hbm>>
      tpu.enqueue_dma source(%arg7 : memref<128x128xf32, #tpu.memory_space<vmem>>) target(%dma_start3A_196 : memref<128x128xf32, #tpu.memory_space<hbm>>) target_semaphore(%run_scoped3A : memref<!tpu.dma_semaphore, #tpu.memory_space<semaphore_mem>>)
      %dma_wait3A_197 = arith.constant 0 : i32
      %dma_wait3A_198 = tpu.memref_slice %arg4[%add3A_39, %dma_wait3A_197] : memref<49152x128xf32, #tpu.memory_space<hbm>> -> memref<128x128xf32, #tpu.memory_space<hbm>>
      %dma_wait3A_199 = arith.constant 0 : i32
      %dma_wait3A_200 = tpu.memref_slice %arg4[%add3A_39, %dma_wait3A_199] : memref<49152x128xf32, #tpu.memory_space<hbm>> -> memref<128x128xf32, #tpu.memory_space<hbm>>
      tpu.wait_dma2 semaphore(%run_scoped3A : memref<!tpu.dma_semaphore, #tpu.memory_space<semaphore_mem>>) src(%arg7 : memref<128x128xf32, #tpu.memory_space<vmem>>) dst(%dma_wait3A_200 : memref<128x128xf32, #tpu.memory_space<hbm>>)
      tpu.yield
    }) : () -> ()
    %dma_start3A_40 = arith.constant 3 : i32
    %dma_start3A_41 = arith.constant 0 : i32
    %dma_start3A_42 = tpu.memref_slice %arg5[%dma_start3A_40, %dma_start3A_41] : memref<12x128xi32, #tpu.memory_space<vmem>> -> memref<1x128xi32, #tpu.memory_space<vmem>>
    %dma_start3A_43 = tpu.memref_squeeze %dma_start3A_42 : memref<1x128xi32, #tpu.memory_space<vmem>> -> memref<128xi32, #tpu.memory_space<vmem>>
    %dma_start3A_44 = arith.constant 0 : i32
    %dma_start3A_45 = arith.constant 0 : i32
    %dma_start3A_46 = tpu.memref_slice %arg3[%dma_start3A_44, %dma_start3A_45] : memref<294912x128xf32, #tpu.memory_space<hbm>> -> memref<294912x128xf32, #tpu.memory_space<hbm>>
    tpu.enqueue_indirect_dma source(%dma_start3A_46 : memref<294912x128xf32, #tpu.memory_space<hbm>>) target(%arg7 : memref<128x128xf32, #tpu.memory_space<vmem>>) offsets(%dma_start3A_43 : memref<128xi32, #tpu.memory_space<vmem>>) semaphore(%arg9 : memref<!tpu.dma_semaphore, #tpu.memory_space<semaphore_mem>>)
    %dma_wait3A_47 = arith.constant 2 : i32
    %dma_wait3A_48 = arith.constant 0 : i32
    %dma_wait3A_49 = tpu.memref_slice %arg5[%dma_wait3A_47, %dma_wait3A_48] : memref<12x128xi32, #tpu.memory_space<vmem>> -> memref<1x128xi32, #tpu.memory_space<vmem>>
    %dma_wait3A_50 = tpu.memref_squeeze %dma_wait3A_49 : memref<1x128xi32, #tpu.memory_space<vmem>> -> memref<128xi32, #tpu.memory_space<vmem>>
    %dma_wait3A_51 = arith.constant 0 : i32
    %dma_wait3A_52 = arith.constant 0 : i32
    %dma_wait3A_53 = tpu.memref_slice %arg3[%dma_wait3A_51, %dma_wait3A_52] : memref<294912x128xf32, #tpu.memory_space<hbm>> -> memref<294912x128xf32, #tpu.memory_space<hbm>>
    tpu.wait_indirect_dma semaphore(%arg8 : memref<!tpu.dma_semaphore, #tpu.memory_space<semaphore_mem>>) src(%dma_wait3A_53 : memref<294912x128xf32, #tpu.memory_space<hbm>>) dst(%arg6 : memref<128x128xf32, #tpu.memory_space<vmem>>)
    %add3A_54 = arith.constant 256 : i32
    %add3A_55 = arith.addi %mul3A_2, %add3A_54 : i32
    "tpu.region"() ({
      %run_scoped3A = tpu.sem_alloc : memref<!tpu.dma_semaphore, #tpu.memory_space<semaphore_mem>>
      %dma_start3A_193 = arith.constant 0 : i32
      %dma_start3A_194 = tpu.memref_slice %arg4[%add3A_55, %dma_start3A_193] : memref<49152x128xf32, #tpu.memory_space<hbm>> -> memref<128x128xf32, #tpu.memory_space<hbm>>
      %dma_start3A_195 = arith.constant 0 : i32
      %dma_start3A_196 = tpu.memref_slice %arg4[%add3A_55, %dma_start3A_195] : memref<49152x128xf32, #tpu.memory_space<hbm>> -> memref<128x128xf32, #tpu.memory_space<hbm>>
      tpu.enqueue_dma source(%arg6 : memref<128x128xf32, #tpu.memory_space<vmem>>) target(%dma_start3A_196 : memref<128x128xf32, #tpu.memory_space<hbm>>) target_semaphore(%run_scoped3A : memref<!tpu.dma_semaphore, #tpu.memory_space<semaphore_mem>>)
      %dma_wait3A_197 = arith.constant 0 : i32
      %dma_wait3A_198 = tpu.memref_slice %arg4[%add3A_55, %dma_wait3A_197] : memref<49152x128xf32, #tpu.memory_space<hbm>> -> memref<128x128xf32, #tpu.memory_space<hbm>>
      %dma_wait3A_199 = arith.constant 0 : i32
      %dma_wait3A_200 = tpu.memref_slice %arg4[%add3A_55, %dma_wait3A_199] : memref<49152x128xf32, #tpu.memory_space<hbm>> -> memref<128x128xf32, #tpu.memory_space<hbm>>
      tpu.wait_dma2 semaphore(%run_scoped3A : memref<!tpu.dma_semaphore, #tpu.memory_space<semaphore_mem>>) src(%arg6 : memref<128x128xf32, #tpu.memory_space<vmem>>) dst(%dma_wait3A_200 : memref<128x128xf32, #tpu.memory_space<hbm>>)
      tpu.yield
    }) : () -> ()
    %dma_start3A_56 = arith.constant 4 : i32
    %dma_start3A_57 = arith.constant 0 : i32
    %dma_start3A_58 = tpu.memref_slice %arg5[%dma_start3A_56, %dma_start3A_57] : memref<12x128xi32, #tpu.memory_space<vmem>> -> memref<1x128xi32, #tpu.memory_space<vmem>>
    %dma_start3A_59 = tpu.memref_squeeze %dma_start3A_58 : memref<1x128xi32, #tpu.memory_space<vmem>> -> memref<128xi32, #tpu.memory_space<vmem>>
    %dma_start3A_60 = arith.constant 0 : i32
    %dma_start3A_61 = arith.constant 0 : i32
    %dma_start3A_62 = tpu.memref_slice %arg3[%dma_start3A_60, %dma_start3A_61] : memref<294912x128xf32, #tpu.memory_space<hbm>> -> memref<294912x128xf32, #tpu.memory_space<hbm>>
    tpu.enqueue_indirect_dma source(%dma_start3A_62 : memref<294912x128xf32, #tpu.memory_space<hbm>>) target(%arg6 : memref<128x128xf32, #tpu.memory_space<vmem>>) offsets(%dma_start3A_59 : memref<128xi32, #tpu.memory_space<vmem>>) semaphore(%arg8 : memref<!tpu.dma_semaphore, #tpu.memory_space<semaphore_mem>>)
    %dma_wait3A_63 = arith.constant 3 : i32
    %dma_wait3A_64 = arith.constant 0 : i32
    %dma_wait3A_65 = tpu.memref_slice %arg5[%dma_wait3A_63, %dma_wait3A_64] : memref<12x128xi32, #tpu.memory_space<vmem>> -> memref<1x128xi32, #tpu.memory_space<vmem>>
    %dma_wait3A_66 = tpu.memref_squeeze %dma_wait3A_65 : memref<1x128xi32, #tpu.memory_space<vmem>> -> memref<128xi32, #tpu.memory_space<vmem>>
    %dma_wait3A_67 = arith.constant 0 : i32
    %dma_wait3A_68 = arith.constant 0 : i32
    %dma_wait3A_69 = tpu.memref_slice %arg3[%dma_wait3A_67, %dma_wait3A_68] : memref<294912x128xf32, #tpu.memory_space<hbm>> -> memref<294912x128xf32, #tpu.memory_space<hbm>>
    tpu.wait_indirect_dma semaphore(%arg9 : memref<!tpu.dma_semaphore, #tpu.memory_space<semaphore_mem>>) src(%dma_wait3A_69 : memref<294912x128xf32, #tpu.memory_space<hbm>>) dst(%arg7 : memref<128x128xf32, #tpu.memory_space<vmem>>)
    %add3A_70 = arith.constant 384 : i32
    %add3A_71 = arith.addi %mul3A_2, %add3A_70 : i32
    "tpu.region"() ({
      %run_scoped3A = tpu.sem_alloc : memref<!tpu.dma_semaphore, #tpu.memory_space<semaphore_mem>>
      %dma_start3A_193 = arith.constant 0 : i32
      %dma_start3A_194 = tpu.memref_slice %arg4[%add3A_71, %dma_start3A_193] : memref<49152x128xf32, #tpu.memory_space<hbm>> -> memref<128x128xf32, #tpu.memory_space<hbm>>
      %dma_start3A_195 = arith.constant 0 : i32
      %dma_start3A_196 = tpu.memref_slice %arg4[%add3A_71, %dma_start3A_195] : memref<49152x128xf32, #tpu.memory_space<hbm>> -> memref<128x128xf32, #tpu.memory_space<hbm>>
      tpu.enqueue_dma source(%arg7 : memref<128x128xf32, #tpu.memory_space<vmem>>) target(%dma_start3A_196 : memref<128x128xf32, #tpu.memory_space<hbm>>) target_semaphore(%run_scoped3A : memref<!tpu.dma_semaphore, #tpu.memory_space<semaphore_mem>>)
      %dma_wait3A_197 = arith.constant 0 : i32
      %dma_wait3A_198 = tpu.memref_slice %arg4[%add3A_71, %dma_wait3A_197] : memref<49152x128xf32, #tpu.memory_space<hbm>> -> memref<128x128xf32, #tpu.memory_space<hbm>>
      %dma_wait3A_199 = arith.constant 0 : i32
      %dma_wait3A_200 = tpu.memref_slice %arg4[%add3A_71, %dma_wait3A_199] : memref<49152x128xf32, #tpu.memory_space<hbm>> -> memref<128x128xf32, #tpu.memory_space<hbm>>
      tpu.wait_dma2 semaphore(%run_scoped3A : memref<!tpu.dma_semaphore, #tpu.memory_space<semaphore_mem>>) src(%arg7 : memref<128x128xf32, #tpu.memory_space<vmem>>) dst(%dma_wait3A_200 : memref<128x128xf32, #tpu.memory_space<hbm>>)
      tpu.yield
    }) : () -> ()
    %dma_start3A_72 = arith.constant 5 : i32
    %dma_start3A_73 = arith.constant 0 : i32
    %dma_start3A_74 = tpu.memref_slice %arg5[%dma_start3A_72, %dma_start3A_73] : memref<12x128xi32, #tpu.memory_space<vmem>> -> memref<1x128xi32, #tpu.memory_space<vmem>>
    %dma_start3A_75 = tpu.memref_squeeze %dma_start3A_74 : memref<1x128xi32, #tpu.memory_space<vmem>> -> memref<128xi32, #tpu.memory_space<vmem>>
    %dma_start3A_76 = arith.constant 0 : i32
    %dma_start3A_77 = arith.constant 0 : i32
    %dma_start3A_78 = tpu.memref_slice %arg3[%dma_start3A_76, %dma_start3A_77] : memref<294912x128xf32, #tpu.memory_space<hbm>> -> memref<294912x128xf32, #tpu.memory_space<hbm>>
    tpu.enqueue_indirect_dma source(%dma_start3A_78 : memref<294912x128xf32, #tpu.memory_space<hbm>>) target(%arg7 : memref<128x128xf32, #tpu.memory_space<vmem>>) offsets(%dma_start3A_75 : memref<128xi32, #tpu.memory_space<vmem>>) semaphore(%arg9 : memref<!tpu.dma_semaphore, #tpu.memory_space<semaphore_mem>>)
    %dma_wait3A_79 = arith.constant 4 : i32
    %dma_wait3A_80 = arith.constant 0 : i32
    %dma_wait3A_81 = tpu.memref_slice %arg5[%dma_wait3A_79, %dma_wait3A_80] : memref<12x128xi32, #tpu.memory_space<vmem>> -> memref<1x128xi32, #tpu.memory_space<vmem>>
    %dma_wait3A_82 = tpu.memref_squeeze %dma_wait3A_81 : memref<1x128xi32, #tpu.memory_space<vmem>> -> memref<128xi32, #tpu.memory_space<vmem>>
    %dma_wait3A_83 = arith.constant 0 : i32
    %dma_wait3A_84 = arith.constant 0 : i32
    %dma_wait3A_85 = tpu.memref_slice %arg3[%dma_wait3A_83, %dma_wait3A_84] : memref<294912x128xf32, #tpu.memory_space<hbm>> -> memref<294912x128xf32, #tpu.memory_space<hbm>>
    tpu.wait_indirect_dma semaphore(%arg8 : memref<!tpu.dma_semaphore, #tpu.memory_space<semaphore_mem>>) src(%dma_wait3A_85 : memref<294912x128xf32, #tpu.memory_space<hbm>>) dst(%arg6 : memref<128x128xf32, #tpu.memory_space<vmem>>)
    %add3A_86 = arith.constant 512 : i32
    %add3A_87 = arith.addi %mul3A_2, %add3A_86 : i32
    "tpu.region"() ({
      %run_scoped3A = tpu.sem_alloc : memref<!tpu.dma_semaphore, #tpu.memory_space<semaphore_mem>>
      %dma_start3A_193 = arith.constant 0 : i32
      %dma_start3A_194 = tpu.memref_slice %arg4[%add3A_87, %dma_start3A_193] : memref<49152x128xf32, #tpu.memory_space<hbm>> -> memref<128x128xf32, #tpu.memory_space<hbm>>
      %dma_start3A_195 = arith.constant 0 : i32
      %dma_start3A_196 = tpu.memref_slice %arg4[%add3A_87, %dma_start3A_195] : memref<49152x128xf32, #tpu.memory_space<hbm>> -> memref<128x128xf32, #tpu.memory_space<hbm>>
      tpu.enqueue_dma source(%arg6 : memref<128x128xf32, #tpu.memory_space<vmem>>) target(%dma_start3A_196 : memref<128x128xf32, #tpu.memory_space<hbm>>) target_semaphore(%run_scoped3A : memref<!tpu.dma_semaphore, #tpu.memory_space<semaphore_mem>>)
      %dma_wait3A_197 = arith.constant 0 : i32
      %dma_wait3A_198 = tpu.memref_slice %arg4[%add3A_87, %dma_wait3A_197] : memref<49152x128xf32, #tpu.memory_space<hbm>> -> memref<128x128xf32, #tpu.memory_space<hbm>>
      %dma_wait3A_199 = arith.constant 0 : i32
      %dma_wait3A_200 = tpu.memref_slice %arg4[%add3A_87, %dma_wait3A_199] : memref<49152x128xf32, #tpu.memory_space<hbm>> -> memref<128x128xf32, #tpu.memory_space<hbm>>
      tpu.wait_dma2 semaphore(%run_scoped3A : memref<!tpu.dma_semaphore, #tpu.memory_space<semaphore_mem>>) src(%arg6 : memref<128x128xf32, #tpu.memory_space<vmem>>) dst(%dma_wait3A_200 : memref<128x128xf32, #tpu.memory_space<hbm>>)
      tpu.yield
    }) : () -> ()
    %dma_start3A_88 = arith.constant 6 : i32
    %dma_start3A_89 = arith.constant 0 : i32
    %dma_start3A_90 = tpu.memref_slice %arg5[%dma_start3A_88, %dma_start3A_89] : memref<12x128xi32, #tpu.memory_space<vmem>> -> memref<1x128xi32, #tpu.memory_space<vmem>>
    %dma_start3A_91 = tpu.memref_squeeze %dma_start3A_90 : memref<1x128xi32, #tpu.memory_space<vmem>> -> memref<128xi32, #tpu.memory_space<vmem>>
    %dma_start3A_92 = arith.constant 0 : i32
    %dma_start3A_93 = arith.constant 0 : i32
    %dma_start3A_94 = tpu.memref_slice %arg3[%dma_start3A_92, %dma_start3A_93] : memref<294912x128xf32, #tpu.memory_space<hbm>> -> memref<294912x128xf32, #tpu.memory_space<hbm>>
    tpu.enqueue_indirect_dma source(%dma_start3A_94 : memref<294912x128xf32, #tpu.memory_space<hbm>>) target(%arg6 : memref<128x128xf32, #tpu.memory_space<vmem>>) offsets(%dma_start3A_91 : memref<128xi32, #tpu.memory_space<vmem>>) semaphore(%arg8 : memref<!tpu.dma_semaphore, #tpu.memory_space<semaphore_mem>>)
    %dma_wait3A_95 = arith.constant 5 : i32
    %dma_wait3A_96 = arith.constant 0 : i32
    %dma_wait3A_97 = tpu.memref_slice %arg5[%dma_wait3A_95, %dma_wait3A_96] : memref<12x128xi32, #tpu.memory_space<vmem>> -> memref<1x128xi32, #tpu.memory_space<vmem>>
    %dma_wait3A_98 = tpu.memref_squeeze %dma_wait3A_97 : memref<1x128xi32, #tpu.memory_space<vmem>> -> memref<128xi32, #tpu.memory_space<vmem>>
    %dma_wait3A_99 = arith.constant 0 : i32
    %dma_wait3A_100 = arith.constant 0 : i32
    %dma_wait3A_101 = tpu.memref_slice %arg3[%dma_wait3A_99, %dma_wait3A_100] : memref<294912x128xf32, #tpu.memory_space<hbm>> -> memref<294912x128xf32, #tpu.memory_space<hbm>>
    tpu.wait_indirect_dma semaphore(%arg9 : memref<!tpu.dma_semaphore, #tpu.memory_space<semaphore_mem>>) src(%dma_wait3A_101 : memref<294912x128xf32, #tpu.memory_space<hbm>>) dst(%arg7 : memref<128x128xf32, #tpu.memory_space<vmem>>)
    %add3A_102 = arith.constant 640 : i32
    %add3A_103 = arith.addi %mul3A_2, %add3A_102 : i32
    "tpu.region"() ({
      %run_scoped3A = tpu.sem_alloc : memref<!tpu.dma_semaphore, #tpu.memory_space<semaphore_mem>>
      %dma_start3A_193 = arith.constant 0 : i32
      %dma_start3A_194 = tpu.memref_slice %arg4[%add3A_103, %dma_start3A_193] : memref<49152x128xf32, #tpu.memory_space<hbm>> -> memref<128x128xf32, #tpu.memory_space<hbm>>
      %dma_start3A_195 = arith.constant 0 : i32
      %dma_start3A_196 = tpu.memref_slice %arg4[%add3A_103, %dma_start3A_195] : memref<49152x128xf32, #tpu.memory_space<hbm>> -> memref<128x128xf32, #tpu.memory_space<hbm>>
      tpu.enqueue_dma source(%arg7 : memref<128x128xf32, #tpu.memory_space<vmem>>) target(%dma_start3A_196 : memref<128x128xf32, #tpu.memory_space<hbm>>) target_semaphore(%run_scoped3A : memref<!tpu.dma_semaphore, #tpu.memory_space<semaphore_mem>>)
      %dma_wait3A_197 = arith.constant 0 : i32
      %dma_wait3A_198 = tpu.memref_slice %arg4[%add3A_103, %dma_wait3A_197] : memref<49152x128xf32, #tpu.memory_space<hbm>> -> memref<128x128xf32, #tpu.memory_space<hbm>>
      %dma_wait3A_199 = arith.constant 0 : i32
      %dma_wait3A_200 = tpu.memref_slice %arg4[%add3A_103, %dma_wait3A_199] : memref<49152x128xf32, #tpu.memory_space<hbm>> -> memref<128x128xf32, #tpu.memory_space<hbm>>
      tpu.wait_dma2 semaphore(%run_scoped3A : memref<!tpu.dma_semaphore, #tpu.memory_space<semaphore_mem>>) src(%arg7 : memref<128x128xf32, #tpu.memory_space<vmem>>) dst(%dma_wait3A_200 : memref<128x128xf32, #tpu.memory_space<hbm>>)
      tpu.yield
    }) : () -> ()
    %dma_start3A_104 = arith.constant 7 : i32
    %dma_start3A_105 = arith.constant 0 : i32
    %dma_start3A_106 = tpu.memref_slice %arg5[%dma_start3A_104, %dma_start3A_105] : memref<12x128xi32, #tpu.memory_space<vmem>> -> memref<1x128xi32, #tpu.memory_space<vmem>>
    %dma_start3A_107 = tpu.memref_squeeze %dma_start3A_106 : memref<1x128xi32, #tpu.memory_space<vmem>> -> memref<128xi32, #tpu.memory_space<vmem>>
    %dma_start3A_108 = arith.constant 0 : i32
    %dma_start3A_109 = arith.constant 0 : i32
    %dma_start3A_110 = tpu.memref_slice %arg3[%dma_start3A_108, %dma_start3A_109] : memref<294912x128xf32, #tpu.memory_space<hbm>> -> memref<294912x128xf32, #tpu.memory_space<hbm>>
    tpu.enqueue_indirect_dma source(%dma_start3A_110 : memref<294912x128xf32, #tpu.memory_space<hbm>>) target(%arg7 : memref<128x128xf32, #tpu.memory_space<vmem>>) offsets(%dma_start3A_107 : memref<128xi32, #tpu.memory_space<vmem>>) semaphore(%arg9 : memref<!tpu.dma_semaphore, #tpu.memory_space<semaphore_mem>>)
    %dma_wait3A_111 = arith.constant 6 : i32
    %dma_wait3A_112 = arith.constant 0 : i32
    %dma_wait3A_113 = tpu.memref_slice %arg5[%dma_wait3A_111, %dma_wait3A_112] : memref<12x128xi32, #tpu.memory_space<vmem>> -> memref<1x128xi32, #tpu.memory_space<vmem>>
    %dma_wait3A_114 = tpu.memref_squeeze %dma_wait3A_113 : memref<1x128xi32, #tpu.memory_space<vmem>> -> memref<128xi32, #tpu.memory_space<vmem>>
    %dma_wait3A_115 = arith.constant 0 : i32
    %dma_wait3A_116 = arith.constant 0 : i32
    %dma_wait3A_117 = tpu.memref_slice %arg3[%dma_wait3A_115, %dma_wait3A_116] : memref<294912x128xf32, #tpu.memory_space<hbm>> -> memref<294912x128xf32, #tpu.memory_space<hbm>>
    tpu.wait_indirect_dma semaphore(%arg8 : memref<!tpu.dma_semaphore, #tpu.memory_space<semaphore_mem>>) src(%dma_wait3A_117 : memref<294912x128xf32, #tpu.memory_space<hbm>>) dst(%arg6 : memref<128x128xf32, #tpu.memory_space<vmem>>)
    %add3A_118 = arith.constant 768 : i32
    %add3A_119 = arith.addi %mul3A_2, %add3A_118 : i32
    "tpu.region"() ({
      %run_scoped3A = tpu.sem_alloc : memref<!tpu.dma_semaphore, #tpu.memory_space<semaphore_mem>>
      %dma_start3A_193 = arith.constant 0 : i32
      %dma_start3A_194 = tpu.memref_slice %arg4[%add3A_119, %dma_start3A_193] : memref<49152x128xf32, #tpu.memory_space<hbm>> -> memref<128x128xf32, #tpu.memory_space<hbm>>
      %dma_start3A_195 = arith.constant 0 : i32
      %dma_start3A_196 = tpu.memref_slice %arg4[%add3A_119, %dma_start3A_195] : memref<49152x128xf32, #tpu.memory_space<hbm>> -> memref<128x128xf32, #tpu.memory_space<hbm>>
      tpu.enqueue_dma source(%arg6 : memref<128x128xf32, #tpu.memory_space<vmem>>) target(%dma_start3A_196 : memref<128x128xf32, #tpu.memory_space<hbm>>) target_semaphore(%run_scoped3A : memref<!tpu.dma_semaphore, #tpu.memory_space<semaphore_mem>>)
      %dma_wait3A_197 = arith.constant 0 : i32
      %dma_wait3A_198 = tpu.memref_slice %arg4[%add3A_119, %dma_wait3A_197] : memref<49152x128xf32, #tpu.memory_space<hbm>> -> memref<128x128xf32, #tpu.memory_space<hbm>>
      %dma_wait3A_199 = arith.constant 0 : i32
      %dma_wait3A_200 = tpu.memref_slice %arg4[%add3A_119, %dma_wait3A_199] : memref<49152x128xf32, #tpu.memory_space<hbm>> -> memref<128x128xf32, #tpu.memory_space<hbm>>
      tpu.wait_dma2 semaphore(%run_scoped3A : memref<!tpu.dma_semaphore, #tpu.memory_space<semaphore_mem>>) src(%arg6 : memref<128x128xf32, #tpu.memory_space<vmem>>) dst(%dma_wait3A_200 : memref<128x128xf32, #tpu.memory_space<hbm>>)
      tpu.yield
    }) : () -> ()
    %dma_start3A_120 = arith.constant 8 : i32
    %dma_start3A_121 = arith.constant 0 : i32
    %dma_start3A_122 = tpu.memref_slice %arg5[%dma_start3A_120, %dma_start3A_121] : memref<12x128xi32, #tpu.memory_space<vmem>> -> memref<1x128xi32, #tpu.memory_space<vmem>>
    %dma_start3A_123 = tpu.memref_squeeze %dma_start3A_122 : memref<1x128xi32, #tpu.memory_space<vmem>> -> memref<128xi32, #tpu.memory_space<vmem>>
    %dma_start3A_124 = arith.constant 0 : i32
    %dma_start3A_125 = arith.constant 0 : i32
    %dma_start3A_126 = tpu.memref_slice %arg3[%dma_start3A_124, %dma_start3A_125] : memref<294912x128xf32, #tpu.memory_space<hbm>> -> memref<294912x128xf32, #tpu.memory_space<hbm>>
    tpu.enqueue_indirect_dma source(%dma_start3A_126 : memref<294912x128xf32, #tpu.memory_space<hbm>>) target(%arg6 : memref<128x128xf32, #tpu.memory_space<vmem>>) offsets(%dma_start3A_123 : memref<128xi32, #tpu.memory_space<vmem>>) semaphore(%arg8 : memref<!tpu.dma_semaphore, #tpu.memory_space<semaphore_mem>>)
    %dma_wait3A_127 = arith.constant 7 : i32
    %dma_wait3A_128 = arith.constant 0 : i32
    %dma_wait3A_129 = tpu.memref_slice %arg5[%dma_wait3A_127, %dma_wait3A_128] : memref<12x128xi32, #tpu.memory_space<vmem>> -> memref<1x128xi32, #tpu.memory_space<vmem>>
    %dma_wait3A_130 = tpu.memref_squeeze %dma_wait3A_129 : memref<1x128xi32, #tpu.memory_space<vmem>> -> memref<128xi32, #tpu.memory_space<vmem>>
    %dma_wait3A_131 = arith.constant 0 : i32
    %dma_wait3A_132 = arith.constant 0 : i32
    %dma_wait3A_133 = tpu.memref_slice %arg3[%dma_wait3A_131, %dma_wait3A_132] : memref<294912x128xf32, #tpu.memory_space<hbm>> -> memref<294912x128xf32, #tpu.memory_space<hbm>>
    tpu.wait_indirect_dma semaphore(%arg9 : memref<!tpu.dma_semaphore, #tpu.memory_space<semaphore_mem>>) src(%dma_wait3A_133 : memref<294912x128xf32, #tpu.memory_space<hbm>>) dst(%arg7 : memref<128x128xf32, #tpu.memory_space<vmem>>)
    %add3A_134 = arith.constant 896 : i32
    %add3A_135 = arith.addi %mul3A_2, %add3A_134 : i32
    "tpu.region"() ({
      %run_scoped3A = tpu.sem_alloc : memref<!tpu.dma_semaphore, #tpu.memory_space<semaphore_mem>>
      %dma_start3A_193 = arith.constant 0 : i32
      %dma_start3A_194 = tpu.memref_slice %arg4[%add3A_135, %dma_start3A_193] : memref<49152x128xf32, #tpu.memory_space<hbm>> -> memref<128x128xf32, #tpu.memory_space<hbm>>
      %dma_start3A_195 = arith.constant 0 : i32
      %dma_start3A_196 = tpu.memref_slice %arg4[%add3A_135, %dma_start3A_195] : memref<49152x128xf32, #tpu.memory_space<hbm>> -> memref<128x128xf32, #tpu.memory_space<hbm>>
      tpu.enqueue_dma source(%arg7 : memref<128x128xf32, #tpu.memory_space<vmem>>) target(%dma_start3A_196 : memref<128x128xf32, #tpu.memory_space<hbm>>) target_semaphore(%run_scoped3A : memref<!tpu.dma_semaphore, #tpu.memory_space<semaphore_mem>>)
      %dma_wait3A_197 = arith.constant 0 : i32
      %dma_wait3A_198 = tpu.memref_slice %arg4[%add3A_135, %dma_wait3A_197] : memref<49152x128xf32, #tpu.memory_space<hbm>> -> memref<128x128xf32, #tpu.memory_space<hbm>>
      %dma_wait3A_199 = arith.constant 0 : i32
      %dma_wait3A_200 = tpu.memref_slice %arg4[%add3A_135, %dma_wait3A_199] : memref<49152x128xf32, #tpu.memory_space<hbm>> -> memref<128x128xf32, #tpu.memory_space<hbm>>
      tpu.wait_dma2 semaphore(%run_scoped3A : memref<!tpu.dma_semaphore, #tpu.memory_space<semaphore_mem>>) src(%arg7 : memref<128x128xf32, #tpu.memory_space<vmem>>) dst(%dma_wait3A_200 : memref<128x128xf32, #tpu.memory_space<hbm>>)
      tpu.yield
    }) : () -> ()
    %dma_start3A_136 = arith.constant 9 : i32
    %dma_start3A_137 = arith.constant 0 : i32
    %dma_start3A_138 = tpu.memref_slice %arg5[%dma_start3A_136, %dma_start3A_137] : memref<12x128xi32, #tpu.memory_space<vmem>> -> memref<1x128xi32, #tpu.memory_space<vmem>>
    %dma_start3A_139 = tpu.memref_squeeze %dma_start3A_138 : memref<1x128xi32, #tpu.memory_space<vmem>> -> memref<128xi32, #tpu.memory_space<vmem>>
    %dma_start3A_140 = arith.constant 0 : i32
    %dma_start3A_141 = arith.constant 0 : i32
    %dma_start3A_142 = tpu.memref_slice %arg3[%dma_start3A_140, %dma_start3A_141] : memref<294912x128xf32, #tpu.memory_space<hbm>> -> memref<294912x128xf32, #tpu.memory_space<hbm>>
    tpu.enqueue_indirect_dma source(%dma_start3A_142 : memref<294912x128xf32, #tpu.memory_space<hbm>>) target(%arg7 : memref<128x128xf32, #tpu.memory_space<vmem>>) offsets(%dma_start3A_139 : memref<128xi32, #tpu.memory_space<vmem>>) semaphore(%arg9 : memref<!tpu.dma_semaphore, #tpu.memory_space<semaphore_mem>>)
    %dma_wait3A_143 = arith.constant 8 : i32
    %dma_wait3A_144 = arith.constant 0 : i32
    %dma_wait3A_145 = tpu.memref_slice %arg5[%dma_wait3A_143, %dma_wait3A_144] : memref<12x128xi32, #tpu.memory_space<vmem>> -> memref<1x128xi32, #tpu.memory_space<vmem>>
    %dma_wait3A_146 = tpu.memref_squeeze %dma_wait3A_145 : memref<1x128xi32, #tpu.memory_space<vmem>> -> memref<128xi32, #tpu.memory_space<vmem>>
    %dma_wait3A_147 = arith.constant 0 : i32
    %dma_wait3A_148 = arith.constant 0 : i32
    %dma_wait3A_149 = tpu.memref_slice %arg3[%dma_wait3A_147, %dma_wait3A_148] : memref<294912x128xf32, #tpu.memory_space<hbm>> -> memref<294912x128xf32, #tpu.memory_space<hbm>>
    tpu.wait_indirect_dma semaphore(%arg8 : memref<!tpu.dma_semaphore, #tpu.memory_space<semaphore_mem>>) src(%dma_wait3A_149 : memref<294912x128xf32, #tpu.memory_space<hbm>>) dst(%arg6 : memref<128x128xf32, #tpu.memory_space<vmem>>)
    %add3A_150 = arith.constant 1024 : i32
    %add3A_151 = arith.addi %mul3A_2, %add3A_150 : i32
    "tpu.region"() ({
      %run_scoped3A = tpu.sem_alloc : memref<!tpu.dma_semaphore, #tpu.memory_space<semaphore_mem>>
      %dma_start3A_193 = arith.constant 0 : i32
      %dma_start3A_194 = tpu.memref_slice %arg4[%add3A_151, %dma_start3A_193] : memref<49152x128xf32, #tpu.memory_space<hbm>> -> memref<128x128xf32, #tpu.memory_space<hbm>>
      %dma_start3A_195 = arith.constant 0 : i32
      %dma_start3A_196 = tpu.memref_slice %arg4[%add3A_151, %dma_start3A_195] : memref<49152x128xf32, #tpu.memory_space<hbm>> -> memref<128x128xf32, #tpu.memory_space<hbm>>
      tpu.enqueue_dma source(%arg6 : memref<128x128xf32, #tpu.memory_space<vmem>>) target(%dma_start3A_196 : memref<128x128xf32, #tpu.memory_space<hbm>>) target_semaphore(%run_scoped3A : memref<!tpu.dma_semaphore, #tpu.memory_space<semaphore_mem>>)
      %dma_wait3A_197 = arith.constant 0 : i32
      %dma_wait3A_198 = tpu.memref_slice %arg4[%add3A_151, %dma_wait3A_197] : memref<49152x128xf32, #tpu.memory_space<hbm>> -> memref<128x128xf32, #tpu.memory_space<hbm>>
      %dma_wait3A_199 = arith.constant 0 : i32
      %dma_wait3A_200 = tpu.memref_slice %arg4[%add3A_151, %dma_wait3A_199] : memref<49152x128xf32, #tpu.memory_space<hbm>> -> memref<128x128xf32, #tpu.memory_space<hbm>>
      tpu.wait_dma2 semaphore(%run_scoped3A : memref<!tpu.dma_semaphore, #tpu.memory_space<semaphore_mem>>) src(%arg6 : memref<128x128xf32, #tpu.memory_space<vmem>>) dst(%dma_wait3A_200 : memref<128x128xf32, #tpu.memory_space<hbm>>)
      tpu.yield
    }) : () -> ()
    %dma_start3A_152 = arith.constant 10 : i32
    %dma_start3A_153 = arith.constant 0 : i32
    %dma_start3A_154 = tpu.memref_slice %arg5[%dma_start3A_152, %dma_start3A_153] : memref<12x128xi32, #tpu.memory_space<vmem>> -> memref<1x128xi32, #tpu.memory_space<vmem>>
    %dma_start3A_155 = tpu.memref_squeeze %dma_start3A_154 : memref<1x128xi32, #tpu.memory_space<vmem>> -> memref<128xi32, #tpu.memory_space<vmem>>
    %dma_start3A_156 = arith.constant 0 : i32
    %dma_start3A_157 = arith.constant 0 : i32
    %dma_start3A_158 = tpu.memref_slice %arg3[%dma_start3A_156, %dma_start3A_157] : memref<294912x128xf32, #tpu.memory_space<hbm>> -> memref<294912x128xf32, #tpu.memory_space<hbm>>
    tpu.enqueue_indirect_dma source(%dma_start3A_158 : memref<294912x128xf32, #tpu.memory_space<hbm>>) target(%arg6 : memref<128x128xf32, #tpu.memory_space<vmem>>) offsets(%dma_start3A_155 : memref<128xi32, #tpu.memory_space<vmem>>) semaphore(%arg8 : memref<!tpu.dma_semaphore, #tpu.memory_space<semaphore_mem>>)
    %dma_wait3A_159 = arith.constant 9 : i32
    %dma_wait3A_160 = arith.constant 0 : i32
    %dma_wait3A_161 = tpu.memref_slice %arg5[%dma_wait3A_159, %dma_wait3A_160] : memref<12x128xi32, #tpu.memory_space<vmem>> -> memref<1x128xi32, #tpu.memory_space<vmem>>
    %dma_wait3A_162 = tpu.memref_squeeze %dma_wait3A_161 : memref<1x128xi32, #tpu.memory_space<vmem>> -> memref<128xi32, #tpu.memory_space<vmem>>
    %dma_wait3A_163 = arith.constant 0 : i32
    %dma_wait3A_164 = arith.constant 0 : i32
    %dma_wait3A_165 = tpu.memref_slice %arg3[%dma_wait3A_163, %dma_wait3A_164] : memref<294912x128xf32, #tpu.memory_space<hbm>> -> memref<294912x128xf32, #tpu.memory_space<hbm>>
    tpu.wait_indirect_dma semaphore(%arg9 : memref<!tpu.dma_semaphore, #tpu.memory_space<semaphore_mem>>) src(%dma_wait3A_165 : memref<294912x128xf32, #tpu.memory_space<hbm>>) dst(%arg7 : memref<128x128xf32, #tpu.memory_space<vmem>>)
    %add3A_166 = arith.constant 1152 : i32
    %add3A_167 = arith.addi %mul3A_2, %add3A_166 : i32
    "tpu.region"() ({
      %run_scoped3A = tpu.sem_alloc : memref<!tpu.dma_semaphore, #tpu.memory_space<semaphore_mem>>
      %dma_start3A_193 = arith.constant 0 : i32
      %dma_start3A_194 = tpu.memref_slice %arg4[%add3A_167, %dma_start3A_193] : memref<49152x128xf32, #tpu.memory_space<hbm>> -> memref<128x128xf32, #tpu.memory_space<hbm>>
      %dma_start3A_195 = arith.constant 0 : i32
      %dma_start3A_196 = tpu.memref_slice %arg4[%add3A_167, %dma_start3A_195] : memref<49152x128xf32, #tpu.memory_space<hbm>> -> memref<128x128xf32, #tpu.memory_space<hbm>>
      tpu.enqueue_dma source(%arg7 : memref<128x128xf32, #tpu.memory_space<vmem>>) target(%dma_start3A_196 : memref<128x128xf32, #tpu.memory_space<hbm>>) target_semaphore(%run_scoped3A : memref<!tpu.dma_semaphore, #tpu.memory_space<semaphore_mem>>)
      %dma_wait3A_197 = arith.constant 0 : i32
      %dma_wait3A_198 = tpu.memref_slice %arg4[%add3A_167, %dma_wait3A_197] : memref<49152x128xf32, #tpu.memory_space<hbm>> -> memref<128x128xf32, #tpu.memory_space<hbm>>
      %dma_wait3A_199 = arith.constant 0 : i32
      %dma_wait3A_200 = tpu.memref_slice %arg4[%add3A_167, %dma_wait3A_199] : memref<49152x128xf32, #tpu.memory_space<hbm>> -> memref<128x128xf32, #tpu.memory_space<hbm>>
      tpu.wait_dma2 semaphore(%run_scoped3A : memref<!tpu.dma_semaphore, #tpu.memory_space<semaphore_mem>>) src(%arg7 : memref<128x128xf32, #tpu.memory_space<vmem>>) dst(%dma_wait3A_200 : memref<128x128xf32, #tpu.memory_space<hbm>>)
      tpu.yield
    }) : () -> ()
    %dma_start3A_168 = arith.constant 11 : i32
    %dma_start3A_169 = arith.constant 0 : i32
    %dma_start3A_170 = tpu.memref_slice %arg5[%dma_start3A_168, %dma_start3A_169] : memref<12x128xi32, #tpu.memory_space<vmem>> -> memref<1x128xi32, #tpu.memory_space<vmem>>
    %dma_start3A_171 = tpu.memref_squeeze %dma_start3A_170 : memref<1x128xi32, #tpu.memory_space<vmem>> -> memref<128xi32, #tpu.memory_space<vmem>>
    %dma_start3A_172 = arith.constant 0 : i32
    %dma_start3A_173 = arith.constant 0 : i32
    %dma_start3A_174 = tpu.memref_slice %arg3[%dma_start3A_172, %dma_start3A_173] : memref<294912x128xf32, #tpu.memory_space<hbm>> -> memref<294912x128xf32, #tpu.memory_space<hbm>>
    tpu.enqueue_indirect_dma source(%dma_start3A_174 : memref<294912x128xf32, #tpu.memory_space<hbm>>) target(%arg7 : memref<128x128xf32, #tpu.memory_space<vmem>>) offsets(%dma_start3A_171 : memref<128xi32, #tpu.memory_space<vmem>>) semaphore(%arg9 : memref<!tpu.dma_semaphore, #tpu.memory_space<semaphore_mem>>)
    %dma_wait3A_175 = arith.constant 10 : i32
    %dma_wait3A_176 = arith.constant 0 : i32
    %dma_wait3A_177 = tpu.memref_slice %arg5[%dma_wait3A_175, %dma_wait3A_176] : memref<12x128xi32, #tpu.memory_space<vmem>> -> memref<1x128xi32, #tpu.memory_space<vmem>>
    %dma_wait3A_178 = tpu.memref_squeeze %dma_wait3A_177 : memref<1x128xi32, #tpu.memory_space<vmem>> -> memref<128xi32, #tpu.memory_space<vmem>>
    %dma_wait3A_179 = arith.constant 0 : i32
    %dma_wait3A_180 = arith.constant 0 : i32
    %dma_wait3A_181 = tpu.memref_slice %arg3[%dma_wait3A_179, %dma_wait3A_180] : memref<294912x128xf32, #tpu.memory_space<hbm>> -> memref<294912x128xf32, #tpu.memory_space<hbm>>
    tpu.wait_indirect_dma semaphore(%arg8 : memref<!tpu.dma_semaphore, #tpu.memory_space<semaphore_mem>>) src(%dma_wait3A_181 : memref<294912x128xf32, #tpu.memory_space<hbm>>) dst(%arg6 : memref<128x128xf32, #tpu.memory_space<vmem>>)
    %add3A_182 = arith.constant 1280 : i32
    %add3A_183 = arith.addi %mul3A_2, %add3A_182 : i32
    "tpu.region"() ({
      %run_scoped3A = tpu.sem_alloc : memref<!tpu.dma_semaphore, #tpu.memory_space<semaphore_mem>>
      %dma_start3A_193 = arith.constant 0 : i32
      %dma_start3A_194 = tpu.memref_slice %arg4[%add3A_183, %dma_start3A_193] : memref<49152x128xf32, #tpu.memory_space<hbm>> -> memref<128x128xf32, #tpu.memory_space<hbm>>
      %dma_start3A_195 = arith.constant 0 : i32
      %dma_start3A_196 = tpu.memref_slice %arg4[%add3A_183, %dma_start3A_195] : memref<49152x128xf32, #tpu.memory_space<hbm>> -> memref<128x128xf32, #tpu.memory_space<hbm>>
      tpu.enqueue_dma source(%arg6 : memref<128x128xf32, #tpu.memory_space<vmem>>) target(%dma_start3A_196 : memref<128x128xf32, #tpu.memory_space<hbm>>) target_semaphore(%run_scoped3A : memref<!tpu.dma_semaphore, #tpu.memory_space<semaphore_mem>>)
      %dma_wait3A_197 = arith.constant 0 : i32
      %dma_wait3A_198 = tpu.memref_slice %arg4[%add3A_183, %dma_wait3A_197] : memref<49152x128xf32, #tpu.memory_space<hbm>> -> memref<128x128xf32, #tpu.memory_space<hbm>>
      %dma_wait3A_199 = arith.constant 0 : i32
      %dma_wait3A_200 = tpu.memref_slice %arg4[%add3A_183, %dma_wait3A_199] : memref<49152x128xf32, #tpu.memory_space<hbm>> -> memref<128x128xf32, #tpu.memory_space<hbm>>
      tpu.wait_dma2 semaphore(%run_scoped3A : memref<!tpu.dma_semaphore, #tpu.memory_space<semaphore_mem>>) src(%arg6 : memref<128x128xf32, #tpu.memory_space<vmem>>) dst(%dma_wait3A_200 : memref<128x128xf32, #tpu.memory_space<hbm>>)
      tpu.yield
    }) : () -> ()
    %dma_wait3A_184 = arith.constant 11 : i32
    %dma_wait3A_185 = arith.constant 0 : i32
    %dma_wait3A_186 = tpu.memref_slice %arg5[%dma_wait3A_184, %dma_wait3A_185] : memref<12x128xi32, #tpu.memory_space<vmem>> -> memref<1x128xi32, #tpu.memory_space<vmem>>
    %dma_wait3A_187 = tpu.memref_squeeze %dma_wait3A_186 : memref<1x128xi32, #tpu.memory_space<vmem>> -> memref<128xi32, #tpu.memory_space<vmem>>
    %dma_wait3A_188 = arith.constant 0 : i32
    %dma_wait3A_189 = arith.constant 0 : i32
    %dma_wait3A_190 = tpu.memref_slice %arg3[%dma_wait3A_188, %dma_wait3A_189] : memref<294912x128xf32, #tpu.memory_space<hbm>> -> memref<294912x128xf32, #tpu.memory_space<hbm>>
    tpu.wait_indirect_dma semaphore(%arg9 : memref<!tpu.dma_semaphore, #tpu.memory_space<semaphore_mem>>) src(%dma_wait3A_190 : memref<294912x128xf32, #tpu.memory_space<hbm>>) dst(%arg7 : memref<128x128xf32, #tpu.memory_space<vmem>>)
    %add3A_191 = arith.constant 1408 : i32
    %add3A_192 = arith.addi %mul3A_2, %add3A_191 : i32
    "tpu.region"() ({
      %run_scoped3A = tpu.sem_alloc : memref<!tpu.dma_semaphore, #tpu.memory_space<semaphore_mem>>
      %dma_start3A_193 = arith.constant 0 : i32
      %dma_start3A_194 = tpu.memref_slice %arg4[%add3A_192, %dma_start3A_193] : memref<49152x128xf32, #tpu.memory_space<hbm>> -> memref<128x128xf32, #tpu.memory_space<hbm>>
      %dma_start3A_195 = arith.constant 0 : i32
      %dma_start3A_196 = tpu.memref_slice %arg4[%add3A_192, %dma_start3A_195] : memref<49152x128xf32, #tpu.memory_space<hbm>> -> memref<128x128xf32, #tpu.memory_space<hbm>>
      tpu.enqueue_dma source(%arg7 : memref<128x128xf32, #tpu.memory_space<vmem>>) target(%dma_start3A_196 : memref<128x128xf32, #tpu.memory_space<hbm>>) target_semaphore(%run_scoped3A : memref<!tpu.dma_semaphore, #tpu.memory_space<semaphore_mem>>)
      %dma_wait3A_197 = arith.constant 0 : i32
      %dma_wait3A_198 = tpu.memref_slice %arg4[%add3A_192, %dma_wait3A_197] : memref<49152x128xf32, #tpu.memory_space<hbm>> -> memref<128x128xf32, #tpu.memory_space<hbm>>
      %dma_wait3A_199 = arith.constant 0 : i32
      %dma_wait3A_200 = tpu.memref_slice %arg4[%add3A_192, %dma_wait3A_199] : memref<49152x128xf32, #tpu.memory_space<hbm>> -> memref<128x128xf32, #tpu.memory_space<hbm>>
      tpu.wait_dma2 semaphore(%run_scoped3A : memref<!tpu.dma_semaphore, #tpu.memory_space<semaphore_mem>>) src(%arg7 : memref<128x128xf32, #tpu.memory_space<vmem>>) dst(%dma_wait3A_200 : memref<128x128xf32, #tpu.memory_space<hbm>>)
      tpu.yield
    }) : () -> ()
    return
  }
}

module attributes {stable_mosaic.version = 14 : i64} {
  func.func @_tc_body(%arg0: i32, %arg1: memref<4096x128xf32, #tpu.memory_space<vmem>>, %arg2: memref<1x1x4096xi32, #tpu.memory_space<vmem>>, %arg3: memref<1x1x4096xi32, #tpu.memory_space<vmem>>, %arg4: memref<9x4096xf32, #tpu.memory_space<vmem>>, %arg5: memref<256x768xf32, #tpu.memory_space<vmem>>, %arg6: memref<12x768xf32, #tpu.memory_space<vmem>>, %arg7: memref<16x256xf32, #tpu.memory_space<vmem>>, %arg8: memref<16x1xf32, #tpu.memory_space<vmem>>, %arg9: memref<16x16xf32, #tpu.memory_space<vmem>>, %arg10: memref<1x128xf32, #tpu.memory_space<vmem>>, %arg11: memref<1x128xf32, #tpu.memory_space<vmem>>, %arg12: memref<128x128xf32, #tpu.memory_space<vmem>>, %arg13: memref<128x1xf32, #tpu.memory_space<vmem>>, %arg14: memref<432x128xf32, #tpu.memory_space<vmem>>, %arg15: memref<432x1xf32, #tpu.memory_space<vmem>>, %arg16: memref<1x128xf32, #tpu.memory_space<vmem>>, %arg17: memref<1x128xf32, #tpu.memory_space<vmem>>, %arg18: memref<128x128xf32, #tpu.memory_space<vmem>>, %arg19: memref<128x1xf32, #tpu.memory_space<vmem>>, %arg20: memref<432x128xf32, #tpu.memory_space<vmem>>, %arg21: memref<432x1xf32, #tpu.memory_space<vmem>>, %arg22: memref<16x16xf32, #tpu.memory_space<vmem>>, %arg23: memref<256x16xf32, #tpu.memory_space<vmem>>, %arg24: memref<256x1xf32, #tpu.memory_space<vmem>>, %arg25: memref<4x4xf32, #tpu.memory_space<smem>>, %arg26: memref<4x4xf32, #tpu.memory_space<smem>>, %arg27: memref<256x768xf32, #tpu.memory_space<vmem>>, %arg28: memref<12x768xf32, #tpu.memory_space<vmem>>, %arg29: memref<64x768xf32, #tpu.memory_space<vmem>>, %arg30: memref<48x768xf32, #tpu.memory_space<vmem>>, %arg31: memref<48x4096xf32, #tpu.memory_space<vmem>>, %arg32: memref<432x4096xf32, #tpu.memory_space<vmem>>, %arg33: memref<432x4096xf32, #tpu.memory_space<vmem>>, %arg34: memref<28x4096xf32, #tpu.memory_space<vmem>>, %arg35: memref<28x4096xf32, #tpu.memory_space<vmem>>) attributes {dimension_semantics = [#tpu.dimension_semantics<arbitrary>], iteration_bounds = array<i64: 12>, scalar_prefetch = 0 : i64, scratch_operands = 7 : i64, tpu.core_type = #tpu.core_type<tc>, window_params = [{transform_indices = @transform_0, window_bounds = array<i64: 4096, 128>}, {transform_indices = @transform_1, window_bounds = array<i64: 1, 1, 4096>}, {transform_indices = @transform_2, window_bounds = array<i64: 1, 1, 4096>}, {transform_indices = @transform_3, window_bounds = array<i64: 9, 4096>}, {pipeline_mode = #tpu.pipeline_mode<synchronous>, transform_indices = @transform_4, window_bounds = array<i64: 256, 768>}, {pipeline_mode = #tpu.pipeline_mode<synchronous>, transform_indices = @transform_5, window_bounds = array<i64: 12, 768>}, {pipeline_mode = #tpu.pipeline_mode<synchronous>, transform_indices = @transform_6, window_bounds = array<i64: 16, 256>}, {pipeline_mode = #tpu.pipeline_mode<synchronous>, transform_indices = @transform_7, window_bounds = array<i64: 16, 1>}, {pipeline_mode = #tpu.pipeline_mode<synchronous>, transform_indices = @transform_8, window_bounds = array<i64: 16, 16>}, {pipeline_mode = #tpu.pipeline_mode<synchronous>, transform_indices = @transform_9, window_bounds = array<i64: 1, 128>}, {pipeline_mode = #tpu.pipeline_mode<synchronous>, transform_indices = @transform_10, window_bounds = array<i64: 1, 128>}, {pipeline_mode = #tpu.pipeline_mode<synchronous>, transform_indices = @transform_11, window_bounds = array<i64: 128, 128>}, {pipeline_mode = #tpu.pipeline_mode<synchronous>, transform_indices = @transform_12, window_bounds = array<i64: 128, 1>}, {pipeline_mode = #tpu.pipeline_mode<synchronous>, transform_indices = @transform_13, window_bounds = array<i64: 432, 128>}, {pipeline_mode = #tpu.pipeline_mode<synchronous>, transform_indices = @transform_14, window_bounds = array<i64: 432, 1>}, {pipeline_mode = #tpu.pipeline_mode<synchronous>, transform_indices = @transform_15, window_bounds = array<i64: 1, 128>}, {pipeline_mode = #tpu.pipeline_mode<synchronous>, transform_indices = @transform_16, window_bounds = array<i64: 1, 128>}, {pipeline_mode = #tpu.pipeline_mode<synchronous>, transform_indices = @transform_17, window_bounds = array<i64: 128, 128>}, {pipeline_mode = #tpu.pipeline_mode<synchronous>, transform_indices = @transform_18, window_bounds = array<i64: 128, 1>}, {pipeline_mode = #tpu.pipeline_mode<synchronous>, transform_indices = @transform_19, window_bounds = array<i64: 432, 128>}, {pipeline_mode = #tpu.pipeline_mode<synchronous>, transform_indices = @transform_20, window_bounds = array<i64: 432, 1>}, {pipeline_mode = #tpu.pipeline_mode<synchronous>, transform_indices = @transform_21, window_bounds = array<i64: 16, 16>}, {pipeline_mode = #tpu.pipeline_mode<synchronous>, transform_indices = @transform_22, window_bounds = array<i64: 256, 16>}, {pipeline_mode = #tpu.pipeline_mode<synchronous>, transform_indices = @transform_23, window_bounds = array<i64: 256, 1>}, {transform_indices = @transform_24, window_bounds = array<i64: 4, 4>}, {transform_indices = @transform_25, window_bounds = array<i64: 4, 4>}, {pipeline_mode = #tpu.pipeline_mode<synchronous>, transform_indices = @transform_26, window_bounds = array<i64: 256, 768>}, {pipeline_mode = #tpu.pipeline_mode<synchronous>, transform_indices = @transform_27, window_bounds = array<i64: 12, 768>}]} {
    %eq3A = arith.constant 0 : i32
    %eq3A_0 = arith.cmpi eq, %arg0, %eq3A : i32
    %convert_element_type3A = arith.extui %eq3A_0 : i1 to i32
    %cond3A = arith.constant 0 : i32
    %cond3A_1 = arith.cmpi ne, %convert_element_type3A, %cond3A : i32
    scf.if %cond3A_1 {
      %get3A_3184 = arith.constant 0 : index
      %get3A_3185 = arith.constant 0 : index
      %get3A_3186 = vector.load %arg7[%get3A_3184, %get3A_3185] : memref<16x256xf32, #tpu.memory_space<vmem>>, vector<16x256xf32>
      %get3A_3187 = arith.constant 0 : index
      %get3A_3188 = arith.constant 0 : index
      %get3A_3189 = vector.load %arg5[%get3A_3187, %get3A_3188] : memref<256x768xf32, #tpu.memory_space<vmem>>, vector<256x768xf32>
      %dot_general3A_3190 = arith.constant dense<0.000000e+00> : vector<16x768xf32>
      %dot_general3A_3191 = tpu.matmul %get3A_3186, %get3A_3189, %dot_general3A_3190 {dimension_numbers = #tpu.dot_dimension_numbers<[1], [0], [0], [1], [0, 0, 1, 1], [], []>, transpose_lhs_hint = false} : vector<16x256xf32>, vector<256x768xf32>, vector<16x768xf32> -> vector<16x768xf32>
      %get3A_3192 = arith.constant 0 : index
      %get3A_3193 = arith.constant 0 : index
      %get3A_3194 = vector.load %arg8[%get3A_3192, %get3A_3193] : memref<16x1xf32, #tpu.memory_space<vmem>>, vector<16x1xf32>
      %add3A_3195 = vector.broadcast %get3A_3194 : vector<16x1xf32> to vector<16x768xf32>
      %add3A_3196 = arith.addf %dot_general3A_3191, %add3A_3195 : vector<16x768xf32>
      %get3A_3197 = arith.constant 0 : index
      %get3A_3198 = arith.constant 0 : index
      %get3A_3199 = vector.load %arg6[%get3A_3197, %get3A_3198] : memref<12x768xf32, #tpu.memory_space<vmem>>, vector<12x768xf32>
      %get3A_3200 = arith.constant 0 : index
      %get3A_3201 = arith.constant 0 : index
      %get3A_3202 = vector.load %arg9[%get3A_3200, %get3A_3201] : memref<16x16xf32, #tpu.memory_space<vmem>>, vector<16x16xf32>
      %dot_general3A_3203 = arith.constant dense<0.000000e+00> : vector<16x768xf32>
      %dot_general3A_3204 = tpu.matmul %get3A_3202, %add3A_3196, %dot_general3A_3203 {dimension_numbers = #tpu.dot_dimension_numbers<[1], [0], [0], [1], [0, 0, 1, 1], [], []>, transpose_lhs_hint = false} : vector<16x16xf32>, vector<16x768xf32>, vector<16x768xf32> -> vector<16x768xf32>
      %swap3A_3205 = arith.constant 0 : index
      %swap3A_3206 = arith.constant 0 : index
      %swap3A_3207 = vector.load %arg29[%swap3A_3205, %swap3A_3206] : memref<64x768xf32, #tpu.memory_space<vmem>>, vector<16x768xf32>
      tpu.vector_store %arg29[%swap3A_3205, %swap3A_3206], %add3A_3196 {strides = array<i32>} : memref<64x768xf32, #tpu.memory_space<vmem>>, vector<16x768xf32>,
      %swap3A_3208 = arith.constant 16 : index
      %swap3A_3209 = arith.constant 0 : index
      %swap3A_3210 = vector.load %arg29[%swap3A_3208, %swap3A_3209] : memref<64x768xf32, #tpu.memory_space<vmem>>, vector<12x768xf32>
      tpu.vector_store %arg29[%swap3A_3208, %swap3A_3209], %get3A_3199 {strides = array<i32>} : memref<64x768xf32, #tpu.memory_space<vmem>>, vector<12x768xf32>,
      %broadcast_in_dim3A_3211 = arith.constant 0.000000e+00 : f32
      %broadcast_in_dim3A_3212 = vector.broadcast %broadcast_in_dim3A_3211 : f32 to vector<4x768xf32>
      %swap3A_3213 = arith.constant 28 : index
      %swap3A_3214 = arith.constant 0 : index
      %swap3A_3215 = vector.load %arg29[%swap3A_3213, %swap3A_3214] : memref<64x768xf32, #tpu.memory_space<vmem>>, vector<4x768xf32>
      tpu.vector_store %arg29[%swap3A_3213, %swap3A_3214], %broadcast_in_dim3A_3212 {strides = array<i32>} : memref<64x768xf32, #tpu.memory_space<vmem>>, vector<4x768xf32>,
      %swap3A_3216 = arith.constant 32 : index
      %swap3A_3217 = arith.constant 0 : index
      %swap3A_3218 = vector.load %arg29[%swap3A_3216, %swap3A_3217] : memref<64x768xf32, #tpu.memory_space<vmem>>, vector<16x768xf32>
      tpu.vector_store %arg29[%swap3A_3216, %swap3A_3217], %dot_general3A_3204 {strides = array<i32>} : memref<64x768xf32, #tpu.memory_space<vmem>>, vector<16x768xf32>,
      %get3A_3219 = arith.constant 0 : index
      %get3A_3220 = arith.constant 0 : index
      %get3A_3221 = memref.load %arg25[%get3A_3219, %get3A_3220] : memref<4x4xf32, #tpu.memory_space<smem>>
      %slice3A_3222 = vector.extract_strided_slice %get3A_3199 {offsets = [0, 0], sizes = [1, 768], strides = [1, 1]} : vector<12x768xf32> to vector<1x768xf32>
      %mul3A_3223 = vector.broadcast %get3A_3221 : f32 to vector<1x768xf32>
      %mul3A_3224 = arith.mulf %mul3A_3223, %slice3A_3222 : vector<1x768xf32>
      %add3A_3225 = arith.constant 0.000000e+00 : f32
      %add3A_3226 = vector.broadcast %add3A_3225 : f32 to vector<1x768xf32>
      %add3A_3227 = arith.addf %add3A_3226, %mul3A_3224 : vector<1x768xf32>
      %get3A_3228 = arith.constant 1 : index
      %get3A_3229 = arith.constant 0 : index
      %get3A_3230 = memref.load %arg25[%get3A_3228, %get3A_3229] : memref<4x4xf32, #tpu.memory_space<smem>>
      %slice3A_3231 = vector.extract_strided_slice %get3A_3199 {offsets = [3, 0], sizes = [1, 768], strides = [1, 1]} : vector<12x768xf32> to vector<1x768xf32>
      %mul3A_3232 = vector.broadcast %get3A_3230 : f32 to vector<1x768xf32>
      %mul3A_3233 = arith.mulf %mul3A_3232, %slice3A_3231 : vector<1x768xf32>
      %add3A_3234 = arith.addf %add3A_3227, %mul3A_3233 : vector<1x768xf32>
      %get3A_3235 = arith.constant 2 : index
      %get3A_3236 = arith.constant 0 : index
      %get3A_3237 = memref.load %arg25[%get3A_3235, %get3A_3236] : memref<4x4xf32, #tpu.memory_space<smem>>
      %slice3A_3238 = vector.extract_strided_slice %get3A_3199 {offsets = [6, 0], sizes = [1, 768], strides = [1, 1]} : vector<12x768xf32> to vector<1x768xf32>
      %mul3A_3239 = vector.broadcast %get3A_3237 : f32 to vector<1x768xf32>
      %mul3A_3240 = arith.mulf %mul3A_3239, %slice3A_3238 : vector<1x768xf32>
      %add3A_3241 = arith.addf %add3A_3234, %mul3A_3240 : vector<1x768xf32>
      %get3A_3242 = arith.constant 3 : index
      %get3A_3243 = arith.constant 0 : index
      %get3A_3244 = memref.load %arg25[%get3A_3242, %get3A_3243] : memref<4x4xf32, #tpu.memory_space<smem>>
      %slice3A_3245 = vector.extract_strided_slice %get3A_3199 {offsets = [9, 0], sizes = [1, 768], strides = [1, 1]} : vector<12x768xf32> to vector<1x768xf32>
      %mul3A_3246 = vector.broadcast %get3A_3244 : f32 to vector<1x768xf32>
      %mul3A_3247 = arith.mulf %mul3A_3246, %slice3A_3245 : vector<1x768xf32>
      %add3A_3248 = arith.addf %add3A_3241, %mul3A_3247 : vector<1x768xf32>
      %swap3A_3249 = arith.constant 48 : index
      %swap3A_3250 = arith.constant 0 : index
      %swap3A_3251 = vector.load %arg29[%swap3A_3249, %swap3A_3250] : memref<64x768xf32, #tpu.memory_space<vmem>>, vector<1x768xf32>
      tpu.vector_store %arg29[%swap3A_3249, %swap3A_3250], %add3A_3248 {strides = array<i32>} : memref<64x768xf32, #tpu.memory_space<vmem>>, vector<1x768xf32>,
      %get3A_3252 = arith.constant 0 : index
      %get3A_3253 = arith.constant 0 : index
      %get3A_3254 = memref.load %arg25[%get3A_3252, %get3A_3253] : memref<4x4xf32, #tpu.memory_space<smem>>
      %slice3A_3255 = vector.extract_strided_slice %get3A_3199 {offsets = [1, 0], sizes = [1, 768], strides = [1, 1]} : vector<12x768xf32> to vector<1x768xf32>
      %mul3A_3256 = vector.broadcast %get3A_3254 : f32 to vector<1x768xf32>
      %mul3A_3257 = arith.mulf %mul3A_3256, %slice3A_3255 : vector<1x768xf32>
      %add3A_3258 = arith.constant 0.000000e+00 : f32
      %add3A_3259 = vector.broadcast %add3A_3258 : f32 to vector<1x768xf32>
      %add3A_3260 = arith.addf %add3A_3259, %mul3A_3257 : vector<1x768xf32>
      %get3A_3261 = arith.constant 1 : index
      %get3A_3262 = arith.constant 0 : index
      %get3A_3263 = memref.load %arg25[%get3A_3261, %get3A_3262] : memref<4x4xf32, #tpu.memory_space<smem>>
      %slice3A_3264 = vector.extract_strided_slice %get3A_3199 {offsets = [4, 0], sizes = [1, 768], strides = [1, 1]} : vector<12x768xf32> to vector<1x768xf32>
      %mul3A_3265 = vector.broadcast %get3A_3263 : f32 to vector<1x768xf32>
      %mul3A_3266 = arith.mulf %mul3A_3265, %slice3A_3264 : vector<1x768xf32>
      %add3A_3267 = arith.addf %add3A_3260, %mul3A_3266 : vector<1x768xf32>
      %get3A_3268 = arith.constant 2 : index
      %get3A_3269 = arith.constant 0 : index
      %get3A_3270 = memref.load %arg25[%get3A_3268, %get3A_3269] : memref<4x4xf32, #tpu.memory_space<smem>>
      %slice3A_3271 = vector.extract_strided_slice %get3A_3199 {offsets = [7, 0], sizes = [1, 768], strides = [1, 1]} : vector<12x768xf32> to vector<1x768xf32>
      %mul3A_3272 = vector.broadcast %get3A_3270 : f32 to vector<1x768xf32>
      %mul3A_3273 = arith.mulf %mul3A_3272, %slice3A_3271 : vector<1x768xf32>
      %add3A_3274 = arith.addf %add3A_3267, %mul3A_3273 : vector<1x768xf32>
      %get3A_3275 = arith.constant 3 : index
      %get3A_3276 = arith.constant 0 : index
      %get3A_3277 = memref.load %arg25[%get3A_3275, %get3A_3276] : memref<4x4xf32, #tpu.memory_space<smem>>
      %slice3A_3278 = vector.extract_strided_slice %get3A_3199 {offsets = [10, 0], sizes = [1, 768], strides = [1, 1]} : vector<12x768xf32> to vector<1x768xf32>
      %mul3A_3279 = vector.broadcast %get3A_3277 : f32 to vector<1x768xf32>
      %mul3A_3280 = arith.mulf %mul3A_3279, %slice3A_3278 : vector<1x768xf32>
      %add3A_3281 = arith.addf %add3A_3274, %mul3A_3280 : vector<1x768xf32>
      %swap3A_3282 = arith.constant 49 : index
      %swap3A_3283 = arith.constant 0 : index
      %swap3A_3284 = vector.load %arg29[%swap3A_3282, %swap3A_3283] : memref<64x768xf32, #tpu.memory_space<vmem>>, vector<1x768xf32>
      tpu.vector_store %arg29[%swap3A_3282, %swap3A_3283], %add3A_3281 {strides = array<i32>} : memref<64x768xf32, #tpu.memory_space<vmem>>, vector<1x768xf32>,
      %get3A_3285 = arith.constant 0 : index
      %get3A_3286 = arith.constant 0 : index
      %get3A_3287 = memref.load %arg25[%get3A_3285, %get3A_3286] : memref<4x4xf32, #tpu.memory_space<smem>>
      %slice3A_3288 = vector.extract_strided_slice %get3A_3199 {offsets = [2, 0], sizes = [1, 768], strides = [1, 1]} : vector<12x768xf32> to vector<1x768xf32>
      %mul3A_3289 = vector.broadcast %get3A_3287 : f32 to vector<1x768xf32>
      %mul3A_3290 = arith.mulf %mul3A_3289, %slice3A_3288 : vector<1x768xf32>
      %add3A_3291 = arith.constant 0.000000e+00 : f32
      %add3A_3292 = vector.broadcast %add3A_3291 : f32 to vector<1x768xf32>
      %add3A_3293 = arith.addf %add3A_3292, %mul3A_3290 : vector<1x768xf32>
      %get3A_3294 = arith.constant 1 : index
      %get3A_3295 = arith.constant 0 : index
      %get3A_3296 = memref.load %arg25[%get3A_3294, %get3A_3295] : memref<4x4xf32, #tpu.memory_space<smem>>
      %slice3A_3297 = vector.extract_strided_slice %get3A_3199 {offsets = [5, 0], sizes = [1, 768], strides = [1, 1]} : vector<12x768xf32> to vector<1x768xf32>
      %mul3A_3298 = vector.broadcast %get3A_3296 : f32 to vector<1x768xf32>
      %mul3A_3299 = arith.mulf %mul3A_3298, %slice3A_3297 : vector<1x768xf32>
      %add3A_3300 = arith.addf %add3A_3293, %mul3A_3299 : vector<1x768xf32>
      %get3A_3301 = arith.constant 2 : index
      %get3A_3302 = arith.constant 0 : index
      %get3A_3303 = memref.load %arg25[%get3A_3301, %get3A_3302] : memref<4x4xf32, #tpu.memory_space<smem>>
      %slice3A_3304 = vector.extract_strided_slice %get3A_3199 {offsets = [8, 0], sizes = [1, 768], strides = [1, 1]} : vector<12x768xf32> to vector<1x768xf32>
      %mul3A_3305 = vector.broadcast %get3A_3303 : f32 to vector<1x768xf32>
      %mul3A_3306 = arith.mulf %mul3A_3305, %slice3A_3304 : vector<1x768xf32>
      %add3A_3307 = arith.addf %add3A_3300, %mul3A_3306 : vector<1x768xf32>
      %get3A_3308 = arith.constant 3 : index
      %get3A_3309 = arith.constant 0 : index
      %get3A_3310 = memref.load %arg25[%get3A_3308, %get3A_3309] : memref<4x4xf32, #tpu.memory_space<smem>>
      %slice3A_3311 = vector.extract_strided_slice %get3A_3199 {offsets = [11, 0], sizes = [1, 768], strides = [1, 1]} : vector<12x768xf32> to vector<1x768xf32>
      %mul3A_3312 = vector.broadcast %get3A_3310 : f32 to vector<1x768xf32>
      %mul3A_3313 = arith.mulf %mul3A_3312, %slice3A_3311 : vector<1x768xf32>
      %add3A_3314 = arith.addf %add3A_3307, %mul3A_3313 : vector<1x768xf32>
      %swap3A_3315 = arith.constant 50 : index
      %swap3A_3316 = arith.constant 0 : index
      %swap3A_3317 = vector.load %arg29[%swap3A_3315, %swap3A_3316] : memref<64x768xf32, #tpu.memory_space<vmem>>, vector<1x768xf32>
      tpu.vector_store %arg29[%swap3A_3315, %swap3A_3316], %add3A_3314 {strides = array<i32>} : memref<64x768xf32, #tpu.memory_space<vmem>>, vector<1x768xf32>,
      %get3A_3318 = arith.constant 0 : index
      %get3A_3319 = arith.constant 1 : index
      %get3A_3320 = memref.load %arg25[%get3A_3318, %get3A_3319] : memref<4x4xf32, #tpu.memory_space<smem>>
      %slice3A_3321 = vector.extract_strided_slice %get3A_3199 {offsets = [0, 0], sizes = [1, 768], strides = [1, 1]} : vector<12x768xf32> to vector<1x768xf32>
      %mul3A_3322 = vector.broadcast %get3A_3320 : f32 to vector<1x768xf32>
      %mul3A_3323 = arith.mulf %mul3A_3322, %slice3A_3321 : vector<1x768xf32>
      %add3A_3324 = arith.constant 0.000000e+00 : f32
      %add3A_3325 = vector.broadcast %add3A_3324 : f32 to vector<1x768xf32>
      %add3A_3326 = arith.addf %add3A_3325, %mul3A_3323 : vector<1x768xf32>
      %get3A_3327 = arith.constant 1 : index
      %get3A_3328 = arith.constant 1 : index
      %get3A_3329 = memref.load %arg25[%get3A_3327, %get3A_3328] : memref<4x4xf32, #tpu.memory_space<smem>>
      %slice3A_3330 = vector.extract_strided_slice %get3A_3199 {offsets = [3, 0], sizes = [1, 768], strides = [1, 1]} : vector<12x768xf32> to vector<1x768xf32>
      %mul3A_3331 = vector.broadcast %get3A_3329 : f32 to vector<1x768xf32>
      %mul3A_3332 = arith.mulf %mul3A_3331, %slice3A_3330 : vector<1x768xf32>
      %add3A_3333 = arith.addf %add3A_3326, %mul3A_3332 : vector<1x768xf32>
      %get3A_3334 = arith.constant 2 : index
      %get3A_3335 = arith.constant 1 : index
      %get3A_3336 = memref.load %arg25[%get3A_3334, %get3A_3335] : memref<4x4xf32, #tpu.memory_space<smem>>
      %slice3A_3337 = vector.extract_strided_slice %get3A_3199 {offsets = [6, 0], sizes = [1, 768], strides = [1, 1]} : vector<12x768xf32> to vector<1x768xf32>
      %mul3A_3338 = vector.broadcast %get3A_3336 : f32 to vector<1x768xf32>
      %mul3A_3339 = arith.mulf %mul3A_3338, %slice3A_3337 : vector<1x768xf32>
      %add3A_3340 = arith.addf %add3A_3333, %mul3A_3339 : vector<1x768xf32>
      %get3A_3341 = arith.constant 3 : index
      %get3A_3342 = arith.constant 1 : index
      %get3A_3343 = memref.load %arg25[%get3A_3341, %get3A_3342] : memref<4x4xf32, #tpu.memory_space<smem>>
      %slice3A_3344 = vector.extract_strided_slice %get3A_3199 {offsets = [9, 0], sizes = [1, 768], strides = [1, 1]} : vector<12x768xf32> to vector<1x768xf32>
      %mul3A_3345 = vector.broadcast %get3A_3343 : f32 to vector<1x768xf32>
      %mul3A_3346 = arith.mulf %mul3A_3345, %slice3A_3344 : vector<1x768xf32>
      %add3A_3347 = arith.addf %add3A_3340, %mul3A_3346 : vector<1x768xf32>
      %swap3A_3348 = arith.constant 51 : index
      %swap3A_3349 = arith.constant 0 : index
      %swap3A_3350 = vector.load %arg29[%swap3A_3348, %swap3A_3349] : memref<64x768xf32, #tpu.memory_space<vmem>>, vector<1x768xf32>
      tpu.vector_store %arg29[%swap3A_3348, %swap3A_3349], %add3A_3347 {strides = array<i32>} : memref<64x768xf32, #tpu.memory_space<vmem>>, vector<1x768xf32>,
      %get3A_3351 = arith.constant 0 : index
      %get3A_3352 = arith.constant 1 : index
      %get3A_3353 = memref.load %arg25[%get3A_3351, %get3A_3352] : memref<4x4xf32, #tpu.memory_space<smem>>
      %slice3A_3354 = vector.extract_strided_slice %get3A_3199 {offsets = [1, 0], sizes = [1, 768], strides = [1, 1]} : vector<12x768xf32> to vector<1x768xf32>
      %mul3A_3355 = vector.broadcast %get3A_3353 : f32 to vector<1x768xf32>
      %mul3A_3356 = arith.mulf %mul3A_3355, %slice3A_3354 : vector<1x768xf32>
      %add3A_3357 = arith.constant 0.000000e+00 : f32
      %add3A_3358 = vector.broadcast %add3A_3357 : f32 to vector<1x768xf32>
      %add3A_3359 = arith.addf %add3A_3358, %mul3A_3356 : vector<1x768xf32>
      %get3A_3360 = arith.constant 1 : index
      %get3A_3361 = arith.constant 1 : index
      %get3A_3362 = memref.load %arg25[%get3A_3360, %get3A_3361] : memref<4x4xf32, #tpu.memory_space<smem>>
      %slice3A_3363 = vector.extract_strided_slice %get3A_3199 {offsets = [4, 0], sizes = [1, 768], strides = [1, 1]} : vector<12x768xf32> to vector<1x768xf32>
      %mul3A_3364 = vector.broadcast %get3A_3362 : f32 to vector<1x768xf32>
      %mul3A_3365 = arith.mulf %mul3A_3364, %slice3A_3363 : vector<1x768xf32>
      %add3A_3366 = arith.addf %add3A_3359, %mul3A_3365 : vector<1x768xf32>
      %get3A_3367 = arith.constant 2 : index
      %get3A_3368 = arith.constant 1 : index
      %get3A_3369 = memref.load %arg25[%get3A_3367, %get3A_3368] : memref<4x4xf32, #tpu.memory_space<smem>>
      %slice3A_3370 = vector.extract_strided_slice %get3A_3199 {offsets = [7, 0], sizes = [1, 768], strides = [1, 1]} : vector<12x768xf32> to vector<1x768xf32>
      %mul3A_3371 = vector.broadcast %get3A_3369 : f32 to vector<1x768xf32>
      %mul3A_3372 = arith.mulf %mul3A_3371, %slice3A_3370 : vector<1x768xf32>
      %add3A_3373 = arith.addf %add3A_3366, %mul3A_3372 : vector<1x768xf32>
      %get3A_3374 = arith.constant 3 : index
      %get3A_3375 = arith.constant 1 : index
      %get3A_3376 = memref.load %arg25[%get3A_3374, %get3A_3375] : memref<4x4xf32, #tpu.memory_space<smem>>
      %slice3A_3377 = vector.extract_strided_slice %get3A_3199 {offsets = [10, 0], sizes = [1, 768], strides = [1, 1]} : vector<12x768xf32> to vector<1x768xf32>
      %mul3A_3378 = vector.broadcast %get3A_3376 : f32 to vector<1x768xf32>
      %mul3A_3379 = arith.mulf %mul3A_3378, %slice3A_3377 : vector<1x768xf32>
      %add3A_3380 = arith.addf %add3A_3373, %mul3A_3379 : vector<1x768xf32>
      %swap3A_3381 = arith.constant 52 : index
      %swap3A_3382 = arith.constant 0 : index
      %swap3A_3383 = vector.load %arg29[%swap3A_3381, %swap3A_3382] : memref<64x768xf32, #tpu.memory_space<vmem>>, vector<1x768xf32>
      tpu.vector_store %arg29[%swap3A_3381, %swap3A_3382], %add3A_3380 {strides = array<i32>} : memref<64x768xf32, #tpu.memory_space<vmem>>, vector<1x768xf32>,
      %get3A_3384 = arith.constant 0 : index
      %get3A_3385 = arith.constant 1 : index
      %get3A_3386 = memref.load %arg25[%get3A_3384, %get3A_3385] : memref<4x4xf32, #tpu.memory_space<smem>>
      %slice3A_3387 = vector.extract_strided_slice %get3A_3199 {offsets = [2, 0], sizes = [1, 768], strides = [1, 1]} : vector<12x768xf32> to vector<1x768xf32>
      %mul3A_3388 = vector.broadcast %get3A_3386 : f32 to vector<1x768xf32>
      %mul3A_3389 = arith.mulf %mul3A_3388, %slice3A_3387 : vector<1x768xf32>
      %add3A_3390 = arith.constant 0.000000e+00 : f32
      %add3A_3391 = vector.broadcast %add3A_3390 : f32 to vector<1x768xf32>
      %add3A_3392 = arith.addf %add3A_3391, %mul3A_3389 : vector<1x768xf32>
      %get3A_3393 = arith.constant 1 : index
      %get3A_3394 = arith.constant 1 : index
      %get3A_3395 = memref.load %arg25[%get3A_3393, %get3A_3394] : memref<4x4xf32, #tpu.memory_space<smem>>
      %slice3A_3396 = vector.extract_strided_slice %get3A_3199 {offsets = [5, 0], sizes = [1, 768], strides = [1, 1]} : vector<12x768xf32> to vector<1x768xf32>
      %mul3A_3397 = vector.broadcast %get3A_3395 : f32 to vector<1x768xf32>
      %mul3A_3398 = arith.mulf %mul3A_3397, %slice3A_3396 : vector<1x768xf32>
      %add3A_3399 = arith.addf %add3A_3392, %mul3A_3398 : vector<1x768xf32>
      %get3A_3400 = arith.constant 2 : index
      %get3A_3401 = arith.constant 1 : index
      %get3A_3402 = memref.load %arg25[%get3A_3400, %get3A_3401] : memref<4x4xf32, #tpu.memory_space<smem>>
      %slice3A_3403 = vector.extract_strided_slice %get3A_3199 {offsets = [8, 0], sizes = [1, 768], strides = [1, 1]} : vector<12x768xf32> to vector<1x768xf32>
      %mul3A_3404 = vector.broadcast %get3A_3402 : f32 to vector<1x768xf32>
      %mul3A_3405 = arith.mulf %mul3A_3404, %slice3A_3403 : vector<1x768xf32>
      %add3A_3406 = arith.addf %add3A_3399, %mul3A_3405 : vector<1x768xf32>
      %get3A_3407 = arith.constant 3 : index
      %get3A_3408 = arith.constant 1 : index
      %get3A_3409 = memref.load %arg25[%get3A_3407, %get3A_3408] : memref<4x4xf32, #tpu.memory_space<smem>>
      %slice3A_3410 = vector.extract_strided_slice %get3A_3199 {offsets = [11, 0], sizes = [1, 768], strides = [1, 1]} : vector<12x768xf32> to vector<1x768xf32>
      %mul3A_3411 = vector.broadcast %get3A_3409 : f32 to vector<1x768xf32>
      %mul3A_3412 = arith.mulf %mul3A_3411, %slice3A_3410 : vector<1x768xf32>
      %add3A_3413 = arith.addf %add3A_3406, %mul3A_3412 : vector<1x768xf32>
      %swap3A_3414 = arith.constant 53 : index
      %swap3A_3415 = arith.constant 0 : index
      %swap3A_3416 = vector.load %arg29[%swap3A_3414, %swap3A_3415] : memref<64x768xf32, #tpu.memory_space<vmem>>, vector<1x768xf32>
      tpu.vector_store %arg29[%swap3A_3414, %swap3A_3415], %add3A_3413 {strides = array<i32>} : memref<64x768xf32, #tpu.memory_space<vmem>>, vector<1x768xf32>,
      %get3A_3417 = arith.constant 0 : index
      %get3A_3418 = arith.constant 2 : index
      %get3A_3419 = memref.load %arg25[%get3A_3417, %get3A_3418] : memref<4x4xf32, #tpu.memory_space<smem>>
      %slice3A_3420 = vector.extract_strided_slice %get3A_3199 {offsets = [0, 0], sizes = [1, 768], strides = [1, 1]} : vector<12x768xf32> to vector<1x768xf32>
      %mul3A_3421 = vector.broadcast %get3A_3419 : f32 to vector<1x768xf32>
      %mul3A_3422 = arith.mulf %mul3A_3421, %slice3A_3420 : vector<1x768xf32>
      %add3A_3423 = arith.constant 0.000000e+00 : f32
      %add3A_3424 = vector.broadcast %add3A_3423 : f32 to vector<1x768xf32>
      %add3A_3425 = arith.addf %add3A_3424, %mul3A_3422 : vector<1x768xf32>
      %get3A_3426 = arith.constant 1 : index
      %get3A_3427 = arith.constant 2 : index
      %get3A_3428 = memref.load %arg25[%get3A_3426, %get3A_3427] : memref<4x4xf32, #tpu.memory_space<smem>>
      %slice3A_3429 = vector.extract_strided_slice %get3A_3199 {offsets = [3, 0], sizes = [1, 768], strides = [1, 1]} : vector<12x768xf32> to vector<1x768xf32>
      %mul3A_3430 = vector.broadcast %get3A_3428 : f32 to vector<1x768xf32>
      %mul3A_3431 = arith.mulf %mul3A_3430, %slice3A_3429 : vector<1x768xf32>
      %add3A_3432 = arith.addf %add3A_3425, %mul3A_3431 : vector<1x768xf32>
      %get3A_3433 = arith.constant 2 : index
      %get3A_3434 = arith.constant 2 : index
      %get3A_3435 = memref.load %arg25[%get3A_3433, %get3A_3434] : memref<4x4xf32, #tpu.memory_space<smem>>
      %slice3A_3436 = vector.extract_strided_slice %get3A_3199 {offsets = [6, 0], sizes = [1, 768], strides = [1, 1]} : vector<12x768xf32> to vector<1x768xf32>
      %mul3A_3437 = vector.broadcast %get3A_3435 : f32 to vector<1x768xf32>
      %mul3A_3438 = arith.mulf %mul3A_3437, %slice3A_3436 : vector<1x768xf32>
      %add3A_3439 = arith.addf %add3A_3432, %mul3A_3438 : vector<1x768xf32>
      %get3A_3440 = arith.constant 3 : index
      %get3A_3441 = arith.constant 2 : index
      %get3A_3442 = memref.load %arg25[%get3A_3440, %get3A_3441] : memref<4x4xf32, #tpu.memory_space<smem>>
      %slice3A_3443 = vector.extract_strided_slice %get3A_3199 {offsets = [9, 0], sizes = [1, 768], strides = [1, 1]} : vector<12x768xf32> to vector<1x768xf32>
      %mul3A_3444 = vector.broadcast %get3A_3442 : f32 to vector<1x768xf32>
      %mul3A_3445 = arith.mulf %mul3A_3444, %slice3A_3443 : vector<1x768xf32>
      %add3A_3446 = arith.addf %add3A_3439, %mul3A_3445 : vector<1x768xf32>
      %swap3A_3447 = arith.constant 54 : index
      %swap3A_3448 = arith.constant 0 : index
      %swap3A_3449 = vector.load %arg29[%swap3A_3447, %swap3A_3448] : memref<64x768xf32, #tpu.memory_space<vmem>>, vector<1x768xf32>
      tpu.vector_store %arg29[%swap3A_3447, %swap3A_3448], %add3A_3446 {strides = array<i32>} : memref<64x768xf32, #tpu.memory_space<vmem>>, vector<1x768xf32>,
      %get3A_3450 = arith.constant 0 : index
      %get3A_3451 = arith.constant 2 : index
      %get3A_3452 = memref.load %arg25[%get3A_3450, %get3A_3451] : memref<4x4xf32, #tpu.memory_space<smem>>
      %slice3A_3453 = vector.extract_strided_slice %get3A_3199 {offsets = [1, 0], sizes = [1, 768], strides = [1, 1]} : vector<12x768xf32> to vector<1x768xf32>
      %mul3A_3454 = vector.broadcast %get3A_3452 : f32 to vector<1x768xf32>
      %mul3A_3455 = arith.mulf %mul3A_3454, %slice3A_3453 : vector<1x768xf32>
      %add3A_3456 = arith.constant 0.000000e+00 : f32
      %add3A_3457 = vector.broadcast %add3A_3456 : f32 to vector<1x768xf32>
      %add3A_3458 = arith.addf %add3A_3457, %mul3A_3455 : vector<1x768xf32>
      %get3A_3459 = arith.constant 1 : index
      %get3A_3460 = arith.constant 2 : index
      %get3A_3461 = memref.load %arg25[%get3A_3459, %get3A_3460] : memref<4x4xf32, #tpu.memory_space<smem>>
      %slice3A_3462 = vector.extract_strided_slice %get3A_3199 {offsets = [4, 0], sizes = [1, 768], strides = [1, 1]} : vector<12x768xf32> to vector<1x768xf32>
      %mul3A_3463 = vector.broadcast %get3A_3461 : f32 to vector<1x768xf32>
      %mul3A_3464 = arith.mulf %mul3A_3463, %slice3A_3462 : vector<1x768xf32>
      %add3A_3465 = arith.addf %add3A_3458, %mul3A_3464 : vector<1x768xf32>
      %get3A_3466 = arith.constant 2 : index
      %get3A_3467 = arith.constant 2 : index
      %get3A_3468 = memref.load %arg25[%get3A_3466, %get3A_3467] : memref<4x4xf32, #tpu.memory_space<smem>>
      %slice3A_3469 = vector.extract_strided_slice %get3A_3199 {offsets = [7, 0], sizes = [1, 768], strides = [1, 1]} : vector<12x768xf32> to vector<1x768xf32>
      %mul3A_3470 = vector.broadcast %get3A_3468 : f32 to vector<1x768xf32>
      %mul3A_3471 = arith.mulf %mul3A_3470, %slice3A_3469 : vector<1x768xf32>
      %add3A_3472 = arith.addf %add3A_3465, %mul3A_3471 : vector<1x768xf32>
      %get3A_3473 = arith.constant 3 : index
      %get3A_3474 = arith.constant 2 : index
      %get3A_3475 = memref.load %arg25[%get3A_3473, %get3A_3474] : memref<4x4xf32, #tpu.memory_space<smem>>
      %slice3A_3476 = vector.extract_strided_slice %get3A_3199 {offsets = [10, 0], sizes = [1, 768], strides = [1, 1]} : vector<12x768xf32> to vector<1x768xf32>
      %mul3A_3477 = vector.broadcast %get3A_3475 : f32 to vector<1x768xf32>
      %mul3A_3478 = arith.mulf %mul3A_3477, %slice3A_3476 : vector<1x768xf32>
      %add3A_3479 = arith.addf %add3A_3472, %mul3A_3478 : vector<1x768xf32>
      %swap3A_3480 = arith.constant 55 : index
      %swap3A_3481 = arith.constant 0 : index
      %swap3A_3482 = vector.load %arg29[%swap3A_3480, %swap3A_3481] : memref<64x768xf32, #tpu.memory_space<vmem>>, vector<1x768xf32>
      tpu.vector_store %arg29[%swap3A_3480, %swap3A_3481], %add3A_3479 {strides = array<i32>} : memref<64x768xf32, #tpu.memory_space<vmem>>, vector<1x768xf32>,
      %get3A_3483 = arith.constant 0 : index
      %get3A_3484 = arith.constant 2 : index
      %get3A_3485 = memref.load %arg25[%get3A_3483, %get3A_3484] : memref<4x4xf32, #tpu.memory_space<smem>>
      %slice3A_3486 = vector.extract_strided_slice %get3A_3199 {offsets = [2, 0], sizes = [1, 768], strides = [1, 1]} : vector<12x768xf32> to vector<1x768xf32>
      %mul3A_3487 = vector.broadcast %get3A_3485 : f32 to vector<1x768xf32>
      %mul3A_3488 = arith.mulf %mul3A_3487, %slice3A_3486 : vector<1x768xf32>
      %add3A_3489 = arith.constant 0.000000e+00 : f32
      %add3A_3490 = vector.broadcast %add3A_3489 : f32 to vector<1x768xf32>
      %add3A_3491 = arith.addf %add3A_3490, %mul3A_3488 : vector<1x768xf32>
      %get3A_3492 = arith.constant 1 : index
      %get3A_3493 = arith.constant 2 : index
      %get3A_3494 = memref.load %arg25[%get3A_3492, %get3A_3493] : memref<4x4xf32, #tpu.memory_space<smem>>
      %slice3A_3495 = vector.extract_strided_slice %get3A_3199 {offsets = [5, 0], sizes = [1, 768], strides = [1, 1]} : vector<12x768xf32> to vector<1x768xf32>
      %mul3A_3496 = vector.broadcast %get3A_3494 : f32 to vector<1x768xf32>
      %mul3A_3497 = arith.mulf %mul3A_3496, %slice3A_3495 : vector<1x768xf32>
      %add3A_3498 = arith.addf %add3A_3491, %mul3A_3497 : vector<1x768xf32>
      %get3A_3499 = arith.constant 2 : index
      %get3A_3500 = arith.constant 2 : index
      %get3A_3501 = memref.load %arg25[%get3A_3499, %get3A_3500] : memref<4x4xf32, #tpu.memory_space<smem>>
      %slice3A_3502 = vector.extract_strided_slice %get3A_3199 {offsets = [8, 0], sizes = [1, 768], strides = [1, 1]} : vector<12x768xf32> to vector<1x768xf32>
      %mul3A_3503 = vector.broadcast %get3A_3501 : f32 to vector<1x768xf32>
      %mul3A_3504 = arith.mulf %mul3A_3503, %slice3A_3502 : vector<1x768xf32>
      %add3A_3505 = arith.addf %add3A_3498, %mul3A_3504 : vector<1x768xf32>
      %get3A_3506 = arith.constant 3 : index
      %get3A_3507 = arith.constant 2 : index
      %get3A_3508 = memref.load %arg25[%get3A_3506, %get3A_3507] : memref<4x4xf32, #tpu.memory_space<smem>>
      %slice3A_3509 = vector.extract_strided_slice %get3A_3199 {offsets = [11, 0], sizes = [1, 768], strides = [1, 1]} : vector<12x768xf32> to vector<1x768xf32>
      %mul3A_3510 = vector.broadcast %get3A_3508 : f32 to vector<1x768xf32>
      %mul3A_3511 = arith.mulf %mul3A_3510, %slice3A_3509 : vector<1x768xf32>
      %add3A_3512 = arith.addf %add3A_3505, %mul3A_3511 : vector<1x768xf32>
      %swap3A_3513 = arith.constant 56 : index
      %swap3A_3514 = arith.constant 0 : index
      %swap3A_3515 = vector.load %arg29[%swap3A_3513, %swap3A_3514] : memref<64x768xf32, #tpu.memory_space<vmem>>, vector<1x768xf32>
      tpu.vector_store %arg29[%swap3A_3513, %swap3A_3514], %add3A_3512 {strides = array<i32>} : memref<64x768xf32, #tpu.memory_space<vmem>>, vector<1x768xf32>,
      %get3A_3516 = arith.constant 0 : index
      %get3A_3517 = arith.constant 3 : index
      %get3A_3518 = memref.load %arg25[%get3A_3516, %get3A_3517] : memref<4x4xf32, #tpu.memory_space<smem>>
      %slice3A_3519 = vector.extract_strided_slice %get3A_3199 {offsets = [0, 0], sizes = [1, 768], strides = [1, 1]} : vector<12x768xf32> to vector<1x768xf32>
      %mul3A_3520 = vector.broadcast %get3A_3518 : f32 to vector<1x768xf32>
      %mul3A_3521 = arith.mulf %mul3A_3520, %slice3A_3519 : vector<1x768xf32>
      %add3A_3522 = arith.constant 0.000000e+00 : f32
      %add3A_3523 = vector.broadcast %add3A_3522 : f32 to vector<1x768xf32>
      %add3A_3524 = arith.addf %add3A_3523, %mul3A_3521 : vector<1x768xf32>
      %get3A_3525 = arith.constant 1 : index
      %get3A_3526 = arith.constant 3 : index
      %get3A_3527 = memref.load %arg25[%get3A_3525, %get3A_3526] : memref<4x4xf32, #tpu.memory_space<smem>>
      %slice3A_3528 = vector.extract_strided_slice %get3A_3199 {offsets = [3, 0], sizes = [1, 768], strides = [1, 1]} : vector<12x768xf32> to vector<1x768xf32>
      %mul3A_3529 = vector.broadcast %get3A_3527 : f32 to vector<1x768xf32>
      %mul3A_3530 = arith.mulf %mul3A_3529, %slice3A_3528 : vector<1x768xf32>
      %add3A_3531 = arith.addf %add3A_3524, %mul3A_3530 : vector<1x768xf32>
      %get3A_3532 = arith.constant 2 : index
      %get3A_3533 = arith.constant 3 : index
      %get3A_3534 = memref.load %arg25[%get3A_3532, %get3A_3533] : memref<4x4xf32, #tpu.memory_space<smem>>
      %slice3A_3535 = vector.extract_strided_slice %get3A_3199 {offsets = [6, 0], sizes = [1, 768], strides = [1, 1]} : vector<12x768xf32> to vector<1x768xf32>
      %mul3A_3536 = vector.broadcast %get3A_3534 : f32 to vector<1x768xf32>
      %mul3A_3537 = arith.mulf %mul3A_3536, %slice3A_3535 : vector<1x768xf32>
      %add3A_3538 = arith.addf %add3A_3531, %mul3A_3537 : vector<1x768xf32>
      %get3A_3539 = arith.constant 3 : index
      %get3A_3540 = arith.constant 3 : index
      %get3A_3541 = memref.load %arg25[%get3A_3539, %get3A_3540] : memref<4x4xf32, #tpu.memory_space<smem>>
      %slice3A_3542 = vector.extract_strided_slice %get3A_3199 {offsets = [9, 0], sizes = [1, 768], strides = [1, 1]} : vector<12x768xf32> to vector<1x768xf32>
      %mul3A_3543 = vector.broadcast %get3A_3541 : f32 to vector<1x768xf32>
      %mul3A_3544 = arith.mulf %mul3A_3543, %slice3A_3542 : vector<1x768xf32>
      %add3A_3545 = arith.addf %add3A_3538, %mul3A_3544 : vector<1x768xf32>
      %swap3A_3546 = arith.constant 57 : index
      %swap3A_3547 = arith.constant 0 : index
      %swap3A_3548 = vector.load %arg29[%swap3A_3546, %swap3A_3547] : memref<64x768xf32, #tpu.memory_space<vmem>>, vector<1x768xf32>
      tpu.vector_store %arg29[%swap3A_3546, %swap3A_3547], %add3A_3545 {strides = array<i32>} : memref<64x768xf32, #tpu.memory_space<vmem>>, vector<1x768xf32>,
      %get3A_3549 = arith.constant 0 : index
      %get3A_3550 = arith.constant 3 : index
      %get3A_3551 = memref.load %arg25[%get3A_3549, %get3A_3550] : memref<4x4xf32, #tpu.memory_space<smem>>
      %slice3A_3552 = vector.extract_strided_slice %get3A_3199 {offsets = [1, 0], sizes = [1, 768], strides = [1, 1]} : vector<12x768xf32> to vector<1x768xf32>
      %mul3A_3553 = vector.broadcast %get3A_3551 : f32 to vector<1x768xf32>
      %mul3A_3554 = arith.mulf %mul3A_3553, %slice3A_3552 : vector<1x768xf32>
      %add3A_3555 = arith.constant 0.000000e+00 : f32
      %add3A_3556 = vector.broadcast %add3A_3555 : f32 to vector<1x768xf32>
      %add3A_3557 = arith.addf %add3A_3556, %mul3A_3554 : vector<1x768xf32>
      %get3A_3558 = arith.constant 1 : index
      %get3A_3559 = arith.constant 3 : index
      %get3A_3560 = memref.load %arg25[%get3A_3558, %get3A_3559] : memref<4x4xf32, #tpu.memory_space<smem>>
      %slice3A_3561 = vector.extract_strided_slice %get3A_3199 {offsets = [4, 0], sizes = [1, 768], strides = [1, 1]} : vector<12x768xf32> to vector<1x768xf32>
      %mul3A_3562 = vector.broadcast %get3A_3560 : f32 to vector<1x768xf32>
      %mul3A_3563 = arith.mulf %mul3A_3562, %slice3A_3561 : vector<1x768xf32>
      %add3A_3564 = arith.addf %add3A_3557, %mul3A_3563 : vector<1x768xf32>
      %get3A_3565 = arith.constant 2 : index
      %get3A_3566 = arith.constant 3 : index
      %get3A_3567 = memref.load %arg25[%get3A_3565, %get3A_3566] : memref<4x4xf32, #tpu.memory_space<smem>>
      %slice3A_3568 = vector.extract_strided_slice %get3A_3199 {offsets = [7, 0], sizes = [1, 768], strides = [1, 1]} : vector<12x768xf32> to vector<1x768xf32>
      %mul3A_3569 = vector.broadcast %get3A_3567 : f32 to vector<1x768xf32>
      %mul3A_3570 = arith.mulf %mul3A_3569, %slice3A_3568 : vector<1x768xf32>
      %add3A_3571 = arith.addf %add3A_3564, %mul3A_3570 : vector<1x768xf32>
      %get3A_3572 = arith.constant 3 : index
      %get3A_3573 = arith.constant 3 : index
      %get3A_3574 = memref.load %arg25[%get3A_3572, %get3A_3573] : memref<4x4xf32, #tpu.memory_space<smem>>
      %slice3A_3575 = vector.extract_strided_slice %get3A_3199 {offsets = [10, 0], sizes = [1, 768], strides = [1, 1]} : vector<12x768xf32> to vector<1x768xf32>
      %mul3A_3576 = vector.broadcast %get3A_3574 : f32 to vector<1x768xf32>
      %mul3A_3577 = arith.mulf %mul3A_3576, %slice3A_3575 : vector<1x768xf32>
      %add3A_3578 = arith.addf %add3A_3571, %mul3A_3577 : vector<1x768xf32>
      %swap3A_3579 = arith.constant 58 : index
      %swap3A_3580 = arith.constant 0 : index
      %swap3A_3581 = vector.load %arg29[%swap3A_3579, %swap3A_3580] : memref<64x768xf32, #tpu.memory_space<vmem>>, vector<1x768xf32>
      tpu.vector_store %arg29[%swap3A_3579, %swap3A_3580], %add3A_3578 {strides = array<i32>} : memref<64x768xf32, #tpu.memory_space<vmem>>, vector<1x768xf32>,
      %get3A_3582 = arith.constant 0 : index
      %get3A_3583 = arith.constant 3 : index
      %get3A_3584 = memref.load %arg25[%get3A_3582, %get3A_3583] : memref<4x4xf32, #tpu.memory_space<smem>>
      %slice3A_3585 = vector.extract_strided_slice %get3A_3199 {offsets = [2, 0], sizes = [1, 768], strides = [1, 1]} : vector<12x768xf32> to vector<1x768xf32>
      %mul3A_3586 = vector.broadcast %get3A_3584 : f32 to vector<1x768xf32>
      %mul3A_3587 = arith.mulf %mul3A_3586, %slice3A_3585 : vector<1x768xf32>
      %add3A_3588 = arith.constant 0.000000e+00 : f32
      %add3A_3589 = vector.broadcast %add3A_3588 : f32 to vector<1x768xf32>
      %add3A_3590 = arith.addf %add3A_3589, %mul3A_3587 : vector<1x768xf32>
      %get3A_3591 = arith.constant 1 : index
      %get3A_3592 = arith.constant 3 : index
      %get3A_3593 = memref.load %arg25[%get3A_3591, %get3A_3592] : memref<4x4xf32, #tpu.memory_space<smem>>
      %slice3A_3594 = vector.extract_strided_slice %get3A_3199 {offsets = [5, 0], sizes = [1, 768], strides = [1, 1]} : vector<12x768xf32> to vector<1x768xf32>
      %mul3A_3595 = vector.broadcast %get3A_3593 : f32 to vector<1x768xf32>
      %mul3A_3596 = arith.mulf %mul3A_3595, %slice3A_3594 : vector<1x768xf32>
      %add3A_3597 = arith.addf %add3A_3590, %mul3A_3596 : vector<1x768xf32>
      %get3A_3598 = arith.constant 2 : index
      %get3A_3599 = arith.constant 3 : index
      %get3A_3600 = memref.load %arg25[%get3A_3598, %get3A_3599] : memref<4x4xf32, #tpu.memory_space<smem>>
      %slice3A_3601 = vector.extract_strided_slice %get3A_3199 {offsets = [8, 0], sizes = [1, 768], strides = [1, 1]} : vector<12x768xf32> to vector<1x768xf32>
      %mul3A_3602 = vector.broadcast %get3A_3600 : f32 to vector<1x768xf32>
      %mul3A_3603 = arith.mulf %mul3A_3602, %slice3A_3601 : vector<1x768xf32>
      %add3A_3604 = arith.addf %add3A_3597, %mul3A_3603 : vector<1x768xf32>
      %get3A_3605 = arith.constant 3 : index
      %get3A_3606 = arith.constant 3 : index
      %get3A_3607 = memref.load %arg25[%get3A_3605, %get3A_3606] : memref<4x4xf32, #tpu.memory_space<smem>>
      %slice3A_3608 = vector.extract_strided_slice %get3A_3199 {offsets = [11, 0], sizes = [1, 768], strides = [1, 1]} : vector<12x768xf32> to vector<1x768xf32>
      %mul3A_3609 = vector.broadcast %get3A_3607 : f32 to vector<1x768xf32>
      %mul3A_3610 = arith.mulf %mul3A_3609, %slice3A_3608 : vector<1x768xf32>
      %add3A_3611 = arith.addf %add3A_3604, %mul3A_3610 : vector<1x768xf32>
      %swap3A_3612 = arith.constant 59 : index
      %swap3A_3613 = arith.constant 0 : index
      %swap3A_3614 = vector.load %arg29[%swap3A_3612, %swap3A_3613] : memref<64x768xf32, #tpu.memory_space<vmem>>, vector<1x768xf32>
      tpu.vector_store %arg29[%swap3A_3612, %swap3A_3613], %add3A_3611 {strides = array<i32>} : memref<64x768xf32, #tpu.memory_space<vmem>>, vector<1x768xf32>,
      %broadcast_in_dim3A_3615 = arith.constant 0.000000e+00 : f32
      %broadcast_in_dim3A_3616 = vector.broadcast %broadcast_in_dim3A_3615 : f32 to vector<4x768xf32>
      %swap3A_3617 = arith.constant 60 : index
      %swap3A_3618 = arith.constant 0 : index
      %swap3A_3619 = vector.load %arg29[%swap3A_3617, %swap3A_3618] : memref<64x768xf32, #tpu.memory_space<vmem>>, vector<4x768xf32>
      tpu.vector_store %arg29[%swap3A_3617, %swap3A_3618], %broadcast_in_dim3A_3616 {strides = array<i32>} : memref<64x768xf32, #tpu.memory_space<vmem>>, vector<4x768xf32>,
      %broadcast_in_dim3A_3620 = arith.constant 0.000000e+00 : f32
      %broadcast_in_dim3A_3621 = vector.broadcast %broadcast_in_dim3A_3620 : f32 to vector<48x768xf32>
      %swap3A_3622 = arith.constant 0 : index
      %swap3A_3623 = arith.constant 0 : index
      %swap3A_3624 = vector.load %arg30[%swap3A_3622, %swap3A_3623] : memref<48x768xf32, #tpu.memory_space<vmem>>, vector<48x768xf32>
      tpu.vector_store %arg30[%swap3A_3622, %swap3A_3623], %broadcast_in_dim3A_3621 {strides = array<i32>} : memref<48x768xf32, #tpu.memory_space<vmem>>, vector<48x768xf32>,
      %broadcast_in_dim3A_3625 = arith.constant 0.000000e+00 : f32
      %broadcast_in_dim3A_3626 = vector.broadcast %broadcast_in_dim3A_3625 : f32 to vector<4x4096xf32>
      %swap3A_3627 = arith.constant 28 : index
      %swap3A_3628 = arith.constant 0 : index
      %swap3A_3629 = vector.load %arg31[%swap3A_3627, %swap3A_3628] : memref<48x4096xf32, #tpu.memory_space<vmem>>, vector<4x4096xf32>
      tpu.vector_store %arg31[%swap3A_3627, %swap3A_3628], %broadcast_in_dim3A_3626 {strides = array<i32>} : memref<48x4096xf32, #tpu.memory_space<vmem>>, vector<4x4096xf32>,
      %broadcast_in_dim3A_3630 = arith.constant 0.000000e+00 : f32
      %broadcast_in_dim3A_3631 = vector.broadcast %broadcast_in_dim3A_3630 : f32 to vector<2x4096xf32>
      %swap3A_3632 = arith.constant 46 : index
      %swap3A_3633 = arith.constant 0 : index
      %swap3A_3634 = vector.load %arg31[%swap3A_3632, %swap3A_3633] : memref<48x4096xf32, #tpu.memory_space<vmem>>, vector<2x4096xf32>
      tpu.vector_store %arg31[%swap3A_3632, %swap3A_3633], %broadcast_in_dim3A_3631 {strides = array<i32>} : memref<48x4096xf32, #tpu.memory_space<vmem>>, vector<2x4096xf32>,
    } else {
    }
    %get3A = arith.constant 0 : index
    %get3A_2 = arith.constant 0 : index
    %get3A_3 = vector.load %arg1[%get3A, %get3A_2] : memref<4096x128xf32, #tpu.memory_space<vmem>>, vector<4096x128xf32>
    %reduce_sum3A = arith.constant dense<0.000000e+00> : vector<4096xf32>
    %reduce_sum3A_4 = vector.multi_reduction <add>, %get3A_3, %reduce_sum3A [1] : vector<4096x128xf32> to vector<4096xf32>
    %broadcast_in_dim3A = vector.shape_cast %reduce_sum3A_4 : vector<4096xf32> to vector<4096x1xf32>
    %div3A = arith.constant 1.280000e+02 : f32
    %div3A_5 = vector.broadcast %div3A : f32 to vector<4096x1xf32>
    %div3A_6 = arith.divf %broadcast_in_dim3A, %div3A_5 : vector<4096x1xf32>
    %sub3A = vector.broadcast %div3A_6 : vector<4096x1xf32> to vector<4096x128xf32>
    %sub3A_7 = arith.subf %get3A_3, %sub3A : vector<4096x128xf32>
    %integer_pow3A = arith.mulf %sub3A_7, %sub3A_7 : vector<4096x128xf32>
    %reduce_sum3A_8 = arith.constant dense<0.000000e+00> : vector<4096xf32>
    %reduce_sum3A_9 = vector.multi_reduction <add>, %integer_pow3A, %reduce_sum3A_8 [1] : vector<4096x128xf32> to vector<4096xf32>
    %broadcast_in_dim3A_10 = vector.shape_cast %reduce_sum3A_9 : vector<4096xf32> to vector<4096x1xf32>
    %div3A_11 = arith.constant 1.280000e+02 : f32
    %div3A_12 = vector.broadcast %div3A_11 : f32 to vector<4096x1xf32>
    %div3A_13 = arith.divf %broadcast_in_dim3A_10, %div3A_12 : vector<4096x1xf32>
    %sub3A_14 = vector.broadcast %div3A_6 : vector<4096x1xf32> to vector<4096x128xf32>
    %sub3A_15 = arith.subf %get3A_3, %sub3A_14 : vector<4096x128xf32>
    %add3A = arith.constant 9.99999974E-6 : f32
    %add3A_16 = vector.broadcast %add3A : f32 to vector<4096x1xf32>
    %add3A_17 = arith.addf %div3A_13, %add3A_16 : vector<4096x1xf32>
    %rsqrt3A = math.rsqrt %add3A_17 : vector<4096x1xf32>
    %mul3A = vector.broadcast %rsqrt3A : vector<4096x1xf32> to vector<4096x128xf32>
    %mul3A_18 = arith.mulf %sub3A_15, %mul3A : vector<4096x128xf32>
    %get3A_19 = arith.constant 0 : index
    %get3A_20 = arith.constant 0 : index
    %get3A_21 = vector.load %arg10[%get3A_19, %get3A_20] : memref<1x128xf32, #tpu.memory_space<vmem>>, vector<1x128xf32>
    %mul3A_22 = vector.broadcast %get3A_21 : vector<1x128xf32> to vector<4096x128xf32>
    %mul3A_23 = arith.mulf %mul3A_18, %mul3A_22 : vector<4096x128xf32>
    %get3A_24 = arith.constant 0 : index
    %get3A_25 = arith.constant 0 : index
    %get3A_26 = vector.load %arg11[%get3A_24, %get3A_25] : memref<1x128xf32, #tpu.memory_space<vmem>>, vector<1x128xf32>
    %add3A_27 = vector.broadcast %get3A_26 : vector<1x128xf32> to vector<4096x128xf32>
    %add3A_28 = arith.addf %mul3A_23, %add3A_27 : vector<4096x128xf32>
    %convert_element_type3A_29 = arith.truncf %add3A_28 : vector<4096x128xf32> to vector<4096x128xbf16>
    %get3A_30 = arith.constant 0 : index
    %get3A_31 = arith.constant 0 : index
    %get3A_32 = vector.load %arg12[%get3A_30, %get3A_31] : memref<128x128xf32, #tpu.memory_space<vmem>>, vector<128x128xf32>
    %convert_element_type3A_33 = arith.truncf %get3A_32 : vector<128x128xf32> to vector<128x128xbf16>
    %dot_general3A = arith.constant dense<0.000000e+00> : vector<128x4096xf32>
    %dot_general3A_34 = tpu.matmul %convert_element_type3A_33, %convert_element_type3A_29, %dot_general3A {dimension_numbers = #tpu.dot_dimension_numbers<[1], [1], [0], [0], [0, 0, 1, 0], [], []>, transpose_lhs_hint = false} : vector<128x128xbf16>, vector<4096x128xbf16>, vector<128x4096xf32> -> vector<128x4096xf32>
    %get3A_35 = arith.constant 0 : index
    %get3A_36 = arith.constant 0 : index
    %get3A_37 = vector.load %arg13[%get3A_35, %get3A_36] : memref<128x1xf32, #tpu.memory_space<vmem>>, vector<128x1xf32>
    %add3A_38 = vector.broadcast %get3A_37 : vector<128x1xf32> to vector<128x4096xf32>
    %add3A_39 = arith.addf %dot_general3A_34, %add3A_38 : vector<128x4096xf32>
    %max3A = arith.constant 0.000000e+00 : f32
    %max3A_40 = vector.broadcast %max3A : f32 to vector<128x4096xf32>
    %max3A_41 = arith.maximumf %add3A_39, %max3A_40 : vector<128x4096xf32>
    %get3A_42 = arith.constant 0 : index
    %get3A_43 = arith.constant 0 : index
    %get3A_44 = vector.load %arg14[%get3A_42, %get3A_43] : memref<432x128xf32, #tpu.memory_space<vmem>>, vector<432x128xf32>
    %convert_element_type3A_45 = arith.truncf %get3A_44 : vector<432x128xf32> to vector<432x128xbf16>
    %convert_element_type3A_46 = arith.truncf %max3A_41 : vector<128x4096xf32> to vector<128x4096xbf16>
    %dot_general3A_47 = arith.constant dense<0.000000e+00> : vector<432x4096xf32>
    %dot_general3A_48 = tpu.matmul %convert_element_type3A_45, %convert_element_type3A_46, %dot_general3A_47 {dimension_numbers = #tpu.dot_dimension_numbers<[1], [0], [0], [1], [0, 0, 1, 1], [], []>, transpose_lhs_hint = false} : vector<432x128xbf16>, vector<128x4096xbf16>, vector<432x4096xf32> -> vector<432x4096xf32>
    %get3A_49 = arith.constant 0 : index
    %get3A_50 = arith.constant 0 : index
    %get3A_51 = vector.load %arg15[%get3A_49, %get3A_50] : memref<432x1xf32, #tpu.memory_space<vmem>>, vector<432x1xf32>
    %add3A_52 = vector.broadcast %get3A_51 : vector<432x1xf32> to vector<432x4096xf32>
    %add3A_53 = arith.addf %dot_general3A_48, %add3A_52 : vector<432x4096xf32>
    %swap3A = arith.constant 0 : index
    %swap3A_54 = arith.constant 0 : index
    %swap3A_55 = vector.load %arg32[%swap3A, %swap3A_54] : memref<432x4096xf32, #tpu.memory_space<vmem>>, vector<432x4096xf32>
    tpu.vector_store %arg32[%swap3A, %swap3A_54], %add3A_53 {strides = array<i32>} : memref<432x4096xf32, #tpu.memory_space<vmem>>, vector<432x4096xf32>,
    %get3A_56 = arith.constant 0 : index
    %get3A_57 = arith.constant 0 : index
    %get3A_58 = vector.load %arg16[%get3A_56, %get3A_57] : memref<1x128xf32, #tpu.memory_space<vmem>>, vector<1x128xf32>
    %mul3A_59 = vector.broadcast %get3A_58 : vector<1x128xf32> to vector<4096x128xf32>
    %mul3A_60 = arith.mulf %mul3A_18, %mul3A_59 : vector<4096x128xf32>
    %get3A_61 = arith.constant 0 : index
    %get3A_62 = arith.constant 0 : index
    %get3A_63 = vector.load %arg17[%get3A_61, %get3A_62] : memref<1x128xf32, #tpu.memory_space<vmem>>, vector<1x128xf32>
    %add3A_64 = vector.broadcast %get3A_63 : vector<1x128xf32> to vector<4096x128xf32>
    %add3A_65 = arith.addf %mul3A_60, %add3A_64 : vector<4096x128xf32>
    %convert_element_type3A_66 = arith.truncf %add3A_65 : vector<4096x128xf32> to vector<4096x128xbf16>
    %get3A_67 = arith.constant 0 : index
    %get3A_68 = arith.constant 0 : index
    %get3A_69 = vector.load %arg18[%get3A_67, %get3A_68] : memref<128x128xf32, #tpu.memory_space<vmem>>, vector<128x128xf32>
    %convert_element_type3A_70 = arith.truncf %get3A_69 : vector<128x128xf32> to vector<128x128xbf16>
    %dot_general3A_71 = arith.constant dense<0.000000e+00> : vector<128x4096xf32>
    %dot_general3A_72 = tpu.matmul %convert_element_type3A_70, %convert_element_type3A_66, %dot_general3A_71 {dimension_numbers = #tpu.dot_dimension_numbers<[1], [1], [0], [0], [0, 0, 1, 0], [], []>, transpose_lhs_hint = false} : vector<128x128xbf16>, vector<4096x128xbf16>, vector<128x4096xf32> -> vector<128x4096xf32>
    %get3A_73 = arith.constant 0 : index
    %get3A_74 = arith.constant 0 : index
    %get3A_75 = vector.load %arg19[%get3A_73, %get3A_74] : memref<128x1xf32, #tpu.memory_space<vmem>>, vector<128x1xf32>
    %add3A_76 = vector.broadcast %get3A_75 : vector<128x1xf32> to vector<128x4096xf32>
    %add3A_77 = arith.addf %dot_general3A_72, %add3A_76 : vector<128x4096xf32>
    %max3A_78 = arith.constant 0.000000e+00 : f32
    %max3A_79 = vector.broadcast %max3A_78 : f32 to vector<128x4096xf32>
    %max3A_80 = arith.maximumf %add3A_77, %max3A_79 : vector<128x4096xf32>
    %get3A_81 = arith.constant 0 : index
    %get3A_82 = arith.constant 0 : index
    %get3A_83 = vector.load %arg20[%get3A_81, %get3A_82] : memref<432x128xf32, #tpu.memory_space<vmem>>, vector<432x128xf32>
    %convert_element_type3A_84 = arith.truncf %get3A_83 : vector<432x128xf32> to vector<432x128xbf16>
    %convert_element_type3A_85 = arith.truncf %max3A_80 : vector<128x4096xf32> to vector<128x4096xbf16>
    %dot_general3A_86 = arith.constant dense<0.000000e+00> : vector<432x4096xf32>
    %dot_general3A_87 = tpu.matmul %convert_element_type3A_84, %convert_element_type3A_85, %dot_general3A_86 {dimension_numbers = #tpu.dot_dimension_numbers<[1], [0], [0], [1], [0, 0, 1, 1], [], []>, transpose_lhs_hint = false} : vector<432x128xbf16>, vector<128x4096xbf16>, vector<432x4096xf32> -> vector<432x4096xf32>
    %get3A_88 = arith.constant 0 : index
    %get3A_89 = arith.constant 0 : index
    %get3A_90 = vector.load %arg21[%get3A_88, %get3A_89] : memref<432x1xf32, #tpu.memory_space<vmem>>, vector<432x1xf32>
    %add3A_91 = vector.broadcast %get3A_90 : vector<432x1xf32> to vector<432x4096xf32>
    %add3A_92 = arith.addf %dot_general3A_87, %add3A_91 : vector<432x4096xf32>
    %swap3A_93 = arith.constant 0 : index
    %swap3A_94 = arith.constant 0 : index
    %swap3A_95 = vector.load %arg33[%swap3A_93, %swap3A_94] : memref<432x4096xf32, #tpu.memory_space<vmem>>, vector<432x4096xf32>
    tpu.vector_store %arg33[%swap3A_93, %swap3A_94], %add3A_92 {strides = array<i32>} : memref<432x4096xf32, #tpu.memory_space<vmem>>, vector<432x4096xf32>,
    %get3A_96 = arith.constant 0 : index
    %get3A_97 = arith.constant 0 : index
    %get3A_98 = arith.constant 0 : index
    %get3A_99 = vector.load %arg2[%get3A_96, %get3A_97, %get3A_98] : memref<1x1x4096xi32, #tpu.memory_space<vmem>>, vector<1x1x4096xi32>
    %get3A_100 = vector.shape_cast %get3A_99 : vector<1x1x4096xi32> to vector<1x4096xi32>
    %get3A_101 = arith.constant 0 : index
    %get3A_102 = arith.constant 0 : index
    %get3A_103 = arith.constant 0 : index
    %get3A_104 = vector.load %arg3[%get3A_101, %get3A_102, %get3A_103] : memref<1x1x4096xi32, #tpu.memory_space<vmem>>, vector<1x1x4096xi32>
    %get3A_105 = vector.shape_cast %get3A_104 : vector<1x1x4096xi32> to vector<1x4096xi32>
    %iota3A = tpu.iota {dimensions = array<i32: 0>} : vector<768x4096xi32>
    %eq3A_106 = vector.broadcast %get3A_100 : vector<1x4096xi32> to vector<768x4096xi32>
    %eq3A_107 = arith.cmpi eq, %iota3A, %eq3A_106 : vector<768x4096xi32>
    %convert_element_type3A_108 = arith.extui %eq3A_107 : vector<768x4096xi1> to vector<768x4096xi32>
    %convert_element_type3A_109 = arith.sitofp %convert_element_type3A_108 : vector<768x4096xi32> to vector<768x4096xf32>
    %eq3A_110 = vector.broadcast %get3A_105 : vector<1x4096xi32> to vector<768x4096xi32>
    %eq3A_111 = arith.cmpi eq, %iota3A, %eq3A_110 : vector<768x4096xi32>
    %convert_element_type3A_112 = arith.extui %eq3A_111 : vector<768x4096xi1> to vector<768x4096xi32>
    %convert_element_type3A_113 = arith.sitofp %convert_element_type3A_112 : vector<768x4096xi32> to vector<768x4096xf32>
    %get3A_114 = arith.constant 0 : index
    %get3A_115 = arith.constant 0 : index
    %get3A_116 = vector.load %arg29[%get3A_114, %get3A_115] : memref<64x768xf32, #tpu.memory_space<vmem>>, vector<28x768xf32>
    %dot_general3A_117 = arith.constant dense<0.000000e+00> : vector<28x4096xf32>
    %dot_general3A_118 = tpu.matmul %get3A_116, %convert_element_type3A_109, %dot_general3A_117 {dimension_numbers = #tpu.dot_dimension_numbers<[1], [0], [0], [1], [0, 0, 1, 1], [], []>, transpose_lhs_hint = false} : vector<28x768xf32>, vector<768x4096xf32>, vector<28x4096xf32> -> vector<28x4096xf32>
    %swap3A_119 = arith.constant 0 : index
    %swap3A_120 = arith.constant 0 : index
    %swap3A_121 = vector.load %arg34[%swap3A_119, %swap3A_120] : memref<28x4096xf32, #tpu.memory_space<vmem>>, vector<28x4096xf32>
    tpu.vector_store %arg34[%swap3A_119, %swap3A_120], %dot_general3A_118 {strides = array<i32>} : memref<28x4096xf32, #tpu.memory_space<vmem>>, vector<28x4096xf32>,
    %get3A_122 = arith.constant 32 : index
    %get3A_123 = arith.constant 0 : index
    %get3A_124 = vector.load %arg29[%get3A_122, %get3A_123] : memref<64x768xf32, #tpu.memory_space<vmem>>, vector<28x768xf32>
    %dot_general3A_125 = arith.constant dense<0.000000e+00> : vector<28x4096xf32>
    %dot_general3A_126 = tpu.matmul %get3A_124, %convert_element_type3A_113, %dot_general3A_125 {dimension_numbers = #tpu.dot_dimension_numbers<[1], [0], [0], [1], [0, 0, 1, 1], [], []>, transpose_lhs_hint = false} : vector<28x768xf32>, vector<768x4096xf32>, vector<28x4096xf32> -> vector<28x4096xf32>
    %swap3A_127 = arith.constant 0 : index
    %swap3A_128 = arith.constant 0 : index
    %swap3A_129 = vector.load %arg35[%swap3A_127, %swap3A_128] : memref<28x4096xf32, #tpu.memory_space<vmem>>, vector<28x4096xf32>
    tpu.vector_store %arg35[%swap3A_127, %swap3A_128], %dot_general3A_126 {strides = array<i32>} : memref<28x4096xf32, #tpu.memory_space<vmem>>, vector<28x4096xf32>,
    %get3A_130 = arith.constant 0 : index
    %get3A_131 = arith.constant 0 : index
    %get3A_132 = vector.load %arg4[%get3A_130, %get3A_131] : memref<9x4096xf32, #tpu.memory_space<vmem>>, vector<9x4096xf32>
    %slice3A = vector.extract_strided_slice %get3A_132 {offsets = [0, 0], sizes = [1, 4096], strides = [1, 1]} : vector<9x4096xf32> to vector<1x4096xf32>
    %slice3A_133 = vector.extract_strided_slice %get3A_132 {offsets = [1, 0], sizes = [1, 4096], strides = [1, 1]} : vector<9x4096xf32> to vector<1x4096xf32>
    %slice3A_134 = vector.extract_strided_slice %get3A_132 {offsets = [2, 0], sizes = [1, 4096], strides = [1, 1]} : vector<9x4096xf32> to vector<1x4096xf32>
    %slice3A_135 = vector.extract_strided_slice %get3A_132 {offsets = [3, 0], sizes = [1, 4096], strides = [1, 1]} : vector<9x4096xf32> to vector<1x4096xf32>
    %slice3A_136 = vector.extract_strided_slice %get3A_132 {offsets = [4, 0], sizes = [1, 4096], strides = [1, 1]} : vector<9x4096xf32> to vector<1x4096xf32>
    %slice3A_137 = vector.extract_strided_slice %get3A_132 {offsets = [5, 0], sizes = [1, 4096], strides = [1, 1]} : vector<9x4096xf32> to vector<1x4096xf32>
    %slice3A_138 = vector.extract_strided_slice %get3A_132 {offsets = [6, 0], sizes = [1, 4096], strides = [1, 1]} : vector<9x4096xf32> to vector<1x4096xf32>
    %slice3A_139 = vector.extract_strided_slice %get3A_132 {offsets = [7, 0], sizes = [1, 4096], strides = [1, 1]} : vector<9x4096xf32> to vector<1x4096xf32>
    %slice3A_140 = vector.extract_strided_slice %get3A_132 {offsets = [8, 0], sizes = [1, 4096], strides = [1, 1]} : vector<9x4096xf32> to vector<1x4096xf32>
    %get3A_141 = arith.constant 0 : index
    %get3A_142 = arith.constant 0 : index
    %get3A_143 = vector.load %arg34[%get3A_141, %get3A_142] : memref<28x4096xf32, #tpu.memory_space<vmem>>, vector<16x4096xf32>
    %get3A_144 = arith.constant 16 : index
    %get3A_145 = arith.constant 0 : index
    %get3A_146 = vector.load %arg34[%get3A_144, %get3A_145] : memref<28x4096xf32, #tpu.memory_space<vmem>>, vector<1x4096xf32>
    %get3A_147 = arith.constant 17 : index
    %get3A_148 = arith.constant 0 : index
    %get3A_149 = vector.load %arg34[%get3A_147, %get3A_148] : memref<28x4096xf32, #tpu.memory_space<vmem>>, vector<1x4096xf32>
    %get3A_150 = arith.constant 18 : index
    %get3A_151 = arith.constant 0 : index
    %get3A_152 = vector.load %arg34[%get3A_150, %get3A_151] : memref<28x4096xf32, #tpu.memory_space<vmem>>, vector<1x4096xf32>
    %get3A_153 = arith.constant 19 : index
    %get3A_154 = arith.constant 0 : index
    %get3A_155 = vector.load %arg34[%get3A_153, %get3A_154] : memref<28x4096xf32, #tpu.memory_space<vmem>>, vector<1x4096xf32>
    %get3A_156 = arith.constant 20 : index
    %get3A_157 = arith.constant 0 : index
    %get3A_158 = vector.load %arg34[%get3A_156, %get3A_157] : memref<28x4096xf32, #tpu.memory_space<vmem>>, vector<1x4096xf32>
    %get3A_159 = arith.constant 21 : index
    %get3A_160 = arith.constant 0 : index
    %get3A_161 = vector.load %arg34[%get3A_159, %get3A_160] : memref<28x4096xf32, #tpu.memory_space<vmem>>, vector<1x4096xf32>
    %get3A_162 = arith.constant 22 : index
    %get3A_163 = arith.constant 0 : index
    %get3A_164 = vector.load %arg34[%get3A_162, %get3A_163] : memref<28x4096xf32, #tpu.memory_space<vmem>>, vector<1x4096xf32>
    %get3A_165 = arith.constant 23 : index
    %get3A_166 = arith.constant 0 : index
    %get3A_167 = vector.load %arg34[%get3A_165, %get3A_166] : memref<28x4096xf32, #tpu.memory_space<vmem>>, vector<1x4096xf32>
    %get3A_168 = arith.constant 24 : index
    %get3A_169 = arith.constant 0 : index
    %get3A_170 = vector.load %arg34[%get3A_168, %get3A_169] : memref<28x4096xf32, #tpu.memory_space<vmem>>, vector<1x4096xf32>
    %get3A_171 = arith.constant 25 : index
    %get3A_172 = arith.constant 0 : index
    %get3A_173 = vector.load %arg34[%get3A_171, %get3A_172] : memref<28x4096xf32, #tpu.memory_space<vmem>>, vector<1x4096xf32>
    %get3A_174 = arith.constant 26 : index
    %get3A_175 = arith.constant 0 : index
    %get3A_176 = vector.load %arg34[%get3A_174, %get3A_175] : memref<28x4096xf32, #tpu.memory_space<vmem>>, vector<1x4096xf32>
    %get3A_177 = arith.constant 27 : index
    %get3A_178 = arith.constant 0 : index
    %get3A_179 = vector.load %arg34[%get3A_177, %get3A_178] : memref<28x4096xf32, #tpu.memory_space<vmem>>, vector<1x4096xf32>
    %mul3A_180 = vector.broadcast %slice3A : vector<1x4096xf32> to vector<16x4096xf32>
    %mul3A_181 = arith.mulf %get3A_143, %mul3A_180 : vector<16x4096xf32>
    %mul3A_182 = arith.mulf %get3A_146, %slice3A_133 : vector<1x4096xf32>
    %mul3A_183 = arith.mulf %get3A_149, %slice3A_134 : vector<1x4096xf32>
    %add3A_184 = arith.addf %mul3A_182, %mul3A_183 : vector<1x4096xf32>
    %mul3A_185 = arith.mulf %get3A_152, %slice3A_135 : vector<1x4096xf32>
    %add3A_186 = arith.addf %add3A_184, %mul3A_185 : vector<1x4096xf32>
    %mul3A_187 = arith.constant 0.577350259 : f32
    %mul3A_188 = vector.broadcast %mul3A_187 : f32 to vector<1x4096xf32>
    %mul3A_189 = arith.mulf %add3A_186, %mul3A_188 : vector<1x4096xf32>
    %mul3A_190 = arith.mulf %get3A_155, %slice3A_133 : vector<1x4096xf32>
    %mul3A_191 = arith.mulf %get3A_158, %slice3A_134 : vector<1x4096xf32>
    %add3A_192 = arith.addf %mul3A_190, %mul3A_191 : vector<1x4096xf32>
    %mul3A_193 = arith.mulf %get3A_161, %slice3A_135 : vector<1x4096xf32>
    %add3A_194 = arith.addf %add3A_192, %mul3A_193 : vector<1x4096xf32>
    %mul3A_195 = arith.constant 0.577350259 : f32
    %mul3A_196 = vector.broadcast %mul3A_195 : f32 to vector<1x4096xf32>
    %mul3A_197 = arith.mulf %add3A_194, %mul3A_196 : vector<1x4096xf32>
    %mul3A_198 = arith.mulf %get3A_164, %slice3A_133 : vector<1x4096xf32>
    %mul3A_199 = arith.mulf %get3A_167, %slice3A_134 : vector<1x4096xf32>
    %add3A_200 = arith.addf %mul3A_198, %mul3A_199 : vector<1x4096xf32>
    %mul3A_201 = arith.mulf %get3A_170, %slice3A_135 : vector<1x4096xf32>
    %add3A_202 = arith.addf %add3A_200, %mul3A_201 : vector<1x4096xf32>
    %mul3A_203 = arith.constant 0.577350259 : f32
    %mul3A_204 = vector.broadcast %mul3A_203 : f32 to vector<1x4096xf32>
    %mul3A_205 = arith.mulf %add3A_202, %mul3A_204 : vector<1x4096xf32>
    %mul3A_206 = arith.mulf %get3A_173, %slice3A_133 : vector<1x4096xf32>
    %mul3A_207 = arith.mulf %get3A_176, %slice3A_134 : vector<1x4096xf32>
    %add3A_208 = arith.addf %mul3A_206, %mul3A_207 : vector<1x4096xf32>
    %mul3A_209 = arith.mulf %get3A_179, %slice3A_135 : vector<1x4096xf32>
    %add3A_210 = arith.addf %add3A_208, %mul3A_209 : vector<1x4096xf32>
    %mul3A_211 = arith.constant 0.577350259 : f32
    %mul3A_212 = vector.broadcast %mul3A_211 : f32 to vector<1x4096xf32>
    %mul3A_213 = arith.mulf %add3A_210, %mul3A_212 : vector<1x4096xf32>
    %mul3A_214 = arith.constant 0.577350259 : f32
    %mul3A_215 = vector.broadcast %mul3A_214 : f32 to vector<1x4096xf32>
    %mul3A_216 = arith.mulf %slice3A_138, %mul3A_215 : vector<1x4096xf32>
    %sub3A_217 = arith.subf %slice3A_140, %mul3A_216 : vector<1x4096xf32>
    %neg3A = arith.constant 0.000000e+00 : f32
    %neg3A_218 = vector.broadcast %neg3A : f32 to vector<1x4096xf32>
    %neg3A_219 = arith.subf %neg3A_218, %slice3A_140 : vector<1x4096xf32>
    %mul3A_220 = arith.constant 0.577350259 : f32
    %mul3A_221 = vector.broadcast %mul3A_220 : f32 to vector<1x4096xf32>
    %mul3A_222 = arith.mulf %slice3A_138, %mul3A_221 : vector<1x4096xf32>
    %sub3A_223 = arith.subf %neg3A_219, %mul3A_222 : vector<1x4096xf32>
    %mul3A_224 = arith.constant 1.15470052 : f32
    %mul3A_225 = vector.broadcast %mul3A_224 : f32 to vector<1x4096xf32>
    %mul3A_226 = arith.mulf %slice3A_138, %mul3A_225 : vector<1x4096xf32>
    %mul3A_227 = arith.mulf %sub3A_217, %get3A_146 : vector<1x4096xf32>
    %mul3A_228 = arith.mulf %slice3A_136, %get3A_149 : vector<1x4096xf32>
    %add3A_229 = arith.addf %mul3A_227, %mul3A_228 : vector<1x4096xf32>
    %mul3A_230 = arith.mulf %slice3A_139, %get3A_152 : vector<1x4096xf32>
    %add3A_231 = arith.addf %add3A_229, %mul3A_230 : vector<1x4096xf32>
    %mul3A_232 = arith.constant 0.44721359 : f32
    %mul3A_233 = vector.broadcast %mul3A_232 : f32 to vector<1x4096xf32>
    %mul3A_234 = arith.mulf %add3A_231, %mul3A_233 : vector<1x4096xf32>
    %mul3A_235 = arith.mulf %slice3A_136, %get3A_146 : vector<1x4096xf32>
    %mul3A_236 = arith.mulf %sub3A_223, %get3A_149 : vector<1x4096xf32>
    %add3A_237 = arith.addf %mul3A_235, %mul3A_236 : vector<1x4096xf32>
    %mul3A_238 = arith.mulf %slice3A_137, %get3A_152 : vector<1x4096xf32>
    %add3A_239 = arith.addf %add3A_237, %mul3A_238 : vector<1x4096xf32>
    %mul3A_240 = arith.constant 0.44721359 : f32
    %mul3A_241 = vector.broadcast %mul3A_240 : f32 to vector<1x4096xf32>
    %mul3A_242 = arith.mulf %add3A_239, %mul3A_241 : vector<1x4096xf32>
    %mul3A_243 = arith.mulf %slice3A_139, %get3A_146 : vector<1x4096xf32>
    %mul3A_244 = arith.mulf %slice3A_137, %get3A_149 : vector<1x4096xf32>
    %add3A_245 = arith.addf %mul3A_243, %mul3A_244 : vector<1x4096xf32>
    %mul3A_246 = arith.mulf %mul3A_226, %get3A_152 : vector<1x4096xf32>
    %add3A_247 = arith.addf %add3A_245, %mul3A_246 : vector<1x4096xf32>
    %mul3A_248 = arith.constant 0.44721359 : f32
    %mul3A_249 = vector.broadcast %mul3A_248 : f32 to vector<1x4096xf32>
    %mul3A_250 = arith.mulf %add3A_247, %mul3A_249 : vector<1x4096xf32>
    %mul3A_251 = arith.mulf %get3A_146, %slice3A : vector<1x4096xf32>
    %mul3A_252 = arith.mulf %get3A_149, %slice3A : vector<1x4096xf32>
    %mul3A_253 = arith.mulf %get3A_152, %slice3A : vector<1x4096xf32>
    %mul3A_254 = arith.mulf %get3A_149, %slice3A_135 : vector<1x4096xf32>
    %mul3A_255 = arith.mulf %get3A_152, %slice3A_134 : vector<1x4096xf32>
    %sub3A_256 = arith.subf %mul3A_254, %mul3A_255 : vector<1x4096xf32>
    %mul3A_257 = arith.constant 0.707106769 : f32
    %mul3A_258 = vector.broadcast %mul3A_257 : f32 to vector<1x4096xf32>
    %mul3A_259 = arith.mulf %sub3A_256, %mul3A_258 : vector<1x4096xf32>
    %mul3A_260 = arith.mulf %get3A_152, %slice3A_133 : vector<1x4096xf32>
    %mul3A_261 = arith.mulf %get3A_146, %slice3A_135 : vector<1x4096xf32>
    %sub3A_262 = arith.subf %mul3A_260, %mul3A_261 : vector<1x4096xf32>
    %mul3A_263 = arith.constant 0.707106769 : f32
    %mul3A_264 = vector.broadcast %mul3A_263 : f32 to vector<1x4096xf32>
    %mul3A_265 = arith.mulf %sub3A_262, %mul3A_264 : vector<1x4096xf32>
    %mul3A_266 = arith.mulf %get3A_146, %slice3A_134 : vector<1x4096xf32>
    %mul3A_267 = arith.mulf %get3A_149, %slice3A_133 : vector<1x4096xf32>
    %sub3A_268 = arith.subf %mul3A_266, %mul3A_267 : vector<1x4096xf32>
    %mul3A_269 = arith.constant 0.707106769 : f32
    %mul3A_270 = vector.broadcast %mul3A_269 : f32 to vector<1x4096xf32>
    %mul3A_271 = arith.mulf %sub3A_268, %mul3A_270 : vector<1x4096xf32>
    %mul3A_272 = arith.mulf %sub3A_217, %get3A_155 : vector<1x4096xf32>
    %mul3A_273 = arith.mulf %slice3A_136, %get3A_158 : vector<1x4096xf32>
    %add3A_274 = arith.addf %mul3A_272, %mul3A_273 : vector<1x4096xf32>
    %mul3A_275 = arith.mulf %slice3A_139, %get3A_161 : vector<1x4096xf32>
    %add3A_276 = arith.addf %add3A_274, %mul3A_275 : vector<1x4096xf32>
    %mul3A_277 = arith.constant 0.44721359 : f32
    %mul3A_278 = vector.broadcast %mul3A_277 : f32 to vector<1x4096xf32>
    %mul3A_279 = arith.mulf %add3A_276, %mul3A_278 : vector<1x4096xf32>
    %mul3A_280 = arith.mulf %slice3A_136, %get3A_155 : vector<1x4096xf32>
    %mul3A_281 = arith.mulf %sub3A_223, %get3A_158 : vector<1x4096xf32>
    %add3A_282 = arith.addf %mul3A_280, %mul3A_281 : vector<1x4096xf32>
    %mul3A_283 = arith.mulf %slice3A_137, %get3A_161 : vector<1x4096xf32>
    %add3A_284 = arith.addf %add3A_282, %mul3A_283 : vector<1x4096xf32>
    %mul3A_285 = arith.constant 0.44721359 : f32
    %mul3A_286 = vector.broadcast %mul3A_285 : f32 to vector<1x4096xf32>
    %mul3A_287 = arith.mulf %add3A_284, %mul3A_286 : vector<1x4096xf32>
    %mul3A_288 = arith.mulf %slice3A_139, %get3A_155 : vector<1x4096xf32>
    %mul3A_289 = arith.mulf %slice3A_137, %get3A_158 : vector<1x4096xf32>
    %add3A_290 = arith.addf %mul3A_288, %mul3A_289 : vector<1x4096xf32>
    %mul3A_291 = arith.mulf %mul3A_226, %get3A_161 : vector<1x4096xf32>
    %add3A_292 = arith.addf %add3A_290, %mul3A_291 : vector<1x4096xf32>
    %mul3A_293 = arith.constant 0.44721359 : f32
    %mul3A_294 = vector.broadcast %mul3A_293 : f32 to vector<1x4096xf32>
    %mul3A_295 = arith.mulf %add3A_292, %mul3A_294 : vector<1x4096xf32>
    %mul3A_296 = arith.mulf %get3A_155, %slice3A : vector<1x4096xf32>
    %mul3A_297 = arith.mulf %get3A_158, %slice3A : vector<1x4096xf32>
    %mul3A_298 = arith.mulf %get3A_161, %slice3A : vector<1x4096xf32>
    %mul3A_299 = arith.mulf %get3A_158, %slice3A_135 : vector<1x4096xf32>
    %mul3A_300 = arith.mulf %get3A_161, %slice3A_134 : vector<1x4096xf32>
    %sub3A_301 = arith.subf %mul3A_299, %mul3A_300 : vector<1x4096xf32>
    %mul3A_302 = arith.constant 0.707106769 : f32
    %mul3A_303 = vector.broadcast %mul3A_302 : f32 to vector<1x4096xf32>
    %mul3A_304 = arith.mulf %sub3A_301, %mul3A_303 : vector<1x4096xf32>
    %mul3A_305 = arith.mulf %get3A_161, %slice3A_133 : vector<1x4096xf32>
    %mul3A_306 = arith.mulf %get3A_155, %slice3A_135 : vector<1x4096xf32>
    %sub3A_307 = arith.subf %mul3A_305, %mul3A_306 : vector<1x4096xf32>
    %mul3A_308 = arith.constant 0.707106769 : f32
    %mul3A_309 = vector.broadcast %mul3A_308 : f32 to vector<1x4096xf32>
    %mul3A_310 = arith.mulf %sub3A_307, %mul3A_309 : vector<1x4096xf32>
    %mul3A_311 = arith.mulf %get3A_155, %slice3A_134 : vector<1x4096xf32>
    %mul3A_312 = arith.mulf %get3A_158, %slice3A_133 : vector<1x4096xf32>
    %sub3A_313 = arith.subf %mul3A_311, %mul3A_312 : vector<1x4096xf32>
    %mul3A_314 = arith.constant 0.707106769 : f32
    %mul3A_315 = vector.broadcast %mul3A_314 : f32 to vector<1x4096xf32>
    %mul3A_316 = arith.mulf %sub3A_313, %mul3A_315 : vector<1x4096xf32>
    %mul3A_317 = arith.mulf %sub3A_217, %get3A_164 : vector<1x4096xf32>
    %mul3A_318 = arith.mulf %slice3A_136, %get3A_167 : vector<1x4096xf32>
    %add3A_319 = arith.addf %mul3A_317, %mul3A_318 : vector<1x4096xf32>
    %mul3A_320 = arith.mulf %slice3A_139, %get3A_170 : vector<1x4096xf32>
    %add3A_321 = arith.addf %add3A_319, %mul3A_320 : vector<1x4096xf32>
    %mul3A_322 = arith.constant 0.44721359 : f32
    %mul3A_323 = vector.broadcast %mul3A_322 : f32 to vector<1x4096xf32>
    %mul3A_324 = arith.mulf %add3A_321, %mul3A_323 : vector<1x4096xf32>
    %mul3A_325 = arith.mulf %slice3A_136, %get3A_164 : vector<1x4096xf32>
    %mul3A_326 = arith.mulf %sub3A_223, %get3A_167 : vector<1x4096xf32>
    %add3A_327 = arith.addf %mul3A_325, %mul3A_326 : vector<1x4096xf32>
    %mul3A_328 = arith.mulf %slice3A_137, %get3A_170 : vector<1x4096xf32>
    %add3A_329 = arith.addf %add3A_327, %mul3A_328 : vector<1x4096xf32>
    %mul3A_330 = arith.constant 0.44721359 : f32
    %mul3A_331 = vector.broadcast %mul3A_330 : f32 to vector<1x4096xf32>
    %mul3A_332 = arith.mulf %add3A_329, %mul3A_331 : vector<1x4096xf32>
    %mul3A_333 = arith.mulf %slice3A_139, %get3A_164 : vector<1x4096xf32>
    %mul3A_334 = arith.mulf %slice3A_137, %get3A_167 : vector<1x4096xf32>
    %add3A_335 = arith.addf %mul3A_333, %mul3A_334 : vector<1x4096xf32>
    %mul3A_336 = arith.mulf %mul3A_226, %get3A_170 : vector<1x4096xf32>
    %add3A_337 = arith.addf %add3A_335, %mul3A_336 : vector<1x4096xf32>
    %mul3A_338 = arith.constant 0.44721359 : f32
    %mul3A_339 = vector.broadcast %mul3A_338 : f32 to vector<1x4096xf32>
    %mul3A_340 = arith.mulf %add3A_337, %mul3A_339 : vector<1x4096xf32>
    %mul3A_341 = arith.mulf %get3A_164, %slice3A : vector<1x4096xf32>
    %mul3A_342 = arith.mulf %get3A_167, %slice3A : vector<1x4096xf32>
    %mul3A_343 = arith.mulf %get3A_170, %slice3A : vector<1x4096xf32>
    %mul3A_344 = arith.mulf %get3A_167, %slice3A_135 : vector<1x4096xf32>
    %mul3A_345 = arith.mulf %get3A_170, %slice3A_134 : vector<1x4096xf32>
    %sub3A_346 = arith.subf %mul3A_344, %mul3A_345 : vector<1x4096xf32>
    %mul3A_347 = arith.constant 0.707106769 : f32
    %mul3A_348 = vector.broadcast %mul3A_347 : f32 to vector<1x4096xf32>
    %mul3A_349 = arith.mulf %sub3A_346, %mul3A_348 : vector<1x4096xf32>
    %mul3A_350 = arith.mulf %get3A_170, %slice3A_133 : vector<1x4096xf32>
    %mul3A_351 = arith.mulf %get3A_164, %slice3A_135 : vector<1x4096xf32>
    %sub3A_352 = arith.subf %mul3A_350, %mul3A_351 : vector<1x4096xf32>
    %mul3A_353 = arith.constant 0.707106769 : f32
    %mul3A_354 = vector.broadcast %mul3A_353 : f32 to vector<1x4096xf32>
    %mul3A_355 = arith.mulf %sub3A_352, %mul3A_354 : vector<1x4096xf32>
    %mul3A_356 = arith.mulf %get3A_164, %slice3A_134 : vector<1x4096xf32>
    %mul3A_357 = arith.mulf %get3A_167, %slice3A_133 : vector<1x4096xf32>
    %sub3A_358 = arith.subf %mul3A_356, %mul3A_357 : vector<1x4096xf32>
    %mul3A_359 = arith.constant 0.707106769 : f32
    %mul3A_360 = vector.broadcast %mul3A_359 : f32 to vector<1x4096xf32>
    %mul3A_361 = arith.mulf %sub3A_358, %mul3A_360 : vector<1x4096xf32>
    %mul3A_362 = arith.mulf %sub3A_217, %get3A_173 : vector<1x4096xf32>
    %mul3A_363 = arith.mulf %slice3A_136, %get3A_176 : vector<1x4096xf32>
    %add3A_364 = arith.addf %mul3A_362, %mul3A_363 : vector<1x4096xf32>
    %mul3A_365 = arith.mulf %slice3A_139, %get3A_179 : vector<1x4096xf32>
    %add3A_366 = arith.addf %add3A_364, %mul3A_365 : vector<1x4096xf32>
    %mul3A_367 = arith.constant 0.44721359 : f32
    %mul3A_368 = vector.broadcast %mul3A_367 : f32 to vector<1x4096xf32>
    %mul3A_369 = arith.mulf %add3A_366, %mul3A_368 : vector<1x4096xf32>
    %mul3A_370 = arith.mulf %slice3A_136, %get3A_173 : vector<1x4096xf32>
    %mul3A_371 = arith.mulf %sub3A_223, %get3A_176 : vector<1x4096xf32>
    %add3A_372 = arith.addf %mul3A_370, %mul3A_371 : vector<1x4096xf32>
    %mul3A_373 = arith.mulf %slice3A_137, %get3A_179 : vector<1x4096xf32>
    %add3A_374 = arith.addf %add3A_372, %mul3A_373 : vector<1x4096xf32>
    %mul3A_375 = arith.constant 0.44721359 : f32
    %mul3A_376 = vector.broadcast %mul3A_375 : f32 to vector<1x4096xf32>
    %mul3A_377 = arith.mulf %add3A_374, %mul3A_376 : vector<1x4096xf32>
    %mul3A_378 = arith.mulf %slice3A_139, %get3A_173 : vector<1x4096xf32>
    %mul3A_379 = arith.mulf %slice3A_137, %get3A_176 : vector<1x4096xf32>
    %add3A_380 = arith.addf %mul3A_378, %mul3A_379 : vector<1x4096xf32>
    %mul3A_381 = arith.mulf %mul3A_226, %get3A_179 : vector<1x4096xf32>
    %add3A_382 = arith.addf %add3A_380, %mul3A_381 : vector<1x4096xf32>
    %mul3A_383 = arith.constant 0.44721359 : f32
    %mul3A_384 = vector.broadcast %mul3A_383 : f32 to vector<1x4096xf32>
    %mul3A_385 = arith.mulf %add3A_382, %mul3A_384 : vector<1x4096xf32>
    %mul3A_386 = arith.mulf %get3A_173, %slice3A : vector<1x4096xf32>
    %mul3A_387 = arith.mulf %get3A_176, %slice3A : vector<1x4096xf32>
    %mul3A_388 = arith.mulf %get3A_179, %slice3A : vector<1x4096xf32>
    %mul3A_389 = arith.mulf %get3A_176, %slice3A_135 : vector<1x4096xf32>
    %mul3A_390 = arith.mulf %get3A_179, %slice3A_134 : vector<1x4096xf32>
    %sub3A_391 = arith.subf %mul3A_389, %mul3A_390 : vector<1x4096xf32>
    %mul3A_392 = arith.constant 0.707106769 : f32
    %mul3A_393 = vector.broadcast %mul3A_392 : f32 to vector<1x4096xf32>
    %mul3A_394 = arith.mulf %sub3A_391, %mul3A_393 : vector<1x4096xf32>
    %mul3A_395 = arith.mulf %get3A_179, %slice3A_133 : vector<1x4096xf32>
    %mul3A_396 = arith.mulf %get3A_173, %slice3A_135 : vector<1x4096xf32>
    %sub3A_397 = arith.subf %mul3A_395, %mul3A_396 : vector<1x4096xf32>
    %mul3A_398 = arith.constant 0.707106769 : f32
    %mul3A_399 = vector.broadcast %mul3A_398 : f32 to vector<1x4096xf32>
    %mul3A_400 = arith.mulf %sub3A_397, %mul3A_399 : vector<1x4096xf32>
    %mul3A_401 = arith.mulf %get3A_173, %slice3A_134 : vector<1x4096xf32>
    %mul3A_402 = arith.mulf %get3A_176, %slice3A_133 : vector<1x4096xf32>
    %sub3A_403 = arith.subf %mul3A_401, %mul3A_402 : vector<1x4096xf32>
    %mul3A_404 = arith.constant 0.707106769 : f32
    %mul3A_405 = vector.broadcast %mul3A_404 : f32 to vector<1x4096xf32>
    %mul3A_406 = arith.mulf %sub3A_403, %mul3A_405 : vector<1x4096xf32>
    %get3A_407 = arith.constant 0 : index
    %get3A_408 = arith.constant 0 : index
    %get3A_409 = vector.load %arg32[%get3A_407, %get3A_408] : memref<432x4096xf32, #tpu.memory_space<vmem>>, vector<16x4096xf32>
    %slice3A_410 = vector.extract_strided_slice %mul3A_181 {offsets = [0, 0], sizes = [1, 4096], strides = [1, 1]} : vector<16x4096xf32> to vector<1x4096xf32>
    %mul3A_411 = vector.broadcast %slice3A_410 : vector<1x4096xf32> to vector<16x4096xf32>
    %mul3A_412 = arith.mulf %get3A_409, %mul3A_411 : vector<16x4096xf32>
    %add3A_413 = arith.constant 0.000000e+00 : f32
    %add3A_414 = vector.broadcast %add3A_413 : f32 to vector<16x4096xf32>
    %add3A_415 = arith.addf %add3A_414, %mul3A_412 : vector<16x4096xf32>
    %get3A_416 = arith.constant 16 : index
    %get3A_417 = arith.constant 0 : index
    %get3A_418 = vector.load %arg32[%get3A_416, %get3A_417] : memref<432x4096xf32, #tpu.memory_space<vmem>>, vector<16x4096xf32>
    %slice3A_419 = vector.extract_strided_slice %mul3A_181 {offsets = [1, 0], sizes = [1, 4096], strides = [1, 1]} : vector<16x4096xf32> to vector<1x4096xf32>
    %mul3A_420 = vector.broadcast %slice3A_419 : vector<1x4096xf32> to vector<16x4096xf32>
    %mul3A_421 = arith.mulf %get3A_418, %mul3A_420 : vector<16x4096xf32>
    %add3A_422 = arith.addf %add3A_415, %mul3A_421 : vector<16x4096xf32>
    %get3A_423 = arith.constant 32 : index
    %get3A_424 = arith.constant 0 : index
    %get3A_425 = vector.load %arg32[%get3A_423, %get3A_424] : memref<432x4096xf32, #tpu.memory_space<vmem>>, vector<16x4096xf32>
    %slice3A_426 = vector.extract_strided_slice %mul3A_181 {offsets = [2, 0], sizes = [1, 4096], strides = [1, 1]} : vector<16x4096xf32> to vector<1x4096xf32>
    %mul3A_427 = vector.broadcast %slice3A_426 : vector<1x4096xf32> to vector<16x4096xf32>
    %mul3A_428 = arith.mulf %get3A_425, %mul3A_427 : vector<16x4096xf32>
    %add3A_429 = arith.addf %add3A_422, %mul3A_428 : vector<16x4096xf32>
    %get3A_430 = arith.constant 48 : index
    %get3A_431 = arith.constant 0 : index
    %get3A_432 = vector.load %arg32[%get3A_430, %get3A_431] : memref<432x4096xf32, #tpu.memory_space<vmem>>, vector<16x4096xf32>
    %slice3A_433 = vector.extract_strided_slice %mul3A_181 {offsets = [3, 0], sizes = [1, 4096], strides = [1, 1]} : vector<16x4096xf32> to vector<1x4096xf32>
    %mul3A_434 = vector.broadcast %slice3A_433 : vector<1x4096xf32> to vector<16x4096xf32>
    %mul3A_435 = arith.mulf %get3A_432, %mul3A_434 : vector<16x4096xf32>
    %add3A_436 = arith.addf %add3A_429, %mul3A_435 : vector<16x4096xf32>
    %get3A_437 = arith.constant 64 : index
    %get3A_438 = arith.constant 0 : index
    %get3A_439 = vector.load %arg32[%get3A_437, %get3A_438] : memref<432x4096xf32, #tpu.memory_space<vmem>>, vector<16x4096xf32>
    %slice3A_440 = vector.extract_strided_slice %mul3A_181 {offsets = [4, 0], sizes = [1, 4096], strides = [1, 1]} : vector<16x4096xf32> to vector<1x4096xf32>
    %mul3A_441 = vector.broadcast %slice3A_440 : vector<1x4096xf32> to vector<16x4096xf32>
    %mul3A_442 = arith.mulf %get3A_439, %mul3A_441 : vector<16x4096xf32>
    %add3A_443 = arith.addf %add3A_436, %mul3A_442 : vector<16x4096xf32>
    %get3A_444 = arith.constant 80 : index
    %get3A_445 = arith.constant 0 : index
    %get3A_446 = vector.load %arg32[%get3A_444, %get3A_445] : memref<432x4096xf32, #tpu.memory_space<vmem>>, vector<16x4096xf32>
    %slice3A_447 = vector.extract_strided_slice %mul3A_181 {offsets = [5, 0], sizes = [1, 4096], strides = [1, 1]} : vector<16x4096xf32> to vector<1x4096xf32>
    %mul3A_448 = vector.broadcast %slice3A_447 : vector<1x4096xf32> to vector<16x4096xf32>
    %mul3A_449 = arith.mulf %get3A_446, %mul3A_448 : vector<16x4096xf32>
    %add3A_450 = arith.addf %add3A_443, %mul3A_449 : vector<16x4096xf32>
    %get3A_451 = arith.constant 96 : index
    %get3A_452 = arith.constant 0 : index
    %get3A_453 = vector.load %arg32[%get3A_451, %get3A_452] : memref<432x4096xf32, #tpu.memory_space<vmem>>, vector<16x4096xf32>
    %slice3A_454 = vector.extract_strided_slice %mul3A_181 {offsets = [6, 0], sizes = [1, 4096], strides = [1, 1]} : vector<16x4096xf32> to vector<1x4096xf32>
    %mul3A_455 = vector.broadcast %slice3A_454 : vector<1x4096xf32> to vector<16x4096xf32>
    %mul3A_456 = arith.mulf %get3A_453, %mul3A_455 : vector<16x4096xf32>
    %add3A_457 = arith.addf %add3A_450, %mul3A_456 : vector<16x4096xf32>
    %get3A_458 = arith.constant 112 : index
    %get3A_459 = arith.constant 0 : index
    %get3A_460 = vector.load %arg32[%get3A_458, %get3A_459] : memref<432x4096xf32, #tpu.memory_space<vmem>>, vector<16x4096xf32>
    %slice3A_461 = vector.extract_strided_slice %mul3A_181 {offsets = [7, 0], sizes = [1, 4096], strides = [1, 1]} : vector<16x4096xf32> to vector<1x4096xf32>
    %mul3A_462 = vector.broadcast %slice3A_461 : vector<1x4096xf32> to vector<16x4096xf32>
    %mul3A_463 = arith.mulf %get3A_460, %mul3A_462 : vector<16x4096xf32>
    %add3A_464 = arith.addf %add3A_457, %mul3A_463 : vector<16x4096xf32>
    %get3A_465 = arith.constant 128 : index
    %get3A_466 = arith.constant 0 : index
    %get3A_467 = vector.load %arg32[%get3A_465, %get3A_466] : memref<432x4096xf32, #tpu.memory_space<vmem>>, vector<16x4096xf32>
    %slice3A_468 = vector.extract_strided_slice %mul3A_181 {offsets = [8, 0], sizes = [1, 4096], strides = [1, 1]} : vector<16x4096xf32> to vector<1x4096xf32>
    %mul3A_469 = vector.broadcast %slice3A_468 : vector<1x4096xf32> to vector<16x4096xf32>
    %mul3A_470 = arith.mulf %get3A_467, %mul3A_469 : vector<16x4096xf32>
    %add3A_471 = arith.addf %add3A_464, %mul3A_470 : vector<16x4096xf32>
    %get3A_472 = arith.constant 144 : index
    %get3A_473 = arith.constant 0 : index
    %get3A_474 = vector.load %arg32[%get3A_472, %get3A_473] : memref<432x4096xf32, #tpu.memory_space<vmem>>, vector<16x4096xf32>
    %slice3A_475 = vector.extract_strided_slice %mul3A_181 {offsets = [9, 0], sizes = [1, 4096], strides = [1, 1]} : vector<16x4096xf32> to vector<1x4096xf32>
    %mul3A_476 = vector.broadcast %slice3A_475 : vector<1x4096xf32> to vector<16x4096xf32>
    %mul3A_477 = arith.mulf %get3A_474, %mul3A_476 : vector<16x4096xf32>
    %add3A_478 = arith.addf %add3A_471, %mul3A_477 : vector<16x4096xf32>
    %get3A_479 = arith.constant 160 : index
    %get3A_480 = arith.constant 0 : index
    %get3A_481 = vector.load %arg32[%get3A_479, %get3A_480] : memref<432x4096xf32, #tpu.memory_space<vmem>>, vector<16x4096xf32>
    %slice3A_482 = vector.extract_strided_slice %mul3A_181 {offsets = [10, 0], sizes = [1, 4096], strides = [1, 1]} : vector<16x4096xf32> to vector<1x4096xf32>
    %mul3A_483 = vector.broadcast %slice3A_482 : vector<1x4096xf32> to vector<16x4096xf32>
    %mul3A_484 = arith.mulf %get3A_481, %mul3A_483 : vector<16x4096xf32>
    %add3A_485 = arith.addf %add3A_478, %mul3A_484 : vector<16x4096xf32>
    %get3A_486 = arith.constant 176 : index
    %get3A_487 = arith.constant 0 : index
    %get3A_488 = vector.load %arg32[%get3A_486, %get3A_487] : memref<432x4096xf32, #tpu.memory_space<vmem>>, vector<16x4096xf32>
    %slice3A_489 = vector.extract_strided_slice %mul3A_181 {offsets = [11, 0], sizes = [1, 4096], strides = [1, 1]} : vector<16x4096xf32> to vector<1x4096xf32>
    %mul3A_490 = vector.broadcast %slice3A_489 : vector<1x4096xf32> to vector<16x4096xf32>
    %mul3A_491 = arith.mulf %get3A_488, %mul3A_490 : vector<16x4096xf32>
    %add3A_492 = arith.addf %add3A_485, %mul3A_491 : vector<16x4096xf32>
    %get3A_493 = arith.constant 192 : index
    %get3A_494 = arith.constant 0 : index
    %get3A_495 = vector.load %arg32[%get3A_493, %get3A_494] : memref<432x4096xf32, #tpu.memory_space<vmem>>, vector<16x4096xf32>
    %slice3A_496 = vector.extract_strided_slice %mul3A_181 {offsets = [12, 0], sizes = [1, 4096], strides = [1, 1]} : vector<16x4096xf32> to vector<1x4096xf32>
    %mul3A_497 = vector.broadcast %slice3A_496 : vector<1x4096xf32> to vector<16x4096xf32>
    %mul3A_498 = arith.mulf %get3A_495, %mul3A_497 : vector<16x4096xf32>
    %add3A_499 = arith.addf %add3A_492, %mul3A_498 : vector<16x4096xf32>
    %get3A_500 = arith.constant 208 : index
    %get3A_501 = arith.constant 0 : index
    %get3A_502 = vector.load %arg32[%get3A_500, %get3A_501] : memref<432x4096xf32, #tpu.memory_space<vmem>>, vector<16x4096xf32>
    %slice3A_503 = vector.extract_strided_slice %mul3A_181 {offsets = [13, 0], sizes = [1, 4096], strides = [1, 1]} : vector<16x4096xf32> to vector<1x4096xf32>
    %mul3A_504 = vector.broadcast %slice3A_503 : vector<1x4096xf32> to vector<16x4096xf32>
    %mul3A_505 = arith.mulf %get3A_502, %mul3A_504 : vector<16x4096xf32>
    %add3A_506 = arith.addf %add3A_499, %mul3A_505 : vector<16x4096xf32>
    %get3A_507 = arith.constant 224 : index
    %get3A_508 = arith.constant 0 : index
    %get3A_509 = vector.load %arg32[%get3A_507, %get3A_508] : memref<432x4096xf32, #tpu.memory_space<vmem>>, vector<16x4096xf32>
    %slice3A_510 = vector.extract_strided_slice %mul3A_181 {offsets = [14, 0], sizes = [1, 4096], strides = [1, 1]} : vector<16x4096xf32> to vector<1x4096xf32>
    %mul3A_511 = vector.broadcast %slice3A_510 : vector<1x4096xf32> to vector<16x4096xf32>
    %mul3A_512 = arith.mulf %get3A_509, %mul3A_511 : vector<16x4096xf32>
    %add3A_513 = arith.addf %add3A_506, %mul3A_512 : vector<16x4096xf32>
    %get3A_514 = arith.constant 240 : index
    %get3A_515 = arith.constant 0 : index
    %get3A_516 = vector.load %arg32[%get3A_514, %get3A_515] : memref<432x4096xf32, #tpu.memory_space<vmem>>, vector<16x4096xf32>
    %slice3A_517 = vector.extract_strided_slice %mul3A_181 {offsets = [15, 0], sizes = [1, 4096], strides = [1, 1]} : vector<16x4096xf32> to vector<1x4096xf32>
    %mul3A_518 = vector.broadcast %slice3A_517 : vector<1x4096xf32> to vector<16x4096xf32>
    %mul3A_519 = arith.mulf %get3A_516, %mul3A_518 : vector<16x4096xf32>
    %add3A_520 = arith.addf %add3A_513, %mul3A_519 : vector<16x4096xf32>
    %get3A_521 = arith.constant 256 : index
    %get3A_522 = arith.constant 0 : index
    %get3A_523 = vector.load %arg32[%get3A_521, %get3A_522] : memref<432x4096xf32, #tpu.memory_space<vmem>>, vector<16x4096xf32>
    %mul3A_524 = vector.broadcast %mul3A_189 : vector<1x4096xf32> to vector<16x4096xf32>
    %mul3A_525 = arith.mulf %get3A_523, %mul3A_524 : vector<16x4096xf32>
    %add3A_526 = arith.constant 0.000000e+00 : f32
    %add3A_527 = vector.broadcast %add3A_526 : f32 to vector<16x4096xf32>
    %add3A_528 = arith.addf %add3A_527, %mul3A_525 : vector<16x4096xf32>
    %get3A_529 = arith.constant 272 : index
    %get3A_530 = arith.constant 0 : index
    %get3A_531 = vector.load %arg32[%get3A_529, %get3A_530] : memref<432x4096xf32, #tpu.memory_space<vmem>>, vector<16x4096xf32>
    %mul3A_532 = vector.broadcast %mul3A_197 : vector<1x4096xf32> to vector<16x4096xf32>
    %mul3A_533 = arith.mulf %get3A_531, %mul3A_532 : vector<16x4096xf32>
    %add3A_534 = arith.addf %add3A_528, %mul3A_533 : vector<16x4096xf32>
    %get3A_535 = arith.constant 288 : index
    %get3A_536 = arith.constant 0 : index
    %get3A_537 = vector.load %arg32[%get3A_535, %get3A_536] : memref<432x4096xf32, #tpu.memory_space<vmem>>, vector<16x4096xf32>
    %mul3A_538 = vector.broadcast %mul3A_205 : vector<1x4096xf32> to vector<16x4096xf32>
    %mul3A_539 = arith.mulf %get3A_537, %mul3A_538 : vector<16x4096xf32>
    %add3A_540 = arith.addf %add3A_534, %mul3A_539 : vector<16x4096xf32>
    %get3A_541 = arith.constant 304 : index
    %get3A_542 = arith.constant 0 : index
    %get3A_543 = vector.load %arg32[%get3A_541, %get3A_542] : memref<432x4096xf32, #tpu.memory_space<vmem>>, vector<16x4096xf32>
    %mul3A_544 = vector.broadcast %mul3A_213 : vector<1x4096xf32> to vector<16x4096xf32>
    %mul3A_545 = arith.mulf %get3A_543, %mul3A_544 : vector<16x4096xf32>
    %add3A_546 = arith.addf %add3A_540, %mul3A_545 : vector<16x4096xf32>
    %add3A_547 = arith.addf %add3A_520, %add3A_546 : vector<16x4096xf32>
    %mul3A_548 = arith.constant 0.223606795 : f32
    %mul3A_549 = vector.broadcast %mul3A_548 : f32 to vector<16x4096xf32>
    %mul3A_550 = arith.mulf %add3A_547, %mul3A_549 : vector<16x4096xf32>
    %get3A_551 = arith.constant 320 : index
    %get3A_552 = arith.constant 0 : index
    %get3A_553 = vector.load %arg32[%get3A_551, %get3A_552] : memref<432x4096xf32, #tpu.memory_space<vmem>>, vector<1x4096xf32>
    %slice3A_554 = vector.extract_strided_slice %get3A_143 {offsets = [0, 0], sizes = [1, 4096], strides = [1, 1]} : vector<16x4096xf32> to vector<1x4096xf32>
    %mul3A_555 = arith.mulf %get3A_553, %slice3A_554 : vector<1x4096xf32>
    %add3A_556 = arith.constant 0.000000e+00 : f32
    %add3A_557 = vector.broadcast %add3A_556 : f32 to vector<1x4096xf32>
    %add3A_558 = arith.addf %add3A_557, %mul3A_555 : vector<1x4096xf32>
    %get3A_559 = arith.constant 324 : index
    %get3A_560 = arith.constant 0 : index
    %get3A_561 = vector.load %arg32[%get3A_559, %get3A_560] : memref<432x4096xf32, #tpu.memory_space<vmem>>, vector<1x4096xf32>
    %slice3A_562 = vector.extract_strided_slice %get3A_143 {offsets = [1, 0], sizes = [1, 4096], strides = [1, 1]} : vector<16x4096xf32> to vector<1x4096xf32>
    %mul3A_563 = arith.mulf %get3A_561, %slice3A_562 : vector<1x4096xf32>
    %add3A_564 = arith.addf %add3A_558, %mul3A_563 : vector<1x4096xf32>
    %get3A_565 = arith.constant 328 : index
    %get3A_566 = arith.constant 0 : index
    %get3A_567 = vector.load %arg32[%get3A_565, %get3A_566] : memref<432x4096xf32, #tpu.memory_space<vmem>>, vector<1x4096xf32>
    %slice3A_568 = vector.extract_strided_slice %get3A_143 {offsets = [2, 0], sizes = [1, 4096], strides = [1, 1]} : vector<16x4096xf32> to vector<1x4096xf32>
    %mul3A_569 = arith.mulf %get3A_567, %slice3A_568 : vector<1x4096xf32>
    %add3A_570 = arith.addf %add3A_564, %mul3A_569 : vector<1x4096xf32>
    %get3A_571 = arith.constant 332 : index
    %get3A_572 = arith.constant 0 : index
    %get3A_573 = vector.load %arg32[%get3A_571, %get3A_572] : memref<432x4096xf32, #tpu.memory_space<vmem>>, vector<1x4096xf32>
    %slice3A_574 = vector.extract_strided_slice %get3A_143 {offsets = [3, 0], sizes = [1, 4096], strides = [1, 1]} : vector<16x4096xf32> to vector<1x4096xf32>
    %mul3A_575 = arith.mulf %get3A_573, %slice3A_574 : vector<1x4096xf32>
    %add3A_576 = arith.addf %add3A_570, %mul3A_575 : vector<1x4096xf32>
    %get3A_577 = arith.constant 336 : index
    %get3A_578 = arith.constant 0 : index
    %get3A_579 = vector.load %arg32[%get3A_577, %get3A_578] : memref<432x4096xf32, #tpu.memory_space<vmem>>, vector<1x4096xf32>
    %slice3A_580 = vector.extract_strided_slice %get3A_143 {offsets = [4, 0], sizes = [1, 4096], strides = [1, 1]} : vector<16x4096xf32> to vector<1x4096xf32>
    %mul3A_581 = arith.mulf %get3A_579, %slice3A_580 : vector<1x4096xf32>
    %add3A_582 = arith.addf %add3A_576, %mul3A_581 : vector<1x4096xf32>
    %get3A_583 = arith.constant 340 : index
    %get3A_584 = arith.constant 0 : index
    %get3A_585 = vector.load %arg32[%get3A_583, %get3A_584] : memref<432x4096xf32, #tpu.memory_space<vmem>>, vector<1x4096xf32>
    %slice3A_586 = vector.extract_strided_slice %get3A_143 {offsets = [5, 0], sizes = [1, 4096], strides = [1, 1]} : vector<16x4096xf32> to vector<1x4096xf32>
    %mul3A_587 = arith.mulf %get3A_585, %slice3A_586 : vector<1x4096xf32>
    %add3A_588 = arith.addf %add3A_582, %mul3A_587 : vector<1x4096xf32>
    %get3A_589 = arith.constant 344 : index
    %get3A_590 = arith.constant 0 : index
    %get3A_591 = vector.load %arg32[%get3A_589, %get3A_590] : memref<432x4096xf32, #tpu.memory_space<vmem>>, vector<1x4096xf32>
    %slice3A_592 = vector.extract_strided_slice %get3A_143 {offsets = [6, 0], sizes = [1, 4096], strides = [1, 1]} : vector<16x4096xf32> to vector<1x4096xf32>
    %mul3A_593 = arith.mulf %get3A_591, %slice3A_592 : vector<1x4096xf32>
    %add3A_594 = arith.addf %add3A_588, %mul3A_593 : vector<1x4096xf32>
    %get3A_595 = arith.constant 348 : index
    %get3A_596 = arith.constant 0 : index
    %get3A_597 = vector.load %arg32[%get3A_595, %get3A_596] : memref<432x4096xf32, #tpu.memory_space<vmem>>, vector<1x4096xf32>
    %slice3A_598 = vector.extract_strided_slice %get3A_143 {offsets = [7, 0], sizes = [1, 4096], strides = [1, 1]} : vector<16x4096xf32> to vector<1x4096xf32>
    %mul3A_599 = arith.mulf %get3A_597, %slice3A_598 : vector<1x4096xf32>
    %add3A_600 = arith.addf %add3A_594, %mul3A_599 : vector<1x4096xf32>
    %get3A_601 = arith.constant 352 : index
    %get3A_602 = arith.constant 0 : index
    %get3A_603 = vector.load %arg32[%get3A_601, %get3A_602] : memref<432x4096xf32, #tpu.memory_space<vmem>>, vector<1x4096xf32>
    %slice3A_604 = vector.extract_strided_slice %get3A_143 {offsets = [8, 0], sizes = [1, 4096], strides = [1, 1]} : vector<16x4096xf32> to vector<1x4096xf32>
    %mul3A_605 = arith.mulf %get3A_603, %slice3A_604 : vector<1x4096xf32>
    %add3A_606 = arith.addf %add3A_600, %mul3A_605 : vector<1x4096xf32>
    %get3A_607 = arith.constant 356 : index
    %get3A_608 = arith.constant 0 : index
    %get3A_609 = vector.load %arg32[%get3A_607, %get3A_608] : memref<432x4096xf32, #tpu.memory_space<vmem>>, vector<1x4096xf32>
    %slice3A_610 = vector.extract_strided_slice %get3A_143 {offsets = [9, 0], sizes = [1, 4096], strides = [1, 1]} : vector<16x4096xf32> to vector<1x4096xf32>
    %mul3A_611 = arith.mulf %get3A_609, %slice3A_610 : vector<1x4096xf32>
    %add3A_612 = arith.addf %add3A_606, %mul3A_611 : vector<1x4096xf32>
    %get3A_613 = arith.constant 360 : index
    %get3A_614 = arith.constant 0 : index
    %get3A_615 = vector.load %arg32[%get3A_613, %get3A_614] : memref<432x4096xf32, #tpu.memory_space<vmem>>, vector<1x4096xf32>
    %slice3A_616 = vector.extract_strided_slice %get3A_143 {offsets = [10, 0], sizes = [1, 4096], strides = [1, 1]} : vector<16x4096xf32> to vector<1x4096xf32>
    %mul3A_617 = arith.mulf %get3A_615, %slice3A_616 : vector<1x4096xf32>
    %add3A_618 = arith.addf %add3A_612, %mul3A_617 : vector<1x4096xf32>
    %get3A_619 = arith.constant 364 : index
    %get3A_620 = arith.constant 0 : index
    %get3A_621 = vector.load %arg32[%get3A_619, %get3A_620] : memref<432x4096xf32, #tpu.memory_space<vmem>>, vector<1x4096xf32>
    %slice3A_622 = vector.extract_strided_slice %get3A_143 {offsets = [11, 0], sizes = [1, 4096], strides = [1, 1]} : vector<16x4096xf32> to vector<1x4096xf32>
    %mul3A_623 = arith.mulf %get3A_621, %slice3A_622 : vector<1x4096xf32>
    %add3A_624 = arith.addf %add3A_618, %mul3A_623 : vector<1x4096xf32>
    %get3A_625 = arith.constant 368 : index
    %get3A_626 = arith.constant 0 : index
    %get3A_627 = vector.load %arg32[%get3A_625, %get3A_626] : memref<432x4096xf32, #tpu.memory_space<vmem>>, vector<1x4096xf32>
    %slice3A_628 = vector.extract_strided_slice %get3A_143 {offsets = [12, 0], sizes = [1, 4096], strides = [1, 1]} : vector<16x4096xf32> to vector<1x4096xf32>
    %mul3A_629 = arith.mulf %get3A_627, %slice3A_628 : vector<1x4096xf32>
    %add3A_630 = arith.addf %add3A_624, %mul3A_629 : vector<1x4096xf32>
    %get3A_631 = arith.constant 372 : index
    %get3A_632 = arith.constant 0 : index
    %get3A_633 = vector.load %arg32[%get3A_631, %get3A_632] : memref<432x4096xf32, #tpu.memory_space<vmem>>, vector<1x4096xf32>
    %slice3A_634 = vector.extract_strided_slice %get3A_143 {offsets = [13, 0], sizes = [1, 4096], strides = [1, 1]} : vector<16x4096xf32> to vector<1x4096xf32>
    %mul3A_635 = arith.mulf %get3A_633, %slice3A_634 : vector<1x4096xf32>
    %add3A_636 = arith.addf %add3A_630, %mul3A_635 : vector<1x4096xf32>
    %get3A_637 = arith.constant 376 : index
    %get3A_638 = arith.constant 0 : index
    %get3A_639 = vector.load %arg32[%get3A_637, %get3A_638] : memref<432x4096xf32, #tpu.memory_space<vmem>>, vector<1x4096xf32>
    %slice3A_640 = vector.extract_strided_slice %get3A_143 {offsets = [14, 0], sizes = [1, 4096], strides = [1, 1]} : vector<16x4096xf32> to vector<1x4096xf32>
    %mul3A_641 = arith.mulf %get3A_639, %slice3A_640 : vector<1x4096xf32>
    %add3A_642 = arith.addf %add3A_636, %mul3A_641 : vector<1x4096xf32>
    %get3A_643 = arith.constant 380 : index
    %get3A_644 = arith.constant 0 : index
    %get3A_645 = vector.load %arg32[%get3A_643, %get3A_644] : memref<432x4096xf32, #tpu.memory_space<vmem>>, vector<1x4096xf32>
    %slice3A_646 = vector.extract_strided_slice %get3A_143 {offsets = [15, 0], sizes = [1, 4096], strides = [1, 1]} : vector<16x4096xf32> to vector<1x4096xf32>
    %mul3A_647 = arith.mulf %get3A_645, %slice3A_646 : vector<1x4096xf32>
    %add3A_648 = arith.addf %add3A_642, %mul3A_647 : vector<1x4096xf32>
    %get3A_649 = arith.constant 321 : index
    %get3A_650 = arith.constant 0 : index
    %get3A_651 = vector.load %arg32[%get3A_649, %get3A_650] : memref<432x4096xf32, #tpu.memory_space<vmem>>, vector<1x4096xf32>
    %slice3A_652 = vector.extract_strided_slice %get3A_143 {offsets = [0, 0], sizes = [1, 4096], strides = [1, 1]} : vector<16x4096xf32> to vector<1x4096xf32>
    %mul3A_653 = arith.mulf %get3A_651, %slice3A_652 : vector<1x4096xf32>
    %add3A_654 = arith.constant 0.000000e+00 : f32
    %add3A_655 = vector.broadcast %add3A_654 : f32 to vector<1x4096xf32>
    %add3A_656 = arith.addf %add3A_655, %mul3A_653 : vector<1x4096xf32>
    %get3A_657 = arith.constant 325 : index
    %get3A_658 = arith.constant 0 : index
    %get3A_659 = vector.load %arg32[%get3A_657, %get3A_658] : memref<432x4096xf32, #tpu.memory_space<vmem>>, vector<1x4096xf32>
    %slice3A_660 = vector.extract_strided_slice %get3A_143 {offsets = [1, 0], sizes = [1, 4096], strides = [1, 1]} : vector<16x4096xf32> to vector<1x4096xf32>
    %mul3A_661 = arith.mulf %get3A_659, %slice3A_660 : vector<1x4096xf32>
    %add3A_662 = arith.addf %add3A_656, %mul3A_661 : vector<1x4096xf32>
    %get3A_663 = arith.constant 329 : index
    %get3A_664 = arith.constant 0 : index
    %get3A_665 = vector.load %arg32[%get3A_663, %get3A_664] : memref<432x4096xf32, #tpu.memory_space<vmem>>, vector<1x4096xf32>
    %slice3A_666 = vector.extract_strided_slice %get3A_143 {offsets = [2, 0], sizes = [1, 4096], strides = [1, 1]} : vector<16x4096xf32> to vector<1x4096xf32>
    %mul3A_667 = arith.mulf %get3A_665, %slice3A_666 : vector<1x4096xf32>
    %add3A_668 = arith.addf %add3A_662, %mul3A_667 : vector<1x4096xf32>
    %get3A_669 = arith.constant 333 : index
    %get3A_670 = arith.constant 0 : index
    %get3A_671 = vector.load %arg32[%get3A_669, %get3A_670] : memref<432x4096xf32, #tpu.memory_space<vmem>>, vector<1x4096xf32>
    %slice3A_672 = vector.extract_strided_slice %get3A_143 {offsets = [3, 0], sizes = [1, 4096], strides = [1, 1]} : vector<16x4096xf32> to vector<1x4096xf32>
    %mul3A_673 = arith.mulf %get3A_671, %slice3A_672 : vector<1x4096xf32>
    %add3A_674 = arith.addf %add3A_668, %mul3A_673 : vector<1x4096xf32>
    %get3A_675 = arith.constant 337 : index
    %get3A_676 = arith.constant 0 : index
    %get3A_677 = vector.load %arg32[%get3A_675, %get3A_676] : memref<432x4096xf32, #tpu.memory_space<vmem>>, vector<1x4096xf32>
    %slice3A_678 = vector.extract_strided_slice %get3A_143 {offsets = [4, 0], sizes = [1, 4096], strides = [1, 1]} : vector<16x4096xf32> to vector<1x4096xf32>
    %mul3A_679 = arith.mulf %get3A_677, %slice3A_678 : vector<1x4096xf32>
    %add3A_680 = arith.addf %add3A_674, %mul3A_679 : vector<1x4096xf32>
    %get3A_681 = arith.constant 341 : index
    %get3A_682 = arith.constant 0 : index
    %get3A_683 = vector.load %arg32[%get3A_681, %get3A_682] : memref<432x4096xf32, #tpu.memory_space<vmem>>, vector<1x4096xf32>
    %slice3A_684 = vector.extract_strided_slice %get3A_143 {offsets = [5, 0], sizes = [1, 4096], strides = [1, 1]} : vector<16x4096xf32> to vector<1x4096xf32>
    %mul3A_685 = arith.mulf %get3A_683, %slice3A_684 : vector<1x4096xf32>
    %add3A_686 = arith.addf %add3A_680, %mul3A_685 : vector<1x4096xf32>
    %get3A_687 = arith.constant 345 : index
    %get3A_688 = arith.constant 0 : index
    %get3A_689 = vector.load %arg32[%get3A_687, %get3A_688] : memref<432x4096xf32, #tpu.memory_space<vmem>>, vector<1x4096xf32>
    %slice3A_690 = vector.extract_strided_slice %get3A_143 {offsets = [6, 0], sizes = [1, 4096], strides = [1, 1]} : vector<16x4096xf32> to vector<1x4096xf32>
    %mul3A_691 = arith.mulf %get3A_689, %slice3A_690 : vector<1x4096xf32>
    %add3A_692 = arith.addf %add3A_686, %mul3A_691 : vector<1x4096xf32>
    %get3A_693 = arith.constant 349 : index
    %get3A_694 = arith.constant 0 : index
    %get3A_695 = vector.load %arg32[%get3A_693, %get3A_694] : memref<432x4096xf32, #tpu.memory_space<vmem>>, vector<1x4096xf32>
    %slice3A_696 = vector.extract_strided_slice %get3A_143 {offsets = [7, 0], sizes = [1, 4096], strides = [1, 1]} : vector<16x4096xf32> to vector<1x4096xf32>
    %mul3A_697 = arith.mulf %get3A_695, %slice3A_696 : vector<1x4096xf32>
    %add3A_698 = arith.addf %add3A_692, %mul3A_697 : vector<1x4096xf32>
    %get3A_699 = arith.constant 353 : index
    %get3A_700 = arith.constant 0 : index
    %get3A_701 = vector.load %arg32[%get3A_699, %get3A_700] : memref<432x4096xf32, #tpu.memory_space<vmem>>, vector<1x4096xf32>
    %slice3A_702 = vector.extract_strided_slice %get3A_143 {offsets = [8, 0], sizes = [1, 4096], strides = [1, 1]} : vector<16x4096xf32> to vector<1x4096xf32>
    %mul3A_703 = arith.mulf %get3A_701, %slice3A_702 : vector<1x4096xf32>
    %add3A_704 = arith.addf %add3A_698, %mul3A_703 : vector<1x4096xf32>
    %get3A_705 = arith.constant 357 : index
    %get3A_706 = arith.constant 0 : index
    %get3A_707 = vector.load %arg32[%get3A_705, %get3A_706] : memref<432x4096xf32, #tpu.memory_space<vmem>>, vector<1x4096xf32>
    %slice3A_708 = vector.extract_strided_slice %get3A_143 {offsets = [9, 0], sizes = [1, 4096], strides = [1, 1]} : vector<16x4096xf32> to vector<1x4096xf32>
    %mul3A_709 = arith.mulf %get3A_707, %slice3A_708 : vector<1x4096xf32>
    %add3A_710 = arith.addf %add3A_704, %mul3A_709 : vector<1x4096xf32>
    %get3A_711 = arith.constant 361 : index
    %get3A_712 = arith.constant 0 : index
    %get3A_713 = vector.load %arg32[%get3A_711, %get3A_712] : memref<432x4096xf32, #tpu.memory_space<vmem>>, vector<1x4096xf32>
    %slice3A_714 = vector.extract_strided_slice %get3A_143 {offsets = [10, 0], sizes = [1, 4096], strides = [1, 1]} : vector<16x4096xf32> to vector<1x4096xf32>
    %mul3A_715 = arith.mulf %get3A_713, %slice3A_714 : vector<1x4096xf32>
    %add3A_716 = arith.addf %add3A_710, %mul3A_715 : vector<1x4096xf32>
    %get3A_717 = arith.constant 365 : index
    %get3A_718 = arith.constant 0 : index
    %get3A_719 = vector.load %arg32[%get3A_717, %get3A_718] : memref<432x4096xf32, #tpu.memory_space<vmem>>, vector<1x4096xf32>
    %slice3A_720 = vector.extract_strided_slice %get3A_143 {offsets = [11, 0], sizes = [1, 4096], strides = [1, 1]} : vector<16x4096xf32> to vector<1x4096xf32>
    %mul3A_721 = arith.mulf %get3A_719, %slice3A_720 : vector<1x4096xf32>
    %add3A_722 = arith.addf %add3A_716, %mul3A_721 : vector<1x4096xf32>
    %get3A_723 = arith.constant 369 : index
    %get3A_724 = arith.constant 0 : index
    %get3A_725 = vector.load %arg32[%get3A_723, %get3A_724] : memref<432x4096xf32, #tpu.memory_space<vmem>>, vector<1x4096xf32>
    %slice3A_726 = vector.extract_strided_slice %get3A_143 {offsets = [12, 0], sizes = [1, 4096], strides = [1, 1]} : vector<16x4096xf32> to vector<1x4096xf32>
    %mul3A_727 = arith.mulf %get3A_725, %slice3A_726 : vector<1x4096xf32>
    %add3A_728 = arith.addf %add3A_722, %mul3A_727 : vector<1x4096xf32>
    %get3A_729 = arith.constant 373 : index
    %get3A_730 = arith.constant 0 : index
    %get3A_731 = vector.load %arg32[%get3A_729, %get3A_730] : memref<432x4096xf32, #tpu.memory_space<vmem>>, vector<1x4096xf32>
    %slice3A_732 = vector.extract_strided_slice %get3A_143 {offsets = [13, 0], sizes = [1, 4096], strides = [1, 1]} : vector<16x4096xf32> to vector<1x4096xf32>
    %mul3A_733 = arith.mulf %get3A_731, %slice3A_732 : vector<1x4096xf32>
    %add3A_734 = arith.addf %add3A_728, %mul3A_733 : vector<1x4096xf32>
    %get3A_735 = arith.constant 377 : index
    %get3A_736 = arith.constant 0 : index
    %get3A_737 = vector.load %arg32[%get3A_735, %get3A_736] : memref<432x4096xf32, #tpu.memory_space<vmem>>, vector<1x4096xf32>
    %slice3A_738 = vector.extract_strided_slice %get3A_143 {offsets = [14, 0], sizes = [1, 4096], strides = [1, 1]} : vector<16x4096xf32> to vector<1x4096xf32>
    %mul3A_739 = arith.mulf %get3A_737, %slice3A_738 : vector<1x4096xf32>
    %add3A_740 = arith.addf %add3A_734, %mul3A_739 : vector<1x4096xf32>
    %get3A_741 = arith.constant 381 : index
    %get3A_742 = arith.constant 0 : index
    %get3A_743 = vector.load %arg32[%get3A_741, %get3A_742] : memref<432x4096xf32, #tpu.memory_space<vmem>>, vector<1x4096xf32>
    %slice3A_744 = vector.extract_strided_slice %get3A_143 {offsets = [15, 0], sizes = [1, 4096], strides = [1, 1]} : vector<16x4096xf32> to vector<1x4096xf32>
    %mul3A_745 = arith.mulf %get3A_743, %slice3A_744 : vector<1x4096xf32>
    %add3A_746 = arith.addf %add3A_740, %mul3A_745 : vector<1x4096xf32>
    %get3A_747 = arith.constant 322 : index
    %get3A_748 = arith.constant 0 : index
    %get3A_749 = vector.load %arg32[%get3A_747, %get3A_748] : memref<432x4096xf32, #tpu.memory_space<vmem>>, vector<1x4096xf32>
    %slice3A_750 = vector.extract_strided_slice %get3A_143 {offsets = [0, 0], sizes = [1, 4096], strides = [1, 1]} : vector<16x4096xf32> to vector<1x4096xf32>
    %mul3A_751 = arith.mulf %get3A_749, %slice3A_750 : vector<1x4096xf32>
    %add3A_752 = arith.constant 0.000000e+00 : f32
    %add3A_753 = vector.broadcast %add3A_752 : f32 to vector<1x4096xf32>
    %add3A_754 = arith.addf %add3A_753, %mul3A_751 : vector<1x4096xf32>
    %get3A_755 = arith.constant 326 : index
    %get3A_756 = arith.constant 0 : index
    %get3A_757 = vector.load %arg32[%get3A_755, %get3A_756] : memref<432x4096xf32, #tpu.memory_space<vmem>>, vector<1x4096xf32>
    %slice3A_758 = vector.extract_strided_slice %get3A_143 {offsets = [1, 0], sizes = [1, 4096], strides = [1, 1]} : vector<16x4096xf32> to vector<1x4096xf32>
    %mul3A_759 = arith.mulf %get3A_757, %slice3A_758 : vector<1x4096xf32>
    %add3A_760 = arith.addf %add3A_754, %mul3A_759 : vector<1x4096xf32>
    %get3A_761 = arith.constant 330 : index
    %get3A_762 = arith.constant 0 : index
    %get3A_763 = vector.load %arg32[%get3A_761, %get3A_762] : memref<432x4096xf32, #tpu.memory_space<vmem>>, vector<1x4096xf32>
    %slice3A_764 = vector.extract_strided_slice %get3A_143 {offsets = [2, 0], sizes = [1, 4096], strides = [1, 1]} : vector<16x4096xf32> to vector<1x4096xf32>
    %mul3A_765 = arith.mulf %get3A_763, %slice3A_764 : vector<1x4096xf32>
    %add3A_766 = arith.addf %add3A_760, %mul3A_765 : vector<1x4096xf32>
    %get3A_767 = arith.constant 334 : index
    %get3A_768 = arith.constant 0 : index
    %get3A_769 = vector.load %arg32[%get3A_767, %get3A_768] : memref<432x4096xf32, #tpu.memory_space<vmem>>, vector<1x4096xf32>
    %slice3A_770 = vector.extract_strided_slice %get3A_143 {offsets = [3, 0], sizes = [1, 4096], strides = [1, 1]} : vector<16x4096xf32> to vector<1x4096xf32>
    %mul3A_771 = arith.mulf %get3A_769, %slice3A_770 : vector<1x4096xf32>
    %add3A_772 = arith.addf %add3A_766, %mul3A_771 : vector<1x4096xf32>
    %get3A_773 = arith.constant 338 : index
    %get3A_774 = arith.constant 0 : index
    %get3A_775 = vector.load %arg32[%get3A_773, %get3A_774] : memref<432x4096xf32, #tpu.memory_space<vmem>>, vector<1x4096xf32>
    %slice3A_776 = vector.extract_strided_slice %get3A_143 {offsets = [4, 0], sizes = [1, 4096], strides = [1, 1]} : vector<16x4096xf32> to vector<1x4096xf32>
    %mul3A_777 = arith.mulf %get3A_775, %slice3A_776 : vector<1x4096xf32>
    %add3A_778 = arith.addf %add3A_772, %mul3A_777 : vector<1x4096xf32>
    %get3A_779 = arith.constant 342 : index
    %get3A_780 = arith.constant 0 : index
    %get3A_781 = vector.load %arg32[%get3A_779, %get3A_780] : memref<432x4096xf32, #tpu.memory_space<vmem>>, vector<1x4096xf32>
    %slice3A_782 = vector.extract_strided_slice %get3A_143 {offsets = [5, 0], sizes = [1, 4096], strides = [1, 1]} : vector<16x4096xf32> to vector<1x4096xf32>
    %mul3A_783 = arith.mulf %get3A_781, %slice3A_782 : vector<1x4096xf32>
    %add3A_784 = arith.addf %add3A_778, %mul3A_783 : vector<1x4096xf32>
    %get3A_785 = arith.constant 346 : index
    %get3A_786 = arith.constant 0 : index
    %get3A_787 = vector.load %arg32[%get3A_785, %get3A_786] : memref<432x4096xf32, #tpu.memory_space<vmem>>, vector<1x4096xf32>
    %slice3A_788 = vector.extract_strided_slice %get3A_143 {offsets = [6, 0], sizes = [1, 4096], strides = [1, 1]} : vector<16x4096xf32> to vector<1x4096xf32>
    %mul3A_789 = arith.mulf %get3A_787, %slice3A_788 : vector<1x4096xf32>
    %add3A_790 = arith.addf %add3A_784, %mul3A_789 : vector<1x4096xf32>
    %get3A_791 = arith.constant 350 : index
    %get3A_792 = arith.constant 0 : index
    %get3A_793 = vector.load %arg32[%get3A_791, %get3A_792] : memref<432x4096xf32, #tpu.memory_space<vmem>>, vector<1x4096xf32>
    %slice3A_794 = vector.extract_strided_slice %get3A_143 {offsets = [7, 0], sizes = [1, 4096], strides = [1, 1]} : vector<16x4096xf32> to vector<1x4096xf32>
    %mul3A_795 = arith.mulf %get3A_793, %slice3A_794 : vector<1x4096xf32>
    %add3A_796 = arith.addf %add3A_790, %mul3A_795 : vector<1x4096xf32>
    %get3A_797 = arith.constant 354 : index
    %get3A_798 = arith.constant 0 : index
    %get3A_799 = vector.load %arg32[%get3A_797, %get3A_798] : memref<432x4096xf32, #tpu.memory_space<vmem>>, vector<1x4096xf32>
    %slice3A_800 = vector.extract_strided_slice %get3A_143 {offsets = [8, 0], sizes = [1, 4096], strides = [1, 1]} : vector<16x4096xf32> to vector<1x4096xf32>
    %mul3A_801 = arith.mulf %get3A_799, %slice3A_800 : vector<1x4096xf32>
    %add3A_802 = arith.addf %add3A_796, %mul3A_801 : vector<1x4096xf32>
    %get3A_803 = arith.constant 358 : index
    %get3A_804 = arith.constant 0 : index
    %get3A_805 = vector.load %arg32[%get3A_803, %get3A_804] : memref<432x4096xf32, #tpu.memory_space<vmem>>, vector<1x4096xf32>
    %slice3A_806 = vector.extract_strided_slice %get3A_143 {offsets = [9, 0], sizes = [1, 4096], strides = [1, 1]} : vector<16x4096xf32> to vector<1x4096xf32>
    %mul3A_807 = arith.mulf %get3A_805, %slice3A_806 : vector<1x4096xf32>
    %add3A_808 = arith.addf %add3A_802, %mul3A_807 : vector<1x4096xf32>
    %get3A_809 = arith.constant 362 : index
    %get3A_810 = arith.constant 0 : index
    %get3A_811 = vector.load %arg32[%get3A_809, %get3A_810] : memref<432x4096xf32, #tpu.memory_space<vmem>>, vector<1x4096xf32>
    %slice3A_812 = vector.extract_strided_slice %get3A_143 {offsets = [10, 0], sizes = [1, 4096], strides = [1, 1]} : vector<16x4096xf32> to vector<1x4096xf32>
    %mul3A_813 = arith.mulf %get3A_811, %slice3A_812 : vector<1x4096xf32>
    %add3A_814 = arith.addf %add3A_808, %mul3A_813 : vector<1x4096xf32>
    %get3A_815 = arith.constant 366 : index
    %get3A_816 = arith.constant 0 : index
    %get3A_817 = vector.load %arg32[%get3A_815, %get3A_816] : memref<432x4096xf32, #tpu.memory_space<vmem>>, vector<1x4096xf32>
    %slice3A_818 = vector.extract_strided_slice %get3A_143 {offsets = [11, 0], sizes = [1, 4096], strides = [1, 1]} : vector<16x4096xf32> to vector<1x4096xf32>
    %mul3A_819 = arith.mulf %get3A_817, %slice3A_818 : vector<1x4096xf32>
    %add3A_820 = arith.addf %add3A_814, %mul3A_819 : vector<1x4096xf32>
    %get3A_821 = arith.constant 370 : index
    %get3A_822 = arith.constant 0 : index
    %get3A_823 = vector.load %arg32[%get3A_821, %get3A_822] : memref<432x4096xf32, #tpu.memory_space<vmem>>, vector<1x4096xf32>
    %slice3A_824 = vector.extract_strided_slice %get3A_143 {offsets = [12, 0], sizes = [1, 4096], strides = [1, 1]} : vector<16x4096xf32> to vector<1x4096xf32>
    %mul3A_825 = arith.mulf %get3A_823, %slice3A_824 : vector<1x4096xf32>
    %add3A_826 = arith.addf %add3A_820, %mul3A_825 : vector<1x4096xf32>
    %get3A_827 = arith.constant 374 : index
    %get3A_828 = arith.constant 0 : index
    %get3A_829 = vector.load %arg32[%get3A_827, %get3A_828] : memref<432x4096xf32, #tpu.memory_space<vmem>>, vector<1x4096xf32>
    %slice3A_830 = vector.extract_strided_slice %get3A_143 {offsets = [13, 0], sizes = [1, 4096], strides = [1, 1]} : vector<16x4096xf32> to vector<1x4096xf32>
    %mul3A_831 = arith.mulf %get3A_829, %slice3A_830 : vector<1x4096xf32>
    %add3A_832 = arith.addf %add3A_826, %mul3A_831 : vector<1x4096xf32>
    %get3A_833 = arith.constant 378 : index
    %get3A_834 = arith.constant 0 : index
    %get3A_835 = vector.load %arg32[%get3A_833, %get3A_834] : memref<432x4096xf32, #tpu.memory_space<vmem>>, vector<1x4096xf32>
    %slice3A_836 = vector.extract_strided_slice %get3A_143 {offsets = [14, 0], sizes = [1, 4096], strides = [1, 1]} : vector<16x4096xf32> to vector<1x4096xf32>
    %mul3A_837 = arith.mulf %get3A_835, %slice3A_836 : vector<1x4096xf32>
    %add3A_838 = arith.addf %add3A_832, %mul3A_837 : vector<1x4096xf32>
    %get3A_839 = arith.constant 382 : index
    %get3A_840 = arith.constant 0 : index
    %get3A_841 = vector.load %arg32[%get3A_839, %get3A_840] : memref<432x4096xf32, #tpu.memory_space<vmem>>, vector<1x4096xf32>
    %slice3A_842 = vector.extract_strided_slice %get3A_143 {offsets = [15, 0], sizes = [1, 4096], strides = [1, 1]} : vector<16x4096xf32> to vector<1x4096xf32>
    %mul3A_843 = arith.mulf %get3A_841, %slice3A_842 : vector<1x4096xf32>
    %add3A_844 = arith.addf %add3A_838, %mul3A_843 : vector<1x4096xf32>
    %get3A_845 = arith.constant 323 : index
    %get3A_846 = arith.constant 0 : index
    %get3A_847 = vector.load %arg32[%get3A_845, %get3A_846] : memref<432x4096xf32, #tpu.memory_space<vmem>>, vector<1x4096xf32>
    %slice3A_848 = vector.extract_strided_slice %get3A_143 {offsets = [0, 0], sizes = [1, 4096], strides = [1, 1]} : vector<16x4096xf32> to vector<1x4096xf32>
    %mul3A_849 = arith.mulf %get3A_847, %slice3A_848 : vector<1x4096xf32>
    %add3A_850 = arith.constant 0.000000e+00 : f32
    %add3A_851 = vector.broadcast %add3A_850 : f32 to vector<1x4096xf32>
    %add3A_852 = arith.addf %add3A_851, %mul3A_849 : vector<1x4096xf32>
    %get3A_853 = arith.constant 327 : index
    %get3A_854 = arith.constant 0 : index
    %get3A_855 = vector.load %arg32[%get3A_853, %get3A_854] : memref<432x4096xf32, #tpu.memory_space<vmem>>, vector<1x4096xf32>
    %slice3A_856 = vector.extract_strided_slice %get3A_143 {offsets = [1, 0], sizes = [1, 4096], strides = [1, 1]} : vector<16x4096xf32> to vector<1x4096xf32>
    %mul3A_857 = arith.mulf %get3A_855, %slice3A_856 : vector<1x4096xf32>
    %add3A_858 = arith.addf %add3A_852, %mul3A_857 : vector<1x4096xf32>
    %get3A_859 = arith.constant 331 : index
    %get3A_860 = arith.constant 0 : index
    %get3A_861 = vector.load %arg32[%get3A_859, %get3A_860] : memref<432x4096xf32, #tpu.memory_space<vmem>>, vector<1x4096xf32>
    %slice3A_862 = vector.extract_strided_slice %get3A_143 {offsets = [2, 0], sizes = [1, 4096], strides = [1, 1]} : vector<16x4096xf32> to vector<1x4096xf32>
    %mul3A_863 = arith.mulf %get3A_861, %slice3A_862 : vector<1x4096xf32>
    %add3A_864 = arith.addf %add3A_858, %mul3A_863 : vector<1x4096xf32>
    %get3A_865 = arith.constant 335 : index
    %get3A_866 = arith.constant 0 : index
    %get3A_867 = vector.load %arg32[%get3A_865, %get3A_866] : memref<432x4096xf32, #tpu.memory_space<vmem>>, vector<1x4096xf32>
    %slice3A_868 = vector.extract_strided_slice %get3A_143 {offsets = [3, 0], sizes = [1, 4096], strides = [1, 1]} : vector<16x4096xf32> to vector<1x4096xf32>
    %mul3A_869 = arith.mulf %get3A_867, %slice3A_868 : vector<1x4096xf32>
    %add3A_870 = arith.addf %add3A_864, %mul3A_869 : vector<1x4096xf32>
    %get3A_871 = arith.constant 339 : index
    %get3A_872 = arith.constant 0 : index
    %get3A_873 = vector.load %arg32[%get3A_871, %get3A_872] : memref<432x4096xf32, #tpu.memory_space<vmem>>, vector<1x4096xf32>
    %slice3A_874 = vector.extract_strided_slice %get3A_143 {offsets = [4, 0], sizes = [1, 4096], strides = [1, 1]} : vector<16x4096xf32> to vector<1x4096xf32>
    %mul3A_875 = arith.mulf %get3A_873, %slice3A_874 : vector<1x4096xf32>
    %add3A_876 = arith.addf %add3A_870, %mul3A_875 : vector<1x4096xf32>
    %get3A_877 = arith.constant 343 : index
    %get3A_878 = arith.constant 0 : index
    %get3A_879 = vector.load %arg32[%get3A_877, %get3A_878] : memref<432x4096xf32, #tpu.memory_space<vmem>>, vector<1x4096xf32>
    %slice3A_880 = vector.extract_strided_slice %get3A_143 {offsets = [5, 0], sizes = [1, 4096], strides = [1, 1]} : vector<16x4096xf32> to vector<1x4096xf32>
    %mul3A_881 = arith.mulf %get3A_879, %slice3A_880 : vector<1x4096xf32>
    %add3A_882 = arith.addf %add3A_876, %mul3A_881 : vector<1x4096xf32>
    %get3A_883 = arith.constant 347 : index
    %get3A_884 = arith.constant 0 : index
    %get3A_885 = vector.load %arg32[%get3A_883, %get3A_884] : memref<432x4096xf32, #tpu.memory_space<vmem>>, vector<1x4096xf32>
    %slice3A_886 = vector.extract_strided_slice %get3A_143 {offsets = [6, 0], sizes = [1, 4096], strides = [1, 1]} : vector<16x4096xf32> to vector<1x4096xf32>
    %mul3A_887 = arith.mulf %get3A_885, %slice3A_886 : vector<1x4096xf32>
    %add3A_888 = arith.addf %add3A_882, %mul3A_887 : vector<1x4096xf32>
    %get3A_889 = arith.constant 351 : index
    %get3A_890 = arith.constant 0 : index
    %get3A_891 = vector.load %arg32[%get3A_889, %get3A_890] : memref<432x4096xf32, #tpu.memory_space<vmem>>, vector<1x4096xf32>
    %slice3A_892 = vector.extract_strided_slice %get3A_143 {offsets = [7, 0], sizes = [1, 4096], strides = [1, 1]} : vector<16x4096xf32> to vector<1x4096xf32>
    %mul3A_893 = arith.mulf %get3A_891, %slice3A_892 : vector<1x4096xf32>
    %add3A_894 = arith.addf %add3A_888, %mul3A_893 : vector<1x4096xf32>
    %get3A_895 = arith.constant 355 : index
    %get3A_896 = arith.constant 0 : index
    %get3A_897 = vector.load %arg32[%get3A_895, %get3A_896] : memref<432x4096xf32, #tpu.memory_space<vmem>>, vector<1x4096xf32>
    %slice3A_898 = vector.extract_strided_slice %get3A_143 {offsets = [8, 0], sizes = [1, 4096], strides = [1, 1]} : vector<16x4096xf32> to vector<1x4096xf32>
    %mul3A_899 = arith.mulf %get3A_897, %slice3A_898 : vector<1x4096xf32>
    %add3A_900 = arith.addf %add3A_894, %mul3A_899 : vector<1x4096xf32>
    %get3A_901 = arith.constant 359 : index
    %get3A_902 = arith.constant 0 : index
    %get3A_903 = vector.load %arg32[%get3A_901, %get3A_902] : memref<432x4096xf32, #tpu.memory_space<vmem>>, vector<1x4096xf32>
    %slice3A_904 = vector.extract_strided_slice %get3A_143 {offsets = [9, 0], sizes = [1, 4096], strides = [1, 1]} : vector<16x4096xf32> to vector<1x4096xf32>
    %mul3A_905 = arith.mulf %get3A_903, %slice3A_904 : vector<1x4096xf32>
    %add3A_906 = arith.addf %add3A_900, %mul3A_905 : vector<1x4096xf32>
    %get3A_907 = arith.constant 363 : index
    %get3A_908 = arith.constant 0 : index
    %get3A_909 = vector.load %arg32[%get3A_907, %get3A_908] : memref<432x4096xf32, #tpu.memory_space<vmem>>, vector<1x4096xf32>
    %slice3A_910 = vector.extract_strided_slice %get3A_143 {offsets = [10, 0], sizes = [1, 4096], strides = [1, 1]} : vector<16x4096xf32> to vector<1x4096xf32>
    %mul3A_911 = arith.mulf %get3A_909, %slice3A_910 : vector<1x4096xf32>
    %add3A_912 = arith.addf %add3A_906, %mul3A_911 : vector<1x4096xf32>
    %get3A_913 = arith.constant 367 : index
    %get3A_914 = arith.constant 0 : index
    %get3A_915 = vector.load %arg32[%get3A_913, %get3A_914] : memref<432x4096xf32, #tpu.memory_space<vmem>>, vector<1x4096xf32>
    %slice3A_916 = vector.extract_strided_slice %get3A_143 {offsets = [11, 0], sizes = [1, 4096], strides = [1, 1]} : vector<16x4096xf32> to vector<1x4096xf32>
    %mul3A_917 = arith.mulf %get3A_915, %slice3A_916 : vector<1x4096xf32>
    %add3A_918 = arith.addf %add3A_912, %mul3A_917 : vector<1x4096xf32>
    %get3A_919 = arith.constant 371 : index
    %get3A_920 = arith.constant 0 : index
    %get3A_921 = vector.load %arg32[%get3A_919, %get3A_920] : memref<432x4096xf32, #tpu.memory_space<vmem>>, vector<1x4096xf32>
    %slice3A_922 = vector.extract_strided_slice %get3A_143 {offsets = [12, 0], sizes = [1, 4096], strides = [1, 1]} : vector<16x4096xf32> to vector<1x4096xf32>
    %mul3A_923 = arith.mulf %get3A_921, %slice3A_922 : vector<1x4096xf32>
    %add3A_924 = arith.addf %add3A_918, %mul3A_923 : vector<1x4096xf32>
    %get3A_925 = arith.constant 375 : index
    %get3A_926 = arith.constant 0 : index
    %get3A_927 = vector.load %arg32[%get3A_925, %get3A_926] : memref<432x4096xf32, #tpu.memory_space<vmem>>, vector<1x4096xf32>
    %slice3A_928 = vector.extract_strided_slice %get3A_143 {offsets = [13, 0], sizes = [1, 4096], strides = [1, 1]} : vector<16x4096xf32> to vector<1x4096xf32>
    %mul3A_929 = arith.mulf %get3A_927, %slice3A_928 : vector<1x4096xf32>
    %add3A_930 = arith.addf %add3A_924, %mul3A_929 : vector<1x4096xf32>
    %get3A_931 = arith.constant 379 : index
    %get3A_932 = arith.constant 0 : index
    %get3A_933 = vector.load %arg32[%get3A_931, %get3A_932] : memref<432x4096xf32, #tpu.memory_space<vmem>>, vector<1x4096xf32>
    %slice3A_934 = vector.extract_strided_slice %get3A_143 {offsets = [14, 0], sizes = [1, 4096], strides = [1, 1]} : vector<16x4096xf32> to vector<1x4096xf32>
    %mul3A_935 = arith.mulf %get3A_933, %slice3A_934 : vector<1x4096xf32>
    %add3A_936 = arith.addf %add3A_930, %mul3A_935 : vector<1x4096xf32>
    %get3A_937 = arith.constant 383 : index
    %get3A_938 = arith.constant 0 : index
    %get3A_939 = vector.load %arg32[%get3A_937, %get3A_938] : memref<432x4096xf32, #tpu.memory_space<vmem>>, vector<1x4096xf32>
    %slice3A_940 = vector.extract_strided_slice %get3A_143 {offsets = [15, 0], sizes = [1, 4096], strides = [1, 1]} : vector<16x4096xf32> to vector<1x4096xf32>
    %mul3A_941 = arith.mulf %get3A_939, %slice3A_940 : vector<1x4096xf32>
    %add3A_942 = arith.addf %add3A_936, %mul3A_941 : vector<1x4096xf32>
    %mul3A_943 = arith.mulf %add3A_648, %slice3A_133 : vector<1x4096xf32>
    %get3A_944 = arith.constant 384 : index
    %get3A_945 = arith.constant 0 : index
    %get3A_946 = vector.load %arg32[%get3A_944, %get3A_945] : memref<432x4096xf32, #tpu.memory_space<vmem>>, vector<1x4096xf32>
    %mul3A_947 = arith.mulf %get3A_946, %mul3A_251 : vector<1x4096xf32>
    %add3A_948 = arith.constant 0.000000e+00 : f32
    %add3A_949 = vector.broadcast %add3A_948 : f32 to vector<1x4096xf32>
    %add3A_950 = arith.addf %add3A_949, %mul3A_947 : vector<1x4096xf32>
    %get3A_951 = arith.constant 388 : index
    %get3A_952 = arith.constant 0 : index
    %get3A_953 = vector.load %arg32[%get3A_951, %get3A_952] : memref<432x4096xf32, #tpu.memory_space<vmem>>, vector<1x4096xf32>
    %mul3A_954 = arith.mulf %get3A_953, %mul3A_296 : vector<1x4096xf32>
    %add3A_955 = arith.addf %add3A_950, %mul3A_954 : vector<1x4096xf32>
    %get3A_956 = arith.constant 392 : index
    %get3A_957 = arith.constant 0 : index
    %get3A_958 = vector.load %arg32[%get3A_956, %get3A_957] : memref<432x4096xf32, #tpu.memory_space<vmem>>, vector<1x4096xf32>
    %mul3A_959 = arith.mulf %get3A_958, %mul3A_341 : vector<1x4096xf32>
    %add3A_960 = arith.addf %add3A_955, %mul3A_959 : vector<1x4096xf32>
    %get3A_961 = arith.constant 396 : index
    %get3A_962 = arith.constant 0 : index
    %get3A_963 = vector.load %arg32[%get3A_961, %get3A_962] : memref<432x4096xf32, #tpu.memory_space<vmem>>, vector<1x4096xf32>
    %mul3A_964 = arith.mulf %get3A_963, %mul3A_386 : vector<1x4096xf32>
    %add3A_965 = arith.addf %add3A_960, %mul3A_964 : vector<1x4096xf32>
    %add3A_966 = arith.addf %mul3A_943, %add3A_965 : vector<1x4096xf32>
    %get3A_967 = arith.constant 400 : index
    %get3A_968 = arith.constant 0 : index
    %get3A_969 = vector.load %arg32[%get3A_967, %get3A_968] : memref<432x4096xf32, #tpu.memory_space<vmem>>, vector<1x4096xf32>
    %mul3A_970 = arith.mulf %get3A_969, %mul3A_234 : vector<1x4096xf32>
    %add3A_971 = arith.constant 0.000000e+00 : f32
    %add3A_972 = vector.broadcast %add3A_971 : f32 to vector<1x4096xf32>
    %add3A_973 = arith.addf %add3A_972, %mul3A_970 : vector<1x4096xf32>
    %get3A_974 = arith.constant 404 : index
    %get3A_975 = arith.constant 0 : index
    %get3A_976 = vector.load %arg32[%get3A_974, %get3A_975] : memref<432x4096xf32, #tpu.memory_space<vmem>>, vector<1x4096xf32>
    %mul3A_977 = arith.mulf %get3A_976, %mul3A_279 : vector<1x4096xf32>
    %add3A_978 = arith.addf %add3A_973, %mul3A_977 : vector<1x4096xf32>
    %get3A_979 = arith.constant 408 : index
    %get3A_980 = arith.constant 0 : index
    %get3A_981 = vector.load %arg32[%get3A_979, %get3A_980] : memref<432x4096xf32, #tpu.memory_space<vmem>>, vector<1x4096xf32>
    %mul3A_982 = arith.mulf %get3A_981, %mul3A_324 : vector<1x4096xf32>
    %add3A_983 = arith.addf %add3A_978, %mul3A_982 : vector<1x4096xf32>
    %get3A_984 = arith.constant 412 : index
    %get3A_985 = arith.constant 0 : index
    %get3A_986 = vector.load %arg32[%get3A_984, %get3A_985] : memref<432x4096xf32, #tpu.memory_space<vmem>>, vector<1x4096xf32>
    %mul3A_987 = arith.mulf %get3A_986, %mul3A_369 : vector<1x4096xf32>
    %add3A_988 = arith.addf %add3A_983, %mul3A_987 : vector<1x4096xf32>
    %add3A_989 = arith.addf %add3A_966, %add3A_988 : vector<1x4096xf32>
    %mul3A_990 = arith.constant 0.204124153 : f32
    %mul3A_991 = vector.broadcast %mul3A_990 : f32 to vector<1x4096xf32>
    %mul3A_992 = arith.mulf %add3A_989, %mul3A_991 : vector<1x4096xf32>
    %mul3A_993 = arith.mulf %add3A_648, %slice3A_134 : vector<1x4096xf32>
    %get3A_994 = arith.constant 384 : index
    %get3A_995 = arith.constant 0 : index
    %get3A_996 = vector.load %arg32[%get3A_994, %get3A_995] : memref<432x4096xf32, #tpu.memory_space<vmem>>, vector<1x4096xf32>
    %mul3A_997 = arith.mulf %get3A_996, %mul3A_252 : vector<1x4096xf32>
    %add3A_998 = arith.constant 0.000000e+00 : f32
    %add3A_999 = vector.broadcast %add3A_998 : f32 to vector<1x4096xf32>
    %add3A_1000 = arith.addf %add3A_999, %mul3A_997 : vector<1x4096xf32>
    %get3A_1001 = arith.constant 388 : index
    %get3A_1002 = arith.constant 0 : index
    %get3A_1003 = vector.load %arg32[%get3A_1001, %get3A_1002] : memref<432x4096xf32, #tpu.memory_space<vmem>>, vector<1x4096xf32>
    %mul3A_1004 = arith.mulf %get3A_1003, %mul3A_297 : vector<1x4096xf32>
    %add3A_1005 = arith.addf %add3A_1000, %mul3A_1004 : vector<1x4096xf32>
    %get3A_1006 = arith.constant 392 : index
    %get3A_1007 = arith.constant 0 : index
    %get3A_1008 = vector.load %arg32[%get3A_1006, %get3A_1007] : memref<432x4096xf32, #tpu.memory_space<vmem>>, vector<1x4096xf32>
    %mul3A_1009 = arith.mulf %get3A_1008, %mul3A_342 : vector<1x4096xf32>
    %add3A_1010 = arith.addf %add3A_1005, %mul3A_1009 : vector<1x4096xf32>
    %get3A_1011 = arith.constant 396 : index
    %get3A_1012 = arith.constant 0 : index
    %get3A_1013 = vector.load %arg32[%get3A_1011, %get3A_1012] : memref<432x4096xf32, #tpu.memory_space<vmem>>, vector<1x4096xf32>
    %mul3A_1014 = arith.mulf %get3A_1013, %mul3A_387 : vector<1x4096xf32>
    %add3A_1015 = arith.addf %add3A_1010, %mul3A_1014 : vector<1x4096xf32>
    %add3A_1016 = arith.addf %mul3A_993, %add3A_1015 : vector<1x4096xf32>
    %get3A_1017 = arith.constant 400 : index
    %get3A_1018 = arith.constant 0 : index
    %get3A_1019 = vector.load %arg32[%get3A_1017, %get3A_1018] : memref<432x4096xf32, #tpu.memory_space<vmem>>, vector<1x4096xf32>
    %mul3A_1020 = arith.mulf %get3A_1019, %mul3A_242 : vector<1x4096xf32>
    %add3A_1021 = arith.constant 0.000000e+00 : f32
    %add3A_1022 = vector.broadcast %add3A_1021 : f32 to vector<1x4096xf32>
    %add3A_1023 = arith.addf %add3A_1022, %mul3A_1020 : vector<1x4096xf32>
    %get3A_1024 = arith.constant 404 : index
    %get3A_1025 = arith.constant 0 : index
    %get3A_1026 = vector.load %arg32[%get3A_1024, %get3A_1025] : memref<432x4096xf32, #tpu.memory_space<vmem>>, vector<1x4096xf32>
    %mul3A_1027 = arith.mulf %get3A_1026, %mul3A_287 : vector<1x4096xf32>
    %add3A_1028 = arith.addf %add3A_1023, %mul3A_1027 : vector<1x4096xf32>
    %get3A_1029 = arith.constant 408 : index
    %get3A_1030 = arith.constant 0 : index
    %get3A_1031 = vector.load %arg32[%get3A_1029, %get3A_1030] : memref<432x4096xf32, #tpu.memory_space<vmem>>, vector<1x4096xf32>
    %mul3A_1032 = arith.mulf %get3A_1031, %mul3A_332 : vector<1x4096xf32>
    %add3A_1033 = arith.addf %add3A_1028, %mul3A_1032 : vector<1x4096xf32>
    %get3A_1034 = arith.constant 412 : index
    %get3A_1035 = arith.constant 0 : index
    %get3A_1036 = vector.load %arg32[%get3A_1034, %get3A_1035] : memref<432x4096xf32, #tpu.memory_space<vmem>>, vector<1x4096xf32>
    %mul3A_1037 = arith.mulf %get3A_1036, %mul3A_377 : vector<1x4096xf32>
    %add3A_1038 = arith.addf %add3A_1033, %mul3A_1037 : vector<1x4096xf32>
    %add3A_1039 = arith.addf %add3A_1016, %add3A_1038 : vector<1x4096xf32>
    %mul3A_1040 = arith.constant 0.204124153 : f32
    %mul3A_1041 = vector.broadcast %mul3A_1040 : f32 to vector<1x4096xf32>
    %mul3A_1042 = arith.mulf %add3A_1039, %mul3A_1041 : vector<1x4096xf32>
    %mul3A_1043 = arith.mulf %add3A_648, %slice3A_135 : vector<1x4096xf32>
    %get3A_1044 = arith.constant 384 : index
    %get3A_1045 = arith.constant 0 : index
    %get3A_1046 = vector.load %arg32[%get3A_1044, %get3A_1045] : memref<432x4096xf32, #tpu.memory_space<vmem>>, vector<1x4096xf32>
    %mul3A_1047 = arith.mulf %get3A_1046, %mul3A_253 : vector<1x4096xf32>
    %add3A_1048 = arith.constant 0.000000e+00 : f32
    %add3A_1049 = vector.broadcast %add3A_1048 : f32 to vector<1x4096xf32>
    %add3A_1050 = arith.addf %add3A_1049, %mul3A_1047 : vector<1x4096xf32>
    %get3A_1051 = arith.constant 388 : index
    %get3A_1052 = arith.constant 0 : index
    %get3A_1053 = vector.load %arg32[%get3A_1051, %get3A_1052] : memref<432x4096xf32, #tpu.memory_space<vmem>>, vector<1x4096xf32>
    %mul3A_1054 = arith.mulf %get3A_1053, %mul3A_298 : vector<1x4096xf32>
    %add3A_1055 = arith.addf %add3A_1050, %mul3A_1054 : vector<1x4096xf32>
    %get3A_1056 = arith.constant 392 : index
    %get3A_1057 = arith.constant 0 : index
    %get3A_1058 = vector.load %arg32[%get3A_1056, %get3A_1057] : memref<432x4096xf32, #tpu.memory_space<vmem>>, vector<1x4096xf32>
    %mul3A_1059 = arith.mulf %get3A_1058, %mul3A_343 : vector<1x4096xf32>
    %add3A_1060 = arith.addf %add3A_1055, %mul3A_1059 : vector<1x4096xf32>
    %get3A_1061 = arith.constant 396 : index
    %get3A_1062 = arith.constant 0 : index
    %get3A_1063 = vector.load %arg32[%get3A_1061, %get3A_1062] : memref<432x4096xf32, #tpu.memory_space<vmem>>, vector<1x4096xf32>
    %mul3A_1064 = arith.mulf %get3A_1063, %mul3A_388 : vector<1x4096xf32>
    %add3A_1065 = arith.addf %add3A_1060, %mul3A_1064 : vector<1x4096xf32>
    %add3A_1066 = arith.addf %mul3A_1043, %add3A_1065 : vector<1x4096xf32>
    %get3A_1067 = arith.constant 400 : index
    %get3A_1068 = arith.constant 0 : index
    %get3A_1069 = vector.load %arg32[%get3A_1067, %get3A_1068] : memref<432x4096xf32, #tpu.memory_space<vmem>>, vector<1x4096xf32>
    %mul3A_1070 = arith.mulf %get3A_1069, %mul3A_250 : vector<1x4096xf32>
    %add3A_1071 = arith.constant 0.000000e+00 : f32
    %add3A_1072 = vector.broadcast %add3A_1071 : f32 to vector<1x4096xf32>
    %add3A_1073 = arith.addf %add3A_1072, %mul3A_1070 : vector<1x4096xf32>
    %get3A_1074 = arith.constant 404 : index
    %get3A_1075 = arith.constant 0 : index
    %get3A_1076 = vector.load %arg32[%get3A_1074, %get3A_1075] : memref<432x4096xf32, #tpu.memory_space<vmem>>, vector<1x4096xf32>
    %mul3A_1077 = arith.mulf %get3A_1076, %mul3A_295 : vector<1x4096xf32>
    %add3A_1078 = arith.addf %add3A_1073, %mul3A_1077 : vector<1x4096xf32>
    %get3A_1079 = arith.constant 408 : index
    %get3A_1080 = arith.constant 0 : index
    %get3A_1081 = vector.load %arg32[%get3A_1079, %get3A_1080] : memref<432x4096xf32, #tpu.memory_space<vmem>>, vector<1x4096xf32>
    %mul3A_1082 = arith.mulf %get3A_1081, %mul3A_340 : vector<1x4096xf32>
    %add3A_1083 = arith.addf %add3A_1078, %mul3A_1082 : vector<1x4096xf32>
    %get3A_1084 = arith.constant 412 : index
    %get3A_1085 = arith.constant 0 : index
    %get3A_1086 = vector.load %arg32[%get3A_1084, %get3A_1085] : memref<432x4096xf32, #tpu.memory_space<vmem>>, vector<1x4096xf32>
    %mul3A_1087 = arith.mulf %get3A_1086, %mul3A_385 : vector<1x4096xf32>
    %add3A_1088 = arith.addf %add3A_1083, %mul3A_1087 : vector<1x4096xf32>
    %add3A_1089 = arith.addf %add3A_1066, %add3A_1088 : vector<1x4096xf32>
    %mul3A_1090 = arith.constant 0.204124153 : f32
    %mul3A_1091 = vector.broadcast %mul3A_1090 : f32 to vector<1x4096xf32>
    %mul3A_1092 = arith.mulf %add3A_1089, %mul3A_1091 : vector<1x4096xf32>
    %mul3A_1093 = arith.mulf %add3A_746, %slice3A_133 : vector<1x4096xf32>
    %get3A_1094 = arith.constant 385 : index
    %get3A_1095 = arith.constant 0 : index
    %get3A_1096 = vector.load %arg32[%get3A_1094, %get3A_1095] : memref<432x4096xf32, #tpu.memory_space<vmem>>, vector<1x4096xf32>
    %mul3A_1097 = arith.mulf %get3A_1096, %mul3A_251 : vector<1x4096xf32>
    %add3A_1098 = arith.constant 0.000000e+00 : f32
    %add3A_1099 = vector.broadcast %add3A_1098 : f32 to vector<1x4096xf32>
    %add3A_1100 = arith.addf %add3A_1099, %mul3A_1097 : vector<1x4096xf32>
    %get3A_1101 = arith.constant 389 : index
    %get3A_1102 = arith.constant 0 : index
    %get3A_1103 = vector.load %arg32[%get3A_1101, %get3A_1102] : memref<432x4096xf32, #tpu.memory_space<vmem>>, vector<1x4096xf32>
    %mul3A_1104 = arith.mulf %get3A_1103, %mul3A_296 : vector<1x4096xf32>
    %add3A_1105 = arith.addf %add3A_1100, %mul3A_1104 : vector<1x4096xf32>
    %get3A_1106 = arith.constant 393 : index
    %get3A_1107 = arith.constant 0 : index
    %get3A_1108 = vector.load %arg32[%get3A_1106, %get3A_1107] : memref<432x4096xf32, #tpu.memory_space<vmem>>, vector<1x4096xf32>
    %mul3A_1109 = arith.mulf %get3A_1108, %mul3A_341 : vector<1x4096xf32>
    %add3A_1110 = arith.addf %add3A_1105, %mul3A_1109 : vector<1x4096xf32>
    %get3A_1111 = arith.constant 397 : index
    %get3A_1112 = arith.constant 0 : index
    %get3A_1113 = vector.load %arg32[%get3A_1111, %get3A_1112] : memref<432x4096xf32, #tpu.memory_space<vmem>>, vector<1x4096xf32>
    %mul3A_1114 = arith.mulf %get3A_1113, %mul3A_386 : vector<1x4096xf32>
    %add3A_1115 = arith.addf %add3A_1110, %mul3A_1114 : vector<1x4096xf32>
    %add3A_1116 = arith.addf %mul3A_1093, %add3A_1115 : vector<1x4096xf32>
    %get3A_1117 = arith.constant 401 : index
    %get3A_1118 = arith.constant 0 : index
    %get3A_1119 = vector.load %arg32[%get3A_1117, %get3A_1118] : memref<432x4096xf32, #tpu.memory_space<vmem>>, vector<1x4096xf32>
    %mul3A_1120 = arith.mulf %get3A_1119, %mul3A_234 : vector<1x4096xf32>
    %add3A_1121 = arith.constant 0.000000e+00 : f32
    %add3A_1122 = vector.broadcast %add3A_1121 : f32 to vector<1x4096xf32>
    %add3A_1123 = arith.addf %add3A_1122, %mul3A_1120 : vector<1x4096xf32>
    %get3A_1124 = arith.constant 405 : index
    %get3A_1125 = arith.constant 0 : index
    %get3A_1126 = vector.load %arg32[%get3A_1124, %get3A_1125] : memref<432x4096xf32, #tpu.memory_space<vmem>>, vector<1x4096xf32>
    %mul3A_1127 = arith.mulf %get3A_1126, %mul3A_279 : vector<1x4096xf32>
    %add3A_1128 = arith.addf %add3A_1123, %mul3A_1127 : vector<1x4096xf32>
    %get3A_1129 = arith.constant 409 : index
    %get3A_1130 = arith.constant 0 : index
    %get3A_1131 = vector.load %arg32[%get3A_1129, %get3A_1130] : memref<432x4096xf32, #tpu.memory_space<vmem>>, vector<1x4096xf32>
    %mul3A_1132 = arith.mulf %get3A_1131, %mul3A_324 : vector<1x4096xf32>
    %add3A_1133 = arith.addf %add3A_1128, %mul3A_1132 : vector<1x4096xf32>
    %get3A_1134 = arith.constant 413 : index
    %get3A_1135 = arith.constant 0 : index
    %get3A_1136 = vector.load %arg32[%get3A_1134, %get3A_1135] : memref<432x4096xf32, #tpu.memory_space<vmem>>, vector<1x4096xf32>
    %mul3A_1137 = arith.mulf %get3A_1136, %mul3A_369 : vector<1x4096xf32>
    %add3A_1138 = arith.addf %add3A_1133, %mul3A_1137 : vector<1x4096xf32>
    %add3A_1139 = arith.addf %add3A_1116, %add3A_1138 : vector<1x4096xf32>
    %mul3A_1140 = arith.constant 0.204124153 : f32
    %mul3A_1141 = vector.broadcast %mul3A_1140 : f32 to vector<1x4096xf32>
    %mul3A_1142 = arith.mulf %add3A_1139, %mul3A_1141 : vector<1x4096xf32>
    %mul3A_1143 = arith.mulf %add3A_746, %slice3A_134 : vector<1x4096xf32>
    %get3A_1144 = arith.constant 385 : index
    %get3A_1145 = arith.constant 0 : index
    %get3A_1146 = vector.load %arg32[%get3A_1144, %get3A_1145] : memref<432x4096xf32, #tpu.memory_space<vmem>>, vector<1x4096xf32>
    %mul3A_1147 = arith.mulf %get3A_1146, %mul3A_252 : vector<1x4096xf32>
    %add3A_1148 = arith.constant 0.000000e+00 : f32
    %add3A_1149 = vector.broadcast %add3A_1148 : f32 to vector<1x4096xf32>
    %add3A_1150 = arith.addf %add3A_1149, %mul3A_1147 : vector<1x4096xf32>
    %get3A_1151 = arith.constant 389 : index
    %get3A_1152 = arith.constant 0 : index
    %get3A_1153 = vector.load %arg32[%get3A_1151, %get3A_1152] : memref<432x4096xf32, #tpu.memory_space<vmem>>, vector<1x4096xf32>
    %mul3A_1154 = arith.mulf %get3A_1153, %mul3A_297 : vector<1x4096xf32>
    %add3A_1155 = arith.addf %add3A_1150, %mul3A_1154 : vector<1x4096xf32>
    %get3A_1156 = arith.constant 393 : index
    %get3A_1157 = arith.constant 0 : index
    %get3A_1158 = vector.load %arg32[%get3A_1156, %get3A_1157] : memref<432x4096xf32, #tpu.memory_space<vmem>>, vector<1x4096xf32>
    %mul3A_1159 = arith.mulf %get3A_1158, %mul3A_342 : vector<1x4096xf32>
    %add3A_1160 = arith.addf %add3A_1155, %mul3A_1159 : vector<1x4096xf32>
    %get3A_1161 = arith.constant 397 : index
    %get3A_1162 = arith.constant 0 : index
    %get3A_1163 = vector.load %arg32[%get3A_1161, %get3A_1162] : memref<432x4096xf32, #tpu.memory_space<vmem>>, vector<1x4096xf32>
    %mul3A_1164 = arith.mulf %get3A_1163, %mul3A_387 : vector<1x4096xf32>
    %add3A_1165 = arith.addf %add3A_1160, %mul3A_1164 : vector<1x4096xf32>
    %add3A_1166 = arith.addf %mul3A_1143, %add3A_1165 : vector<1x4096xf32>
    %get3A_1167 = arith.constant 401 : index
    %get3A_1168 = arith.constant 0 : index
    %get3A_1169 = vector.load %arg32[%get3A_1167, %get3A_1168] : memref<432x4096xf32, #tpu.memory_space<vmem>>, vector<1x4096xf32>
    %mul3A_1170 = arith.mulf %get3A_1169, %mul3A_242 : vector<1x4096xf32>
    %add3A_1171 = arith.constant 0.000000e+00 : f32
    %add3A_1172 = vector.broadcast %add3A_1171 : f32 to vector<1x4096xf32>
    %add3A_1173 = arith.addf %add3A_1172, %mul3A_1170 : vector<1x4096xf32>
    %get3A_1174 = arith.constant 405 : index
    %get3A_1175 = arith.constant 0 : index
    %get3A_1176 = vector.load %arg32[%get3A_1174, %get3A_1175] : memref<432x4096xf32, #tpu.memory_space<vmem>>, vector<1x4096xf32>
    %mul3A_1177 = arith.mulf %get3A_1176, %mul3A_287 : vector<1x4096xf32>
    %add3A_1178 = arith.addf %add3A_1173, %mul3A_1177 : vector<1x4096xf32>
    %get3A_1179 = arith.constant 409 : index
    %get3A_1180 = arith.constant 0 : index
    %get3A_1181 = vector.load %arg32[%get3A_1179, %get3A_1180] : memref<432x4096xf32, #tpu.memory_space<vmem>>, vector<1x4096xf32>
    %mul3A_1182 = arith.mulf %get3A_1181, %mul3A_332 : vector<1x4096xf32>
    %add3A_1183 = arith.addf %add3A_1178, %mul3A_1182 : vector<1x4096xf32>
    %get3A_1184 = arith.constant 413 : index
    %get3A_1185 = arith.constant 0 : index
    %get3A_1186 = vector.load %arg32[%get3A_1184, %get3A_1185] : memref<432x4096xf32, #tpu.memory_space<vmem>>, vector<1x4096xf32>
    %mul3A_1187 = arith.mulf %get3A_1186, %mul3A_377 : vector<1x4096xf32>
    %add3A_1188 = arith.addf %add3A_1183, %mul3A_1187 : vector<1x4096xf32>
    %add3A_1189 = arith.addf %add3A_1166, %add3A_1188 : vector<1x4096xf32>
    %mul3A_1190 = arith.constant 0.204124153 : f32
    %mul3A_1191 = vector.broadcast %mul3A_1190 : f32 to vector<1x4096xf32>
    %mul3A_1192 = arith.mulf %add3A_1189, %mul3A_1191 : vector<1x4096xf32>
    %mul3A_1193 = arith.mulf %add3A_746, %slice3A_135 : vector<1x4096xf32>
    %get3A_1194 = arith.constant 385 : index
    %get3A_1195 = arith.constant 0 : index
    %get3A_1196 = vector.load %arg32[%get3A_1194, %get3A_1195] : memref<432x4096xf32, #tpu.memory_space<vmem>>, vector<1x4096xf32>
    %mul3A_1197 = arith.mulf %get3A_1196, %mul3A_253 : vector<1x4096xf32>
    %add3A_1198 = arith.constant 0.000000e+00 : f32
    %add3A_1199 = vector.broadcast %add3A_1198 : f32 to vector<1x4096xf32>
    %add3A_1200 = arith.addf %add3A_1199, %mul3A_1197 : vector<1x4096xf32>
    %get3A_1201 = arith.constant 389 : index
    %get3A_1202 = arith.constant 0 : index
    %get3A_1203 = vector.load %arg32[%get3A_1201, %get3A_1202] : memref<432x4096xf32, #tpu.memory_space<vmem>>, vector<1x4096xf32>
    %mul3A_1204 = arith.mulf %get3A_1203, %mul3A_298 : vector<1x4096xf32>
    %add3A_1205 = arith.addf %add3A_1200, %mul3A_1204 : vector<1x4096xf32>
    %get3A_1206 = arith.constant 393 : index
    %get3A_1207 = arith.constant 0 : index
    %get3A_1208 = vector.load %arg32[%get3A_1206, %get3A_1207] : memref<432x4096xf32, #tpu.memory_space<vmem>>, vector<1x4096xf32>
    %mul3A_1209 = arith.mulf %get3A_1208, %mul3A_343 : vector<1x4096xf32>
    %add3A_1210 = arith.addf %add3A_1205, %mul3A_1209 : vector<1x4096xf32>
    %get3A_1211 = arith.constant 397 : index
    %get3A_1212 = arith.constant 0 : index
    %get3A_1213 = vector.load %arg32[%get3A_1211, %get3A_1212] : memref<432x4096xf32, #tpu.memory_space<vmem>>, vector<1x4096xf32>
    %mul3A_1214 = arith.mulf %get3A_1213, %mul3A_388 : vector<1x4096xf32>
    %add3A_1215 = arith.addf %add3A_1210, %mul3A_1214 : vector<1x4096xf32>
    %add3A_1216 = arith.addf %mul3A_1193, %add3A_1215 : vector<1x4096xf32>
    %get3A_1217 = arith.constant 401 : index
    %get3A_1218 = arith.constant 0 : index
    %get3A_1219 = vector.load %arg32[%get3A_1217, %get3A_1218] : memref<432x4096xf32, #tpu.memory_space<vmem>>, vector<1x4096xf32>
    %mul3A_1220 = arith.mulf %get3A_1219, %mul3A_250 : vector<1x4096xf32>
    %add3A_1221 = arith.constant 0.000000e+00 : f32
    %add3A_1222 = vector.broadcast %add3A_1221 : f32 to vector<1x4096xf32>
    %add3A_1223 = arith.addf %add3A_1222, %mul3A_1220 : vector<1x4096xf32>
    %get3A_1224 = arith.constant 405 : index
    %get3A_1225 = arith.constant 0 : index
    %get3A_1226 = vector.load %arg32[%get3A_1224, %get3A_1225] : memref<432x4096xf32, #tpu.memory_space<vmem>>, vector<1x4096xf32>
    %mul3A_1227 = arith.mulf %get3A_1226, %mul3A_295 : vector<1x4096xf32>
    %add3A_1228 = arith.addf %add3A_1223, %mul3A_1227 : vector<1x4096xf32>
    %get3A_1229 = arith.constant 409 : index
    %get3A_1230 = arith.constant 0 : index
    %get3A_1231 = vector.load %arg32[%get3A_1229, %get3A_1230] : memref<432x4096xf32, #tpu.memory_space<vmem>>, vector<1x4096xf32>
    %mul3A_1232 = arith.mulf %get3A_1231, %mul3A_340 : vector<1x4096xf32>
    %add3A_1233 = arith.addf %add3A_1228, %mul3A_1232 : vector<1x4096xf32>
    %get3A_1234 = arith.constant 413 : index
    %get3A_1235 = arith.constant 0 : index
    %get3A_1236 = vector.load %arg32[%get3A_1234, %get3A_1235] : memref<432x4096xf32, #tpu.memory_space<vmem>>, vector<1x4096xf32>
    %mul3A_1237 = arith.mulf %get3A_1236, %mul3A_385 : vector<1x4096xf32>
    %add3A_1238 = arith.addf %add3A_1233, %mul3A_1237 : vector<1x4096xf32>
    %add3A_1239 = arith.addf %add3A_1216, %add3A_1238 : vector<1x4096xf32>
    %mul3A_1240 = arith.constant 0.204124153 : f32
    %mul3A_1241 = vector.broadcast %mul3A_1240 : f32 to vector<1x4096xf32>
    %mul3A_1242 = arith.mulf %add3A_1239, %mul3A_1241 : vector<1x4096xf32>
    %mul3A_1243 = arith.mulf %add3A_844, %slice3A_133 : vector<1x4096xf32>
    %get3A_1244 = arith.constant 386 : index
    %get3A_1245 = arith.constant 0 : index
    %get3A_1246 = vector.load %arg32[%get3A_1244, %get3A_1245] : memref<432x4096xf32, #tpu.memory_space<vmem>>, vector<1x4096xf32>
    %mul3A_1247 = arith.mulf %get3A_1246, %mul3A_251 : vector<1x4096xf32>
    %add3A_1248 = arith.constant 0.000000e+00 : f32
    %add3A_1249 = vector.broadcast %add3A_1248 : f32 to vector<1x4096xf32>
    %add3A_1250 = arith.addf %add3A_1249, %mul3A_1247 : vector<1x4096xf32>
    %get3A_1251 = arith.constant 390 : index
    %get3A_1252 = arith.constant 0 : index
    %get3A_1253 = vector.load %arg32[%get3A_1251, %get3A_1252] : memref<432x4096xf32, #tpu.memory_space<vmem>>, vector<1x4096xf32>
    %mul3A_1254 = arith.mulf %get3A_1253, %mul3A_296 : vector<1x4096xf32>
    %add3A_1255 = arith.addf %add3A_1250, %mul3A_1254 : vector<1x4096xf32>
    %get3A_1256 = arith.constant 394 : index
    %get3A_1257 = arith.constant 0 : index
    %get3A_1258 = vector.load %arg32[%get3A_1256, %get3A_1257] : memref<432x4096xf32, #tpu.memory_space<vmem>>, vector<1x4096xf32>
    %mul3A_1259 = arith.mulf %get3A_1258, %mul3A_341 : vector<1x4096xf32>
    %add3A_1260 = arith.addf %add3A_1255, %mul3A_1259 : vector<1x4096xf32>
    %get3A_1261 = arith.constant 398 : index
    %get3A_1262 = arith.constant 0 : index
    %get3A_1263 = vector.load %arg32[%get3A_1261, %get3A_1262] : memref<432x4096xf32, #tpu.memory_space<vmem>>, vector<1x4096xf32>
    %mul3A_1264 = arith.mulf %get3A_1263, %mul3A_386 : vector<1x4096xf32>
    %add3A_1265 = arith.addf %add3A_1260, %mul3A_1264 : vector<1x4096xf32>
    %add3A_1266 = arith.addf %mul3A_1243, %add3A_1265 : vector<1x4096xf32>
    %get3A_1267 = arith.constant 402 : index
    %get3A_1268 = arith.constant 0 : index
    %get3A_1269 = vector.load %arg32[%get3A_1267, %get3A_1268] : memref<432x4096xf32, #tpu.memory_space<vmem>>, vector<1x4096xf32>
    %mul3A_1270 = arith.mulf %get3A_1269, %mul3A_234 : vector<1x4096xf32>
    %add3A_1271 = arith.constant 0.000000e+00 : f32
    %add3A_1272 = vector.broadcast %add3A_1271 : f32 to vector<1x4096xf32>
    %add3A_1273 = arith.addf %add3A_1272, %mul3A_1270 : vector<1x4096xf32>
    %get3A_1274 = arith.constant 406 : index
    %get3A_1275 = arith.constant 0 : index
    %get3A_1276 = vector.load %arg32[%get3A_1274, %get3A_1275] : memref<432x4096xf32, #tpu.memory_space<vmem>>, vector<1x4096xf32>
    %mul3A_1277 = arith.mulf %get3A_1276, %mul3A_279 : vector<1x4096xf32>
    %add3A_1278 = arith.addf %add3A_1273, %mul3A_1277 : vector<1x4096xf32>
    %get3A_1279 = arith.constant 410 : index
    %get3A_1280 = arith.constant 0 : index
    %get3A_1281 = vector.load %arg32[%get3A_1279, %get3A_1280] : memref<432x4096xf32, #tpu.memory_space<vmem>>, vector<1x4096xf32>
    %mul3A_1282 = arith.mulf %get3A_1281, %mul3A_324 : vector<1x4096xf32>
    %add3A_1283 = arith.addf %add3A_1278, %mul3A_1282 : vector<1x4096xf32>
    %get3A_1284 = arith.constant 414 : index
    %get3A_1285 = arith.constant 0 : index
    %get3A_1286 = vector.load %arg32[%get3A_1284, %get3A_1285] : memref<432x4096xf32, #tpu.memory_space<vmem>>, vector<1x4096xf32>
    %mul3A_1287 = arith.mulf %get3A_1286, %mul3A_369 : vector<1x4096xf32>
    %add3A_1288 = arith.addf %add3A_1283, %mul3A_1287 : vector<1x4096xf32>
    %add3A_1289 = arith.addf %add3A_1266, %add3A_1288 : vector<1x4096xf32>
    %mul3A_1290 = arith.constant 0.204124153 : f32
    %mul3A_1291 = vector.broadcast %mul3A_1290 : f32 to vector<1x4096xf32>
    %mul3A_1292 = arith.mulf %add3A_1289, %mul3A_1291 : vector<1x4096xf32>
    %mul3A_1293 = arith.mulf %add3A_844, %slice3A_134 : vector<1x4096xf32>
    %get3A_1294 = arith.constant 386 : index
    %get3A_1295 = arith.constant 0 : index
    %get3A_1296 = vector.load %arg32[%get3A_1294, %get3A_1295] : memref<432x4096xf32, #tpu.memory_space<vmem>>, vector<1x4096xf32>
    %mul3A_1297 = arith.mulf %get3A_1296, %mul3A_252 : vector<1x4096xf32>
    %add3A_1298 = arith.constant 0.000000e+00 : f32
    %add3A_1299 = vector.broadcast %add3A_1298 : f32 to vector<1x4096xf32>
    %add3A_1300 = arith.addf %add3A_1299, %mul3A_1297 : vector<1x4096xf32>
    %get3A_1301 = arith.constant 390 : index
    %get3A_1302 = arith.constant 0 : index
    %get3A_1303 = vector.load %arg32[%get3A_1301, %get3A_1302] : memref<432x4096xf32, #tpu.memory_space<vmem>>, vector<1x4096xf32>
    %mul3A_1304 = arith.mulf %get3A_1303, %mul3A_297 : vector<1x4096xf32>
    %add3A_1305 = arith.addf %add3A_1300, %mul3A_1304 : vector<1x4096xf32>
    %get3A_1306 = arith.constant 394 : index
    %get3A_1307 = arith.constant 0 : index
    %get3A_1308 = vector.load %arg32[%get3A_1306, %get3A_1307] : memref<432x4096xf32, #tpu.memory_space<vmem>>, vector<1x4096xf32>
    %mul3A_1309 = arith.mulf %get3A_1308, %mul3A_342 : vector<1x4096xf32>
    %add3A_1310 = arith.addf %add3A_1305, %mul3A_1309 : vector<1x4096xf32>
    %get3A_1311 = arith.constant 398 : index
    %get3A_1312 = arith.constant 0 : index
    %get3A_1313 = vector.load %arg32[%get3A_1311, %get3A_1312] : memref<432x4096xf32, #tpu.memory_space<vmem>>, vector<1x4096xf32>
    %mul3A_1314 = arith.mulf %get3A_1313, %mul3A_387 : vector<1x4096xf32>
    %add3A_1315 = arith.addf %add3A_1310, %mul3A_1314 : vector<1x4096xf32>
    %add3A_1316 = arith.addf %mul3A_1293, %add3A_1315 : vector<1x4096xf32>
    %get3A_1317 = arith.constant 402 : index
    %get3A_1318 = arith.constant 0 : index
    %get3A_1319 = vector.load %arg32[%get3A_1317, %get3A_1318] : memref<432x4096xf32, #tpu.memory_space<vmem>>, vector<1x4096xf32>
    %mul3A_1320 = arith.mulf %get3A_1319, %mul3A_242 : vector<1x4096xf32>
    %add3A_1321 = arith.constant 0.000000e+00 : f32
    %add3A_1322 = vector.broadcast %add3A_1321 : f32 to vector<1x4096xf32>
    %add3A_1323 = arith.addf %add3A_1322, %mul3A_1320 : vector<1x4096xf32>
    %get3A_1324 = arith.constant 406 : index
    %get3A_1325 = arith.constant 0 : index
    %get3A_1326 = vector.load %arg32[%get3A_1324, %get3A_1325] : memref<432x4096xf32, #tpu.memory_space<vmem>>, vector<1x4096xf32>
    %mul3A_1327 = arith.mulf %get3A_1326, %mul3A_287 : vector<1x4096xf32>
    %add3A_1328 = arith.addf %add3A_1323, %mul3A_1327 : vector<1x4096xf32>
    %get3A_1329 = arith.constant 410 : index
    %get3A_1330 = arith.constant 0 : index
    %get3A_1331 = vector.load %arg32[%get3A_1329, %get3A_1330] : memref<432x4096xf32, #tpu.memory_space<vmem>>, vector<1x4096xf32>
    %mul3A_1332 = arith.mulf %get3A_1331, %mul3A_332 : vector<1x4096xf32>
    %add3A_1333 = arith.addf %add3A_1328, %mul3A_1332 : vector<1x4096xf32>
    %get3A_1334 = arith.constant 414 : index
    %get3A_1335 = arith.constant 0 : index
    %get3A_1336 = vector.load %arg32[%get3A_1334, %get3A_1335] : memref<432x4096xf32, #tpu.memory_space<vmem>>, vector<1x4096xf32>
    %mul3A_1337 = arith.mulf %get3A_1336, %mul3A_377 : vector<1x4096xf32>
    %add3A_1338 = arith.addf %add3A_1333, %mul3A_1337 : vector<1x4096xf32>
    %add3A_1339 = arith.addf %add3A_1316, %add3A_1338 : vector<1x4096xf32>
    %mul3A_1340 = arith.constant 0.204124153 : f32
    %mul3A_1341 = vector.broadcast %mul3A_1340 : f32 to vector<1x4096xf32>
    %mul3A_1342 = arith.mulf %add3A_1339, %mul3A_1341 : vector<1x4096xf32>
    %mul3A_1343 = arith.mulf %add3A_844, %slice3A_135 : vector<1x4096xf32>
    %get3A_1344 = arith.constant 386 : index
    %get3A_1345 = arith.constant 0 : index
    %get3A_1346 = vector.load %arg32[%get3A_1344, %get3A_1345] : memref<432x4096xf32, #tpu.memory_space<vmem>>, vector<1x4096xf32>
    %mul3A_1347 = arith.mulf %get3A_1346, %mul3A_253 : vector<1x4096xf32>
    %add3A_1348 = arith.constant 0.000000e+00 : f32
    %add3A_1349 = vector.broadcast %add3A_1348 : f32 to vector<1x4096xf32>
    %add3A_1350 = arith.addf %add3A_1349, %mul3A_1347 : vector<1x4096xf32>
    %get3A_1351 = arith.constant 390 : index
    %get3A_1352 = arith.constant 0 : index
    %get3A_1353 = vector.load %arg32[%get3A_1351, %get3A_1352] : memref<432x4096xf32, #tpu.memory_space<vmem>>, vector<1x4096xf32>
    %mul3A_1354 = arith.mulf %get3A_1353, %mul3A_298 : vector<1x4096xf32>
    %add3A_1355 = arith.addf %add3A_1350, %mul3A_1354 : vector<1x4096xf32>
    %get3A_1356 = arith.constant 394 : index
    %get3A_1357 = arith.constant 0 : index
    %get3A_1358 = vector.load %arg32[%get3A_1356, %get3A_1357] : memref<432x4096xf32, #tpu.memory_space<vmem>>, vector<1x4096xf32>
    %mul3A_1359 = arith.mulf %get3A_1358, %mul3A_343 : vector<1x4096xf32>
    %add3A_1360 = arith.addf %add3A_1355, %mul3A_1359 : vector<1x4096xf32>
    %get3A_1361 = arith.constant 398 : index
    %get3A_1362 = arith.constant 0 : index
    %get3A_1363 = vector.load %arg32[%get3A_1361, %get3A_1362] : memref<432x4096xf32, #tpu.memory_space<vmem>>, vector<1x4096xf32>
    %mul3A_1364 = arith.mulf %get3A_1363, %mul3A_388 : vector<1x4096xf32>
    %add3A_1365 = arith.addf %add3A_1360, %mul3A_1364 : vector<1x4096xf32>
    %add3A_1366 = arith.addf %mul3A_1343, %add3A_1365 : vector<1x4096xf32>
    %get3A_1367 = arith.constant 402 : index
    %get3A_1368 = arith.constant 0 : index
    %get3A_1369 = vector.load %arg32[%get3A_1367, %get3A_1368] : memref<432x4096xf32, #tpu.memory_space<vmem>>, vector<1x4096xf32>
    %mul3A_1370 = arith.mulf %get3A_1369, %mul3A_250 : vector<1x4096xf32>
    %add3A_1371 = arith.constant 0.000000e+00 : f32
    %add3A_1372 = vector.broadcast %add3A_1371 : f32 to vector<1x4096xf32>
    %add3A_1373 = arith.addf %add3A_1372, %mul3A_1370 : vector<1x4096xf32>
    %get3A_1374 = arith.constant 406 : index
    %get3A_1375 = arith.constant 0 : index
    %get3A_1376 = vector.load %arg32[%get3A_1374, %get3A_1375] : memref<432x4096xf32, #tpu.memory_space<vmem>>, vector<1x4096xf32>
    %mul3A_1377 = arith.mulf %get3A_1376, %mul3A_295 : vector<1x4096xf32>
    %add3A_1378 = arith.addf %add3A_1373, %mul3A_1377 : vector<1x4096xf32>
    %get3A_1379 = arith.constant 410 : index
    %get3A_1380 = arith.constant 0 : index
    %get3A_1381 = vector.load %arg32[%get3A_1379, %get3A_1380] : memref<432x4096xf32, #tpu.memory_space<vmem>>, vector<1x4096xf32>
    %mul3A_1382 = arith.mulf %get3A_1381, %mul3A_340 : vector<1x4096xf32>
    %add3A_1383 = arith.addf %add3A_1378, %mul3A_1382 : vector<1x4096xf32>
    %get3A_1384 = arith.constant 414 : index
    %get3A_1385 = arith.constant 0 : index
    %get3A_1386 = vector.load %arg32[%get3A_1384, %get3A_1385] : memref<432x4096xf32, #tpu.memory_space<vmem>>, vector<1x4096xf32>
    %mul3A_1387 = arith.mulf %get3A_1386, %mul3A_385 : vector<1x4096xf32>
    %add3A_1388 = arith.addf %add3A_1383, %mul3A_1387 : vector<1x4096xf32>
    %add3A_1389 = arith.addf %add3A_1366, %add3A_1388 : vector<1x4096xf32>
    %mul3A_1390 = arith.constant 0.204124153 : f32
    %mul3A_1391 = vector.broadcast %mul3A_1390 : f32 to vector<1x4096xf32>
    %mul3A_1392 = arith.mulf %add3A_1389, %mul3A_1391 : vector<1x4096xf32>
    %mul3A_1393 = arith.mulf %add3A_942, %slice3A_133 : vector<1x4096xf32>
    %get3A_1394 = arith.constant 387 : index
    %get3A_1395 = arith.constant 0 : index
    %get3A_1396 = vector.load %arg32[%get3A_1394, %get3A_1395] : memref<432x4096xf32, #tpu.memory_space<vmem>>, vector<1x4096xf32>
    %mul3A_1397 = arith.mulf %get3A_1396, %mul3A_251 : vector<1x4096xf32>
    %add3A_1398 = arith.constant 0.000000e+00 : f32
    %add3A_1399 = vector.broadcast %add3A_1398 : f32 to vector<1x4096xf32>
    %add3A_1400 = arith.addf %add3A_1399, %mul3A_1397 : vector<1x4096xf32>
    %get3A_1401 = arith.constant 391 : index
    %get3A_1402 = arith.constant 0 : index
    %get3A_1403 = vector.load %arg32[%get3A_1401, %get3A_1402] : memref<432x4096xf32, #tpu.memory_space<vmem>>, vector<1x4096xf32>
    %mul3A_1404 = arith.mulf %get3A_1403, %mul3A_296 : vector<1x4096xf32>
    %add3A_1405 = arith.addf %add3A_1400, %mul3A_1404 : vector<1x4096xf32>
    %get3A_1406 = arith.constant 395 : index
    %get3A_1407 = arith.constant 0 : index
    %get3A_1408 = vector.load %arg32[%get3A_1406, %get3A_1407] : memref<432x4096xf32, #tpu.memory_space<vmem>>, vector<1x4096xf32>
    %mul3A_1409 = arith.mulf %get3A_1408, %mul3A_341 : vector<1x4096xf32>
    %add3A_1410 = arith.addf %add3A_1405, %mul3A_1409 : vector<1x4096xf32>
    %get3A_1411 = arith.constant 399 : index
    %get3A_1412 = arith.constant 0 : index
    %get3A_1413 = vector.load %arg32[%get3A_1411, %get3A_1412] : memref<432x4096xf32, #tpu.memory_space<vmem>>, vector<1x4096xf32>
    %mul3A_1414 = arith.mulf %get3A_1413, %mul3A_386 : vector<1x4096xf32>
    %add3A_1415 = arith.addf %add3A_1410, %mul3A_1414 : vector<1x4096xf32>
    %add3A_1416 = arith.addf %mul3A_1393, %add3A_1415 : vector<1x4096xf32>
    %get3A_1417 = arith.constant 403 : index
    %get3A_1418 = arith.constant 0 : index
    %get3A_1419 = vector.load %arg32[%get3A_1417, %get3A_1418] : memref<432x4096xf32, #tpu.memory_space<vmem>>, vector<1x4096xf32>
    %mul3A_1420 = arith.mulf %get3A_1419, %mul3A_234 : vector<1x4096xf32>
    %add3A_1421 = arith.constant 0.000000e+00 : f32
    %add3A_1422 = vector.broadcast %add3A_1421 : f32 to vector<1x4096xf32>
    %add3A_1423 = arith.addf %add3A_1422, %mul3A_1420 : vector<1x4096xf32>
    %get3A_1424 = arith.constant 407 : index
    %get3A_1425 = arith.constant 0 : index
    %get3A_1426 = vector.load %arg32[%get3A_1424, %get3A_1425] : memref<432x4096xf32, #tpu.memory_space<vmem>>, vector<1x4096xf32>
    %mul3A_1427 = arith.mulf %get3A_1426, %mul3A_279 : vector<1x4096xf32>
    %add3A_1428 = arith.addf %add3A_1423, %mul3A_1427 : vector<1x4096xf32>
    %get3A_1429 = arith.constant 411 : index
    %get3A_1430 = arith.constant 0 : index
    %get3A_1431 = vector.load %arg32[%get3A_1429, %get3A_1430] : memref<432x4096xf32, #tpu.memory_space<vmem>>, vector<1x4096xf32>
    %mul3A_1432 = arith.mulf %get3A_1431, %mul3A_324 : vector<1x4096xf32>
    %add3A_1433 = arith.addf %add3A_1428, %mul3A_1432 : vector<1x4096xf32>
    %get3A_1434 = arith.constant 415 : index
    %get3A_1435 = arith.constant 0 : index
    %get3A_1436 = vector.load %arg32[%get3A_1434, %get3A_1435] : memref<432x4096xf32, #tpu.memory_space<vmem>>, vector<1x4096xf32>
    %mul3A_1437 = arith.mulf %get3A_1436, %mul3A_369 : vector<1x4096xf32>
    %add3A_1438 = arith.addf %add3A_1433, %mul3A_1437 : vector<1x4096xf32>
    %add3A_1439 = arith.addf %add3A_1416, %add3A_1438 : vector<1x4096xf32>
    %mul3A_1440 = arith.constant 0.204124153 : f32
    %mul3A_1441 = vector.broadcast %mul3A_1440 : f32 to vector<1x4096xf32>
    %mul3A_1442 = arith.mulf %add3A_1439, %mul3A_1441 : vector<1x4096xf32>
    %mul3A_1443 = arith.mulf %add3A_942, %slice3A_134 : vector<1x4096xf32>
    %get3A_1444 = arith.constant 387 : index
    %get3A_1445 = arith.constant 0 : index
    %get3A_1446 = vector.load %arg32[%get3A_1444, %get3A_1445] : memref<432x4096xf32, #tpu.memory_space<vmem>>, vector<1x4096xf32>
    %mul3A_1447 = arith.mulf %get3A_1446, %mul3A_252 : vector<1x4096xf32>
    %add3A_1448 = arith.constant 0.000000e+00 : f32
    %add3A_1449 = vector.broadcast %add3A_1448 : f32 to vector<1x4096xf32>
    %add3A_1450 = arith.addf %add3A_1449, %mul3A_1447 : vector<1x4096xf32>
    %get3A_1451 = arith.constant 391 : index
    %get3A_1452 = arith.constant 0 : index
    %get3A_1453 = vector.load %arg32[%get3A_1451, %get3A_1452] : memref<432x4096xf32, #tpu.memory_space<vmem>>, vector<1x4096xf32>
    %mul3A_1454 = arith.mulf %get3A_1453, %mul3A_297 : vector<1x4096xf32>
    %add3A_1455 = arith.addf %add3A_1450, %mul3A_1454 : vector<1x4096xf32>
    %get3A_1456 = arith.constant 395 : index
    %get3A_1457 = arith.constant 0 : index
    %get3A_1458 = vector.load %arg32[%get3A_1456, %get3A_1457] : memref<432x4096xf32, #tpu.memory_space<vmem>>, vector<1x4096xf32>
    %mul3A_1459 = arith.mulf %get3A_1458, %mul3A_342 : vector<1x4096xf32>
    %add3A_1460 = arith.addf %add3A_1455, %mul3A_1459 : vector<1x4096xf32>
    %get3A_1461 = arith.constant 399 : index
    %get3A_1462 = arith.constant 0 : index
    %get3A_1463 = vector.load %arg32[%get3A_1461, %get3A_1462] : memref<432x4096xf32, #tpu.memory_space<vmem>>, vector<1x4096xf32>
    %mul3A_1464 = arith.mulf %get3A_1463, %mul3A_387 : vector<1x4096xf32>
    %add3A_1465 = arith.addf %add3A_1460, %mul3A_1464 : vector<1x4096xf32>
    %add3A_1466 = arith.addf %mul3A_1443, %add3A_1465 : vector<1x4096xf32>
    %get3A_1467 = arith.constant 403 : index
    %get3A_1468 = arith.constant 0 : index
    %get3A_1469 = vector.load %arg32[%get3A_1467, %get3A_1468] : memref<432x4096xf32, #tpu.memory_space<vmem>>, vector<1x4096xf32>
    %mul3A_1470 = arith.mulf %get3A_1469, %mul3A_242 : vector<1x4096xf32>
    %add3A_1471 = arith.constant 0.000000e+00 : f32
    %add3A_1472 = vector.broadcast %add3A_1471 : f32 to vector<1x4096xf32>
    %add3A_1473 = arith.addf %add3A_1472, %mul3A_1470 : vector<1x4096xf32>
    %get3A_1474 = arith.constant 407 : index
    %get3A_1475 = arith.constant 0 : index
    %get3A_1476 = vector.load %arg32[%get3A_1474, %get3A_1475] : memref<432x4096xf32, #tpu.memory_space<vmem>>, vector<1x4096xf32>
    %mul3A_1477 = arith.mulf %get3A_1476, %mul3A_287 : vector<1x4096xf32>
    %add3A_1478 = arith.addf %add3A_1473, %mul3A_1477 : vector<1x4096xf32>
    %get3A_1479 = arith.constant 411 : index
    %get3A_1480 = arith.constant 0 : index
    %get3A_1481 = vector.load %arg32[%get3A_1479, %get3A_1480] : memref<432x4096xf32, #tpu.memory_space<vmem>>, vector<1x4096xf32>
    %mul3A_1482 = arith.mulf %get3A_1481, %mul3A_332 : vector<1x4096xf32>
    %add3A_1483 = arith.addf %add3A_1478, %mul3A_1482 : vector<1x4096xf32>
    %get3A_1484 = arith.constant 415 : index
    %get3A_1485 = arith.constant 0 : index
    %get3A_1486 = vector.load %arg32[%get3A_1484, %get3A_1485] : memref<432x4096xf32, #tpu.memory_space<vmem>>, vector<1x4096xf32>
    %mul3A_1487 = arith.mulf %get3A_1486, %mul3A_377 : vector<1x4096xf32>
    %add3A_1488 = arith.addf %add3A_1483, %mul3A_1487 : vector<1x4096xf32>
    %add3A_1489 = arith.addf %add3A_1466, %add3A_1488 : vector<1x4096xf32>
    %mul3A_1490 = arith.constant 0.204124153 : f32
    %mul3A_1491 = vector.broadcast %mul3A_1490 : f32 to vector<1x4096xf32>
    %mul3A_1492 = arith.mulf %add3A_1489, %mul3A_1491 : vector<1x4096xf32>
    %mul3A_1493 = arith.mulf %add3A_942, %slice3A_135 : vector<1x4096xf32>
    %get3A_1494 = arith.constant 387 : index
    %get3A_1495 = arith.constant 0 : index
    %get3A_1496 = vector.load %arg32[%get3A_1494, %get3A_1495] : memref<432x4096xf32, #tpu.memory_space<vmem>>, vector<1x4096xf32>
    %mul3A_1497 = arith.mulf %get3A_1496, %mul3A_253 : vector<1x4096xf32>
    %add3A_1498 = arith.constant 0.000000e+00 : f32
    %add3A_1499 = vector.broadcast %add3A_1498 : f32 to vector<1x4096xf32>
    %add3A_1500 = arith.addf %add3A_1499, %mul3A_1497 : vector<1x4096xf32>
    %get3A_1501 = arith.constant 391 : index
    %get3A_1502 = arith.constant 0 : index
    %get3A_1503 = vector.load %arg32[%get3A_1501, %get3A_1502] : memref<432x4096xf32, #tpu.memory_space<vmem>>, vector<1x4096xf32>
    %mul3A_1504 = arith.mulf %get3A_1503, %mul3A_298 : vector<1x4096xf32>
    %add3A_1505 = arith.addf %add3A_1500, %mul3A_1504 : vector<1x4096xf32>
    %get3A_1506 = arith.constant 395 : index
    %get3A_1507 = arith.constant 0 : index
    %get3A_1508 = vector.load %arg32[%get3A_1506, %get3A_1507] : memref<432x4096xf32, #tpu.memory_space<vmem>>, vector<1x4096xf32>
    %mul3A_1509 = arith.mulf %get3A_1508, %mul3A_343 : vector<1x4096xf32>
    %add3A_1510 = arith.addf %add3A_1505, %mul3A_1509 : vector<1x4096xf32>
    %get3A_1511 = arith.constant 399 : index
    %get3A_1512 = arith.constant 0 : index
    %get3A_1513 = vector.load %arg32[%get3A_1511, %get3A_1512] : memref<432x4096xf32, #tpu.memory_space<vmem>>, vector<1x4096xf32>
    %mul3A_1514 = arith.mulf %get3A_1513, %mul3A_388 : vector<1x4096xf32>
    %add3A_1515 = arith.addf %add3A_1510, %mul3A_1514 : vector<1x4096xf32>
    %add3A_1516 = arith.addf %mul3A_1493, %add3A_1515 : vector<1x4096xf32>
    %get3A_1517 = arith.constant 403 : index
    %get3A_1518 = arith.constant 0 : index
    %get3A_1519 = vector.load %arg32[%get3A_1517, %get3A_1518] : memref<432x4096xf32, #tpu.memory_space<vmem>>, vector<1x4096xf32>
    %mul3A_1520 = arith.mulf %get3A_1519, %mul3A_250 : vector<1x4096xf32>
    %add3A_1521 = arith.constant 0.000000e+00 : f32
    %add3A_1522 = vector.broadcast %add3A_1521 : f32 to vector<1x4096xf32>
    %add3A_1523 = arith.addf %add3A_1522, %mul3A_1520 : vector<1x4096xf32>
    %get3A_1524 = arith.constant 407 : index
    %get3A_1525 = arith.constant 0 : index
    %get3A_1526 = vector.load %arg32[%get3A_1524, %get3A_1525] : memref<432x4096xf32, #tpu.memory_space<vmem>>, vector<1x4096xf32>
    %mul3A_1527 = arith.mulf %get3A_1526, %mul3A_295 : vector<1x4096xf32>
    %add3A_1528 = arith.addf %add3A_1523, %mul3A_1527 : vector<1x4096xf32>
    %get3A_1529 = arith.constant 411 : index
    %get3A_1530 = arith.constant 0 : index
    %get3A_1531 = vector.load %arg32[%get3A_1529, %get3A_1530] : memref<432x4096xf32, #tpu.memory_space<vmem>>, vector<1x4096xf32>
    %mul3A_1532 = arith.mulf %get3A_1531, %mul3A_340 : vector<1x4096xf32>
    %add3A_1533 = arith.addf %add3A_1528, %mul3A_1532 : vector<1x4096xf32>
    %get3A_1534 = arith.constant 415 : index
    %get3A_1535 = arith.constant 0 : index
    %get3A_1536 = vector.load %arg32[%get3A_1534, %get3A_1535] : memref<432x4096xf32, #tpu.memory_space<vmem>>, vector<1x4096xf32>
    %mul3A_1537 = arith.mulf %get3A_1536, %mul3A_385 : vector<1x4096xf32>
    %add3A_1538 = arith.addf %add3A_1533, %mul3A_1537 : vector<1x4096xf32>
    %add3A_1539 = arith.addf %add3A_1516, %add3A_1538 : vector<1x4096xf32>
    %mul3A_1540 = arith.constant 0.204124153 : f32
    %mul3A_1541 = vector.broadcast %mul3A_1540 : f32 to vector<1x4096xf32>
    %mul3A_1542 = arith.mulf %add3A_1539, %mul3A_1541 : vector<1x4096xf32>
    %get3A_1543 = arith.constant 0 : index
    %get3A_1544 = arith.constant 0 : index
    %get3A_1545 = vector.load %arg33[%get3A_1543, %get3A_1544] : memref<432x4096xf32, #tpu.memory_space<vmem>>, vector<16x4096xf32>
    %slice3A_1546 = vector.extract_strided_slice %mul3A_181 {offsets = [0, 0], sizes = [1, 4096], strides = [1, 1]} : vector<16x4096xf32> to vector<1x4096xf32>
    %mul3A_1547 = vector.broadcast %slice3A_1546 : vector<1x4096xf32> to vector<16x4096xf32>
    %mul3A_1548 = arith.mulf %get3A_1545, %mul3A_1547 : vector<16x4096xf32>
    %add3A_1549 = arith.constant 0.000000e+00 : f32
    %add3A_1550 = vector.broadcast %add3A_1549 : f32 to vector<16x4096xf32>
    %add3A_1551 = arith.addf %add3A_1550, %mul3A_1548 : vector<16x4096xf32>
    %get3A_1552 = arith.constant 16 : index
    %get3A_1553 = arith.constant 0 : index
    %get3A_1554 = vector.load %arg33[%get3A_1552, %get3A_1553] : memref<432x4096xf32, #tpu.memory_space<vmem>>, vector<16x4096xf32>
    %slice3A_1555 = vector.extract_strided_slice %mul3A_181 {offsets = [1, 0], sizes = [1, 4096], strides = [1, 1]} : vector<16x4096xf32> to vector<1x4096xf32>
    %mul3A_1556 = vector.broadcast %slice3A_1555 : vector<1x4096xf32> to vector<16x4096xf32>
    %mul3A_1557 = arith.mulf %get3A_1554, %mul3A_1556 : vector<16x4096xf32>
    %add3A_1558 = arith.addf %add3A_1551, %mul3A_1557 : vector<16x4096xf32>
    %get3A_1559 = arith.constant 32 : index
    %get3A_1560 = arith.constant 0 : index
    %get3A_1561 = vector.load %arg33[%get3A_1559, %get3A_1560] : memref<432x4096xf32, #tpu.memory_space<vmem>>, vector<16x4096xf32>
    %slice3A_1562 = vector.extract_strided_slice %mul3A_181 {offsets = [2, 0], sizes = [1, 4096], strides = [1, 1]} : vector<16x4096xf32> to vector<1x4096xf32>
    %mul3A_1563 = vector.broadcast %slice3A_1562 : vector<1x4096xf32> to vector<16x4096xf32>
    %mul3A_1564 = arith.mulf %get3A_1561, %mul3A_1563 : vector<16x4096xf32>
    %add3A_1565 = arith.addf %add3A_1558, %mul3A_1564 : vector<16x4096xf32>
    %get3A_1566 = arith.constant 48 : index
    %get3A_1567 = arith.constant 0 : index
    %get3A_1568 = vector.load %arg33[%get3A_1566, %get3A_1567] : memref<432x4096xf32, #tpu.memory_space<vmem>>, vector<16x4096xf32>
    %slice3A_1569 = vector.extract_strided_slice %mul3A_181 {offsets = [3, 0], sizes = [1, 4096], strides = [1, 1]} : vector<16x4096xf32> to vector<1x4096xf32>
    %mul3A_1570 = vector.broadcast %slice3A_1569 : vector<1x4096xf32> to vector<16x4096xf32>
    %mul3A_1571 = arith.mulf %get3A_1568, %mul3A_1570 : vector<16x4096xf32>
    %add3A_1572 = arith.addf %add3A_1565, %mul3A_1571 : vector<16x4096xf32>
    %get3A_1573 = arith.constant 64 : index
    %get3A_1574 = arith.constant 0 : index
    %get3A_1575 = vector.load %arg33[%get3A_1573, %get3A_1574] : memref<432x4096xf32, #tpu.memory_space<vmem>>, vector<16x4096xf32>
    %slice3A_1576 = vector.extract_strided_slice %mul3A_181 {offsets = [4, 0], sizes = [1, 4096], strides = [1, 1]} : vector<16x4096xf32> to vector<1x4096xf32>
    %mul3A_1577 = vector.broadcast %slice3A_1576 : vector<1x4096xf32> to vector<16x4096xf32>
    %mul3A_1578 = arith.mulf %get3A_1575, %mul3A_1577 : vector<16x4096xf32>
    %add3A_1579 = arith.addf %add3A_1572, %mul3A_1578 : vector<16x4096xf32>
    %get3A_1580 = arith.constant 80 : index
    %get3A_1581 = arith.constant 0 : index
    %get3A_1582 = vector.load %arg33[%get3A_1580, %get3A_1581] : memref<432x4096xf32, #tpu.memory_space<vmem>>, vector<16x4096xf32>
    %slice3A_1583 = vector.extract_strided_slice %mul3A_181 {offsets = [5, 0], sizes = [1, 4096], strides = [1, 1]} : vector<16x4096xf32> to vector<1x4096xf32>
    %mul3A_1584 = vector.broadcast %slice3A_1583 : vector<1x4096xf32> to vector<16x4096xf32>
    %mul3A_1585 = arith.mulf %get3A_1582, %mul3A_1584 : vector<16x4096xf32>
    %add3A_1586 = arith.addf %add3A_1579, %mul3A_1585 : vector<16x4096xf32>
    %get3A_1587 = arith.constant 96 : index
    %get3A_1588 = arith.constant 0 : index
    %get3A_1589 = vector.load %arg33[%get3A_1587, %get3A_1588] : memref<432x4096xf32, #tpu.memory_space<vmem>>, vector<16x4096xf32>
    %slice3A_1590 = vector.extract_strided_slice %mul3A_181 {offsets = [6, 0], sizes = [1, 4096], strides = [1, 1]} : vector<16x4096xf32> to vector<1x4096xf32>
    %mul3A_1591 = vector.broadcast %slice3A_1590 : vector<1x4096xf32> to vector<16x4096xf32>
    %mul3A_1592 = arith.mulf %get3A_1589, %mul3A_1591 : vector<16x4096xf32>
    %add3A_1593 = arith.addf %add3A_1586, %mul3A_1592 : vector<16x4096xf32>
    %get3A_1594 = arith.constant 112 : index
    %get3A_1595 = arith.constant 0 : index
    %get3A_1596 = vector.load %arg33[%get3A_1594, %get3A_1595] : memref<432x4096xf32, #tpu.memory_space<vmem>>, vector<16x4096xf32>
    %slice3A_1597 = vector.extract_strided_slice %mul3A_181 {offsets = [7, 0], sizes = [1, 4096], strides = [1, 1]} : vector<16x4096xf32> to vector<1x4096xf32>
    %mul3A_1598 = vector.broadcast %slice3A_1597 : vector<1x4096xf32> to vector<16x4096xf32>
    %mul3A_1599 = arith.mulf %get3A_1596, %mul3A_1598 : vector<16x4096xf32>
    %add3A_1600 = arith.addf %add3A_1593, %mul3A_1599 : vector<16x4096xf32>
    %get3A_1601 = arith.constant 128 : index
    %get3A_1602 = arith.constant 0 : index
    %get3A_1603 = vector.load %arg33[%get3A_1601, %get3A_1602] : memref<432x4096xf32, #tpu.memory_space<vmem>>, vector<16x4096xf32>
    %slice3A_1604 = vector.extract_strided_slice %mul3A_181 {offsets = [8, 0], sizes = [1, 4096], strides = [1, 1]} : vector<16x4096xf32> to vector<1x4096xf32>
    %mul3A_1605 = vector.broadcast %slice3A_1604 : vector<1x4096xf32> to vector<16x4096xf32>
    %mul3A_1606 = arith.mulf %get3A_1603, %mul3A_1605 : vector<16x4096xf32>
    %add3A_1607 = arith.addf %add3A_1600, %mul3A_1606 : vector<16x4096xf32>
    %get3A_1608 = arith.constant 144 : index
    %get3A_1609 = arith.constant 0 : index
    %get3A_1610 = vector.load %arg33[%get3A_1608, %get3A_1609] : memref<432x4096xf32, #tpu.memory_space<vmem>>, vector<16x4096xf32>
    %slice3A_1611 = vector.extract_strided_slice %mul3A_181 {offsets = [9, 0], sizes = [1, 4096], strides = [1, 1]} : vector<16x4096xf32> to vector<1x4096xf32>
    %mul3A_1612 = vector.broadcast %slice3A_1611 : vector<1x4096xf32> to vector<16x4096xf32>
    %mul3A_1613 = arith.mulf %get3A_1610, %mul3A_1612 : vector<16x4096xf32>
    %add3A_1614 = arith.addf %add3A_1607, %mul3A_1613 : vector<16x4096xf32>
    %get3A_1615 = arith.constant 160 : index
    %get3A_1616 = arith.constant 0 : index
    %get3A_1617 = vector.load %arg33[%get3A_1615, %get3A_1616] : memref<432x4096xf32, #tpu.memory_space<vmem>>, vector<16x4096xf32>
    %slice3A_1618 = vector.extract_strided_slice %mul3A_181 {offsets = [10, 0], sizes = [1, 4096], strides = [1, 1]} : vector<16x4096xf32> to vector<1x4096xf32>
    %mul3A_1619 = vector.broadcast %slice3A_1618 : vector<1x4096xf32> to vector<16x4096xf32>
    %mul3A_1620 = arith.mulf %get3A_1617, %mul3A_1619 : vector<16x4096xf32>
    %add3A_1621 = arith.addf %add3A_1614, %mul3A_1620 : vector<16x4096xf32>
    %get3A_1622 = arith.constant 176 : index
    %get3A_1623 = arith.constant 0 : index
    %get3A_1624 = vector.load %arg33[%get3A_1622, %get3A_1623] : memref<432x4096xf32, #tpu.memory_space<vmem>>, vector<16x4096xf32>
    %slice3A_1625 = vector.extract_strided_slice %mul3A_181 {offsets = [11, 0], sizes = [1, 4096], strides = [1, 1]} : vector<16x4096xf32> to vector<1x4096xf32>
    %mul3A_1626 = vector.broadcast %slice3A_1625 : vector<1x4096xf32> to vector<16x4096xf32>
    %mul3A_1627 = arith.mulf %get3A_1624, %mul3A_1626 : vector<16x4096xf32>
    %add3A_1628 = arith.addf %add3A_1621, %mul3A_1627 : vector<16x4096xf32>
    %get3A_1629 = arith.constant 192 : index
    %get3A_1630 = arith.constant 0 : index
    %get3A_1631 = vector.load %arg33[%get3A_1629, %get3A_1630] : memref<432x4096xf32, #tpu.memory_space<vmem>>, vector<16x4096xf32>
    %slice3A_1632 = vector.extract_strided_slice %mul3A_181 {offsets = [12, 0], sizes = [1, 4096], strides = [1, 1]} : vector<16x4096xf32> to vector<1x4096xf32>
    %mul3A_1633 = vector.broadcast %slice3A_1632 : vector<1x4096xf32> to vector<16x4096xf32>
    %mul3A_1634 = arith.mulf %get3A_1631, %mul3A_1633 : vector<16x4096xf32>
    %add3A_1635 = arith.addf %add3A_1628, %mul3A_1634 : vector<16x4096xf32>
    %get3A_1636 = arith.constant 208 : index
    %get3A_1637 = arith.constant 0 : index
    %get3A_1638 = vector.load %arg33[%get3A_1636, %get3A_1637] : memref<432x4096xf32, #tpu.memory_space<vmem>>, vector<16x4096xf32>
    %slice3A_1639 = vector.extract_strided_slice %mul3A_181 {offsets = [13, 0], sizes = [1, 4096], strides = [1, 1]} : vector<16x4096xf32> to vector<1x4096xf32>
    %mul3A_1640 = vector.broadcast %slice3A_1639 : vector<1x4096xf32> to vector<16x4096xf32>
    %mul3A_1641 = arith.mulf %get3A_1638, %mul3A_1640 : vector<16x4096xf32>
    %add3A_1642 = arith.addf %add3A_1635, %mul3A_1641 : vector<16x4096xf32>
    %get3A_1643 = arith.constant 224 : index
    %get3A_1644 = arith.constant 0 : index
    %get3A_1645 = vector.load %arg33[%get3A_1643, %get3A_1644] : memref<432x4096xf32, #tpu.memory_space<vmem>>, vector<16x4096xf32>
    %slice3A_1646 = vector.extract_strided_slice %mul3A_181 {offsets = [14, 0], sizes = [1, 4096], strides = [1, 1]} : vector<16x4096xf32> to vector<1x4096xf32>
    %mul3A_1647 = vector.broadcast %slice3A_1646 : vector<1x4096xf32> to vector<16x4096xf32>
    %mul3A_1648 = arith.mulf %get3A_1645, %mul3A_1647 : vector<16x4096xf32>
    %add3A_1649 = arith.addf %add3A_1642, %mul3A_1648 : vector<16x4096xf32>
    %get3A_1650 = arith.constant 240 : index
    %get3A_1651 = arith.constant 0 : index
    %get3A_1652 = vector.load %arg33[%get3A_1650, %get3A_1651] : memref<432x4096xf32, #tpu.memory_space<vmem>>, vector<16x4096xf32>
    %slice3A_1653 = vector.extract_strided_slice %mul3A_181 {offsets = [15, 0], sizes = [1, 4096], strides = [1, 1]} : vector<16x4096xf32> to vector<1x4096xf32>
    %mul3A_1654 = vector.broadcast %slice3A_1653 : vector<1x4096xf32> to vector<16x4096xf32>
    %mul3A_1655 = arith.mulf %get3A_1652, %mul3A_1654 : vector<16x4096xf32>
    %add3A_1656 = arith.addf %add3A_1649, %mul3A_1655 : vector<16x4096xf32>
    %get3A_1657 = arith.constant 256 : index
    %get3A_1658 = arith.constant 0 : index
    %get3A_1659 = vector.load %arg33[%get3A_1657, %get3A_1658] : memref<432x4096xf32, #tpu.memory_space<vmem>>, vector<16x4096xf32>
    %mul3A_1660 = vector.broadcast %mul3A_189 : vector<1x4096xf32> to vector<16x4096xf32>
    %mul3A_1661 = arith.mulf %get3A_1659, %mul3A_1660 : vector<16x4096xf32>
    %add3A_1662 = arith.constant 0.000000e+00 : f32
    %add3A_1663 = vector.broadcast %add3A_1662 : f32 to vector<16x4096xf32>
    %add3A_1664 = arith.addf %add3A_1663, %mul3A_1661 : vector<16x4096xf32>
    %get3A_1665 = arith.constant 272 : index
    %get3A_1666 = arith.constant 0 : index
    %get3A_1667 = vector.load %arg33[%get3A_1665, %get3A_1666] : memref<432x4096xf32, #tpu.memory_space<vmem>>, vector<16x4096xf32>
    %mul3A_1668 = vector.broadcast %mul3A_197 : vector<1x4096xf32> to vector<16x4096xf32>
    %mul3A_1669 = arith.mulf %get3A_1667, %mul3A_1668 : vector<16x4096xf32>
    %add3A_1670 = arith.addf %add3A_1664, %mul3A_1669 : vector<16x4096xf32>
    %get3A_1671 = arith.constant 288 : index
    %get3A_1672 = arith.constant 0 : index
    %get3A_1673 = vector.load %arg33[%get3A_1671, %get3A_1672] : memref<432x4096xf32, #tpu.memory_space<vmem>>, vector<16x4096xf32>
    %mul3A_1674 = vector.broadcast %mul3A_205 : vector<1x4096xf32> to vector<16x4096xf32>
    %mul3A_1675 = arith.mulf %get3A_1673, %mul3A_1674 : vector<16x4096xf32>
    %add3A_1676 = arith.addf %add3A_1670, %mul3A_1675 : vector<16x4096xf32>
    %get3A_1677 = arith.constant 304 : index
    %get3A_1678 = arith.constant 0 : index
    %get3A_1679 = vector.load %arg33[%get3A_1677, %get3A_1678] : memref<432x4096xf32, #tpu.memory_space<vmem>>, vector<16x4096xf32>
    %mul3A_1680 = vector.broadcast %mul3A_213 : vector<1x4096xf32> to vector<16x4096xf32>
    %mul3A_1681 = arith.mulf %get3A_1679, %mul3A_1680 : vector<16x4096xf32>
    %add3A_1682 = arith.addf %add3A_1676, %mul3A_1681 : vector<16x4096xf32>
    %add3A_1683 = arith.addf %add3A_1656, %add3A_1682 : vector<16x4096xf32>
    %mul3A_1684 = arith.constant 0.223606795 : f32
    %mul3A_1685 = vector.broadcast %mul3A_1684 : f32 to vector<16x4096xf32>
    %mul3A_1686 = arith.mulf %add3A_1683, %mul3A_1685 : vector<16x4096xf32>
    %get3A_1687 = arith.constant 320 : index
    %get3A_1688 = arith.constant 0 : index
    %get3A_1689 = vector.load %arg33[%get3A_1687, %get3A_1688] : memref<432x4096xf32, #tpu.memory_space<vmem>>, vector<1x4096xf32>
    %slice3A_1690 = vector.extract_strided_slice %get3A_143 {offsets = [0, 0], sizes = [1, 4096], strides = [1, 1]} : vector<16x4096xf32> to vector<1x4096xf32>
    %mul3A_1691 = arith.mulf %get3A_1689, %slice3A_1690 : vector<1x4096xf32>
    %add3A_1692 = arith.constant 0.000000e+00 : f32
    %add3A_1693 = vector.broadcast %add3A_1692 : f32 to vector<1x4096xf32>
    %add3A_1694 = arith.addf %add3A_1693, %mul3A_1691 : vector<1x4096xf32>
    %get3A_1695 = arith.constant 324 : index
    %get3A_1696 = arith.constant 0 : index
    %get3A_1697 = vector.load %arg33[%get3A_1695, %get3A_1696] : memref<432x4096xf32, #tpu.memory_space<vmem>>, vector<1x4096xf32>
    %slice3A_1698 = vector.extract_strided_slice %get3A_143 {offsets = [1, 0], sizes = [1, 4096], strides = [1, 1]} : vector<16x4096xf32> to vector<1x4096xf32>
    %mul3A_1699 = arith.mulf %get3A_1697, %slice3A_1698 : vector<1x4096xf32>
    %add3A_1700 = arith.addf %add3A_1694, %mul3A_1699 : vector<1x4096xf32>
    %get3A_1701 = arith.constant 328 : index
    %get3A_1702 = arith.constant 0 : index
    %get3A_1703 = vector.load %arg33[%get3A_1701, %get3A_1702] : memref<432x4096xf32, #tpu.memory_space<vmem>>, vector<1x4096xf32>
    %slice3A_1704 = vector.extract_strided_slice %get3A_143 {offsets = [2, 0], sizes = [1, 4096], strides = [1, 1]} : vector<16x4096xf32> to vector<1x4096xf32>
    %mul3A_1705 = arith.mulf %get3A_1703, %slice3A_1704 : vector<1x4096xf32>
    %add3A_1706 = arith.addf %add3A_1700, %mul3A_1705 : vector<1x4096xf32>
    %get3A_1707 = arith.constant 332 : index
    %get3A_1708 = arith.constant 0 : index
    %get3A_1709 = vector.load %arg33[%get3A_1707, %get3A_1708] : memref<432x4096xf32, #tpu.memory_space<vmem>>, vector<1x4096xf32>
    %slice3A_1710 = vector.extract_strided_slice %get3A_143 {offsets = [3, 0], sizes = [1, 4096], strides = [1, 1]} : vector<16x4096xf32> to vector<1x4096xf32>
    %mul3A_1711 = arith.mulf %get3A_1709, %slice3A_1710 : vector<1x4096xf32>
    %add3A_1712 = arith.addf %add3A_1706, %mul3A_1711 : vector<1x4096xf32>
    %get3A_1713 = arith.constant 336 : index
    %get3A_1714 = arith.constant 0 : index
    %get3A_1715 = vector.load %arg33[%get3A_1713, %get3A_1714] : memref<432x4096xf32, #tpu.memory_space<vmem>>, vector<1x4096xf32>
    %slice3A_1716 = vector.extract_strided_slice %get3A_143 {offsets = [4, 0], sizes = [1, 4096], strides = [1, 1]} : vector<16x4096xf32> to vector<1x4096xf32>
    %mul3A_1717 = arith.mulf %get3A_1715, %slice3A_1716 : vector<1x4096xf32>
    %add3A_1718 = arith.addf %add3A_1712, %mul3A_1717 : vector<1x4096xf32>
    %get3A_1719 = arith.constant 340 : index
    %get3A_1720 = arith.constant 0 : index
    %get3A_1721 = vector.load %arg33[%get3A_1719, %get3A_1720] : memref<432x4096xf32, #tpu.memory_space<vmem>>, vector<1x4096xf32>
    %slice3A_1722 = vector.extract_strided_slice %get3A_143 {offsets = [5, 0], sizes = [1, 4096], strides = [1, 1]} : vector<16x4096xf32> to vector<1x4096xf32>
    %mul3A_1723 = arith.mulf %get3A_1721, %slice3A_1722 : vector<1x4096xf32>
    %add3A_1724 = arith.addf %add3A_1718, %mul3A_1723 : vector<1x4096xf32>
    %get3A_1725 = arith.constant 344 : index
    %get3A_1726 = arith.constant 0 : index
    %get3A_1727 = vector.load %arg33[%get3A_1725, %get3A_1726] : memref<432x4096xf32, #tpu.memory_space<vmem>>, vector<1x4096xf32>
    %slice3A_1728 = vector.extract_strided_slice %get3A_143 {offsets = [6, 0], sizes = [1, 4096], strides = [1, 1]} : vector<16x4096xf32> to vector<1x4096xf32>
    %mul3A_1729 = arith.mulf %get3A_1727, %slice3A_1728 : vector<1x4096xf32>
    %add3A_1730 = arith.addf %add3A_1724, %mul3A_1729 : vector<1x4096xf32>
    %get3A_1731 = arith.constant 348 : index
    %get3A_1732 = arith.constant 0 : index
    %get3A_1733 = vector.load %arg33[%get3A_1731, %get3A_1732] : memref<432x4096xf32, #tpu.memory_space<vmem>>, vector<1x4096xf32>
    %slice3A_1734 = vector.extract_strided_slice %get3A_143 {offsets = [7, 0], sizes = [1, 4096], strides = [1, 1]} : vector<16x4096xf32> to vector<1x4096xf32>
    %mul3A_1735 = arith.mulf %get3A_1733, %slice3A_1734 : vector<1x4096xf32>
    %add3A_1736 = arith.addf %add3A_1730, %mul3A_1735 : vector<1x4096xf32>
    %get3A_1737 = arith.constant 352 : index
    %get3A_1738 = arith.constant 0 : index
    %get3A_1739 = vector.load %arg33[%get3A_1737, %get3A_1738] : memref<432x4096xf32, #tpu.memory_space<vmem>>, vector<1x4096xf32>
    %slice3A_1740 = vector.extract_strided_slice %get3A_143 {offsets = [8, 0], sizes = [1, 4096], strides = [1, 1]} : vector<16x4096xf32> to vector<1x4096xf32>
    %mul3A_1741 = arith.mulf %get3A_1739, %slice3A_1740 : vector<1x4096xf32>
    %add3A_1742 = arith.addf %add3A_1736, %mul3A_1741 : vector<1x4096xf32>
    %get3A_1743 = arith.constant 356 : index
    %get3A_1744 = arith.constant 0 : index
    %get3A_1745 = vector.load %arg33[%get3A_1743, %get3A_1744] : memref<432x4096xf32, #tpu.memory_space<vmem>>, vector<1x4096xf32>
    %slice3A_1746 = vector.extract_strided_slice %get3A_143 {offsets = [9, 0], sizes = [1, 4096], strides = [1, 1]} : vector<16x4096xf32> to vector<1x4096xf32>
    %mul3A_1747 = arith.mulf %get3A_1745, %slice3A_1746 : vector<1x4096xf32>
    %add3A_1748 = arith.addf %add3A_1742, %mul3A_1747 : vector<1x4096xf32>
    %get3A_1749 = arith.constant 360 : index
    %get3A_1750 = arith.constant 0 : index
    %get3A_1751 = vector.load %arg33[%get3A_1749, %get3A_1750] : memref<432x4096xf32, #tpu.memory_space<vmem>>, vector<1x4096xf32>
    %slice3A_1752 = vector.extract_strided_slice %get3A_143 {offsets = [10, 0], sizes = [1, 4096], strides = [1, 1]} : vector<16x4096xf32> to vector<1x4096xf32>
    %mul3A_1753 = arith.mulf %get3A_1751, %slice3A_1752 : vector<1x4096xf32>
    %add3A_1754 = arith.addf %add3A_1748, %mul3A_1753 : vector<1x4096xf32>
    %get3A_1755 = arith.constant 364 : index
    %get3A_1756 = arith.constant 0 : index
    %get3A_1757 = vector.load %arg33[%get3A_1755, %get3A_1756] : memref<432x4096xf32, #tpu.memory_space<vmem>>, vector<1x4096xf32>
    %slice3A_1758 = vector.extract_strided_slice %get3A_143 {offsets = [11, 0], sizes = [1, 4096], strides = [1, 1]} : vector<16x4096xf32> to vector<1x4096xf32>
    %mul3A_1759 = arith.mulf %get3A_1757, %slice3A_1758 : vector<1x4096xf32>
    %add3A_1760 = arith.addf %add3A_1754, %mul3A_1759 : vector<1x4096xf32>
    %get3A_1761 = arith.constant 368 : index
    %get3A_1762 = arith.constant 0 : index
    %get3A_1763 = vector.load %arg33[%get3A_1761, %get3A_1762] : memref<432x4096xf32, #tpu.memory_space<vmem>>, vector<1x4096xf32>
    %slice3A_1764 = vector.extract_strided_slice %get3A_143 {offsets = [12, 0], sizes = [1, 4096], strides = [1, 1]} : vector<16x4096xf32> to vector<1x4096xf32>
    %mul3A_1765 = arith.mulf %get3A_1763, %slice3A_1764 : vector<1x4096xf32>
    %add3A_1766 = arith.addf %add3A_1760, %mul3A_1765 : vector<1x4096xf32>
    %get3A_1767 = arith.constant 372 : index
    %get3A_1768 = arith.constant 0 : index
    %get3A_1769 = vector.load %arg33[%get3A_1767, %get3A_1768] : memref<432x4096xf32, #tpu.memory_space<vmem>>, vector<1x4096xf32>
    %slice3A_1770 = vector.extract_strided_slice %get3A_143 {offsets = [13, 0], sizes = [1, 4096], strides = [1, 1]} : vector<16x4096xf32> to vector<1x4096xf32>
    %mul3A_1771 = arith.mulf %get3A_1769, %slice3A_1770 : vector<1x4096xf32>
    %add3A_1772 = arith.addf %add3A_1766, %mul3A_1771 : vector<1x4096xf32>
    %get3A_1773 = arith.constant 376 : index
    %get3A_1774 = arith.constant 0 : index
    %get3A_1775 = vector.load %arg33[%get3A_1773, %get3A_1774] : memref<432x4096xf32, #tpu.memory_space<vmem>>, vector<1x4096xf32>
    %slice3A_1776 = vector.extract_strided_slice %get3A_143 {offsets = [14, 0], sizes = [1, 4096], strides = [1, 1]} : vector<16x4096xf32> to vector<1x4096xf32>
    %mul3A_1777 = arith.mulf %get3A_1775, %slice3A_1776 : vector<1x4096xf32>
    %add3A_1778 = arith.addf %add3A_1772, %mul3A_1777 : vector<1x4096xf32>
    %get3A_1779 = arith.constant 380 : index
    %get3A_1780 = arith.constant 0 : index
    %get3A_1781 = vector.load %arg33[%get3A_1779, %get3A_1780] : memref<432x4096xf32, #tpu.memory_space<vmem>>, vector<1x4096xf32>
    %slice3A_1782 = vector.extract_strided_slice %get3A_143 {offsets = [15, 0], sizes = [1, 4096], strides = [1, 1]} : vector<16x4096xf32> to vector<1x4096xf32>
    %mul3A_1783 = arith.mulf %get3A_1781, %slice3A_1782 : vector<1x4096xf32>
    %add3A_1784 = arith.addf %add3A_1778, %mul3A_1783 : vector<1x4096xf32>
    %get3A_1785 = arith.constant 321 : index
    %get3A_1786 = arith.constant 0 : index
    %get3A_1787 = vector.load %arg33[%get3A_1785, %get3A_1786] : memref<432x4096xf32, #tpu.memory_space<vmem>>, vector<1x4096xf32>
    %slice3A_1788 = vector.extract_strided_slice %get3A_143 {offsets = [0, 0], sizes = [1, 4096], strides = [1, 1]} : vector<16x4096xf32> to vector<1x4096xf32>
    %mul3A_1789 = arith.mulf %get3A_1787, %slice3A_1788 : vector<1x4096xf32>
    %add3A_1790 = arith.constant 0.000000e+00 : f32
    %add3A_1791 = vector.broadcast %add3A_1790 : f32 to vector<1x4096xf32>
    %add3A_1792 = arith.addf %add3A_1791, %mul3A_1789 : vector<1x4096xf32>
    %get3A_1793 = arith.constant 325 : index
    %get3A_1794 = arith.constant 0 : index
    %get3A_1795 = vector.load %arg33[%get3A_1793, %get3A_1794] : memref<432x4096xf32, #tpu.memory_space<vmem>>, vector<1x4096xf32>
    %slice3A_1796 = vector.extract_strided_slice %get3A_143 {offsets = [1, 0], sizes = [1, 4096], strides = [1, 1]} : vector<16x4096xf32> to vector<1x4096xf32>
    %mul3A_1797 = arith.mulf %get3A_1795, %slice3A_1796 : vector<1x4096xf32>
    %add3A_1798 = arith.addf %add3A_1792, %mul3A_1797 : vector<1x4096xf32>
    %get3A_1799 = arith.constant 329 : index
    %get3A_1800 = arith.constant 0 : index
    %get3A_1801 = vector.load %arg33[%get3A_1799, %get3A_1800] : memref<432x4096xf32, #tpu.memory_space<vmem>>, vector<1x4096xf32>
    %slice3A_1802 = vector.extract_strided_slice %get3A_143 {offsets = [2, 0], sizes = [1, 4096], strides = [1, 1]} : vector<16x4096xf32> to vector<1x4096xf32>
    %mul3A_1803 = arith.mulf %get3A_1801, %slice3A_1802 : vector<1x4096xf32>
    %add3A_1804 = arith.addf %add3A_1798, %mul3A_1803 : vector<1x4096xf32>
    %get3A_1805 = arith.constant 333 : index
    %get3A_1806 = arith.constant 0 : index
    %get3A_1807 = vector.load %arg33[%get3A_1805, %get3A_1806] : memref<432x4096xf32, #tpu.memory_space<vmem>>, vector<1x4096xf32>
    %slice3A_1808 = vector.extract_strided_slice %get3A_143 {offsets = [3, 0], sizes = [1, 4096], strides = [1, 1]} : vector<16x4096xf32> to vector<1x4096xf32>
    %mul3A_1809 = arith.mulf %get3A_1807, %slice3A_1808 : vector<1x4096xf32>
    %add3A_1810 = arith.addf %add3A_1804, %mul3A_1809 : vector<1x4096xf32>
    %get3A_1811 = arith.constant 337 : index
    %get3A_1812 = arith.constant 0 : index
    %get3A_1813 = vector.load %arg33[%get3A_1811, %get3A_1812] : memref<432x4096xf32, #tpu.memory_space<vmem>>, vector<1x4096xf32>
    %slice3A_1814 = vector.extract_strided_slice %get3A_143 {offsets = [4, 0], sizes = [1, 4096], strides = [1, 1]} : vector<16x4096xf32> to vector<1x4096xf32>
    %mul3A_1815 = arith.mulf %get3A_1813, %slice3A_1814 : vector<1x4096xf32>
    %add3A_1816 = arith.addf %add3A_1810, %mul3A_1815 : vector<1x4096xf32>
    %get3A_1817 = arith.constant 341 : index
    %get3A_1818 = arith.constant 0 : index
    %get3A_1819 = vector.load %arg33[%get3A_1817, %get3A_1818] : memref<432x4096xf32, #tpu.memory_space<vmem>>, vector<1x4096xf32>
    %slice3A_1820 = vector.extract_strided_slice %get3A_143 {offsets = [5, 0], sizes = [1, 4096], strides = [1, 1]} : vector<16x4096xf32> to vector<1x4096xf32>
    %mul3A_1821 = arith.mulf %get3A_1819, %slice3A_1820 : vector<1x4096xf32>
    %add3A_1822 = arith.addf %add3A_1816, %mul3A_1821 : vector<1x4096xf32>
    %get3A_1823 = arith.constant 345 : index
    %get3A_1824 = arith.constant 0 : index
    %get3A_1825 = vector.load %arg33[%get3A_1823, %get3A_1824] : memref<432x4096xf32, #tpu.memory_space<vmem>>, vector<1x4096xf32>
    %slice3A_1826 = vector.extract_strided_slice %get3A_143 {offsets = [6, 0], sizes = [1, 4096], strides = [1, 1]} : vector<16x4096xf32> to vector<1x4096xf32>
    %mul3A_1827 = arith.mulf %get3A_1825, %slice3A_1826 : vector<1x4096xf32>
    %add3A_1828 = arith.addf %add3A_1822, %mul3A_1827 : vector<1x4096xf32>
    %get3A_1829 = arith.constant 349 : index
    %get3A_1830 = arith.constant 0 : index
    %get3A_1831 = vector.load %arg33[%get3A_1829, %get3A_1830] : memref<432x4096xf32, #tpu.memory_space<vmem>>, vector<1x4096xf32>
    %slice3A_1832 = vector.extract_strided_slice %get3A_143 {offsets = [7, 0], sizes = [1, 4096], strides = [1, 1]} : vector<16x4096xf32> to vector<1x4096xf32>
    %mul3A_1833 = arith.mulf %get3A_1831, %slice3A_1832 : vector<1x4096xf32>
    %add3A_1834 = arith.addf %add3A_1828, %mul3A_1833 : vector<1x4096xf32>
    %get3A_1835 = arith.constant 353 : index
    %get3A_1836 = arith.constant 0 : index
    %get3A_1837 = vector.load %arg33[%get3A_1835, %get3A_1836] : memref<432x4096xf32, #tpu.memory_space<vmem>>, vector<1x4096xf32>
    %slice3A_1838 = vector.extract_strided_slice %get3A_143 {offsets = [8, 0], sizes = [1, 4096], strides = [1, 1]} : vector<16x4096xf32> to vector<1x4096xf32>
    %mul3A_1839 = arith.mulf %get3A_1837, %slice3A_1838 : vector<1x4096xf32>
    %add3A_1840 = arith.addf %add3A_1834, %mul3A_1839 : vector<1x4096xf32>
    %get3A_1841 = arith.constant 357 : index
    %get3A_1842 = arith.constant 0 : index
    %get3A_1843 = vector.load %arg33[%get3A_1841, %get3A_1842] : memref<432x4096xf32, #tpu.memory_space<vmem>>, vector<1x4096xf32>
    %slice3A_1844 = vector.extract_strided_slice %get3A_143 {offsets = [9, 0], sizes = [1, 4096], strides = [1, 1]} : vector<16x4096xf32> to vector<1x4096xf32>
    %mul3A_1845 = arith.mulf %get3A_1843, %slice3A_1844 : vector<1x4096xf32>
    %add3A_1846 = arith.addf %add3A_1840, %mul3A_1845 : vector<1x4096xf32>
    %get3A_1847 = arith.constant 361 : index
    %get3A_1848 = arith.constant 0 : index
    %get3A_1849 = vector.load %arg33[%get3A_1847, %get3A_1848] : memref<432x4096xf32, #tpu.memory_space<vmem>>, vector<1x4096xf32>
    %slice3A_1850 = vector.extract_strided_slice %get3A_143 {offsets = [10, 0], sizes = [1, 4096], strides = [1, 1]} : vector<16x4096xf32> to vector<1x4096xf32>
    %mul3A_1851 = arith.mulf %get3A_1849, %slice3A_1850 : vector<1x4096xf32>
    %add3A_1852 = arith.addf %add3A_1846, %mul3A_1851 : vector<1x4096xf32>
    %get3A_1853 = arith.constant 365 : index
    %get3A_1854 = arith.constant 0 : index
    %get3A_1855 = vector.load %arg33[%get3A_1853, %get3A_1854] : memref<432x4096xf32, #tpu.memory_space<vmem>>, vector<1x4096xf32>
    %slice3A_1856 = vector.extract_strided_slice %get3A_143 {offsets = [11, 0], sizes = [1, 4096], strides = [1, 1]} : vector<16x4096xf32> to vector<1x4096xf32>
    %mul3A_1857 = arith.mulf %get3A_1855, %slice3A_1856 : vector<1x4096xf32>
    %add3A_1858 = arith.addf %add3A_1852, %mul3A_1857 : vector<1x4096xf32>
    %get3A_1859 = arith.constant 369 : index
    %get3A_1860 = arith.constant 0 : index
    %get3A_1861 = vector.load %arg33[%get3A_1859, %get3A_1860] : memref<432x4096xf32, #tpu.memory_space<vmem>>, vector<1x4096xf32>
    %slice3A_1862 = vector.extract_strided_slice %get3A_143 {offsets = [12, 0], sizes = [1, 4096], strides = [1, 1]} : vector<16x4096xf32> to vector<1x4096xf32>
    %mul3A_1863 = arith.mulf %get3A_1861, %slice3A_1862 : vector<1x4096xf32>
    %add3A_1864 = arith.addf %add3A_1858, %mul3A_1863 : vector<1x4096xf32>
    %get3A_1865 = arith.constant 373 : index
    %get3A_1866 = arith.constant 0 : index
    %get3A_1867 = vector.load %arg33[%get3A_1865, %get3A_1866] : memref<432x4096xf32, #tpu.memory_space<vmem>>, vector<1x4096xf32>
    %slice3A_1868 = vector.extract_strided_slice %get3A_143 {offsets = [13, 0], sizes = [1, 4096], strides = [1, 1]} : vector<16x4096xf32> to vector<1x4096xf32>
    %mul3A_1869 = arith.mulf %get3A_1867, %slice3A_1868 : vector<1x4096xf32>
    %add3A_1870 = arith.addf %add3A_1864, %mul3A_1869 : vector<1x4096xf32>
    %get3A_1871 = arith.constant 377 : index
    %get3A_1872 = arith.constant 0 : index
    %get3A_1873 = vector.load %arg33[%get3A_1871, %get3A_1872] : memref<432x4096xf32, #tpu.memory_space<vmem>>, vector<1x4096xf32>
    %slice3A_1874 = vector.extract_strided_slice %get3A_143 {offsets = [14, 0], sizes = [1, 4096], strides = [1, 1]} : vector<16x4096xf32> to vector<1x4096xf32>
    %mul3A_1875 = arith.mulf %get3A_1873, %slice3A_1874 : vector<1x4096xf32>
    %add3A_1876 = arith.addf %add3A_1870, %mul3A_1875 : vector<1x4096xf32>
    %get3A_1877 = arith.constant 381 : index
    %get3A_1878 = arith.constant 0 : index
    %get3A_1879 = vector.load %arg33[%get3A_1877, %get3A_1878] : memref<432x4096xf32, #tpu.memory_space<vmem>>, vector<1x4096xf32>
    %slice3A_1880 = vector.extract_strided_slice %get3A_143 {offsets = [15, 0], sizes = [1, 4096], strides = [1, 1]} : vector<16x4096xf32> to vector<1x4096xf32>
    %mul3A_1881 = arith.mulf %get3A_1879, %slice3A_1880 : vector<1x4096xf32>
    %add3A_1882 = arith.addf %add3A_1876, %mul3A_1881 : vector<1x4096xf32>
    %get3A_1883 = arith.constant 322 : index
    %get3A_1884 = arith.constant 0 : index
    %get3A_1885 = vector.load %arg33[%get3A_1883, %get3A_1884] : memref<432x4096xf32, #tpu.memory_space<vmem>>, vector<1x4096xf32>
    %slice3A_1886 = vector.extract_strided_slice %get3A_143 {offsets = [0, 0], sizes = [1, 4096], strides = [1, 1]} : vector<16x4096xf32> to vector<1x4096xf32>
    %mul3A_1887 = arith.mulf %get3A_1885, %slice3A_1886 : vector<1x4096xf32>
    %add3A_1888 = arith.constant 0.000000e+00 : f32
    %add3A_1889 = vector.broadcast %add3A_1888 : f32 to vector<1x4096xf32>
    %add3A_1890 = arith.addf %add3A_1889, %mul3A_1887 : vector<1x4096xf32>
    %get3A_1891 = arith.constant 326 : index
    %get3A_1892 = arith.constant 0 : index
    %get3A_1893 = vector.load %arg33[%get3A_1891, %get3A_1892] : memref<432x4096xf32, #tpu.memory_space<vmem>>, vector<1x4096xf32>
    %slice3A_1894 = vector.extract_strided_slice %get3A_143 {offsets = [1, 0], sizes = [1, 4096], strides = [1, 1]} : vector<16x4096xf32> to vector<1x4096xf32>
    %mul3A_1895 = arith.mulf %get3A_1893, %slice3A_1894 : vector<1x4096xf32>
    %add3A_1896 = arith.addf %add3A_1890, %mul3A_1895 : vector<1x4096xf32>
    %get3A_1897 = arith.constant 330 : index
    %get3A_1898 = arith.constant 0 : index
    %get3A_1899 = vector.load %arg33[%get3A_1897, %get3A_1898] : memref<432x4096xf32, #tpu.memory_space<vmem>>, vector<1x4096xf32>
    %slice3A_1900 = vector.extract_strided_slice %get3A_143 {offsets = [2, 0], sizes = [1, 4096], strides = [1, 1]} : vector<16x4096xf32> to vector<1x4096xf32>
    %mul3A_1901 = arith.mulf %get3A_1899, %slice3A_1900 : vector<1x4096xf32>
    %add3A_1902 = arith.addf %add3A_1896, %mul3A_1901 : vector<1x4096xf32>
    %get3A_1903 = arith.constant 334 : index
    %get3A_1904 = arith.constant 0 : index
    %get3A_1905 = vector.load %arg33[%get3A_1903, %get3A_1904] : memref<432x4096xf32, #tpu.memory_space<vmem>>, vector<1x4096xf32>
    %slice3A_1906 = vector.extract_strided_slice %get3A_143 {offsets = [3, 0], sizes = [1, 4096], strides = [1, 1]} : vector<16x4096xf32> to vector<1x4096xf32>
    %mul3A_1907 = arith.mulf %get3A_1905, %slice3A_1906 : vector<1x4096xf32>
    %add3A_1908 = arith.addf %add3A_1902, %mul3A_1907 : vector<1x4096xf32>
    %get3A_1909 = arith.constant 338 : index
    %get3A_1910 = arith.constant 0 : index
    %get3A_1911 = vector.load %arg33[%get3A_1909, %get3A_1910] : memref<432x4096xf32, #tpu.memory_space<vmem>>, vector<1x4096xf32>
    %slice3A_1912 = vector.extract_strided_slice %get3A_143 {offsets = [4, 0], sizes = [1, 4096], strides = [1, 1]} : vector<16x4096xf32> to vector<1x4096xf32>
    %mul3A_1913 = arith.mulf %get3A_1911, %slice3A_1912 : vector<1x4096xf32>
    %add3A_1914 = arith.addf %add3A_1908, %mul3A_1913 : vector<1x4096xf32>
    %get3A_1915 = arith.constant 342 : index
    %get3A_1916 = arith.constant 0 : index
    %get3A_1917 = vector.load %arg33[%get3A_1915, %get3A_1916] : memref<432x4096xf32, #tpu.memory_space<vmem>>, vector<1x4096xf32>
    %slice3A_1918 = vector.extract_strided_slice %get3A_143 {offsets = [5, 0], sizes = [1, 4096], strides = [1, 1]} : vector<16x4096xf32> to vector<1x4096xf32>
    %mul3A_1919 = arith.mulf %get3A_1917, %slice3A_1918 : vector<1x4096xf32>
    %add3A_1920 = arith.addf %add3A_1914, %mul3A_1919 : vector<1x4096xf32>
    %get3A_1921 = arith.constant 346 : index
    %get3A_1922 = arith.constant 0 : index
    %get3A_1923 = vector.load %arg33[%get3A_1921, %get3A_1922] : memref<432x4096xf32, #tpu.memory_space<vmem>>, vector<1x4096xf32>
    %slice3A_1924 = vector.extract_strided_slice %get3A_143 {offsets = [6, 0], sizes = [1, 4096], strides = [1, 1]} : vector<16x4096xf32> to vector<1x4096xf32>
    %mul3A_1925 = arith.mulf %get3A_1923, %slice3A_1924 : vector<1x4096xf32>
    %add3A_1926 = arith.addf %add3A_1920, %mul3A_1925 : vector<1x4096xf32>
    %get3A_1927 = arith.constant 350 : index
    %get3A_1928 = arith.constant 0 : index
    %get3A_1929 = vector.load %arg33[%get3A_1927, %get3A_1928] : memref<432x4096xf32, #tpu.memory_space<vmem>>, vector<1x4096xf32>
    %slice3A_1930 = vector.extract_strided_slice %get3A_143 {offsets = [7, 0], sizes = [1, 4096], strides = [1, 1]} : vector<16x4096xf32> to vector<1x4096xf32>
    %mul3A_1931 = arith.mulf %get3A_1929, %slice3A_1930 : vector<1x4096xf32>
    %add3A_1932 = arith.addf %add3A_1926, %mul3A_1931 : vector<1x4096xf32>
    %get3A_1933 = arith.constant 354 : index
    %get3A_1934 = arith.constant 0 : index
    %get3A_1935 = vector.load %arg33[%get3A_1933, %get3A_1934] : memref<432x4096xf32, #tpu.memory_space<vmem>>, vector<1x4096xf32>
    %slice3A_1936 = vector.extract_strided_slice %get3A_143 {offsets = [8, 0], sizes = [1, 4096], strides = [1, 1]} : vector<16x4096xf32> to vector<1x4096xf32>
    %mul3A_1937 = arith.mulf %get3A_1935, %slice3A_1936 : vector<1x4096xf32>
    %add3A_1938 = arith.addf %add3A_1932, %mul3A_1937 : vector<1x4096xf32>
    %get3A_1939 = arith.constant 358 : index
    %get3A_1940 = arith.constant 0 : index
    %get3A_1941 = vector.load %arg33[%get3A_1939, %get3A_1940] : memref<432x4096xf32, #tpu.memory_space<vmem>>, vector<1x4096xf32>
    %slice3A_1942 = vector.extract_strided_slice %get3A_143 {offsets = [9, 0], sizes = [1, 4096], strides = [1, 1]} : vector<16x4096xf32> to vector<1x4096xf32>
    %mul3A_1943 = arith.mulf %get3A_1941, %slice3A_1942 : vector<1x4096xf32>
    %add3A_1944 = arith.addf %add3A_1938, %mul3A_1943 : vector<1x4096xf32>
    %get3A_1945 = arith.constant 362 : index
    %get3A_1946 = arith.constant 0 : index
    %get3A_1947 = vector.load %arg33[%get3A_1945, %get3A_1946] : memref<432x4096xf32, #tpu.memory_space<vmem>>, vector<1x4096xf32>
    %slice3A_1948 = vector.extract_strided_slice %get3A_143 {offsets = [10, 0], sizes = [1, 4096], strides = [1, 1]} : vector<16x4096xf32> to vector<1x4096xf32>
    %mul3A_1949 = arith.mulf %get3A_1947, %slice3A_1948 : vector<1x4096xf32>
    %add3A_1950 = arith.addf %add3A_1944, %mul3A_1949 : vector<1x4096xf32>
    %get3A_1951 = arith.constant 366 : index
    %get3A_1952 = arith.constant 0 : index
    %get3A_1953 = vector.load %arg33[%get3A_1951, %get3A_1952] : memref<432x4096xf32, #tpu.memory_space<vmem>>, vector<1x4096xf32>
    %slice3A_1954 = vector.extract_strided_slice %get3A_143 {offsets = [11, 0], sizes = [1, 4096], strides = [1, 1]} : vector<16x4096xf32> to vector<1x4096xf32>
    %mul3A_1955 = arith.mulf %get3A_1953, %slice3A_1954 : vector<1x4096xf32>
    %add3A_1956 = arith.addf %add3A_1950, %mul3A_1955 : vector<1x4096xf32>
    %get3A_1957 = arith.constant 370 : index
    %get3A_1958 = arith.constant 0 : index
    %get3A_1959 = vector.load %arg33[%get3A_1957, %get3A_1958] : memref<432x4096xf32, #tpu.memory_space<vmem>>, vector<1x4096xf32>
    %slice3A_1960 = vector.extract_strided_slice %get3A_143 {offsets = [12, 0], sizes = [1, 4096], strides = [1, 1]} : vector<16x4096xf32> to vector<1x4096xf32>
    %mul3A_1961 = arith.mulf %get3A_1959, %slice3A_1960 : vector<1x4096xf32>
    %add3A_1962 = arith.addf %add3A_1956, %mul3A_1961 : vector<1x4096xf32>
    %get3A_1963 = arith.constant 374 : index
    %get3A_1964 = arith.constant 0 : index
    %get3A_1965 = vector.load %arg33[%get3A_1963, %get3A_1964] : memref<432x4096xf32, #tpu.memory_space<vmem>>, vector<1x4096xf32>
    %slice3A_1966 = vector.extract_strided_slice %get3A_143 {offsets = [13, 0], sizes = [1, 4096], strides = [1, 1]} : vector<16x4096xf32> to vector<1x4096xf32>
    %mul3A_1967 = arith.mulf %get3A_1965, %slice3A_1966 : vector<1x4096xf32>
    %add3A_1968 = arith.addf %add3A_1962, %mul3A_1967 : vector<1x4096xf32>
    %get3A_1969 = arith.constant 378 : index
    %get3A_1970 = arith.constant 0 : index
    %get3A_1971 = vector.load %arg33[%get3A_1969, %get3A_1970] : memref<432x4096xf32, #tpu.memory_space<vmem>>, vector<1x4096xf32>
    %slice3A_1972 = vector.extract_strided_slice %get3A_143 {offsets = [14, 0], sizes = [1, 4096], strides = [1, 1]} : vector<16x4096xf32> to vector<1x4096xf32>
    %mul3A_1973 = arith.mulf %get3A_1971, %slice3A_1972 : vector<1x4096xf32>
    %add3A_1974 = arith.addf %add3A_1968, %mul3A_1973 : vector<1x4096xf32>
    %get3A_1975 = arith.constant 382 : index
    %get3A_1976 = arith.constant 0 : index
    %get3A_1977 = vector.load %arg33[%get3A_1975, %get3A_1976] : memref<432x4096xf32, #tpu.memory_space<vmem>>, vector<1x4096xf32>
    %slice3A_1978 = vector.extract_strided_slice %get3A_143 {offsets = [15, 0], sizes = [1, 4096], strides = [1, 1]} : vector<16x4096xf32> to vector<1x4096xf32>
    %mul3A_1979 = arith.mulf %get3A_1977, %slice3A_1978 : vector<1x4096xf32>
    %add3A_1980 = arith.addf %add3A_1974, %mul3A_1979 : vector<1x4096xf32>
    %get3A_1981 = arith.constant 323 : index
    %get3A_1982 = arith.constant 0 : index
    %get3A_1983 = vector.load %arg33[%get3A_1981, %get3A_1982] : memref<432x4096xf32, #tpu.memory_space<vmem>>, vector<1x4096xf32>
    %slice3A_1984 = vector.extract_strided_slice %get3A_143 {offsets = [0, 0], sizes = [1, 4096], strides = [1, 1]} : vector<16x4096xf32> to vector<1x4096xf32>
    %mul3A_1985 = arith.mulf %get3A_1983, %slice3A_1984 : vector<1x4096xf32>
    %add3A_1986 = arith.constant 0.000000e+00 : f32
    %add3A_1987 = vector.broadcast %add3A_1986 : f32 to vector<1x4096xf32>
    %add3A_1988 = arith.addf %add3A_1987, %mul3A_1985 : vector<1x4096xf32>
    %get3A_1989 = arith.constant 327 : index
    %get3A_1990 = arith.constant 0 : index
    %get3A_1991 = vector.load %arg33[%get3A_1989, %get3A_1990] : memref<432x4096xf32, #tpu.memory_space<vmem>>, vector<1x4096xf32>
    %slice3A_1992 = vector.extract_strided_slice %get3A_143 {offsets = [1, 0], sizes = [1, 4096], strides = [1, 1]} : vector<16x4096xf32> to vector<1x4096xf32>
    %mul3A_1993 = arith.mulf %get3A_1991, %slice3A_1992 : vector<1x4096xf32>
    %add3A_1994 = arith.addf %add3A_1988, %mul3A_1993 : vector<1x4096xf32>
    %get3A_1995 = arith.constant 331 : index
    %get3A_1996 = arith.constant 0 : index
    %get3A_1997 = vector.load %arg33[%get3A_1995, %get3A_1996] : memref<432x4096xf32, #tpu.memory_space<vmem>>, vector<1x4096xf32>
    %slice3A_1998 = vector.extract_strided_slice %get3A_143 {offsets = [2, 0], sizes = [1, 4096], strides = [1, 1]} : vector<16x4096xf32> to vector<1x4096xf32>
    %mul3A_1999 = arith.mulf %get3A_1997, %slice3A_1998 : vector<1x4096xf32>
    %add3A_2000 = arith.addf %add3A_1994, %mul3A_1999 : vector<1x4096xf32>
    %get3A_2001 = arith.constant 335 : index
    %get3A_2002 = arith.constant 0 : index
    %get3A_2003 = vector.load %arg33[%get3A_2001, %get3A_2002] : memref<432x4096xf32, #tpu.memory_space<vmem>>, vector<1x4096xf32>
    %slice3A_2004 = vector.extract_strided_slice %get3A_143 {offsets = [3, 0], sizes = [1, 4096], strides = [1, 1]} : vector<16x4096xf32> to vector<1x4096xf32>
    %mul3A_2005 = arith.mulf %get3A_2003, %slice3A_2004 : vector<1x4096xf32>
    %add3A_2006 = arith.addf %add3A_2000, %mul3A_2005 : vector<1x4096xf32>
    %get3A_2007 = arith.constant 339 : index
    %get3A_2008 = arith.constant 0 : index
    %get3A_2009 = vector.load %arg33[%get3A_2007, %get3A_2008] : memref<432x4096xf32, #tpu.memory_space<vmem>>, vector<1x4096xf32>
    %slice3A_2010 = vector.extract_strided_slice %get3A_143 {offsets = [4, 0], sizes = [1, 4096], strides = [1, 1]} : vector<16x4096xf32> to vector<1x4096xf32>
    %mul3A_2011 = arith.mulf %get3A_2009, %slice3A_2010 : vector<1x4096xf32>
    %add3A_2012 = arith.addf %add3A_2006, %mul3A_2011 : vector<1x4096xf32>
    %get3A_2013 = arith.constant 343 : index
    %get3A_2014 = arith.constant 0 : index
    %get3A_2015 = vector.load %arg33[%get3A_2013, %get3A_2014] : memref<432x4096xf32, #tpu.memory_space<vmem>>, vector<1x4096xf32>
    %slice3A_2016 = vector.extract_strided_slice %get3A_143 {offsets = [5, 0], sizes = [1, 4096], strides = [1, 1]} : vector<16x4096xf32> to vector<1x4096xf32>
    %mul3A_2017 = arith.mulf %get3A_2015, %slice3A_2016 : vector<1x4096xf32>
    %add3A_2018 = arith.addf %add3A_2012, %mul3A_2017 : vector<1x4096xf32>
    %get3A_2019 = arith.constant 347 : index
    %get3A_2020 = arith.constant 0 : index
    %get3A_2021 = vector.load %arg33[%get3A_2019, %get3A_2020] : memref<432x4096xf32, #tpu.memory_space<vmem>>, vector<1x4096xf32>
    %slice3A_2022 = vector.extract_strided_slice %get3A_143 {offsets = [6, 0], sizes = [1, 4096], strides = [1, 1]} : vector<16x4096xf32> to vector<1x4096xf32>
    %mul3A_2023 = arith.mulf %get3A_2021, %slice3A_2022 : vector<1x4096xf32>
    %add3A_2024 = arith.addf %add3A_2018, %mul3A_2023 : vector<1x4096xf32>
    %get3A_2025 = arith.constant 351 : index
    %get3A_2026 = arith.constant 0 : index
    %get3A_2027 = vector.load %arg33[%get3A_2025, %get3A_2026] : memref<432x4096xf32, #tpu.memory_space<vmem>>, vector<1x4096xf32>
    %slice3A_2028 = vector.extract_strided_slice %get3A_143 {offsets = [7, 0], sizes = [1, 4096], strides = [1, 1]} : vector<16x4096xf32> to vector<1x4096xf32>
    %mul3A_2029 = arith.mulf %get3A_2027, %slice3A_2028 : vector<1x4096xf32>
    %add3A_2030 = arith.addf %add3A_2024, %mul3A_2029 : vector<1x4096xf32>
    %get3A_2031 = arith.constant 355 : index
    %get3A_2032 = arith.constant 0 : index
    %get3A_2033 = vector.load %arg33[%get3A_2031, %get3A_2032] : memref<432x4096xf32, #tpu.memory_space<vmem>>, vector<1x4096xf32>
    %slice3A_2034 = vector.extract_strided_slice %get3A_143 {offsets = [8, 0], sizes = [1, 4096], strides = [1, 1]} : vector<16x4096xf32> to vector<1x4096xf32>
    %mul3A_2035 = arith.mulf %get3A_2033, %slice3A_2034 : vector<1x4096xf32>
    %add3A_2036 = arith.addf %add3A_2030, %mul3A_2035 : vector<1x4096xf32>
    %get3A_2037 = arith.constant 359 : index
    %get3A_2038 = arith.constant 0 : index
    %get3A_2039 = vector.load %arg33[%get3A_2037, %get3A_2038] : memref<432x4096xf32, #tpu.memory_space<vmem>>, vector<1x4096xf32>
    %slice3A_2040 = vector.extract_strided_slice %get3A_143 {offsets = [9, 0], sizes = [1, 4096], strides = [1, 1]} : vector<16x4096xf32> to vector<1x4096xf32>
    %mul3A_2041 = arith.mulf %get3A_2039, %slice3A_2040 : vector<1x4096xf32>
    %add3A_2042 = arith.addf %add3A_2036, %mul3A_2041 : vector<1x4096xf32>
    %get3A_2043 = arith.constant 363 : index
    %get3A_2044 = arith.constant 0 : index
    %get3A_2045 = vector.load %arg33[%get3A_2043, %get3A_2044] : memref<432x4096xf32, #tpu.memory_space<vmem>>, vector<1x4096xf32>
    %slice3A_2046 = vector.extract_strided_slice %get3A_143 {offsets = [10, 0], sizes = [1, 4096], strides = [1, 1]} : vector<16x4096xf32> to vector<1x4096xf32>
    %mul3A_2047 = arith.mulf %get3A_2045, %slice3A_2046 : vector<1x4096xf32>
    %add3A_2048 = arith.addf %add3A_2042, %mul3A_2047 : vector<1x4096xf32>
    %get3A_2049 = arith.constant 367 : index
    %get3A_2050 = arith.constant 0 : index
    %get3A_2051 = vector.load %arg33[%get3A_2049, %get3A_2050] : memref<432x4096xf32, #tpu.memory_space<vmem>>, vector<1x4096xf32>
    %slice3A_2052 = vector.extract_strided_slice %get3A_143 {offsets = [11, 0], sizes = [1, 4096], strides = [1, 1]} : vector<16x4096xf32> to vector<1x4096xf32>
    %mul3A_2053 = arith.mulf %get3A_2051, %slice3A_2052 : vector<1x4096xf32>
    %add3A_2054 = arith.addf %add3A_2048, %mul3A_2053 : vector<1x4096xf32>
    %get3A_2055 = arith.constant 371 : index
    %get3A_2056 = arith.constant 0 : index
    %get3A_2057 = vector.load %arg33[%get3A_2055, %get3A_2056] : memref<432x4096xf32, #tpu.memory_space<vmem>>, vector<1x4096xf32>
    %slice3A_2058 = vector.extract_strided_slice %get3A_143 {offsets = [12, 0], sizes = [1, 4096], strides = [1, 1]} : vector<16x4096xf32> to vector<1x4096xf32>
    %mul3A_2059 = arith.mulf %get3A_2057, %slice3A_2058 : vector<1x4096xf32>
    %add3A_2060 = arith.addf %add3A_2054, %mul3A_2059 : vector<1x4096xf32>
    %get3A_2061 = arith.constant 375 : index
    %get3A_2062 = arith.constant 0 : index
    %get3A_2063 = vector.load %arg33[%get3A_2061, %get3A_2062] : memref<432x4096xf32, #tpu.memory_space<vmem>>, vector<1x4096xf32>
    %slice3A_2064 = vector.extract_strided_slice %get3A_143 {offsets = [13, 0], sizes = [1, 4096], strides = [1, 1]} : vector<16x4096xf32> to vector<1x4096xf32>
    %mul3A_2065 = arith.mulf %get3A_2063, %slice3A_2064 : vector<1x4096xf32>
    %add3A_2066 = arith.addf %add3A_2060, %mul3A_2065 : vector<1x4096xf32>
    %get3A_2067 = arith.constant 379 : index
    %get3A_2068 = arith.constant 0 : index
    %get3A_2069 = vector.load %arg33[%get3A_2067, %get3A_2068] : memref<432x4096xf32, #tpu.memory_space<vmem>>, vector<1x4096xf32>
    %slice3A_2070 = vector.extract_strided_slice %get3A_143 {offsets = [14, 0], sizes = [1, 4096], strides = [1, 1]} : vector<16x4096xf32> to vector<1x4096xf32>
    %mul3A_2071 = arith.mulf %get3A_2069, %slice3A_2070 : vector<1x4096xf32>
    %add3A_2072 = arith.addf %add3A_2066, %mul3A_2071 : vector<1x4096xf32>
    %get3A_2073 = arith.constant 383 : index
    %get3A_2074 = arith.constant 0 : index
    %get3A_2075 = vector.load %arg33[%get3A_2073, %get3A_2074] : memref<432x4096xf32, #tpu.memory_space<vmem>>, vector<1x4096xf32>
    %slice3A_2076 = vector.extract_strided_slice %get3A_143 {offsets = [15, 0], sizes = [1, 4096], strides = [1, 1]} : vector<16x4096xf32> to vector<1x4096xf32>
    %mul3A_2077 = arith.mulf %get3A_2075, %slice3A_2076 : vector<1x4096xf32>
    %add3A_2078 = arith.addf %add3A_2072, %mul3A_2077 : vector<1x4096xf32>
    %mul3A_2079 = arith.mulf %add3A_1784, %slice3A_133 : vector<1x4096xf32>
    %get3A_2080 = arith.constant 384 : index
    %get3A_2081 = arith.constant 0 : index
    %get3A_2082 = vector.load %arg33[%get3A_2080, %get3A_2081] : memref<432x4096xf32, #tpu.memory_space<vmem>>, vector<1x4096xf32>
    %mul3A_2083 = arith.mulf %get3A_2082, %mul3A_251 : vector<1x4096xf32>
    %add3A_2084 = arith.constant 0.000000e+00 : f32
    %add3A_2085 = vector.broadcast %add3A_2084 : f32 to vector<1x4096xf32>
    %add3A_2086 = arith.addf %add3A_2085, %mul3A_2083 : vector<1x4096xf32>
    %get3A_2087 = arith.constant 388 : index
    %get3A_2088 = arith.constant 0 : index
    %get3A_2089 = vector.load %arg33[%get3A_2087, %get3A_2088] : memref<432x4096xf32, #tpu.memory_space<vmem>>, vector<1x4096xf32>
    %mul3A_2090 = arith.mulf %get3A_2089, %mul3A_296 : vector<1x4096xf32>
    %add3A_2091 = arith.addf %add3A_2086, %mul3A_2090 : vector<1x4096xf32>
    %get3A_2092 = arith.constant 392 : index
    %get3A_2093 = arith.constant 0 : index
    %get3A_2094 = vector.load %arg33[%get3A_2092, %get3A_2093] : memref<432x4096xf32, #tpu.memory_space<vmem>>, vector<1x4096xf32>
    %mul3A_2095 = arith.mulf %get3A_2094, %mul3A_341 : vector<1x4096xf32>
    %add3A_2096 = arith.addf %add3A_2091, %mul3A_2095 : vector<1x4096xf32>
    %get3A_2097 = arith.constant 396 : index
    %get3A_2098 = arith.constant 0 : index
    %get3A_2099 = vector.load %arg33[%get3A_2097, %get3A_2098] : memref<432x4096xf32, #tpu.memory_space<vmem>>, vector<1x4096xf32>
    %mul3A_2100 = arith.mulf %get3A_2099, %mul3A_386 : vector<1x4096xf32>
    %add3A_2101 = arith.addf %add3A_2096, %mul3A_2100 : vector<1x4096xf32>
    %add3A_2102 = arith.addf %mul3A_2079, %add3A_2101 : vector<1x4096xf32>
    %get3A_2103 = arith.constant 400 : index
    %get3A_2104 = arith.constant 0 : index
    %get3A_2105 = vector.load %arg33[%get3A_2103, %get3A_2104] : memref<432x4096xf32, #tpu.memory_space<vmem>>, vector<1x4096xf32>
    %mul3A_2106 = arith.mulf %get3A_2105, %mul3A_234 : vector<1x4096xf32>
    %add3A_2107 = arith.constant 0.000000e+00 : f32
    %add3A_2108 = vector.broadcast %add3A_2107 : f32 to vector<1x4096xf32>
    %add3A_2109 = arith.addf %add3A_2108, %mul3A_2106 : vector<1x4096xf32>
    %get3A_2110 = arith.constant 404 : index
    %get3A_2111 = arith.constant 0 : index
    %get3A_2112 = vector.load %arg33[%get3A_2110, %get3A_2111] : memref<432x4096xf32, #tpu.memory_space<vmem>>, vector<1x4096xf32>
    %mul3A_2113 = arith.mulf %get3A_2112, %mul3A_279 : vector<1x4096xf32>
    %add3A_2114 = arith.addf %add3A_2109, %mul3A_2113 : vector<1x4096xf32>
    %get3A_2115 = arith.constant 408 : index
    %get3A_2116 = arith.constant 0 : index
    %get3A_2117 = vector.load %arg33[%get3A_2115, %get3A_2116] : memref<432x4096xf32, #tpu.memory_space<vmem>>, vector<1x4096xf32>
    %mul3A_2118 = arith.mulf %get3A_2117, %mul3A_324 : vector<1x4096xf32>
    %add3A_2119 = arith.addf %add3A_2114, %mul3A_2118 : vector<1x4096xf32>
    %get3A_2120 = arith.constant 412 : index
    %get3A_2121 = arith.constant 0 : index
    %get3A_2122 = vector.load %arg33[%get3A_2120, %get3A_2121] : memref<432x4096xf32, #tpu.memory_space<vmem>>, vector<1x4096xf32>
    %mul3A_2123 = arith.mulf %get3A_2122, %mul3A_369 : vector<1x4096xf32>
    %add3A_2124 = arith.addf %add3A_2119, %mul3A_2123 : vector<1x4096xf32>
    %add3A_2125 = arith.addf %add3A_2102, %add3A_2124 : vector<1x4096xf32>
    %mul3A_2126 = arith.constant 0.204124153 : f32
    %mul3A_2127 = vector.broadcast %mul3A_2126 : f32 to vector<1x4096xf32>
    %mul3A_2128 = arith.mulf %add3A_2125, %mul3A_2127 : vector<1x4096xf32>
    %mul3A_2129 = arith.mulf %add3A_1784, %slice3A_134 : vector<1x4096xf32>
    %get3A_2130 = arith.constant 384 : index
    %get3A_2131 = arith.constant 0 : index
    %get3A_2132 = vector.load %arg33[%get3A_2130, %get3A_2131] : memref<432x4096xf32, #tpu.memory_space<vmem>>, vector<1x4096xf32>
    %mul3A_2133 = arith.mulf %get3A_2132, %mul3A_252 : vector<1x4096xf32>
    %add3A_2134 = arith.constant 0.000000e+00 : f32
    %add3A_2135 = vector.broadcast %add3A_2134 : f32 to vector<1x4096xf32>
    %add3A_2136 = arith.addf %add3A_2135, %mul3A_2133 : vector<1x4096xf32>
    %get3A_2137 = arith.constant 388 : index
    %get3A_2138 = arith.constant 0 : index
    %get3A_2139 = vector.load %arg33[%get3A_2137, %get3A_2138] : memref<432x4096xf32, #tpu.memory_space<vmem>>, vector<1x4096xf32>
    %mul3A_2140 = arith.mulf %get3A_2139, %mul3A_297 : vector<1x4096xf32>
    %add3A_2141 = arith.addf %add3A_2136, %mul3A_2140 : vector<1x4096xf32>
    %get3A_2142 = arith.constant 392 : index
    %get3A_2143 = arith.constant 0 : index
    %get3A_2144 = vector.load %arg33[%get3A_2142, %get3A_2143] : memref<432x4096xf32, #tpu.memory_space<vmem>>, vector<1x4096xf32>
    %mul3A_2145 = arith.mulf %get3A_2144, %mul3A_342 : vector<1x4096xf32>
    %add3A_2146 = arith.addf %add3A_2141, %mul3A_2145 : vector<1x4096xf32>
    %get3A_2147 = arith.constant 396 : index
    %get3A_2148 = arith.constant 0 : index
    %get3A_2149 = vector.load %arg33[%get3A_2147, %get3A_2148] : memref<432x4096xf32, #tpu.memory_space<vmem>>, vector<1x4096xf32>
    %mul3A_2150 = arith.mulf %get3A_2149, %mul3A_387 : vector<1x4096xf32>
    %add3A_2151 = arith.addf %add3A_2146, %mul3A_2150 : vector<1x4096xf32>
    %add3A_2152 = arith.addf %mul3A_2129, %add3A_2151 : vector<1x4096xf32>
    %get3A_2153 = arith.constant 400 : index
    %get3A_2154 = arith.constant 0 : index
    %get3A_2155 = vector.load %arg33[%get3A_2153, %get3A_2154] : memref<432x4096xf32, #tpu.memory_space<vmem>>, vector<1x4096xf32>
    %mul3A_2156 = arith.mulf %get3A_2155, %mul3A_242 : vector<1x4096xf32>
    %add3A_2157 = arith.constant 0.000000e+00 : f32
    %add3A_2158 = vector.broadcast %add3A_2157 : f32 to vector<1x4096xf32>
    %add3A_2159 = arith.addf %add3A_2158, %mul3A_2156 : vector<1x4096xf32>
    %get3A_2160 = arith.constant 404 : index
    %get3A_2161 = arith.constant 0 : index
    %get3A_2162 = vector.load %arg33[%get3A_2160, %get3A_2161] : memref<432x4096xf32, #tpu.memory_space<vmem>>, vector<1x4096xf32>
    %mul3A_2163 = arith.mulf %get3A_2162, %mul3A_287 : vector<1x4096xf32>
    %add3A_2164 = arith.addf %add3A_2159, %mul3A_2163 : vector<1x4096xf32>
    %get3A_2165 = arith.constant 408 : index
    %get3A_2166 = arith.constant 0 : index
    %get3A_2167 = vector.load %arg33[%get3A_2165, %get3A_2166] : memref<432x4096xf32, #tpu.memory_space<vmem>>, vector<1x4096xf32>
    %mul3A_2168 = arith.mulf %get3A_2167, %mul3A_332 : vector<1x4096xf32>
    %add3A_2169 = arith.addf %add3A_2164, %mul3A_2168 : vector<1x4096xf32>
    %get3A_2170 = arith.constant 412 : index
    %get3A_2171 = arith.constant 0 : index
    %get3A_2172 = vector.load %arg33[%get3A_2170, %get3A_2171] : memref<432x4096xf32, #tpu.memory_space<vmem>>, vector<1x4096xf32>
    %mul3A_2173 = arith.mulf %get3A_2172, %mul3A_377 : vector<1x4096xf32>
    %add3A_2174 = arith.addf %add3A_2169, %mul3A_2173 : vector<1x4096xf32>
    %add3A_2175 = arith.addf %add3A_2152, %add3A_2174 : vector<1x4096xf32>
    %mul3A_2176 = arith.constant 0.204124153 : f32
    %mul3A_2177 = vector.broadcast %mul3A_2176 : f32 to vector<1x4096xf32>
    %mul3A_2178 = arith.mulf %add3A_2175, %mul3A_2177 : vector<1x4096xf32>
    %mul3A_2179 = arith.mulf %add3A_1784, %slice3A_135 : vector<1x4096xf32>
    %get3A_2180 = arith.constant 384 : index
    %get3A_2181 = arith.constant 0 : index
    %get3A_2182 = vector.load %arg33[%get3A_2180, %get3A_2181] : memref<432x4096xf32, #tpu.memory_space<vmem>>, vector<1x4096xf32>
    %mul3A_2183 = arith.mulf %get3A_2182, %mul3A_253 : vector<1x4096xf32>
    %add3A_2184 = arith.constant 0.000000e+00 : f32
    %add3A_2185 = vector.broadcast %add3A_2184 : f32 to vector<1x4096xf32>
    %add3A_2186 = arith.addf %add3A_2185, %mul3A_2183 : vector<1x4096xf32>
    %get3A_2187 = arith.constant 388 : index
    %get3A_2188 = arith.constant 0 : index
    %get3A_2189 = vector.load %arg33[%get3A_2187, %get3A_2188] : memref<432x4096xf32, #tpu.memory_space<vmem>>, vector<1x4096xf32>
    %mul3A_2190 = arith.mulf %get3A_2189, %mul3A_298 : vector<1x4096xf32>
    %add3A_2191 = arith.addf %add3A_2186, %mul3A_2190 : vector<1x4096xf32>
    %get3A_2192 = arith.constant 392 : index
    %get3A_2193 = arith.constant 0 : index
    %get3A_2194 = vector.load %arg33[%get3A_2192, %get3A_2193] : memref<432x4096xf32, #tpu.memory_space<vmem>>, vector<1x4096xf32>
    %mul3A_2195 = arith.mulf %get3A_2194, %mul3A_343 : vector<1x4096xf32>
    %add3A_2196 = arith.addf %add3A_2191, %mul3A_2195 : vector<1x4096xf32>
    %get3A_2197 = arith.constant 396 : index
    %get3A_2198 = arith.constant 0 : index
    %get3A_2199 = vector.load %arg33[%get3A_2197, %get3A_2198] : memref<432x4096xf32, #tpu.memory_space<vmem>>, vector<1x4096xf32>
    %mul3A_2200 = arith.mulf %get3A_2199, %mul3A_388 : vector<1x4096xf32>
    %add3A_2201 = arith.addf %add3A_2196, %mul3A_2200 : vector<1x4096xf32>
    %add3A_2202 = arith.addf %mul3A_2179, %add3A_2201 : vector<1x4096xf32>
    %get3A_2203 = arith.constant 400 : index
    %get3A_2204 = arith.constant 0 : index
    %get3A_2205 = vector.load %arg33[%get3A_2203, %get3A_2204] : memref<432x4096xf32, #tpu.memory_space<vmem>>, vector<1x4096xf32>
    %mul3A_2206 = arith.mulf %get3A_2205, %mul3A_250 : vector<1x4096xf32>
    %add3A_2207 = arith.constant 0.000000e+00 : f32
    %add3A_2208 = vector.broadcast %add3A_2207 : f32 to vector<1x4096xf32>
    %add3A_2209 = arith.addf %add3A_2208, %mul3A_2206 : vector<1x4096xf32>
    %get3A_2210 = arith.constant 404 : index
    %get3A_2211 = arith.constant 0 : index
    %get3A_2212 = vector.load %arg33[%get3A_2210, %get3A_2211] : memref<432x4096xf32, #tpu.memory_space<vmem>>, vector<1x4096xf32>
    %mul3A_2213 = arith.mulf %get3A_2212, %mul3A_295 : vector<1x4096xf32>
    %add3A_2214 = arith.addf %add3A_2209, %mul3A_2213 : vector<1x4096xf32>
    %get3A_2215 = arith.constant 408 : index
    %get3A_2216 = arith.constant 0 : index
    %get3A_2217 = vector.load %arg33[%get3A_2215, %get3A_2216] : memref<432x4096xf32, #tpu.memory_space<vmem>>, vector<1x4096xf32>
    %mul3A_2218 = arith.mulf %get3A_2217, %mul3A_340 : vector<1x4096xf32>
    %add3A_2219 = arith.addf %add3A_2214, %mul3A_2218 : vector<1x4096xf32>
    %get3A_2220 = arith.constant 412 : index
    %get3A_2221 = arith.constant 0 : index
    %get3A_2222 = vector.load %arg33[%get3A_2220, %get3A_2221] : memref<432x4096xf32, #tpu.memory_space<vmem>>, vector<1x4096xf32>
    %mul3A_2223 = arith.mulf %get3A_2222, %mul3A_385 : vector<1x4096xf32>
    %add3A_2224 = arith.addf %add3A_2219, %mul3A_2223 : vector<1x4096xf32>
    %add3A_2225 = arith.addf %add3A_2202, %add3A_2224 : vector<1x4096xf32>
    %mul3A_2226 = arith.constant 0.204124153 : f32
    %mul3A_2227 = vector.broadcast %mul3A_2226 : f32 to vector<1x4096xf32>
    %mul3A_2228 = arith.mulf %add3A_2225, %mul3A_2227 : vector<1x4096xf32>
    %mul3A_2229 = arith.mulf %add3A_1882, %slice3A_133 : vector<1x4096xf32>
    %get3A_2230 = arith.constant 385 : index
    %get3A_2231 = arith.constant 0 : index
    %get3A_2232 = vector.load %arg33[%get3A_2230, %get3A_2231] : memref<432x4096xf32, #tpu.memory_space<vmem>>, vector<1x4096xf32>
    %mul3A_2233 = arith.mulf %get3A_2232, %mul3A_251 : vector<1x4096xf32>
    %add3A_2234 = arith.constant 0.000000e+00 : f32
    %add3A_2235 = vector.broadcast %add3A_2234 : f32 to vector<1x4096xf32>
    %add3A_2236 = arith.addf %add3A_2235, %mul3A_2233 : vector<1x4096xf32>
    %get3A_2237 = arith.constant 389 : index
    %get3A_2238 = arith.constant 0 : index
    %get3A_2239 = vector.load %arg33[%get3A_2237, %get3A_2238] : memref<432x4096xf32, #tpu.memory_space<vmem>>, vector<1x4096xf32>
    %mul3A_2240 = arith.mulf %get3A_2239, %mul3A_296 : vector<1x4096xf32>
    %add3A_2241 = arith.addf %add3A_2236, %mul3A_2240 : vector<1x4096xf32>
    %get3A_2242 = arith.constant 393 : index
    %get3A_2243 = arith.constant 0 : index
    %get3A_2244 = vector.load %arg33[%get3A_2242, %get3A_2243] : memref<432x4096xf32, #tpu.memory_space<vmem>>, vector<1x4096xf32>
    %mul3A_2245 = arith.mulf %get3A_2244, %mul3A_341 : vector<1x4096xf32>
    %add3A_2246 = arith.addf %add3A_2241, %mul3A_2245 : vector<1x4096xf32>
    %get3A_2247 = arith.constant 397 : index
    %get3A_2248 = arith.constant 0 : index
    %get3A_2249 = vector.load %arg33[%get3A_2247, %get3A_2248] : memref<432x4096xf32, #tpu.memory_space<vmem>>, vector<1x4096xf32>
    %mul3A_2250 = arith.mulf %get3A_2249, %mul3A_386 : vector<1x4096xf32>
    %add3A_2251 = arith.addf %add3A_2246, %mul3A_2250 : vector<1x4096xf32>
    %add3A_2252 = arith.addf %mul3A_2229, %add3A_2251 : vector<1x4096xf32>
    %get3A_2253 = arith.constant 401 : index
    %get3A_2254 = arith.constant 0 : index
    %get3A_2255 = vector.load %arg33[%get3A_2253, %get3A_2254] : memref<432x4096xf32, #tpu.memory_space<vmem>>, vector<1x4096xf32>
    %mul3A_2256 = arith.mulf %get3A_2255, %mul3A_234 : vector<1x4096xf32>
    %add3A_2257 = arith.constant 0.000000e+00 : f32
    %add3A_2258 = vector.broadcast %add3A_2257 : f32 to vector<1x4096xf32>
    %add3A_2259 = arith.addf %add3A_2258, %mul3A_2256 : vector<1x4096xf32>
    %get3A_2260 = arith.constant 405 : index
    %get3A_2261 = arith.constant 0 : index
    %get3A_2262 = vector.load %arg33[%get3A_2260, %get3A_2261] : memref<432x4096xf32, #tpu.memory_space<vmem>>, vector<1x4096xf32>
    %mul3A_2263 = arith.mulf %get3A_2262, %mul3A_279 : vector<1x4096xf32>
    %add3A_2264 = arith.addf %add3A_2259, %mul3A_2263 : vector<1x4096xf32>
    %get3A_2265 = arith.constant 409 : index
    %get3A_2266 = arith.constant 0 : index
    %get3A_2267 = vector.load %arg33[%get3A_2265, %get3A_2266] : memref<432x4096xf32, #tpu.memory_space<vmem>>, vector<1x4096xf32>
    %mul3A_2268 = arith.mulf %get3A_2267, %mul3A_324 : vector<1x4096xf32>
    %add3A_2269 = arith.addf %add3A_2264, %mul3A_2268 : vector<1x4096xf32>
    %get3A_2270 = arith.constant 413 : index
    %get3A_2271 = arith.constant 0 : index
    %get3A_2272 = vector.load %arg33[%get3A_2270, %get3A_2271] : memref<432x4096xf32, #tpu.memory_space<vmem>>, vector<1x4096xf32>
    %mul3A_2273 = arith.mulf %get3A_2272, %mul3A_369 : vector<1x4096xf32>
    %add3A_2274 = arith.addf %add3A_2269, %mul3A_2273 : vector<1x4096xf32>
    %add3A_2275 = arith.addf %add3A_2252, %add3A_2274 : vector<1x4096xf32>
    %mul3A_2276 = arith.constant 0.204124153 : f32
    %mul3A_2277 = vector.broadcast %mul3A_2276 : f32 to vector<1x4096xf32>
    %mul3A_2278 = arith.mulf %add3A_2275, %mul3A_2277 : vector<1x4096xf32>
    %mul3A_2279 = arith.mulf %add3A_1882, %slice3A_134 : vector<1x4096xf32>
    %get3A_2280 = arith.constant 385 : index
    %get3A_2281 = arith.constant 0 : index
    %get3A_2282 = vector.load %arg33[%get3A_2280, %get3A_2281] : memref<432x4096xf32, #tpu.memory_space<vmem>>, vector<1x4096xf32>
    %mul3A_2283 = arith.mulf %get3A_2282, %mul3A_252 : vector<1x4096xf32>
    %add3A_2284 = arith.constant 0.000000e+00 : f32
    %add3A_2285 = vector.broadcast %add3A_2284 : f32 to vector<1x4096xf32>
    %add3A_2286 = arith.addf %add3A_2285, %mul3A_2283 : vector<1x4096xf32>
    %get3A_2287 = arith.constant 389 : index
    %get3A_2288 = arith.constant 0 : index
    %get3A_2289 = vector.load %arg33[%get3A_2287, %get3A_2288] : memref<432x4096xf32, #tpu.memory_space<vmem>>, vector<1x4096xf32>
    %mul3A_2290 = arith.mulf %get3A_2289, %mul3A_297 : vector<1x4096xf32>
    %add3A_2291 = arith.addf %add3A_2286, %mul3A_2290 : vector<1x4096xf32>
    %get3A_2292 = arith.constant 393 : index
    %get3A_2293 = arith.constant 0 : index
    %get3A_2294 = vector.load %arg33[%get3A_2292, %get3A_2293] : memref<432x4096xf32, #tpu.memory_space<vmem>>, vector<1x4096xf32>
    %mul3A_2295 = arith.mulf %get3A_2294, %mul3A_342 : vector<1x4096xf32>
    %add3A_2296 = arith.addf %add3A_2291, %mul3A_2295 : vector<1x4096xf32>
    %get3A_2297 = arith.constant 397 : index
    %get3A_2298 = arith.constant 0 : index
    %get3A_2299 = vector.load %arg33[%get3A_2297, %get3A_2298] : memref<432x4096xf32, #tpu.memory_space<vmem>>, vector<1x4096xf32>
    %mul3A_2300 = arith.mulf %get3A_2299, %mul3A_387 : vector<1x4096xf32>
    %add3A_2301 = arith.addf %add3A_2296, %mul3A_2300 : vector<1x4096xf32>
    %add3A_2302 = arith.addf %mul3A_2279, %add3A_2301 : vector<1x4096xf32>
    %get3A_2303 = arith.constant 401 : index
    %get3A_2304 = arith.constant 0 : index
    %get3A_2305 = vector.load %arg33[%get3A_2303, %get3A_2304] : memref<432x4096xf32, #tpu.memory_space<vmem>>, vector<1x4096xf32>
    %mul3A_2306 = arith.mulf %get3A_2305, %mul3A_242 : vector<1x4096xf32>
    %add3A_2307 = arith.constant 0.000000e+00 : f32
    %add3A_2308 = vector.broadcast %add3A_2307 : f32 to vector<1x4096xf32>
    %add3A_2309 = arith.addf %add3A_2308, %mul3A_2306 : vector<1x4096xf32>
    %get3A_2310 = arith.constant 405 : index
    %get3A_2311 = arith.constant 0 : index
    %get3A_2312 = vector.load %arg33[%get3A_2310, %get3A_2311] : memref<432x4096xf32, #tpu.memory_space<vmem>>, vector<1x4096xf32>
    %mul3A_2313 = arith.mulf %get3A_2312, %mul3A_287 : vector<1x4096xf32>
    %add3A_2314 = arith.addf %add3A_2309, %mul3A_2313 : vector<1x4096xf32>
    %get3A_2315 = arith.constant 409 : index
    %get3A_2316 = arith.constant 0 : index
    %get3A_2317 = vector.load %arg33[%get3A_2315, %get3A_2316] : memref<432x4096xf32, #tpu.memory_space<vmem>>, vector<1x4096xf32>
    %mul3A_2318 = arith.mulf %get3A_2317, %mul3A_332 : vector<1x4096xf32>
    %add3A_2319 = arith.addf %add3A_2314, %mul3A_2318 : vector<1x4096xf32>
    %get3A_2320 = arith.constant 413 : index
    %get3A_2321 = arith.constant 0 : index
    %get3A_2322 = vector.load %arg33[%get3A_2320, %get3A_2321] : memref<432x4096xf32, #tpu.memory_space<vmem>>, vector<1x4096xf32>
    %mul3A_2323 = arith.mulf %get3A_2322, %mul3A_377 : vector<1x4096xf32>
    %add3A_2324 = arith.addf %add3A_2319, %mul3A_2323 : vector<1x4096xf32>
    %add3A_2325 = arith.addf %add3A_2302, %add3A_2324 : vector<1x4096xf32>
    %mul3A_2326 = arith.constant 0.204124153 : f32
    %mul3A_2327 = vector.broadcast %mul3A_2326 : f32 to vector<1x4096xf32>
    %mul3A_2328 = arith.mulf %add3A_2325, %mul3A_2327 : vector<1x4096xf32>
    %mul3A_2329 = arith.mulf %add3A_1882, %slice3A_135 : vector<1x4096xf32>
    %get3A_2330 = arith.constant 385 : index
    %get3A_2331 = arith.constant 0 : index
    %get3A_2332 = vector.load %arg33[%get3A_2330, %get3A_2331] : memref<432x4096xf32, #tpu.memory_space<vmem>>, vector<1x4096xf32>
    %mul3A_2333 = arith.mulf %get3A_2332, %mul3A_253 : vector<1x4096xf32>
    %add3A_2334 = arith.constant 0.000000e+00 : f32
    %add3A_2335 = vector.broadcast %add3A_2334 : f32 to vector<1x4096xf32>
    %add3A_2336 = arith.addf %add3A_2335, %mul3A_2333 : vector<1x4096xf32>
    %get3A_2337 = arith.constant 389 : index
    %get3A_2338 = arith.constant 0 : index
    %get3A_2339 = vector.load %arg33[%get3A_2337, %get3A_2338] : memref<432x4096xf32, #tpu.memory_space<vmem>>, vector<1x4096xf32>
    %mul3A_2340 = arith.mulf %get3A_2339, %mul3A_298 : vector<1x4096xf32>
    %add3A_2341 = arith.addf %add3A_2336, %mul3A_2340 : vector<1x4096xf32>
    %get3A_2342 = arith.constant 393 : index
    %get3A_2343 = arith.constant 0 : index
    %get3A_2344 = vector.load %arg33[%get3A_2342, %get3A_2343] : memref<432x4096xf32, #tpu.memory_space<vmem>>, vector<1x4096xf32>
    %mul3A_2345 = arith.mulf %get3A_2344, %mul3A_343 : vector<1x4096xf32>
    %add3A_2346 = arith.addf %add3A_2341, %mul3A_2345 : vector<1x4096xf32>
    %get3A_2347 = arith.constant 397 : index
    %get3A_2348 = arith.constant 0 : index
    %get3A_2349 = vector.load %arg33[%get3A_2347, %get3A_2348] : memref<432x4096xf32, #tpu.memory_space<vmem>>, vector<1x4096xf32>
    %mul3A_2350 = arith.mulf %get3A_2349, %mul3A_388 : vector<1x4096xf32>
    %add3A_2351 = arith.addf %add3A_2346, %mul3A_2350 : vector<1x4096xf32>
    %add3A_2352 = arith.addf %mul3A_2329, %add3A_2351 : vector<1x4096xf32>
    %get3A_2353 = arith.constant 401 : index
    %get3A_2354 = arith.constant 0 : index
    %get3A_2355 = vector.load %arg33[%get3A_2353, %get3A_2354] : memref<432x4096xf32, #tpu.memory_space<vmem>>, vector<1x4096xf32>
    %mul3A_2356 = arith.mulf %get3A_2355, %mul3A_250 : vector<1x4096xf32>
    %add3A_2357 = arith.constant 0.000000e+00 : f32
    %add3A_2358 = vector.broadcast %add3A_2357 : f32 to vector<1x4096xf32>
    %add3A_2359 = arith.addf %add3A_2358, %mul3A_2356 : vector<1x4096xf32>
    %get3A_2360 = arith.constant 405 : index
    %get3A_2361 = arith.constant 0 : index
    %get3A_2362 = vector.load %arg33[%get3A_2360, %get3A_2361] : memref<432x4096xf32, #tpu.memory_space<vmem>>, vector<1x4096xf32>
    %mul3A_2363 = arith.mulf %get3A_2362, %mul3A_295 : vector<1x4096xf32>
    %add3A_2364 = arith.addf %add3A_2359, %mul3A_2363 : vector<1x4096xf32>
    %get3A_2365 = arith.constant 409 : index
    %get3A_2366 = arith.constant 0 : index
    %get3A_2367 = vector.load %arg33[%get3A_2365, %get3A_2366] : memref<432x4096xf32, #tpu.memory_space<vmem>>, vector<1x4096xf32>
    %mul3A_2368 = arith.mulf %get3A_2367, %mul3A_340 : vector<1x4096xf32>
    %add3A_2369 = arith.addf %add3A_2364, %mul3A_2368 : vector<1x4096xf32>
    %get3A_2370 = arith.constant 413 : index
    %get3A_2371 = arith.constant 0 : index
    %get3A_2372 = vector.load %arg33[%get3A_2370, %get3A_2371] : memref<432x4096xf32, #tpu.memory_space<vmem>>, vector<1x4096xf32>
    %mul3A_2373 = arith.mulf %get3A_2372, %mul3A_385 : vector<1x4096xf32>
    %add3A_2374 = arith.addf %add3A_2369, %mul3A_2373 : vector<1x4096xf32>
    %add3A_2375 = arith.addf %add3A_2352, %add3A_2374 : vector<1x4096xf32>
    %mul3A_2376 = arith.constant 0.204124153 : f32
    %mul3A_2377 = vector.broadcast %mul3A_2376 : f32 to vector<1x4096xf32>
    %mul3A_2378 = arith.mulf %add3A_2375, %mul3A_2377 : vector<1x4096xf32>
    %mul3A_2379 = arith.mulf %add3A_1980, %slice3A_133 : vector<1x4096xf32>
    %get3A_2380 = arith.constant 386 : index
    %get3A_2381 = arith.constant 0 : index
    %get3A_2382 = vector.load %arg33[%get3A_2380, %get3A_2381] : memref<432x4096xf32, #tpu.memory_space<vmem>>, vector<1x4096xf32>
    %mul3A_2383 = arith.mulf %get3A_2382, %mul3A_251 : vector<1x4096xf32>
    %add3A_2384 = arith.constant 0.000000e+00 : f32
    %add3A_2385 = vector.broadcast %add3A_2384 : f32 to vector<1x4096xf32>
    %add3A_2386 = arith.addf %add3A_2385, %mul3A_2383 : vector<1x4096xf32>
    %get3A_2387 = arith.constant 390 : index
    %get3A_2388 = arith.constant 0 : index
    %get3A_2389 = vector.load %arg33[%get3A_2387, %get3A_2388] : memref<432x4096xf32, #tpu.memory_space<vmem>>, vector<1x4096xf32>
    %mul3A_2390 = arith.mulf %get3A_2389, %mul3A_296 : vector<1x4096xf32>
    %add3A_2391 = arith.addf %add3A_2386, %mul3A_2390 : vector<1x4096xf32>
    %get3A_2392 = arith.constant 394 : index
    %get3A_2393 = arith.constant 0 : index
    %get3A_2394 = vector.load %arg33[%get3A_2392, %get3A_2393] : memref<432x4096xf32, #tpu.memory_space<vmem>>, vector<1x4096xf32>
    %mul3A_2395 = arith.mulf %get3A_2394, %mul3A_341 : vector<1x4096xf32>
    %add3A_2396 = arith.addf %add3A_2391, %mul3A_2395 : vector<1x4096xf32>
    %get3A_2397 = arith.constant 398 : index
    %get3A_2398 = arith.constant 0 : index
    %get3A_2399 = vector.load %arg33[%get3A_2397, %get3A_2398] : memref<432x4096xf32, #tpu.memory_space<vmem>>, vector<1x4096xf32>
    %mul3A_2400 = arith.mulf %get3A_2399, %mul3A_386 : vector<1x4096xf32>
    %add3A_2401 = arith.addf %add3A_2396, %mul3A_2400 : vector<1x4096xf32>
    %add3A_2402 = arith.addf %mul3A_2379, %add3A_2401 : vector<1x4096xf32>
    %get3A_2403 = arith.constant 402 : index
    %get3A_2404 = arith.constant 0 : index
    %get3A_2405 = vector.load %arg33[%get3A_2403, %get3A_2404] : memref<432x4096xf32, #tpu.memory_space<vmem>>, vector<1x4096xf32>
    %mul3A_2406 = arith.mulf %get3A_2405, %mul3A_234 : vector<1x4096xf32>
    %add3A_2407 = arith.constant 0.000000e+00 : f32
    %add3A_2408 = vector.broadcast %add3A_2407 : f32 to vector<1x4096xf32>
    %add3A_2409 = arith.addf %add3A_2408, %mul3A_2406 : vector<1x4096xf32>
    %get3A_2410 = arith.constant 406 : index
    %get3A_2411 = arith.constant 0 : index
    %get3A_2412 = vector.load %arg33[%get3A_2410, %get3A_2411] : memref<432x4096xf32, #tpu.memory_space<vmem>>, vector<1x4096xf32>
    %mul3A_2413 = arith.mulf %get3A_2412, %mul3A_279 : vector<1x4096xf32>
    %add3A_2414 = arith.addf %add3A_2409, %mul3A_2413 : vector<1x4096xf32>
    %get3A_2415 = arith.constant 410 : index
    %get3A_2416 = arith.constant 0 : index
    %get3A_2417 = vector.load %arg33[%get3A_2415, %get3A_2416] : memref<432x4096xf32, #tpu.memory_space<vmem>>, vector<1x4096xf32>
    %mul3A_2418 = arith.mulf %get3A_2417, %mul3A_324 : vector<1x4096xf32>
    %add3A_2419 = arith.addf %add3A_2414, %mul3A_2418 : vector<1x4096xf32>
    %get3A_2420 = arith.constant 414 : index
    %get3A_2421 = arith.constant 0 : index
    %get3A_2422 = vector.load %arg33[%get3A_2420, %get3A_2421] : memref<432x4096xf32, #tpu.memory_space<vmem>>, vector<1x4096xf32>
    %mul3A_2423 = arith.mulf %get3A_2422, %mul3A_369 : vector<1x4096xf32>
    %add3A_2424 = arith.addf %add3A_2419, %mul3A_2423 : vector<1x4096xf32>
    %add3A_2425 = arith.addf %add3A_2402, %add3A_2424 : vector<1x4096xf32>
    %mul3A_2426 = arith.constant 0.204124153 : f32
    %mul3A_2427 = vector.broadcast %mul3A_2426 : f32 to vector<1x4096xf32>
    %mul3A_2428 = arith.mulf %add3A_2425, %mul3A_2427 : vector<1x4096xf32>
    %mul3A_2429 = arith.mulf %add3A_1980, %slice3A_134 : vector<1x4096xf32>
    %get3A_2430 = arith.constant 386 : index
    %get3A_2431 = arith.constant 0 : index
    %get3A_2432 = vector.load %arg33[%get3A_2430, %get3A_2431] : memref<432x4096xf32, #tpu.memory_space<vmem>>, vector<1x4096xf32>
    %mul3A_2433 = arith.mulf %get3A_2432, %mul3A_252 : vector<1x4096xf32>
    %add3A_2434 = arith.constant 0.000000e+00 : f32
    %add3A_2435 = vector.broadcast %add3A_2434 : f32 to vector<1x4096xf32>
    %add3A_2436 = arith.addf %add3A_2435, %mul3A_2433 : vector<1x4096xf32>
    %get3A_2437 = arith.constant 390 : index
    %get3A_2438 = arith.constant 0 : index
    %get3A_2439 = vector.load %arg33[%get3A_2437, %get3A_2438] : memref<432x4096xf32, #tpu.memory_space<vmem>>, vector<1x4096xf32>
    %mul3A_2440 = arith.mulf %get3A_2439, %mul3A_297 : vector<1x4096xf32>
    %add3A_2441 = arith.addf %add3A_2436, %mul3A_2440 : vector<1x4096xf32>
    %get3A_2442 = arith.constant 394 : index
    %get3A_2443 = arith.constant 0 : index
    %get3A_2444 = vector.load %arg33[%get3A_2442, %get3A_2443] : memref<432x4096xf32, #tpu.memory_space<vmem>>, vector<1x4096xf32>
    %mul3A_2445 = arith.mulf %get3A_2444, %mul3A_342 : vector<1x4096xf32>
    %add3A_2446 = arith.addf %add3A_2441, %mul3A_2445 : vector<1x4096xf32>
    %get3A_2447 = arith.constant 398 : index
    %get3A_2448 = arith.constant 0 : index
    %get3A_2449 = vector.load %arg33[%get3A_2447, %get3A_2448] : memref<432x4096xf32, #tpu.memory_space<vmem>>, vector<1x4096xf32>
    %mul3A_2450 = arith.mulf %get3A_2449, %mul3A_387 : vector<1x4096xf32>
    %add3A_2451 = arith.addf %add3A_2446, %mul3A_2450 : vector<1x4096xf32>
    %add3A_2452 = arith.addf %mul3A_2429, %add3A_2451 : vector<1x4096xf32>
    %get3A_2453 = arith.constant 402 : index
    %get3A_2454 = arith.constant 0 : index
    %get3A_2455 = vector.load %arg33[%get3A_2453, %get3A_2454] : memref<432x4096xf32, #tpu.memory_space<vmem>>, vector<1x4096xf32>
    %mul3A_2456 = arith.mulf %get3A_2455, %mul3A_242 : vector<1x4096xf32>
    %add3A_2457 = arith.constant 0.000000e+00 : f32
    %add3A_2458 = vector.broadcast %add3A_2457 : f32 to vector<1x4096xf32>
    %add3A_2459 = arith.addf %add3A_2458, %mul3A_2456 : vector<1x4096xf32>
    %get3A_2460 = arith.constant 406 : index
    %get3A_2461 = arith.constant 0 : index
    %get3A_2462 = vector.load %arg33[%get3A_2460, %get3A_2461] : memref<432x4096xf32, #tpu.memory_space<vmem>>, vector<1x4096xf32>
    %mul3A_2463 = arith.mulf %get3A_2462, %mul3A_287 : vector<1x4096xf32>
    %add3A_2464 = arith.addf %add3A_2459, %mul3A_2463 : vector<1x4096xf32>
    %get3A_2465 = arith.constant 410 : index
    %get3A_2466 = arith.constant 0 : index
    %get3A_2467 = vector.load %arg33[%get3A_2465, %get3A_2466] : memref<432x4096xf32, #tpu.memory_space<vmem>>, vector<1x4096xf32>
    %mul3A_2468 = arith.mulf %get3A_2467, %mul3A_332 : vector<1x4096xf32>
    %add3A_2469 = arith.addf %add3A_2464, %mul3A_2468 : vector<1x4096xf32>
    %get3A_2470 = arith.constant 414 : index
    %get3A_2471 = arith.constant 0 : index
    %get3A_2472 = vector.load %arg33[%get3A_2470, %get3A_2471] : memref<432x4096xf32, #tpu.memory_space<vmem>>, vector<1x4096xf32>
    %mul3A_2473 = arith.mulf %get3A_2472, %mul3A_377 : vector<1x4096xf32>
    %add3A_2474 = arith.addf %add3A_2469, %mul3A_2473 : vector<1x4096xf32>
    %add3A_2475 = arith.addf %add3A_2452, %add3A_2474 : vector<1x4096xf32>
    %mul3A_2476 = arith.constant 0.204124153 : f32
    %mul3A_2477 = vector.broadcast %mul3A_2476 : f32 to vector<1x4096xf32>
    %mul3A_2478 = arith.mulf %add3A_2475, %mul3A_2477 : vector<1x4096xf32>
    %mul3A_2479 = arith.mulf %add3A_1980, %slice3A_135 : vector<1x4096xf32>
    %get3A_2480 = arith.constant 386 : index
    %get3A_2481 = arith.constant 0 : index
    %get3A_2482 = vector.load %arg33[%get3A_2480, %get3A_2481] : memref<432x4096xf32, #tpu.memory_space<vmem>>, vector<1x4096xf32>
    %mul3A_2483 = arith.mulf %get3A_2482, %mul3A_253 : vector<1x4096xf32>
    %add3A_2484 = arith.constant 0.000000e+00 : f32
    %add3A_2485 = vector.broadcast %add3A_2484 : f32 to vector<1x4096xf32>
    %add3A_2486 = arith.addf %add3A_2485, %mul3A_2483 : vector<1x4096xf32>
    %get3A_2487 = arith.constant 390 : index
    %get3A_2488 = arith.constant 0 : index
    %get3A_2489 = vector.load %arg33[%get3A_2487, %get3A_2488] : memref<432x4096xf32, #tpu.memory_space<vmem>>, vector<1x4096xf32>
    %mul3A_2490 = arith.mulf %get3A_2489, %mul3A_298 : vector<1x4096xf32>
    %add3A_2491 = arith.addf %add3A_2486, %mul3A_2490 : vector<1x4096xf32>
    %get3A_2492 = arith.constant 394 : index
    %get3A_2493 = arith.constant 0 : index
    %get3A_2494 = vector.load %arg33[%get3A_2492, %get3A_2493] : memref<432x4096xf32, #tpu.memory_space<vmem>>, vector<1x4096xf32>
    %mul3A_2495 = arith.mulf %get3A_2494, %mul3A_343 : vector<1x4096xf32>
    %add3A_2496 = arith.addf %add3A_2491, %mul3A_2495 : vector<1x4096xf32>
    %get3A_2497 = arith.constant 398 : index
    %get3A_2498 = arith.constant 0 : index
    %get3A_2499 = vector.load %arg33[%get3A_2497, %get3A_2498] : memref<432x4096xf32, #tpu.memory_space<vmem>>, vector<1x4096xf32>
    %mul3A_2500 = arith.mulf %get3A_2499, %mul3A_388 : vector<1x4096xf32>
    %add3A_2501 = arith.addf %add3A_2496, %mul3A_2500 : vector<1x4096xf32>
    %add3A_2502 = arith.addf %mul3A_2479, %add3A_2501 : vector<1x4096xf32>
    %get3A_2503 = arith.constant 402 : index
    %get3A_2504 = arith.constant 0 : index
    %get3A_2505 = vector.load %arg33[%get3A_2503, %get3A_2504] : memref<432x4096xf32, #tpu.memory_space<vmem>>, vector<1x4096xf32>
    %mul3A_2506 = arith.mulf %get3A_2505, %mul3A_250 : vector<1x4096xf32>
    %add3A_2507 = arith.constant 0.000000e+00 : f32
    %add3A_2508 = vector.broadcast %add3A_2507 : f32 to vector<1x4096xf32>
    %add3A_2509 = arith.addf %add3A_2508, %mul3A_2506 : vector<1x4096xf32>
    %get3A_2510 = arith.constant 406 : index
    %get3A_2511 = arith.constant 0 : index
    %get3A_2512 = vector.load %arg33[%get3A_2510, %get3A_2511] : memref<432x4096xf32, #tpu.memory_space<vmem>>, vector<1x4096xf32>
    %mul3A_2513 = arith.mulf %get3A_2512, %mul3A_295 : vector<1x4096xf32>
    %add3A_2514 = arith.addf %add3A_2509, %mul3A_2513 : vector<1x4096xf32>
    %get3A_2515 = arith.constant 410 : index
    %get3A_2516 = arith.constant 0 : index
    %get3A_2517 = vector.load %arg33[%get3A_2515, %get3A_2516] : memref<432x4096xf32, #tpu.memory_space<vmem>>, vector<1x4096xf32>
    %mul3A_2518 = arith.mulf %get3A_2517, %mul3A_340 : vector<1x4096xf32>
    %add3A_2519 = arith.addf %add3A_2514, %mul3A_2518 : vector<1x4096xf32>
    %get3A_2520 = arith.constant 414 : index
    %get3A_2521 = arith.constant 0 : index
    %get3A_2522 = vector.load %arg33[%get3A_2520, %get3A_2521] : memref<432x4096xf32, #tpu.memory_space<vmem>>, vector<1x4096xf32>
    %mul3A_2523 = arith.mulf %get3A_2522, %mul3A_385 : vector<1x4096xf32>
    %add3A_2524 = arith.addf %add3A_2519, %mul3A_2523 : vector<1x4096xf32>
    %add3A_2525 = arith.addf %add3A_2502, %add3A_2524 : vector<1x4096xf32>
    %mul3A_2526 = arith.constant 0.204124153 : f32
    %mul3A_2527 = vector.broadcast %mul3A_2526 : f32 to vector<1x4096xf32>
    %mul3A_2528 = arith.mulf %add3A_2525, %mul3A_2527 : vector<1x4096xf32>
    %mul3A_2529 = arith.mulf %add3A_2078, %slice3A_133 : vector<1x4096xf32>
    %get3A_2530 = arith.constant 387 : index
    %get3A_2531 = arith.constant 0 : index
    %get3A_2532 = vector.load %arg33[%get3A_2530, %get3A_2531] : memref<432x4096xf32, #tpu.memory_space<vmem>>, vector<1x4096xf32>
    %mul3A_2533 = arith.mulf %get3A_2532, %mul3A_251 : vector<1x4096xf32>
    %add3A_2534 = arith.constant 0.000000e+00 : f32
    %add3A_2535 = vector.broadcast %add3A_2534 : f32 to vector<1x4096xf32>
    %add3A_2536 = arith.addf %add3A_2535, %mul3A_2533 : vector<1x4096xf32>
    %get3A_2537 = arith.constant 391 : index
    %get3A_2538 = arith.constant 0 : index
    %get3A_2539 = vector.load %arg33[%get3A_2537, %get3A_2538] : memref<432x4096xf32, #tpu.memory_space<vmem>>, vector<1x4096xf32>
    %mul3A_2540 = arith.mulf %get3A_2539, %mul3A_296 : vector<1x4096xf32>
    %add3A_2541 = arith.addf %add3A_2536, %mul3A_2540 : vector<1x4096xf32>
    %get3A_2542 = arith.constant 395 : index
    %get3A_2543 = arith.constant 0 : index
    %get3A_2544 = vector.load %arg33[%get3A_2542, %get3A_2543] : memref<432x4096xf32, #tpu.memory_space<vmem>>, vector<1x4096xf32>
    %mul3A_2545 = arith.mulf %get3A_2544, %mul3A_341 : vector<1x4096xf32>
    %add3A_2546 = arith.addf %add3A_2541, %mul3A_2545 : vector<1x4096xf32>
    %get3A_2547 = arith.constant 399 : index
    %get3A_2548 = arith.constant 0 : index
    %get3A_2549 = vector.load %arg33[%get3A_2547, %get3A_2548] : memref<432x4096xf32, #tpu.memory_space<vmem>>, vector<1x4096xf32>
    %mul3A_2550 = arith.mulf %get3A_2549, %mul3A_386 : vector<1x4096xf32>
    %add3A_2551 = arith.addf %add3A_2546, %mul3A_2550 : vector<1x4096xf32>
    %add3A_2552 = arith.addf %mul3A_2529, %add3A_2551 : vector<1x4096xf32>
    %get3A_2553 = arith.constant 403 : index
    %get3A_2554 = arith.constant 0 : index
    %get3A_2555 = vector.load %arg33[%get3A_2553, %get3A_2554] : memref<432x4096xf32, #tpu.memory_space<vmem>>, vector<1x4096xf32>
    %mul3A_2556 = arith.mulf %get3A_2555, %mul3A_234 : vector<1x4096xf32>
    %add3A_2557 = arith.constant 0.000000e+00 : f32
    %add3A_2558 = vector.broadcast %add3A_2557 : f32 to vector<1x4096xf32>
    %add3A_2559 = arith.addf %add3A_2558, %mul3A_2556 : vector<1x4096xf32>
    %get3A_2560 = arith.constant 407 : index
    %get3A_2561 = arith.constant 0 : index
    %get3A_2562 = vector.load %arg33[%get3A_2560, %get3A_2561] : memref<432x4096xf32, #tpu.memory_space<vmem>>, vector<1x4096xf32>
    %mul3A_2563 = arith.mulf %get3A_2562, %mul3A_279 : vector<1x4096xf32>
    %add3A_2564 = arith.addf %add3A_2559, %mul3A_2563 : vector<1x4096xf32>
    %get3A_2565 = arith.constant 411 : index
    %get3A_2566 = arith.constant 0 : index
    %get3A_2567 = vector.load %arg33[%get3A_2565, %get3A_2566] : memref<432x4096xf32, #tpu.memory_space<vmem>>, vector<1x4096xf32>
    %mul3A_2568 = arith.mulf %get3A_2567, %mul3A_324 : vector<1x4096xf32>
    %add3A_2569 = arith.addf %add3A_2564, %mul3A_2568 : vector<1x4096xf32>
    %get3A_2570 = arith.constant 415 : index
    %get3A_2571 = arith.constant 0 : index
    %get3A_2572 = vector.load %arg33[%get3A_2570, %get3A_2571] : memref<432x4096xf32, #tpu.memory_space<vmem>>, vector<1x4096xf32>
    %mul3A_2573 = arith.mulf %get3A_2572, %mul3A_369 : vector<1x4096xf32>
    %add3A_2574 = arith.addf %add3A_2569, %mul3A_2573 : vector<1x4096xf32>
    %add3A_2575 = arith.addf %add3A_2552, %add3A_2574 : vector<1x4096xf32>
    %mul3A_2576 = arith.constant 0.204124153 : f32
    %mul3A_2577 = vector.broadcast %mul3A_2576 : f32 to vector<1x4096xf32>
    %mul3A_2578 = arith.mulf %add3A_2575, %mul3A_2577 : vector<1x4096xf32>
    %mul3A_2579 = arith.mulf %add3A_2078, %slice3A_134 : vector<1x4096xf32>
    %get3A_2580 = arith.constant 387 : index
    %get3A_2581 = arith.constant 0 : index
    %get3A_2582 = vector.load %arg33[%get3A_2580, %get3A_2581] : memref<432x4096xf32, #tpu.memory_space<vmem>>, vector<1x4096xf32>
    %mul3A_2583 = arith.mulf %get3A_2582, %mul3A_252 : vector<1x4096xf32>
    %add3A_2584 = arith.constant 0.000000e+00 : f32
    %add3A_2585 = vector.broadcast %add3A_2584 : f32 to vector<1x4096xf32>
    %add3A_2586 = arith.addf %add3A_2585, %mul3A_2583 : vector<1x4096xf32>
    %get3A_2587 = arith.constant 391 : index
    %get3A_2588 = arith.constant 0 : index
    %get3A_2589 = vector.load %arg33[%get3A_2587, %get3A_2588] : memref<432x4096xf32, #tpu.memory_space<vmem>>, vector<1x4096xf32>
    %mul3A_2590 = arith.mulf %get3A_2589, %mul3A_297 : vector<1x4096xf32>
    %add3A_2591 = arith.addf %add3A_2586, %mul3A_2590 : vector<1x4096xf32>
    %get3A_2592 = arith.constant 395 : index
    %get3A_2593 = arith.constant 0 : index
    %get3A_2594 = vector.load %arg33[%get3A_2592, %get3A_2593] : memref<432x4096xf32, #tpu.memory_space<vmem>>, vector<1x4096xf32>
    %mul3A_2595 = arith.mulf %get3A_2594, %mul3A_342 : vector<1x4096xf32>
    %add3A_2596 = arith.addf %add3A_2591, %mul3A_2595 : vector<1x4096xf32>
    %get3A_2597 = arith.constant 399 : index
    %get3A_2598 = arith.constant 0 : index
    %get3A_2599 = vector.load %arg33[%get3A_2597, %get3A_2598] : memref<432x4096xf32, #tpu.memory_space<vmem>>, vector<1x4096xf32>
    %mul3A_2600 = arith.mulf %get3A_2599, %mul3A_387 : vector<1x4096xf32>
    %add3A_2601 = arith.addf %add3A_2596, %mul3A_2600 : vector<1x4096xf32>
    %add3A_2602 = arith.addf %mul3A_2579, %add3A_2601 : vector<1x4096xf32>
    %get3A_2603 = arith.constant 403 : index
    %get3A_2604 = arith.constant 0 : index
    %get3A_2605 = vector.load %arg33[%get3A_2603, %get3A_2604] : memref<432x4096xf32, #tpu.memory_space<vmem>>, vector<1x4096xf32>
    %mul3A_2606 = arith.mulf %get3A_2605, %mul3A_242 : vector<1x4096xf32>
    %add3A_2607 = arith.constant 0.000000e+00 : f32
    %add3A_2608 = vector.broadcast %add3A_2607 : f32 to vector<1x4096xf32>
    %add3A_2609 = arith.addf %add3A_2608, %mul3A_2606 : vector<1x4096xf32>
    %get3A_2610 = arith.constant 407 : index
    %get3A_2611 = arith.constant 0 : index
    %get3A_2612 = vector.load %arg33[%get3A_2610, %get3A_2611] : memref<432x4096xf32, #tpu.memory_space<vmem>>, vector<1x4096xf32>
    %mul3A_2613 = arith.mulf %get3A_2612, %mul3A_287 : vector<1x4096xf32>
    %add3A_2614 = arith.addf %add3A_2609, %mul3A_2613 : vector<1x4096xf32>
    %get3A_2615 = arith.constant 411 : index
    %get3A_2616 = arith.constant 0 : index
    %get3A_2617 = vector.load %arg33[%get3A_2615, %get3A_2616] : memref<432x4096xf32, #tpu.memory_space<vmem>>, vector<1x4096xf32>
    %mul3A_2618 = arith.mulf %get3A_2617, %mul3A_332 : vector<1x4096xf32>
    %add3A_2619 = arith.addf %add3A_2614, %mul3A_2618 : vector<1x4096xf32>
    %get3A_2620 = arith.constant 415 : index
    %get3A_2621 = arith.constant 0 : index
    %get3A_2622 = vector.load %arg33[%get3A_2620, %get3A_2621] : memref<432x4096xf32, #tpu.memory_space<vmem>>, vector<1x4096xf32>
    %mul3A_2623 = arith.mulf %get3A_2622, %mul3A_377 : vector<1x4096xf32>
    %add3A_2624 = arith.addf %add3A_2619, %mul3A_2623 : vector<1x4096xf32>
    %add3A_2625 = arith.addf %add3A_2602, %add3A_2624 : vector<1x4096xf32>
    %mul3A_2626 = arith.constant 0.204124153 : f32
    %mul3A_2627 = vector.broadcast %mul3A_2626 : f32 to vector<1x4096xf32>
    %mul3A_2628 = arith.mulf %add3A_2625, %mul3A_2627 : vector<1x4096xf32>
    %mul3A_2629 = arith.mulf %add3A_2078, %slice3A_135 : vector<1x4096xf32>
    %get3A_2630 = arith.constant 387 : index
    %get3A_2631 = arith.constant 0 : index
    %get3A_2632 = vector.load %arg33[%get3A_2630, %get3A_2631] : memref<432x4096xf32, #tpu.memory_space<vmem>>, vector<1x4096xf32>
    %mul3A_2633 = arith.mulf %get3A_2632, %mul3A_253 : vector<1x4096xf32>
    %add3A_2634 = arith.constant 0.000000e+00 : f32
    %add3A_2635 = vector.broadcast %add3A_2634 : f32 to vector<1x4096xf32>
    %add3A_2636 = arith.addf %add3A_2635, %mul3A_2633 : vector<1x4096xf32>
    %get3A_2637 = arith.constant 391 : index
    %get3A_2638 = arith.constant 0 : index
    %get3A_2639 = vector.load %arg33[%get3A_2637, %get3A_2638] : memref<432x4096xf32, #tpu.memory_space<vmem>>, vector<1x4096xf32>
    %mul3A_2640 = arith.mulf %get3A_2639, %mul3A_298 : vector<1x4096xf32>
    %add3A_2641 = arith.addf %add3A_2636, %mul3A_2640 : vector<1x4096xf32>
    %get3A_2642 = arith.constant 395 : index
    %get3A_2643 = arith.constant 0 : index
    %get3A_2644 = vector.load %arg33[%get3A_2642, %get3A_2643] : memref<432x4096xf32, #tpu.memory_space<vmem>>, vector<1x4096xf32>
    %mul3A_2645 = arith.mulf %get3A_2644, %mul3A_343 : vector<1x4096xf32>
    %add3A_2646 = arith.addf %add3A_2641, %mul3A_2645 : vector<1x4096xf32>
    %get3A_2647 = arith.constant 399 : index
    %get3A_2648 = arith.constant 0 : index
    %get3A_2649 = vector.load %arg33[%get3A_2647, %get3A_2648] : memref<432x4096xf32, #tpu.memory_space<vmem>>, vector<1x4096xf32>
    %mul3A_2650 = arith.mulf %get3A_2649, %mul3A_388 : vector<1x4096xf32>
    %add3A_2651 = arith.addf %add3A_2646, %mul3A_2650 : vector<1x4096xf32>
    %add3A_2652 = arith.addf %mul3A_2629, %add3A_2651 : vector<1x4096xf32>
    %get3A_2653 = arith.constant 403 : index
    %get3A_2654 = arith.constant 0 : index
    %get3A_2655 = vector.load %arg33[%get3A_2653, %get3A_2654] : memref<432x4096xf32, #tpu.memory_space<vmem>>, vector<1x4096xf32>
    %mul3A_2656 = arith.mulf %get3A_2655, %mul3A_250 : vector<1x4096xf32>
    %add3A_2657 = arith.constant 0.000000e+00 : f32
    %add3A_2658 = vector.broadcast %add3A_2657 : f32 to vector<1x4096xf32>
    %add3A_2659 = arith.addf %add3A_2658, %mul3A_2656 : vector<1x4096xf32>
    %get3A_2660 = arith.constant 407 : index
    %get3A_2661 = arith.constant 0 : index
    %get3A_2662 = vector.load %arg33[%get3A_2660, %get3A_2661] : memref<432x4096xf32, #tpu.memory_space<vmem>>, vector<1x4096xf32>
    %mul3A_2663 = arith.mulf %get3A_2662, %mul3A_295 : vector<1x4096xf32>
    %add3A_2664 = arith.addf %add3A_2659, %mul3A_2663 : vector<1x4096xf32>
    %get3A_2665 = arith.constant 411 : index
    %get3A_2666 = arith.constant 0 : index
    %get3A_2667 = vector.load %arg33[%get3A_2665, %get3A_2666] : memref<432x4096xf32, #tpu.memory_space<vmem>>, vector<1x4096xf32>
    %mul3A_2668 = arith.mulf %get3A_2667, %mul3A_340 : vector<1x4096xf32>
    %add3A_2669 = arith.addf %add3A_2664, %mul3A_2668 : vector<1x4096xf32>
    %get3A_2670 = arith.constant 415 : index
    %get3A_2671 = arith.constant 0 : index
    %get3A_2672 = vector.load %arg33[%get3A_2670, %get3A_2671] : memref<432x4096xf32, #tpu.memory_space<vmem>>, vector<1x4096xf32>
    %mul3A_2673 = arith.mulf %get3A_2672, %mul3A_385 : vector<1x4096xf32>
    %add3A_2674 = arith.addf %add3A_2669, %mul3A_2673 : vector<1x4096xf32>
    %add3A_2675 = arith.addf %add3A_2652, %add3A_2674 : vector<1x4096xf32>
    %mul3A_2676 = arith.constant 0.204124153 : f32
    %mul3A_2677 = vector.broadcast %mul3A_2676 : f32 to vector<1x4096xf32>
    %mul3A_2678 = arith.mulf %add3A_2675, %mul3A_2677 : vector<1x4096xf32>
    %get3A_2679 = arith.constant 416 : index
    %get3A_2680 = arith.constant 0 : index
    %get3A_2681 = vector.load %arg33[%get3A_2679, %get3A_2680] : memref<432x4096xf32, #tpu.memory_space<vmem>>, vector<1x4096xf32>
    %mul3A_2682 = arith.mulf %get3A_2681, %mul3A_259 : vector<1x4096xf32>
    %add3A_2683 = arith.constant 0.000000e+00 : f32
    %add3A_2684 = vector.broadcast %add3A_2683 : f32 to vector<1x4096xf32>
    %add3A_2685 = arith.addf %add3A_2684, %mul3A_2682 : vector<1x4096xf32>
    %get3A_2686 = arith.constant 420 : index
    %get3A_2687 = arith.constant 0 : index
    %get3A_2688 = vector.load %arg33[%get3A_2686, %get3A_2687] : memref<432x4096xf32, #tpu.memory_space<vmem>>, vector<1x4096xf32>
    %mul3A_2689 = arith.mulf %get3A_2688, %mul3A_304 : vector<1x4096xf32>
    %add3A_2690 = arith.addf %add3A_2685, %mul3A_2689 : vector<1x4096xf32>
    %get3A_2691 = arith.constant 424 : index
    %get3A_2692 = arith.constant 0 : index
    %get3A_2693 = vector.load %arg33[%get3A_2691, %get3A_2692] : memref<432x4096xf32, #tpu.memory_space<vmem>>, vector<1x4096xf32>
    %mul3A_2694 = arith.mulf %get3A_2693, %mul3A_349 : vector<1x4096xf32>
    %add3A_2695 = arith.addf %add3A_2690, %mul3A_2694 : vector<1x4096xf32>
    %get3A_2696 = arith.constant 428 : index
    %get3A_2697 = arith.constant 0 : index
    %get3A_2698 = vector.load %arg33[%get3A_2696, %get3A_2697] : memref<432x4096xf32, #tpu.memory_space<vmem>>, vector<1x4096xf32>
    %mul3A_2699 = arith.mulf %get3A_2698, %mul3A_394 : vector<1x4096xf32>
    %add3A_2700 = arith.addf %add3A_2695, %mul3A_2699 : vector<1x4096xf32>
    %mul3A_2701 = arith.constant 5.000000e-01 : f32
    %mul3A_2702 = vector.broadcast %mul3A_2701 : f32 to vector<1x4096xf32>
    %mul3A_2703 = arith.mulf %add3A_2700, %mul3A_2702 : vector<1x4096xf32>
    %get3A_2704 = arith.constant 416 : index
    %get3A_2705 = arith.constant 0 : index
    %get3A_2706 = vector.load %arg33[%get3A_2704, %get3A_2705] : memref<432x4096xf32, #tpu.memory_space<vmem>>, vector<1x4096xf32>
    %mul3A_2707 = arith.mulf %get3A_2706, %mul3A_265 : vector<1x4096xf32>
    %add3A_2708 = arith.constant 0.000000e+00 : f32
    %add3A_2709 = vector.broadcast %add3A_2708 : f32 to vector<1x4096xf32>
    %add3A_2710 = arith.addf %add3A_2709, %mul3A_2707 : vector<1x4096xf32>
    %get3A_2711 = arith.constant 420 : index
    %get3A_2712 = arith.constant 0 : index
    %get3A_2713 = vector.load %arg33[%get3A_2711, %get3A_2712] : memref<432x4096xf32, #tpu.memory_space<vmem>>, vector<1x4096xf32>
    %mul3A_2714 = arith.mulf %get3A_2713, %mul3A_310 : vector<1x4096xf32>
    %add3A_2715 = arith.addf %add3A_2710, %mul3A_2714 : vector<1x4096xf32>
    %get3A_2716 = arith.constant 424 : index
    %get3A_2717 = arith.constant 0 : index
    %get3A_2718 = vector.load %arg33[%get3A_2716, %get3A_2717] : memref<432x4096xf32, #tpu.memory_space<vmem>>, vector<1x4096xf32>
    %mul3A_2719 = arith.mulf %get3A_2718, %mul3A_355 : vector<1x4096xf32>
    %add3A_2720 = arith.addf %add3A_2715, %mul3A_2719 : vector<1x4096xf32>
    %get3A_2721 = arith.constant 428 : index
    %get3A_2722 = arith.constant 0 : index
    %get3A_2723 = vector.load %arg33[%get3A_2721, %get3A_2722] : memref<432x4096xf32, #tpu.memory_space<vmem>>, vector<1x4096xf32>
    %mul3A_2724 = arith.mulf %get3A_2723, %mul3A_400 : vector<1x4096xf32>
    %add3A_2725 = arith.addf %add3A_2720, %mul3A_2724 : vector<1x4096xf32>
    %mul3A_2726 = arith.constant 5.000000e-01 : f32
    %mul3A_2727 = vector.broadcast %mul3A_2726 : f32 to vector<1x4096xf32>
    %mul3A_2728 = arith.mulf %add3A_2725, %mul3A_2727 : vector<1x4096xf32>
    %get3A_2729 = arith.constant 416 : index
    %get3A_2730 = arith.constant 0 : index
    %get3A_2731 = vector.load %arg33[%get3A_2729, %get3A_2730] : memref<432x4096xf32, #tpu.memory_space<vmem>>, vector<1x4096xf32>
    %mul3A_2732 = arith.mulf %get3A_2731, %mul3A_271 : vector<1x4096xf32>
    %add3A_2733 = arith.constant 0.000000e+00 : f32
    %add3A_2734 = vector.broadcast %add3A_2733 : f32 to vector<1x4096xf32>
    %add3A_2735 = arith.addf %add3A_2734, %mul3A_2732 : vector<1x4096xf32>
    %get3A_2736 = arith.constant 420 : index
    %get3A_2737 = arith.constant 0 : index
    %get3A_2738 = vector.load %arg33[%get3A_2736, %get3A_2737] : memref<432x4096xf32, #tpu.memory_space<vmem>>, vector<1x4096xf32>
    %mul3A_2739 = arith.mulf %get3A_2738, %mul3A_316 : vector<1x4096xf32>
    %add3A_2740 = arith.addf %add3A_2735, %mul3A_2739 : vector<1x4096xf32>
    %get3A_2741 = arith.constant 424 : index
    %get3A_2742 = arith.constant 0 : index
    %get3A_2743 = vector.load %arg33[%get3A_2741, %get3A_2742] : memref<432x4096xf32, #tpu.memory_space<vmem>>, vector<1x4096xf32>
    %mul3A_2744 = arith.mulf %get3A_2743, %mul3A_361 : vector<1x4096xf32>
    %add3A_2745 = arith.addf %add3A_2740, %mul3A_2744 : vector<1x4096xf32>
    %get3A_2746 = arith.constant 428 : index
    %get3A_2747 = arith.constant 0 : index
    %get3A_2748 = vector.load %arg33[%get3A_2746, %get3A_2747] : memref<432x4096xf32, #tpu.memory_space<vmem>>, vector<1x4096xf32>
    %mul3A_2749 = arith.mulf %get3A_2748, %mul3A_406 : vector<1x4096xf32>
    %add3A_2750 = arith.addf %add3A_2745, %mul3A_2749 : vector<1x4096xf32>
    %mul3A_2751 = arith.constant 5.000000e-01 : f32
    %mul3A_2752 = vector.broadcast %mul3A_2751 : f32 to vector<1x4096xf32>
    %mul3A_2753 = arith.mulf %add3A_2750, %mul3A_2752 : vector<1x4096xf32>
    %get3A_2754 = arith.constant 417 : index
    %get3A_2755 = arith.constant 0 : index
    %get3A_2756 = vector.load %arg33[%get3A_2754, %get3A_2755] : memref<432x4096xf32, #tpu.memory_space<vmem>>, vector<1x4096xf32>
    %mul3A_2757 = arith.mulf %get3A_2756, %mul3A_259 : vector<1x4096xf32>
    %add3A_2758 = arith.constant 0.000000e+00 : f32
    %add3A_2759 = vector.broadcast %add3A_2758 : f32 to vector<1x4096xf32>
    %add3A_2760 = arith.addf %add3A_2759, %mul3A_2757 : vector<1x4096xf32>
    %get3A_2761 = arith.constant 421 : index
    %get3A_2762 = arith.constant 0 : index
    %get3A_2763 = vector.load %arg33[%get3A_2761, %get3A_2762] : memref<432x4096xf32, #tpu.memory_space<vmem>>, vector<1x4096xf32>
    %mul3A_2764 = arith.mulf %get3A_2763, %mul3A_304 : vector<1x4096xf32>
    %add3A_2765 = arith.addf %add3A_2760, %mul3A_2764 : vector<1x4096xf32>
    %get3A_2766 = arith.constant 425 : index
    %get3A_2767 = arith.constant 0 : index
    %get3A_2768 = vector.load %arg33[%get3A_2766, %get3A_2767] : memref<432x4096xf32, #tpu.memory_space<vmem>>, vector<1x4096xf32>
    %mul3A_2769 = arith.mulf %get3A_2768, %mul3A_349 : vector<1x4096xf32>
    %add3A_2770 = arith.addf %add3A_2765, %mul3A_2769 : vector<1x4096xf32>
    %get3A_2771 = arith.constant 429 : index
    %get3A_2772 = arith.constant 0 : index
    %get3A_2773 = vector.load %arg33[%get3A_2771, %get3A_2772] : memref<432x4096xf32, #tpu.memory_space<vmem>>, vector<1x4096xf32>
    %mul3A_2774 = arith.mulf %get3A_2773, %mul3A_394 : vector<1x4096xf32>
    %add3A_2775 = arith.addf %add3A_2770, %mul3A_2774 : vector<1x4096xf32>
    %mul3A_2776 = arith.constant 5.000000e-01 : f32
    %mul3A_2777 = vector.broadcast %mul3A_2776 : f32 to vector<1x4096xf32>
    %mul3A_2778 = arith.mulf %add3A_2775, %mul3A_2777 : vector<1x4096xf32>
    %get3A_2779 = arith.constant 417 : index
    %get3A_2780 = arith.constant 0 : index
    %get3A_2781 = vector.load %arg33[%get3A_2779, %get3A_2780] : memref<432x4096xf32, #tpu.memory_space<vmem>>, vector<1x4096xf32>
    %mul3A_2782 = arith.mulf %get3A_2781, %mul3A_265 : vector<1x4096xf32>
    %add3A_2783 = arith.constant 0.000000e+00 : f32
    %add3A_2784 = vector.broadcast %add3A_2783 : f32 to vector<1x4096xf32>
    %add3A_2785 = arith.addf %add3A_2784, %mul3A_2782 : vector<1x4096xf32>
    %get3A_2786 = arith.constant 421 : index
    %get3A_2787 = arith.constant 0 : index
    %get3A_2788 = vector.load %arg33[%get3A_2786, %get3A_2787] : memref<432x4096xf32, #tpu.memory_space<vmem>>, vector<1x4096xf32>
    %mul3A_2789 = arith.mulf %get3A_2788, %mul3A_310 : vector<1x4096xf32>
    %add3A_2790 = arith.addf %add3A_2785, %mul3A_2789 : vector<1x4096xf32>
    %get3A_2791 = arith.constant 425 : index
    %get3A_2792 = arith.constant 0 : index
    %get3A_2793 = vector.load %arg33[%get3A_2791, %get3A_2792] : memref<432x4096xf32, #tpu.memory_space<vmem>>, vector<1x4096xf32>
    %mul3A_2794 = arith.mulf %get3A_2793, %mul3A_355 : vector<1x4096xf32>
    %add3A_2795 = arith.addf %add3A_2790, %mul3A_2794 : vector<1x4096xf32>
    %get3A_2796 = arith.constant 429 : index
    %get3A_2797 = arith.constant 0 : index
    %get3A_2798 = vector.load %arg33[%get3A_2796, %get3A_2797] : memref<432x4096xf32, #tpu.memory_space<vmem>>, vector<1x4096xf32>
    %mul3A_2799 = arith.mulf %get3A_2798, %mul3A_400 : vector<1x4096xf32>
    %add3A_2800 = arith.addf %add3A_2795, %mul3A_2799 : vector<1x4096xf32>
    %mul3A_2801 = arith.constant 5.000000e-01 : f32
    %mul3A_2802 = vector.broadcast %mul3A_2801 : f32 to vector<1x4096xf32>
    %mul3A_2803 = arith.mulf %add3A_2800, %mul3A_2802 : vector<1x4096xf32>
    %get3A_2804 = arith.constant 417 : index
    %get3A_2805 = arith.constant 0 : index
    %get3A_2806 = vector.load %arg33[%get3A_2804, %get3A_2805] : memref<432x4096xf32, #tpu.memory_space<vmem>>, vector<1x4096xf32>
    %mul3A_2807 = arith.mulf %get3A_2806, %mul3A_271 : vector<1x4096xf32>
    %add3A_2808 = arith.constant 0.000000e+00 : f32
    %add3A_2809 = vector.broadcast %add3A_2808 : f32 to vector<1x4096xf32>
    %add3A_2810 = arith.addf %add3A_2809, %mul3A_2807 : vector<1x4096xf32>
    %get3A_2811 = arith.constant 421 : index
    %get3A_2812 = arith.constant 0 : index
    %get3A_2813 = vector.load %arg33[%get3A_2811, %get3A_2812] : memref<432x4096xf32, #tpu.memory_space<vmem>>, vector<1x4096xf32>
    %mul3A_2814 = arith.mulf %get3A_2813, %mul3A_316 : vector<1x4096xf32>
    %add3A_2815 = arith.addf %add3A_2810, %mul3A_2814 : vector<1x4096xf32>
    %get3A_2816 = arith.constant 425 : index
    %get3A_2817 = arith.constant 0 : index
    %get3A_2818 = vector.load %arg33[%get3A_2816, %get3A_2817] : memref<432x4096xf32, #tpu.memory_space<vmem>>, vector<1x4096xf32>
    %mul3A_2819 = arith.mulf %get3A_2818, %mul3A_361 : vector<1x4096xf32>
    %add3A_2820 = arith.addf %add3A_2815, %mul3A_2819 : vector<1x4096xf32>
    %get3A_2821 = arith.constant 429 : index
    %get3A_2822 = arith.constant 0 : index
    %get3A_2823 = vector.load %arg33[%get3A_2821, %get3A_2822] : memref<432x4096xf32, #tpu.memory_space<vmem>>, vector<1x4096xf32>
    %mul3A_2824 = arith.mulf %get3A_2823, %mul3A_406 : vector<1x4096xf32>
    %add3A_2825 = arith.addf %add3A_2820, %mul3A_2824 : vector<1x4096xf32>
    %mul3A_2826 = arith.constant 5.000000e-01 : f32
    %mul3A_2827 = vector.broadcast %mul3A_2826 : f32 to vector<1x4096xf32>
    %mul3A_2828 = arith.mulf %add3A_2825, %mul3A_2827 : vector<1x4096xf32>
    %get3A_2829 = arith.constant 418 : index
    %get3A_2830 = arith.constant 0 : index
    %get3A_2831 = vector.load %arg33[%get3A_2829, %get3A_2830] : memref<432x4096xf32, #tpu.memory_space<vmem>>, vector<1x4096xf32>
    %mul3A_2832 = arith.mulf %get3A_2831, %mul3A_259 : vector<1x4096xf32>
    %add3A_2833 = arith.constant 0.000000e+00 : f32
    %add3A_2834 = vector.broadcast %add3A_2833 : f32 to vector<1x4096xf32>
    %add3A_2835 = arith.addf %add3A_2834, %mul3A_2832 : vector<1x4096xf32>
    %get3A_2836 = arith.constant 422 : index
    %get3A_2837 = arith.constant 0 : index
    %get3A_2838 = vector.load %arg33[%get3A_2836, %get3A_2837] : memref<432x4096xf32, #tpu.memory_space<vmem>>, vector<1x4096xf32>
    %mul3A_2839 = arith.mulf %get3A_2838, %mul3A_304 : vector<1x4096xf32>
    %add3A_2840 = arith.addf %add3A_2835, %mul3A_2839 : vector<1x4096xf32>
    %get3A_2841 = arith.constant 426 : index
    %get3A_2842 = arith.constant 0 : index
    %get3A_2843 = vector.load %arg33[%get3A_2841, %get3A_2842] : memref<432x4096xf32, #tpu.memory_space<vmem>>, vector<1x4096xf32>
    %mul3A_2844 = arith.mulf %get3A_2843, %mul3A_349 : vector<1x4096xf32>
    %add3A_2845 = arith.addf %add3A_2840, %mul3A_2844 : vector<1x4096xf32>
    %get3A_2846 = arith.constant 430 : index
    %get3A_2847 = arith.constant 0 : index
    %get3A_2848 = vector.load %arg33[%get3A_2846, %get3A_2847] : memref<432x4096xf32, #tpu.memory_space<vmem>>, vector<1x4096xf32>
    %mul3A_2849 = arith.mulf %get3A_2848, %mul3A_394 : vector<1x4096xf32>
    %add3A_2850 = arith.addf %add3A_2845, %mul3A_2849 : vector<1x4096xf32>
    %mul3A_2851 = arith.constant 5.000000e-01 : f32
    %mul3A_2852 = vector.broadcast %mul3A_2851 : f32 to vector<1x4096xf32>
    %mul3A_2853 = arith.mulf %add3A_2850, %mul3A_2852 : vector<1x4096xf32>
    %get3A_2854 = arith.constant 418 : index
    %get3A_2855 = arith.constant 0 : index
    %get3A_2856 = vector.load %arg33[%get3A_2854, %get3A_2855] : memref<432x4096xf32, #tpu.memory_space<vmem>>, vector<1x4096xf32>
    %mul3A_2857 = arith.mulf %get3A_2856, %mul3A_265 : vector<1x4096xf32>
    %add3A_2858 = arith.constant 0.000000e+00 : f32
    %add3A_2859 = vector.broadcast %add3A_2858 : f32 to vector<1x4096xf32>
    %add3A_2860 = arith.addf %add3A_2859, %mul3A_2857 : vector<1x4096xf32>
    %get3A_2861 = arith.constant 422 : index
    %get3A_2862 = arith.constant 0 : index
    %get3A_2863 = vector.load %arg33[%get3A_2861, %get3A_2862] : memref<432x4096xf32, #tpu.memory_space<vmem>>, vector<1x4096xf32>
    %mul3A_2864 = arith.mulf %get3A_2863, %mul3A_310 : vector<1x4096xf32>
    %add3A_2865 = arith.addf %add3A_2860, %mul3A_2864 : vector<1x4096xf32>
    %get3A_2866 = arith.constant 426 : index
    %get3A_2867 = arith.constant 0 : index
    %get3A_2868 = vector.load %arg33[%get3A_2866, %get3A_2867] : memref<432x4096xf32, #tpu.memory_space<vmem>>, vector<1x4096xf32>
    %mul3A_2869 = arith.mulf %get3A_2868, %mul3A_355 : vector<1x4096xf32>
    %add3A_2870 = arith.addf %add3A_2865, %mul3A_2869 : vector<1x4096xf32>
    %get3A_2871 = arith.constant 430 : index
    %get3A_2872 = arith.constant 0 : index
    %get3A_2873 = vector.load %arg33[%get3A_2871, %get3A_2872] : memref<432x4096xf32, #tpu.memory_space<vmem>>, vector<1x4096xf32>
    %mul3A_2874 = arith.mulf %get3A_2873, %mul3A_400 : vector<1x4096xf32>
    %add3A_2875 = arith.addf %add3A_2870, %mul3A_2874 : vector<1x4096xf32>
    %mul3A_2876 = arith.constant 5.000000e-01 : f32
    %mul3A_2877 = vector.broadcast %mul3A_2876 : f32 to vector<1x4096xf32>
    %mul3A_2878 = arith.mulf %add3A_2875, %mul3A_2877 : vector<1x4096xf32>
    %get3A_2879 = arith.constant 418 : index
    %get3A_2880 = arith.constant 0 : index
    %get3A_2881 = vector.load %arg33[%get3A_2879, %get3A_2880] : memref<432x4096xf32, #tpu.memory_space<vmem>>, vector<1x4096xf32>
    %mul3A_2882 = arith.mulf %get3A_2881, %mul3A_271 : vector<1x4096xf32>
    %add3A_2883 = arith.constant 0.000000e+00 : f32
    %add3A_2884 = vector.broadcast %add3A_2883 : f32 to vector<1x4096xf32>
    %add3A_2885 = arith.addf %add3A_2884, %mul3A_2882 : vector<1x4096xf32>
    %get3A_2886 = arith.constant 422 : index
    %get3A_2887 = arith.constant 0 : index
    %get3A_2888 = vector.load %arg33[%get3A_2886, %get3A_2887] : memref<432x4096xf32, #tpu.memory_space<vmem>>, vector<1x4096xf32>
    %mul3A_2889 = arith.mulf %get3A_2888, %mul3A_316 : vector<1x4096xf32>
    %add3A_2890 = arith.addf %add3A_2885, %mul3A_2889 : vector<1x4096xf32>
    %get3A_2891 = arith.constant 426 : index
    %get3A_2892 = arith.constant 0 : index
    %get3A_2893 = vector.load %arg33[%get3A_2891, %get3A_2892] : memref<432x4096xf32, #tpu.memory_space<vmem>>, vector<1x4096xf32>
    %mul3A_2894 = arith.mulf %get3A_2893, %mul3A_361 : vector<1x4096xf32>
    %add3A_2895 = arith.addf %add3A_2890, %mul3A_2894 : vector<1x4096xf32>
    %get3A_2896 = arith.constant 430 : index
    %get3A_2897 = arith.constant 0 : index
    %get3A_2898 = vector.load %arg33[%get3A_2896, %get3A_2897] : memref<432x4096xf32, #tpu.memory_space<vmem>>, vector<1x4096xf32>
    %mul3A_2899 = arith.mulf %get3A_2898, %mul3A_406 : vector<1x4096xf32>
    %add3A_2900 = arith.addf %add3A_2895, %mul3A_2899 : vector<1x4096xf32>
    %mul3A_2901 = arith.constant 5.000000e-01 : f32
    %mul3A_2902 = vector.broadcast %mul3A_2901 : f32 to vector<1x4096xf32>
    %mul3A_2903 = arith.mulf %add3A_2900, %mul3A_2902 : vector<1x4096xf32>
    %get3A_2904 = arith.constant 419 : index
    %get3A_2905 = arith.constant 0 : index
    %get3A_2906 = vector.load %arg33[%get3A_2904, %get3A_2905] : memref<432x4096xf32, #tpu.memory_space<vmem>>, vector<1x4096xf32>
    %mul3A_2907 = arith.mulf %get3A_2906, %mul3A_259 : vector<1x4096xf32>
    %add3A_2908 = arith.constant 0.000000e+00 : f32
    %add3A_2909 = vector.broadcast %add3A_2908 : f32 to vector<1x4096xf32>
    %add3A_2910 = arith.addf %add3A_2909, %mul3A_2907 : vector<1x4096xf32>
    %get3A_2911 = arith.constant 423 : index
    %get3A_2912 = arith.constant 0 : index
    %get3A_2913 = vector.load %arg33[%get3A_2911, %get3A_2912] : memref<432x4096xf32, #tpu.memory_space<vmem>>, vector<1x4096xf32>
    %mul3A_2914 = arith.mulf %get3A_2913, %mul3A_304 : vector<1x4096xf32>
    %add3A_2915 = arith.addf %add3A_2910, %mul3A_2914 : vector<1x4096xf32>
    %get3A_2916 = arith.constant 427 : index
    %get3A_2917 = arith.constant 0 : index
    %get3A_2918 = vector.load %arg33[%get3A_2916, %get3A_2917] : memref<432x4096xf32, #tpu.memory_space<vmem>>, vector<1x4096xf32>
    %mul3A_2919 = arith.mulf %get3A_2918, %mul3A_349 : vector<1x4096xf32>
    %add3A_2920 = arith.addf %add3A_2915, %mul3A_2919 : vector<1x4096xf32>
    %get3A_2921 = arith.constant 431 : index
    %get3A_2922 = arith.constant 0 : index
    %get3A_2923 = vector.load %arg33[%get3A_2921, %get3A_2922] : memref<432x4096xf32, #tpu.memory_space<vmem>>, vector<1x4096xf32>
    %mul3A_2924 = arith.mulf %get3A_2923, %mul3A_394 : vector<1x4096xf32>
    %add3A_2925 = arith.addf %add3A_2920, %mul3A_2924 : vector<1x4096xf32>
    %mul3A_2926 = arith.constant 5.000000e-01 : f32
    %mul3A_2927 = vector.broadcast %mul3A_2926 : f32 to vector<1x4096xf32>
    %mul3A_2928 = arith.mulf %add3A_2925, %mul3A_2927 : vector<1x4096xf32>
    %get3A_2929 = arith.constant 419 : index
    %get3A_2930 = arith.constant 0 : index
    %get3A_2931 = vector.load %arg33[%get3A_2929, %get3A_2930] : memref<432x4096xf32, #tpu.memory_space<vmem>>, vector<1x4096xf32>
    %mul3A_2932 = arith.mulf %get3A_2931, %mul3A_265 : vector<1x4096xf32>
    %add3A_2933 = arith.constant 0.000000e+00 : f32
    %add3A_2934 = vector.broadcast %add3A_2933 : f32 to vector<1x4096xf32>
    %add3A_2935 = arith.addf %add3A_2934, %mul3A_2932 : vector<1x4096xf32>
    %get3A_2936 = arith.constant 423 : index
    %get3A_2937 = arith.constant 0 : index
    %get3A_2938 = vector.load %arg33[%get3A_2936, %get3A_2937] : memref<432x4096xf32, #tpu.memory_space<vmem>>, vector<1x4096xf32>
    %mul3A_2939 = arith.mulf %get3A_2938, %mul3A_310 : vector<1x4096xf32>
    %add3A_2940 = arith.addf %add3A_2935, %mul3A_2939 : vector<1x4096xf32>
    %get3A_2941 = arith.constant 427 : index
    %get3A_2942 = arith.constant 0 : index
    %get3A_2943 = vector.load %arg33[%get3A_2941, %get3A_2942] : memref<432x4096xf32, #tpu.memory_space<vmem>>, vector<1x4096xf32>
    %mul3A_2944 = arith.mulf %get3A_2943, %mul3A_355 : vector<1x4096xf32>
    %add3A_2945 = arith.addf %add3A_2940, %mul3A_2944 : vector<1x4096xf32>
    %get3A_2946 = arith.constant 431 : index
    %get3A_2947 = arith.constant 0 : index
    %get3A_2948 = vector.load %arg33[%get3A_2946, %get3A_2947] : memref<432x4096xf32, #tpu.memory_space<vmem>>, vector<1x4096xf32>
    %mul3A_2949 = arith.mulf %get3A_2948, %mul3A_400 : vector<1x4096xf32>
    %add3A_2950 = arith.addf %add3A_2945, %mul3A_2949 : vector<1x4096xf32>
    %mul3A_2951 = arith.constant 5.000000e-01 : f32
    %mul3A_2952 = vector.broadcast %mul3A_2951 : f32 to vector<1x4096xf32>
    %mul3A_2953 = arith.mulf %add3A_2950, %mul3A_2952 : vector<1x4096xf32>
    %get3A_2954 = arith.constant 419 : index
    %get3A_2955 = arith.constant 0 : index
    %get3A_2956 = vector.load %arg33[%get3A_2954, %get3A_2955] : memref<432x4096xf32, #tpu.memory_space<vmem>>, vector<1x4096xf32>
    %mul3A_2957 = arith.mulf %get3A_2956, %mul3A_271 : vector<1x4096xf32>
    %add3A_2958 = arith.constant 0.000000e+00 : f32
    %add3A_2959 = vector.broadcast %add3A_2958 : f32 to vector<1x4096xf32>
    %add3A_2960 = arith.addf %add3A_2959, %mul3A_2957 : vector<1x4096xf32>
    %get3A_2961 = arith.constant 423 : index
    %get3A_2962 = arith.constant 0 : index
    %get3A_2963 = vector.load %arg33[%get3A_2961, %get3A_2962] : memref<432x4096xf32, #tpu.memory_space<vmem>>, vector<1x4096xf32>
    %mul3A_2964 = arith.mulf %get3A_2963, %mul3A_316 : vector<1x4096xf32>
    %add3A_2965 = arith.addf %add3A_2960, %mul3A_2964 : vector<1x4096xf32>
    %get3A_2966 = arith.constant 427 : index
    %get3A_2967 = arith.constant 0 : index
    %get3A_2968 = vector.load %arg33[%get3A_2966, %get3A_2967] : memref<432x4096xf32, #tpu.memory_space<vmem>>, vector<1x4096xf32>
    %mul3A_2969 = arith.mulf %get3A_2968, %mul3A_361 : vector<1x4096xf32>
    %add3A_2970 = arith.addf %add3A_2965, %mul3A_2969 : vector<1x4096xf32>
    %get3A_2971 = arith.constant 431 : index
    %get3A_2972 = arith.constant 0 : index
    %get3A_2973 = vector.load %arg33[%get3A_2971, %get3A_2972] : memref<432x4096xf32, #tpu.memory_space<vmem>>, vector<1x4096xf32>
    %mul3A_2974 = arith.mulf %get3A_2973, %mul3A_406 : vector<1x4096xf32>
    %add3A_2975 = arith.addf %add3A_2970, %mul3A_2974 : vector<1x4096xf32>
    %mul3A_2976 = arith.constant 5.000000e-01 : f32
    %mul3A_2977 = vector.broadcast %mul3A_2976 : f32 to vector<1x4096xf32>
    %mul3A_2978 = arith.mulf %add3A_2975, %mul3A_2977 : vector<1x4096xf32>
    %get3A_2979 = arith.constant 0 : index
    %get3A_2980 = arith.constant 0 : index
    %get3A_2981 = vector.load %arg35[%get3A_2979, %get3A_2980] : memref<28x4096xf32, #tpu.memory_space<vmem>>, vector<16x4096xf32>
    %mul3A_2982 = arith.mulf %get3A_2981, %mul3A_550 : vector<16x4096xf32>
    %reduce_sum3A_2983 = arith.constant dense<0.000000e+00> : vector<4096xf32>
    %reduce_sum3A_2984 = vector.multi_reduction <add>, %mul3A_2982, %reduce_sum3A_2983 [0] : vector<16x4096xf32> to vector<4096xf32>
    %broadcast_in_dim3A_2985 = vector.shape_cast %reduce_sum3A_2984 : vector<4096xf32> to vector<1x4096xf32>
    %get3A_2986 = arith.constant 16 : index
    %get3A_2987 = arith.constant 0 : index
    %get3A_2988 = vector.load %arg35[%get3A_2986, %get3A_2987] : memref<28x4096xf32, #tpu.memory_space<vmem>>, vector<1x4096xf32>
    %mul3A_2989 = arith.mulf %get3A_2988, %mul3A_992 : vector<1x4096xf32>
    %add3A_2990 = arith.constant 0.000000e+00 : f32
    %add3A_2991 = vector.broadcast %add3A_2990 : f32 to vector<1x4096xf32>
    %add3A_2992 = arith.addf %add3A_2991, %mul3A_2989 : vector<1x4096xf32>
    %get3A_2993 = arith.constant 17 : index
    %get3A_2994 = arith.constant 0 : index
    %get3A_2995 = vector.load %arg35[%get3A_2993, %get3A_2994] : memref<28x4096xf32, #tpu.memory_space<vmem>>, vector<1x4096xf32>
    %mul3A_2996 = arith.mulf %get3A_2995, %mul3A_1042 : vector<1x4096xf32>
    %add3A_2997 = arith.addf %add3A_2992, %mul3A_2996 : vector<1x4096xf32>
    %get3A_2998 = arith.constant 18 : index
    %get3A_2999 = arith.constant 0 : index
    %get3A_3000 = vector.load %arg35[%get3A_2998, %get3A_2999] : memref<28x4096xf32, #tpu.memory_space<vmem>>, vector<1x4096xf32>
    %mul3A_3001 = arith.mulf %get3A_3000, %mul3A_1092 : vector<1x4096xf32>
    %add3A_3002 = arith.addf %add3A_2997, %mul3A_3001 : vector<1x4096xf32>
    %get3A_3003 = arith.constant 19 : index
    %get3A_3004 = arith.constant 0 : index
    %get3A_3005 = vector.load %arg35[%get3A_3003, %get3A_3004] : memref<28x4096xf32, #tpu.memory_space<vmem>>, vector<1x4096xf32>
    %mul3A_3006 = arith.mulf %get3A_3005, %mul3A_1142 : vector<1x4096xf32>
    %add3A_3007 = arith.addf %add3A_3002, %mul3A_3006 : vector<1x4096xf32>
    %get3A_3008 = arith.constant 20 : index
    %get3A_3009 = arith.constant 0 : index
    %get3A_3010 = vector.load %arg35[%get3A_3008, %get3A_3009] : memref<28x4096xf32, #tpu.memory_space<vmem>>, vector<1x4096xf32>
    %mul3A_3011 = arith.mulf %get3A_3010, %mul3A_1192 : vector<1x4096xf32>
    %add3A_3012 = arith.addf %add3A_3007, %mul3A_3011 : vector<1x4096xf32>
    %get3A_3013 = arith.constant 21 : index
    %get3A_3014 = arith.constant 0 : index
    %get3A_3015 = vector.load %arg35[%get3A_3013, %get3A_3014] : memref<28x4096xf32, #tpu.memory_space<vmem>>, vector<1x4096xf32>
    %mul3A_3016 = arith.mulf %get3A_3015, %mul3A_1242 : vector<1x4096xf32>
    %add3A_3017 = arith.addf %add3A_3012, %mul3A_3016 : vector<1x4096xf32>
    %get3A_3018 = arith.constant 22 : index
    %get3A_3019 = arith.constant 0 : index
    %get3A_3020 = vector.load %arg35[%get3A_3018, %get3A_3019] : memref<28x4096xf32, #tpu.memory_space<vmem>>, vector<1x4096xf32>
    %mul3A_3021 = arith.mulf %get3A_3020, %mul3A_1292 : vector<1x4096xf32>
    %add3A_3022 = arith.addf %add3A_3017, %mul3A_3021 : vector<1x4096xf32>
    %get3A_3023 = arith.constant 23 : index
    %get3A_3024 = arith.constant 0 : index
    %get3A_3025 = vector.load %arg35[%get3A_3023, %get3A_3024] : memref<28x4096xf32, #tpu.memory_space<vmem>>, vector<1x4096xf32>
    %mul3A_3026 = arith.mulf %get3A_3025, %mul3A_1342 : vector<1x4096xf32>
    %add3A_3027 = arith.addf %add3A_3022, %mul3A_3026 : vector<1x4096xf32>
    %get3A_3028 = arith.constant 24 : index
    %get3A_3029 = arith.constant 0 : index
    %get3A_3030 = vector.load %arg35[%get3A_3028, %get3A_3029] : memref<28x4096xf32, #tpu.memory_space<vmem>>, vector<1x4096xf32>
    %mul3A_3031 = arith.mulf %get3A_3030, %mul3A_1392 : vector<1x4096xf32>
    %add3A_3032 = arith.addf %add3A_3027, %mul3A_3031 : vector<1x4096xf32>
    %get3A_3033 = arith.constant 25 : index
    %get3A_3034 = arith.constant 0 : index
    %get3A_3035 = vector.load %arg35[%get3A_3033, %get3A_3034] : memref<28x4096xf32, #tpu.memory_space<vmem>>, vector<1x4096xf32>
    %mul3A_3036 = arith.mulf %get3A_3035, %mul3A_1442 : vector<1x4096xf32>
    %add3A_3037 = arith.addf %add3A_3032, %mul3A_3036 : vector<1x4096xf32>
    %get3A_3038 = arith.constant 26 : index
    %get3A_3039 = arith.constant 0 : index
    %get3A_3040 = vector.load %arg35[%get3A_3038, %get3A_3039] : memref<28x4096xf32, #tpu.memory_space<vmem>>, vector<1x4096xf32>
    %mul3A_3041 = arith.mulf %get3A_3040, %mul3A_1492 : vector<1x4096xf32>
    %add3A_3042 = arith.addf %add3A_3037, %mul3A_3041 : vector<1x4096xf32>
    %get3A_3043 = arith.constant 27 : index
    %get3A_3044 = arith.constant 0 : index
    %get3A_3045 = vector.load %arg35[%get3A_3043, %get3A_3044] : memref<28x4096xf32, #tpu.memory_space<vmem>>, vector<1x4096xf32>
    %mul3A_3046 = arith.mulf %get3A_3045, %mul3A_1542 : vector<1x4096xf32>
    %add3A_3047 = arith.addf %add3A_3042, %mul3A_3046 : vector<1x4096xf32>
    %mul3A_3048 = arith.constant 0.577350259 : f32
    %mul3A_3049 = vector.broadcast %mul3A_3048 : f32 to vector<1x4096xf32>
    %mul3A_3050 = arith.mulf %add3A_3047, %mul3A_3049 : vector<1x4096xf32>
    %add3A_3051 = arith.addf %broadcast_in_dim3A_2985, %mul3A_3050 : vector<1x4096xf32>
    %mul3A_3052 = arith.constant 0.0589255653 : f32
    %mul3A_3053 = vector.broadcast %mul3A_3052 : f32 to vector<1x4096xf32>
    %mul3A_3054 = arith.mulf %add3A_3051, %mul3A_3053 : vector<1x4096xf32>
    %mul3A_3055 = arith.constant 0.158113882 : f32
    %mul3A_3056 = vector.broadcast %mul3A_3055 : f32 to vector<1x4096xf32>
    %mul3A_3057 = arith.mulf %mul3A_3054, %mul3A_3056 : vector<1x4096xf32>
    %exp3A = math.exp %mul3A_3057 : vector<1x4096xf32>
    %mul3A_3058 = vector.broadcast %exp3A : vector<1x4096xf32> to vector<16x4096xf32>
    %mul3A_3059 = arith.mulf %mul3A_1686, %mul3A_3058 : vector<16x4096xf32>
    %swap3A_3060 = arith.constant 0 : index
    %swap3A_3061 = arith.constant 0 : index
    %swap3A_3062 = vector.load %arg31[%swap3A_3060, %swap3A_3061] : memref<48x4096xf32, #tpu.memory_space<vmem>>, vector<16x4096xf32>
    tpu.vector_store %arg31[%swap3A_3060, %swap3A_3061], %mul3A_3059 {strides = array<i32>} : memref<48x4096xf32, #tpu.memory_space<vmem>>, vector<16x4096xf32>,
    %mul3A_3063 = arith.mulf %mul3A_2128, %exp3A : vector<1x4096xf32>
    %swap3A_3064 = arith.constant 16 : index
    %swap3A_3065 = arith.constant 0 : index
    %swap3A_3066 = vector.load %arg31[%swap3A_3064, %swap3A_3065] : memref<48x4096xf32, #tpu.memory_space<vmem>>, vector<1x4096xf32>
    tpu.vector_store %arg31[%swap3A_3064, %swap3A_3065], %mul3A_3063 {strides = array<i32>} : memref<48x4096xf32, #tpu.memory_space<vmem>>, vector<1x4096xf32>,
    %mul3A_3067 = arith.mulf %mul3A_2703, %exp3A : vector<1x4096xf32>
    %swap3A_3068 = arith.constant 32 : index
    %swap3A_3069 = arith.constant 0 : index
    %swap3A_3070 = vector.load %arg31[%swap3A_3068, %swap3A_3069] : memref<48x4096xf32, #tpu.memory_space<vmem>>, vector<1x4096xf32>
    tpu.vector_store %arg31[%swap3A_3068, %swap3A_3069], %mul3A_3067 {strides = array<i32>} : memref<48x4096xf32, #tpu.memory_space<vmem>>, vector<1x4096xf32>,
    %mul3A_3071 = arith.mulf %mul3A_2178, %exp3A : vector<1x4096xf32>
    %swap3A_3072 = arith.constant 17 : index
    %swap3A_3073 = arith.constant 0 : index
    %swap3A_3074 = vector.load %arg31[%swap3A_3072, %swap3A_3073] : memref<48x4096xf32, #tpu.memory_space<vmem>>, vector<1x4096xf32>
    tpu.vector_store %arg31[%swap3A_3072, %swap3A_3073], %mul3A_3071 {strides = array<i32>} : memref<48x4096xf32, #tpu.memory_space<vmem>>, vector<1x4096xf32>,
    %mul3A_3075 = arith.mulf %mul3A_2728, %exp3A : vector<1x4096xf32>
    %swap3A_3076 = arith.constant 33 : index
    %swap3A_3077 = arith.constant 0 : index
    %swap3A_3078 = vector.load %arg31[%swap3A_3076, %swap3A_3077] : memref<48x4096xf32, #tpu.memory_space<vmem>>, vector<1x4096xf32>
    tpu.vector_store %arg31[%swap3A_3076, %swap3A_3077], %mul3A_3075 {strides = array<i32>} : memref<48x4096xf32, #tpu.memory_space<vmem>>, vector<1x4096xf32>,
    %mul3A_3079 = arith.mulf %mul3A_2228, %exp3A : vector<1x4096xf32>
    %swap3A_3080 = arith.constant 18 : index
    %swap3A_3081 = arith.constant 0 : index
    %swap3A_3082 = vector.load %arg31[%swap3A_3080, %swap3A_3081] : memref<48x4096xf32, #tpu.memory_space<vmem>>, vector<1x4096xf32>
    tpu.vector_store %arg31[%swap3A_3080, %swap3A_3081], %mul3A_3079 {strides = array<i32>} : memref<48x4096xf32, #tpu.memory_space<vmem>>, vector<1x4096xf32>,
    %mul3A_3083 = arith.mulf %mul3A_2753, %exp3A : vector<1x4096xf32>
    %swap3A_3084 = arith.constant 34 : index
    %swap3A_3085 = arith.constant 0 : index
    %swap3A_3086 = vector.load %arg31[%swap3A_3084, %swap3A_3085] : memref<48x4096xf32, #tpu.memory_space<vmem>>, vector<1x4096xf32>
    tpu.vector_store %arg31[%swap3A_3084, %swap3A_3085], %mul3A_3083 {strides = array<i32>} : memref<48x4096xf32, #tpu.memory_space<vmem>>, vector<1x4096xf32>,
    %mul3A_3087 = arith.mulf %mul3A_2278, %exp3A : vector<1x4096xf32>
    %swap3A_3088 = arith.constant 19 : index
    %swap3A_3089 = arith.constant 0 : index
    %swap3A_3090 = vector.load %arg31[%swap3A_3088, %swap3A_3089] : memref<48x4096xf32, #tpu.memory_space<vmem>>, vector<1x4096xf32>
    tpu.vector_store %arg31[%swap3A_3088, %swap3A_3089], %mul3A_3087 {strides = array<i32>} : memref<48x4096xf32, #tpu.memory_space<vmem>>, vector<1x4096xf32>,
    %mul3A_3091 = arith.mulf %mul3A_2778, %exp3A : vector<1x4096xf32>
    %swap3A_3092 = arith.constant 35 : index
    %swap3A_3093 = arith.constant 0 : index
    %swap3A_3094 = vector.load %arg31[%swap3A_3092, %swap3A_3093] : memref<48x4096xf32, #tpu.memory_space<vmem>>, vector<1x4096xf32>
    tpu.vector_store %arg31[%swap3A_3092, %swap3A_3093], %mul3A_3091 {strides = array<i32>} : memref<48x4096xf32, #tpu.memory_space<vmem>>, vector<1x4096xf32>,
    %mul3A_3095 = arith.mulf %mul3A_2328, %exp3A : vector<1x4096xf32>
    %swap3A_3096 = arith.constant 20 : index
    %swap3A_3097 = arith.constant 0 : index
    %swap3A_3098 = vector.load %arg31[%swap3A_3096, %swap3A_3097] : memref<48x4096xf32, #tpu.memory_space<vmem>>, vector<1x4096xf32>
    tpu.vector_store %arg31[%swap3A_3096, %swap3A_3097], %mul3A_3095 {strides = array<i32>} : memref<48x4096xf32, #tpu.memory_space<vmem>>, vector<1x4096xf32>,
    %mul3A_3099 = arith.mulf %mul3A_2803, %exp3A : vector<1x4096xf32>
    %swap3A_3100 = arith.constant 36 : index
    %swap3A_3101 = arith.constant 0 : index
    %swap3A_3102 = vector.load %arg31[%swap3A_3100, %swap3A_3101] : memref<48x4096xf32, #tpu.memory_space<vmem>>, vector<1x4096xf32>
    tpu.vector_store %arg31[%swap3A_3100, %swap3A_3101], %mul3A_3099 {strides = array<i32>} : memref<48x4096xf32, #tpu.memory_space<vmem>>, vector<1x4096xf32>,
    %mul3A_3103 = arith.mulf %mul3A_2378, %exp3A : vector<1x4096xf32>
    %swap3A_3104 = arith.constant 21 : index
    %swap3A_3105 = arith.constant 0 : index
    %swap3A_3106 = vector.load %arg31[%swap3A_3104, %swap3A_3105] : memref<48x4096xf32, #tpu.memory_space<vmem>>, vector<1x4096xf32>
    tpu.vector_store %arg31[%swap3A_3104, %swap3A_3105], %mul3A_3103 {strides = array<i32>} : memref<48x4096xf32, #tpu.memory_space<vmem>>, vector<1x4096xf32>,
    %mul3A_3107 = arith.mulf %mul3A_2828, %exp3A : vector<1x4096xf32>
    %swap3A_3108 = arith.constant 37 : index
    %swap3A_3109 = arith.constant 0 : index
    %swap3A_3110 = vector.load %arg31[%swap3A_3108, %swap3A_3109] : memref<48x4096xf32, #tpu.memory_space<vmem>>, vector<1x4096xf32>
    tpu.vector_store %arg31[%swap3A_3108, %swap3A_3109], %mul3A_3107 {strides = array<i32>} : memref<48x4096xf32, #tpu.memory_space<vmem>>, vector<1x4096xf32>,
    %mul3A_3111 = arith.mulf %mul3A_2428, %exp3A : vector<1x4096xf32>
    %swap3A_3112 = arith.constant 22 : index
    %swap3A_3113 = arith.constant 0 : index
    %swap3A_3114 = vector.load %arg31[%swap3A_3112, %swap3A_3113] : memref<48x4096xf32, #tpu.memory_space<vmem>>, vector<1x4096xf32>
    tpu.vector_store %arg31[%swap3A_3112, %swap3A_3113], %mul3A_3111 {strides = array<i32>} : memref<48x4096xf32, #tpu.memory_space<vmem>>, vector<1x4096xf32>,
    %mul3A_3115 = arith.mulf %mul3A_2853, %exp3A : vector<1x4096xf32>
    %swap3A_3116 = arith.constant 38 : index
    %swap3A_3117 = arith.constant 0 : index
    %swap3A_3118 = vector.load %arg31[%swap3A_3116, %swap3A_3117] : memref<48x4096xf32, #tpu.memory_space<vmem>>, vector<1x4096xf32>
    tpu.vector_store %arg31[%swap3A_3116, %swap3A_3117], %mul3A_3115 {strides = array<i32>} : memref<48x4096xf32, #tpu.memory_space<vmem>>, vector<1x4096xf32>,
    %mul3A_3119 = arith.mulf %mul3A_2478, %exp3A : vector<1x4096xf32>
    %swap3A_3120 = arith.constant 23 : index
    %swap3A_3121 = arith.constant 0 : index
    %swap3A_3122 = vector.load %arg31[%swap3A_3120, %swap3A_3121] : memref<48x4096xf32, #tpu.memory_space<vmem>>, vector<1x4096xf32>
    tpu.vector_store %arg31[%swap3A_3120, %swap3A_3121], %mul3A_3119 {strides = array<i32>} : memref<48x4096xf32, #tpu.memory_space<vmem>>, vector<1x4096xf32>,
    %mul3A_3123 = arith.mulf %mul3A_2878, %exp3A : vector<1x4096xf32>
    %swap3A_3124 = arith.constant 39 : index
    %swap3A_3125 = arith.constant 0 : index
    %swap3A_3126 = vector.load %arg31[%swap3A_3124, %swap3A_3125] : memref<48x4096xf32, #tpu.memory_space<vmem>>, vector<1x4096xf32>
    tpu.vector_store %arg31[%swap3A_3124, %swap3A_3125], %mul3A_3123 {strides = array<i32>} : memref<48x4096xf32, #tpu.memory_space<vmem>>, vector<1x4096xf32>,
    %mul3A_3127 = arith.mulf %mul3A_2528, %exp3A : vector<1x4096xf32>
    %swap3A_3128 = arith.constant 24 : index
    %swap3A_3129 = arith.constant 0 : index
    %swap3A_3130 = vector.load %arg31[%swap3A_3128, %swap3A_3129] : memref<48x4096xf32, #tpu.memory_space<vmem>>, vector<1x4096xf32>
    tpu.vector_store %arg31[%swap3A_3128, %swap3A_3129], %mul3A_3127 {strides = array<i32>} : memref<48x4096xf32, #tpu.memory_space<vmem>>, vector<1x4096xf32>,
    %mul3A_3131 = arith.mulf %mul3A_2903, %exp3A : vector<1x4096xf32>
    %swap3A_3132 = arith.constant 40 : index
    %swap3A_3133 = arith.constant 0 : index
    %swap3A_3134 = vector.load %arg31[%swap3A_3132, %swap3A_3133] : memref<48x4096xf32, #tpu.memory_space<vmem>>, vector<1x4096xf32>
    tpu.vector_store %arg31[%swap3A_3132, %swap3A_3133], %mul3A_3131 {strides = array<i32>} : memref<48x4096xf32, #tpu.memory_space<vmem>>, vector<1x4096xf32>,
    %mul3A_3135 = arith.mulf %mul3A_2578, %exp3A : vector<1x4096xf32>
    %swap3A_3136 = arith.constant 25 : index
    %swap3A_3137 = arith.constant 0 : index
    %swap3A_3138 = vector.load %arg31[%swap3A_3136, %swap3A_3137] : memref<48x4096xf32, #tpu.memory_space<vmem>>, vector<1x4096xf32>
    tpu.vector_store %arg31[%swap3A_3136, %swap3A_3137], %mul3A_3135 {strides = array<i32>} : memref<48x4096xf32, #tpu.memory_space<vmem>>, vector<1x4096xf32>,
    %mul3A_3139 = arith.mulf %mul3A_2928, %exp3A : vector<1x4096xf32>
    %swap3A_3140 = arith.constant 41 : index
    %swap3A_3141 = arith.constant 0 : index
    %swap3A_3142 = vector.load %arg31[%swap3A_3140, %swap3A_3141] : memref<48x4096xf32, #tpu.memory_space<vmem>>, vector<1x4096xf32>
    tpu.vector_store %arg31[%swap3A_3140, %swap3A_3141], %mul3A_3139 {strides = array<i32>} : memref<48x4096xf32, #tpu.memory_space<vmem>>, vector<1x4096xf32>,
    %mul3A_3143 = arith.mulf %mul3A_2628, %exp3A : vector<1x4096xf32>
    %swap3A_3144 = arith.constant 26 : index
    %swap3A_3145 = arith.constant 0 : index
    %swap3A_3146 = vector.load %arg31[%swap3A_3144, %swap3A_3145] : memref<48x4096xf32, #tpu.memory_space<vmem>>, vector<1x4096xf32>
    tpu.vector_store %arg31[%swap3A_3144, %swap3A_3145], %mul3A_3143 {strides = array<i32>} : memref<48x4096xf32, #tpu.memory_space<vmem>>, vector<1x4096xf32>,
    %mul3A_3147 = arith.mulf %mul3A_2953, %exp3A : vector<1x4096xf32>
    %swap3A_3148 = arith.constant 42 : index
    %swap3A_3149 = arith.constant 0 : index
    %swap3A_3150 = vector.load %arg31[%swap3A_3148, %swap3A_3149] : memref<48x4096xf32, #tpu.memory_space<vmem>>, vector<1x4096xf32>
    tpu.vector_store %arg31[%swap3A_3148, %swap3A_3149], %mul3A_3147 {strides = array<i32>} : memref<48x4096xf32, #tpu.memory_space<vmem>>, vector<1x4096xf32>,
    %mul3A_3151 = arith.mulf %mul3A_2678, %exp3A : vector<1x4096xf32>
    %swap3A_3152 = arith.constant 27 : index
    %swap3A_3153 = arith.constant 0 : index
    %swap3A_3154 = vector.load %arg31[%swap3A_3152, %swap3A_3153] : memref<48x4096xf32, #tpu.memory_space<vmem>>, vector<1x4096xf32>
    tpu.vector_store %arg31[%swap3A_3152, %swap3A_3153], %mul3A_3151 {strides = array<i32>} : memref<48x4096xf32, #tpu.memory_space<vmem>>, vector<1x4096xf32>,
    %mul3A_3155 = arith.mulf %mul3A_2978, %exp3A : vector<1x4096xf32>
    %swap3A_3156 = arith.constant 43 : index
    %swap3A_3157 = arith.constant 0 : index
    %swap3A_3158 = vector.load %arg31[%swap3A_3156, %swap3A_3157] : memref<48x4096xf32, #tpu.memory_space<vmem>>, vector<1x4096xf32>
    tpu.vector_store %arg31[%swap3A_3156, %swap3A_3157], %mul3A_3155 {strides = array<i32>} : memref<48x4096xf32, #tpu.memory_space<vmem>>, vector<1x4096xf32>,
    %swap3A_3159 = arith.constant 44 : index
    %swap3A_3160 = arith.constant 0 : index
    %swap3A_3161 = vector.load %arg31[%swap3A_3159, %swap3A_3160] : memref<48x4096xf32, #tpu.memory_space<vmem>>, vector<1x4096xf32>
    tpu.vector_store %arg31[%swap3A_3159, %swap3A_3160], %exp3A {strides = array<i32>} : memref<48x4096xf32, #tpu.memory_space<vmem>>, vector<1x4096xf32>,
    %broadcast_in_dim3A_3162 = arith.constant 1.000000e+00 : f32
    %broadcast_in_dim3A_3163 = vector.broadcast %broadcast_in_dim3A_3162 : f32 to vector<1x4096xf32>
    %swap3A_3164 = arith.constant 45 : index
    %swap3A_3165 = arith.constant 0 : index
    %swap3A_3166 = vector.load %arg31[%swap3A_3164, %swap3A_3165] : memref<48x4096xf32, #tpu.memory_space<vmem>>, vector<1x4096xf32>
    tpu.vector_store %arg31[%swap3A_3164, %swap3A_3165], %broadcast_in_dim3A_3163 {strides = array<i32>} : memref<48x4096xf32, #tpu.memory_space<vmem>>, vector<1x4096xf32>,
    %get3A_3167 = arith.constant 0 : index
    %get3A_3168 = arith.constant 0 : index
    %get3A_3169 = vector.load %arg30[%get3A_3167, %get3A_3168] : memref<48x768xf32, #tpu.memory_space<vmem>>, vector<48x768xf32>
    %get3A_3170 = arith.constant 0 : index
    %get3A_3171 = arith.constant 0 : index
    %get3A_3172 = vector.load %arg31[%get3A_3170, %get3A_3171] : memref<48x4096xf32, #tpu.memory_space<vmem>>, vector<48x4096xf32>
    %dot_general3A_3173 = arith.constant dense<0.000000e+00> : vector<48x768xf32>
    %dot_general3A_3174 = tpu.matmul %get3A_3172, %convert_element_type3A_113, %dot_general3A_3173 {dimension_numbers = #tpu.dot_dimension_numbers<[1], [1], [0], [0], [0, 0, 1, 0], [], []>, transpose_lhs_hint = false} : vector<48x4096xf32>, vector<768x4096xf32>, vector<48x768xf32> -> vector<48x768xf32>
    %add3A_3175 = arith.addf %get3A_3169, %dot_general3A_3174 : vector<48x768xf32>
    %swap3A_3176 = arith.constant 0 : index
    %swap3A_3177 = arith.constant 0 : index
    %swap3A_3178 = vector.load %arg30[%swap3A_3176, %swap3A_3177] : memref<48x768xf32, #tpu.memory_space<vmem>>, vector<48x768xf32>
    tpu.vector_store %arg30[%swap3A_3176, %swap3A_3177], %add3A_3175 {strides = array<i32>} : memref<48x768xf32, #tpu.memory_space<vmem>>, vector<48x768xf32>,
    %eq3A_3179 = arith.constant 11 : i32
    %eq3A_3180 = arith.cmpi eq, %arg0, %eq3A_3179 : i32
    %convert_element_type3A_3181 = arith.extui %eq3A_3180 : i1 to i32
    %cond3A_3182 = arith.constant 0 : i32
    %cond3A_3183 = arith.cmpi ne, %convert_element_type3A_3181, %cond3A_3182 : i32
    scf.if %cond3A_3183 {
      %get3A_3184 = arith.constant 0 : index
      %get3A_3185 = arith.constant 0 : index
      %get3A_3186 = vector.load %arg30[%get3A_3184, %get3A_3185] : memref<48x768xf32, #tpu.memory_space<vmem>>, vector<48x768xf32>
      %slice3A_3187 = vector.extract_strided_slice %get3A_3186 {offsets = [44, 0], sizes = [1, 768], strides = [1, 1]} : vector<48x768xf32> to vector<1x768xf32>
      %slice3A_3188 = vector.extract_strided_slice %get3A_3186 {offsets = [45, 0], sizes = [1, 768], strides = [1, 1]} : vector<48x768xf32> to vector<1x768xf32>
      %add3A_3189 = arith.constant 9.99999974E-6 : f32
      %add3A_3190 = vector.broadcast %add3A_3189 : f32 to vector<1x768xf32>
      %add3A_3191 = arith.addf %slice3A_3187, %add3A_3190 : vector<1x768xf32>
      %max3A_3192 = arith.constant 1.000000e+00 : f32
      %max3A_3193 = vector.broadcast %max3A_3192 : f32 to vector<1x768xf32>
      %max3A_3194 = arith.maximumf %slice3A_3188, %max3A_3193 : vector<1x768xf32>
      %mul3A_3195 = arith.mulf %add3A_3191, %max3A_3194 : vector<1x768xf32>
      %div3A_3196 = arith.constant 1.000000e+00 : f32
      %div3A_3197 = vector.broadcast %div3A_3196 : f32 to vector<1x768xf32>
      %div3A_3198 = arith.divf %div3A_3197, %mul3A_3195 : vector<1x768xf32>
      %slice3A_3199 = vector.extract_strided_slice %get3A_3186 {offsets = [0, 0], sizes = [16, 768], strides = [1, 1]} : vector<48x768xf32> to vector<16x768xf32>
      %mul3A_3200 = vector.broadcast %div3A_3198 : vector<1x768xf32> to vector<16x768xf32>
      %mul3A_3201 = arith.mulf %slice3A_3199, %mul3A_3200 : vector<16x768xf32>
      %get3A_3202 = arith.constant 0 : index
      %get3A_3203 = arith.constant 0 : index
      %get3A_3204 = vector.load %arg22[%get3A_3202, %get3A_3203] : memref<16x16xf32, #tpu.memory_space<vmem>>, vector<16x16xf32>
      %dot_general3A_3205 = arith.constant dense<0.000000e+00> : vector<16x768xf32>
      %dot_general3A_3206 = tpu.matmul %get3A_3204, %mul3A_3201, %dot_general3A_3205 {dimension_numbers = #tpu.dot_dimension_numbers<[1], [0], [0], [1], [0, 0, 1, 1], [], []>, transpose_lhs_hint = false} : vector<16x16xf32>, vector<16x768xf32>, vector<16x768xf32> -> vector<16x768xf32>
      %get3A_3207 = arith.constant 0 : index
      %get3A_3208 = arith.constant 0 : index
      %get3A_3209 = vector.load %arg23[%get3A_3207, %get3A_3208] : memref<256x16xf32, #tpu.memory_space<vmem>>, vector<256x16xf32>
      %dot_general3A_3210 = arith.constant dense<0.000000e+00> : vector<256x768xf32>
      %dot_general3A_3211 = tpu.matmul %get3A_3209, %dot_general3A_3206, %dot_general3A_3210 {dimension_numbers = #tpu.dot_dimension_numbers<[1], [0], [0], [1], [0, 0, 1, 1], [], []>, transpose_lhs_hint = false} : vector<256x16xf32>, vector<16x768xf32>, vector<256x768xf32> -> vector<256x768xf32>
      %get3A_3212 = arith.constant 0 : index
      %get3A_3213 = arith.constant 0 : index
      %get3A_3214 = vector.load %arg24[%get3A_3212, %get3A_3213] : memref<256x1xf32, #tpu.memory_space<vmem>>, vector<256x1xf32>
      %add3A_3215 = vector.broadcast %get3A_3214 : vector<256x1xf32> to vector<256x768xf32>
      %add3A_3216 = arith.addf %dot_general3A_3211, %add3A_3215 : vector<256x768xf32>
      %get3A_3217 = arith.constant 0 : index
      %get3A_3218 = arith.constant 0 : index
      %get3A_3219 = vector.load %arg5[%get3A_3217, %get3A_3218] : memref<256x768xf32, #tpu.memory_space<vmem>>, vector<256x768xf32>
      %add3A_3220 = arith.addf %add3A_3216, %get3A_3219 : vector<256x768xf32>
      %swap3A_3221 = arith.constant 0 : index
      %swap3A_3222 = arith.constant 0 : index
      %swap3A_3223 = vector.load %arg27[%swap3A_3221, %swap3A_3222] : memref<256x768xf32, #tpu.memory_space<vmem>>, vector<256x768xf32>
      tpu.vector_store %arg27[%swap3A_3221, %swap3A_3222], %add3A_3220 {strides = array<i32>} : memref<256x768xf32, #tpu.memory_space<vmem>>, vector<256x768xf32>,
      %get3A_3224 = arith.constant 0 : index
      %get3A_3225 = arith.constant 0 : index
      %get3A_3226 = memref.load %arg26[%get3A_3224, %get3A_3225] : memref<4x4xf32, #tpu.memory_space<smem>>
      %slice3A_3227 = vector.extract_strided_slice %get3A_3186 {offsets = [16, 0], sizes = [1, 768], strides = [1, 1]} : vector<48x768xf32> to vector<1x768xf32>
      %mul3A_3228 = vector.broadcast %get3A_3226 : f32 to vector<1x768xf32>
      %mul3A_3229 = arith.mulf %mul3A_3228, %slice3A_3227 : vector<1x768xf32>
      %add3A_3230 = arith.constant 0.000000e+00 : f32
      %add3A_3231 = vector.broadcast %add3A_3230 : f32 to vector<1x768xf32>
      %add3A_3232 = arith.addf %add3A_3231, %mul3A_3229 : vector<1x768xf32>
      %get3A_3233 = arith.constant 1 : index
      %get3A_3234 = arith.constant 0 : index
      %get3A_3235 = memref.load %arg26[%get3A_3233, %get3A_3234] : memref<4x4xf32, #tpu.memory_space<smem>>
      %slice3A_3236 = vector.extract_strided_slice %get3A_3186 {offsets = [19, 0], sizes = [1, 768], strides = [1, 1]} : vector<48x768xf32> to vector<1x768xf32>
      %mul3A_3237 = vector.broadcast %get3A_3235 : f32 to vector<1x768xf32>
      %mul3A_3238 = arith.mulf %mul3A_3237, %slice3A_3236 : vector<1x768xf32>
      %add3A_3239 = arith.addf %add3A_3232, %mul3A_3238 : vector<1x768xf32>
      %get3A_3240 = arith.constant 2 : index
      %get3A_3241 = arith.constant 0 : index
      %get3A_3242 = memref.load %arg26[%get3A_3240, %get3A_3241] : memref<4x4xf32, #tpu.memory_space<smem>>
      %slice3A_3243 = vector.extract_strided_slice %get3A_3186 {offsets = [22, 0], sizes = [1, 768], strides = [1, 1]} : vector<48x768xf32> to vector<1x768xf32>
      %mul3A_3244 = vector.broadcast %get3A_3242 : f32 to vector<1x768xf32>
      %mul3A_3245 = arith.mulf %mul3A_3244, %slice3A_3243 : vector<1x768xf32>
      %add3A_3246 = arith.addf %add3A_3239, %mul3A_3245 : vector<1x768xf32>
      %get3A_3247 = arith.constant 3 : index
      %get3A_3248 = arith.constant 0 : index
      %get3A_3249 = memref.load %arg26[%get3A_3247, %get3A_3248] : memref<4x4xf32, #tpu.memory_space<smem>>
      %slice3A_3250 = vector.extract_strided_slice %get3A_3186 {offsets = [25, 0], sizes = [1, 768], strides = [1, 1]} : vector<48x768xf32> to vector<1x768xf32>
      %mul3A_3251 = vector.broadcast %get3A_3249 : f32 to vector<1x768xf32>
      %mul3A_3252 = arith.mulf %mul3A_3251, %slice3A_3250 : vector<1x768xf32>
      %add3A_3253 = arith.addf %add3A_3246, %mul3A_3252 : vector<1x768xf32>
      %mul3A_3254 = arith.mulf %add3A_3253, %div3A_3198 : vector<1x768xf32>
      %get3A_3255 = arith.constant 0 : index
      %get3A_3256 = arith.constant 0 : index
      %get3A_3257 = vector.load %arg6[%get3A_3255, %get3A_3256] : memref<12x768xf32, #tpu.memory_space<vmem>>, vector<1x768xf32>
      %add3A_3258 = arith.addf %mul3A_3254, %get3A_3257 : vector<1x768xf32>
      %swap3A_3259 = arith.constant 0 : index
      %swap3A_3260 = arith.constant 0 : index
      %swap3A_3261 = vector.load %arg28[%swap3A_3259, %swap3A_3260] : memref<12x768xf32, #tpu.memory_space<vmem>>, vector<1x768xf32>
      tpu.vector_store %arg28[%swap3A_3259, %swap3A_3260], %add3A_3258 {strides = array<i32>} : memref<12x768xf32, #tpu.memory_space<vmem>>, vector<1x768xf32>,
      %get3A_3262 = arith.constant 0 : index
      %get3A_3263 = arith.constant 0 : index
      %get3A_3264 = memref.load %arg26[%get3A_3262, %get3A_3263] : memref<4x4xf32, #tpu.memory_space<smem>>
      %slice3A_3265 = vector.extract_strided_slice %get3A_3186 {offsets = [17, 0], sizes = [1, 768], strides = [1, 1]} : vector<48x768xf32> to vector<1x768xf32>
      %mul3A_3266 = vector.broadcast %get3A_3264 : f32 to vector<1x768xf32>
      %mul3A_3267 = arith.mulf %mul3A_3266, %slice3A_3265 : vector<1x768xf32>
      %add3A_3268 = arith.constant 0.000000e+00 : f32
      %add3A_3269 = vector.broadcast %add3A_3268 : f32 to vector<1x768xf32>
      %add3A_3270 = arith.addf %add3A_3269, %mul3A_3267 : vector<1x768xf32>
      %get3A_3271 = arith.constant 1 : index
      %get3A_3272 = arith.constant 0 : index
      %get3A_3273 = memref.load %arg26[%get3A_3271, %get3A_3272] : memref<4x4xf32, #tpu.memory_space<smem>>
      %slice3A_3274 = vector.extract_strided_slice %get3A_3186 {offsets = [20, 0], sizes = [1, 768], strides = [1, 1]} : vector<48x768xf32> to vector<1x768xf32>
      %mul3A_3275 = vector.broadcast %get3A_3273 : f32 to vector<1x768xf32>
      %mul3A_3276 = arith.mulf %mul3A_3275, %slice3A_3274 : vector<1x768xf32>
      %add3A_3277 = arith.addf %add3A_3270, %mul3A_3276 : vector<1x768xf32>
      %get3A_3278 = arith.constant 2 : index
      %get3A_3279 = arith.constant 0 : index
      %get3A_3280 = memref.load %arg26[%get3A_3278, %get3A_3279] : memref<4x4xf32, #tpu.memory_space<smem>>
      %slice3A_3281 = vector.extract_strided_slice %get3A_3186 {offsets = [23, 0], sizes = [1, 768], strides = [1, 1]} : vector<48x768xf32> to vector<1x768xf32>
      %mul3A_3282 = vector.broadcast %get3A_3280 : f32 to vector<1x768xf32>
      %mul3A_3283 = arith.mulf %mul3A_3282, %slice3A_3281 : vector<1x768xf32>
      %add3A_3284 = arith.addf %add3A_3277, %mul3A_3283 : vector<1x768xf32>
      %get3A_3285 = arith.constant 3 : index
      %get3A_3286 = arith.constant 0 : index
      %get3A_3287 = memref.load %arg26[%get3A_3285, %get3A_3286] : memref<4x4xf32, #tpu.memory_space<smem>>
      %slice3A_3288 = vector.extract_strided_slice %get3A_3186 {offsets = [26, 0], sizes = [1, 768], strides = [1, 1]} : vector<48x768xf32> to vector<1x768xf32>
      %mul3A_3289 = vector.broadcast %get3A_3287 : f32 to vector<1x768xf32>
      %mul3A_3290 = arith.mulf %mul3A_3289, %slice3A_3288 : vector<1x768xf32>
      %add3A_3291 = arith.addf %add3A_3284, %mul3A_3290 : vector<1x768xf32>
      %mul3A_3292 = arith.mulf %add3A_3291, %div3A_3198 : vector<1x768xf32>
      %get3A_3293 = arith.constant 1 : index
      %get3A_3294 = arith.constant 0 : index
      %get3A_3295 = vector.load %arg6[%get3A_3293, %get3A_3294] : memref<12x768xf32, #tpu.memory_space<vmem>>, vector<1x768xf32>
      %add3A_3296 = arith.addf %mul3A_3292, %get3A_3295 : vector<1x768xf32>
      %swap3A_3297 = arith.constant 1 : index
      %swap3A_3298 = arith.constant 0 : index
      %swap3A_3299 = vector.load %arg28[%swap3A_3297, %swap3A_3298] : memref<12x768xf32, #tpu.memory_space<vmem>>, vector<1x768xf32>
      tpu.vector_store %arg28[%swap3A_3297, %swap3A_3298], %add3A_3296 {strides = array<i32>} : memref<12x768xf32, #tpu.memory_space<vmem>>, vector<1x768xf32>,
      %get3A_3300 = arith.constant 0 : index
      %get3A_3301 = arith.constant 0 : index
      %get3A_3302 = memref.load %arg26[%get3A_3300, %get3A_3301] : memref<4x4xf32, #tpu.memory_space<smem>>
      %slice3A_3303 = vector.extract_strided_slice %get3A_3186 {offsets = [18, 0], sizes = [1, 768], strides = [1, 1]} : vector<48x768xf32> to vector<1x768xf32>
      %mul3A_3304 = vector.broadcast %get3A_3302 : f32 to vector<1x768xf32>
      %mul3A_3305 = arith.mulf %mul3A_3304, %slice3A_3303 : vector<1x768xf32>
      %add3A_3306 = arith.constant 0.000000e+00 : f32
      %add3A_3307 = vector.broadcast %add3A_3306 : f32 to vector<1x768xf32>
      %add3A_3308 = arith.addf %add3A_3307, %mul3A_3305 : vector<1x768xf32>
      %get3A_3309 = arith.constant 1 : index
      %get3A_3310 = arith.constant 0 : index
      %get3A_3311 = memref.load %arg26[%get3A_3309, %get3A_3310] : memref<4x4xf32, #tpu.memory_space<smem>>
      %slice3A_3312 = vector.extract_strided_slice %get3A_3186 {offsets = [21, 0], sizes = [1, 768], strides = [1, 1]} : vector<48x768xf32> to vector<1x768xf32>
      %mul3A_3313 = vector.broadcast %get3A_3311 : f32 to vector<1x768xf32>
      %mul3A_3314 = arith.mulf %mul3A_3313, %slice3A_3312 : vector<1x768xf32>
      %add3A_3315 = arith.addf %add3A_3308, %mul3A_3314 : vector<1x768xf32>
      %get3A_3316 = arith.constant 2 : index
      %get3A_3317 = arith.constant 0 : index
      %get3A_3318 = memref.load %arg26[%get3A_3316, %get3A_3317] : memref<4x4xf32, #tpu.memory_space<smem>>
      %slice3A_3319 = vector.extract_strided_slice %get3A_3186 {offsets = [24, 0], sizes = [1, 768], strides = [1, 1]} : vector<48x768xf32> to vector<1x768xf32>
      %mul3A_3320 = vector.broadcast %get3A_3318 : f32 to vector<1x768xf32>
      %mul3A_3321 = arith.mulf %mul3A_3320, %slice3A_3319 : vector<1x768xf32>
      %add3A_3322 = arith.addf %add3A_3315, %mul3A_3321 : vector<1x768xf32>
      %get3A_3323 = arith.constant 3 : index
      %get3A_3324 = arith.constant 0 : index
      %get3A_3325 = memref.load %arg26[%get3A_3323, %get3A_3324] : memref<4x4xf32, #tpu.memory_space<smem>>
      %slice3A_3326 = vector.extract_strided_slice %get3A_3186 {offsets = [27, 0], sizes = [1, 768], strides = [1, 1]} : vector<48x768xf32> to vector<1x768xf32>
      %mul3A_3327 = vector.broadcast %get3A_3325 : f32 to vector<1x768xf32>
      %mul3A_3328 = arith.mulf %mul3A_3327, %slice3A_3326 : vector<1x768xf32>
      %add3A_3329 = arith.addf %add3A_3322, %mul3A_3328 : vector<1x768xf32>
      %mul3A_3330 = arith.mulf %add3A_3329, %div3A_3198 : vector<1x768xf32>
      %get3A_3331 = arith.constant 2 : index
      %get3A_3332 = arith.constant 0 : index
      %get3A_3333 = vector.load %arg6[%get3A_3331, %get3A_3332] : memref<12x768xf32, #tpu.memory_space<vmem>>, vector<1x768xf32>
      %add3A_3334 = arith.addf %mul3A_3330, %get3A_3333 : vector<1x768xf32>
      %swap3A_3335 = arith.constant 2 : index
      %swap3A_3336 = arith.constant 0 : index
      %swap3A_3337 = vector.load %arg28[%swap3A_3335, %swap3A_3336] : memref<12x768xf32, #tpu.memory_space<vmem>>, vector<1x768xf32>
      tpu.vector_store %arg28[%swap3A_3335, %swap3A_3336], %add3A_3334 {strides = array<i32>} : memref<12x768xf32, #tpu.memory_space<vmem>>, vector<1x768xf32>,
      %get3A_3338 = arith.constant 0 : index
      %get3A_3339 = arith.constant 1 : index
      %get3A_3340 = memref.load %arg26[%get3A_3338, %get3A_3339] : memref<4x4xf32, #tpu.memory_space<smem>>
      %slice3A_3341 = vector.extract_strided_slice %get3A_3186 {offsets = [16, 0], sizes = [1, 768], strides = [1, 1]} : vector<48x768xf32> to vector<1x768xf32>
      %mul3A_3342 = vector.broadcast %get3A_3340 : f32 to vector<1x768xf32>
      %mul3A_3343 = arith.mulf %mul3A_3342, %slice3A_3341 : vector<1x768xf32>
      %add3A_3344 = arith.constant 0.000000e+00 : f32
      %add3A_3345 = vector.broadcast %add3A_3344 : f32 to vector<1x768xf32>
      %add3A_3346 = arith.addf %add3A_3345, %mul3A_3343 : vector<1x768xf32>
      %get3A_3347 = arith.constant 1 : index
      %get3A_3348 = arith.constant 1 : index
      %get3A_3349 = memref.load %arg26[%get3A_3347, %get3A_3348] : memref<4x4xf32, #tpu.memory_space<smem>>
      %slice3A_3350 = vector.extract_strided_slice %get3A_3186 {offsets = [19, 0], sizes = [1, 768], strides = [1, 1]} : vector<48x768xf32> to vector<1x768xf32>
      %mul3A_3351 = vector.broadcast %get3A_3349 : f32 to vector<1x768xf32>
      %mul3A_3352 = arith.mulf %mul3A_3351, %slice3A_3350 : vector<1x768xf32>
      %add3A_3353 = arith.addf %add3A_3346, %mul3A_3352 : vector<1x768xf32>
      %get3A_3354 = arith.constant 2 : index
      %get3A_3355 = arith.constant 1 : index
      %get3A_3356 = memref.load %arg26[%get3A_3354, %get3A_3355] : memref<4x4xf32, #tpu.memory_space<smem>>
      %slice3A_3357 = vector.extract_strided_slice %get3A_3186 {offsets = [22, 0], sizes = [1, 768], strides = [1, 1]} : vector<48x768xf32> to vector<1x768xf32>
      %mul3A_3358 = vector.broadcast %get3A_3356 : f32 to vector<1x768xf32>
      %mul3A_3359 = arith.mulf %mul3A_3358, %slice3A_3357 : vector<1x768xf32>
      %add3A_3360 = arith.addf %add3A_3353, %mul3A_3359 : vector<1x768xf32>
      %get3A_3361 = arith.constant 3 : index
      %get3A_3362 = arith.constant 1 : index
      %get3A_3363 = memref.load %arg26[%get3A_3361, %get3A_3362] : memref<4x4xf32, #tpu.memory_space<smem>>
      %slice3A_3364 = vector.extract_strided_slice %get3A_3186 {offsets = [25, 0], sizes = [1, 768], strides = [1, 1]} : vector<48x768xf32> to vector<1x768xf32>
      %mul3A_3365 = vector.broadcast %get3A_3363 : f32 to vector<1x768xf32>
      %mul3A_3366 = arith.mulf %mul3A_3365, %slice3A_3364 : vector<1x768xf32>
      %add3A_3367 = arith.addf %add3A_3360, %mul3A_3366 : vector<1x768xf32>
      %mul3A_3368 = arith.mulf %add3A_3367, %div3A_3198 : vector<1x768xf32>
      %get3A_3369 = arith.constant 3 : index
      %get3A_3370 = arith.constant 0 : index
      %get3A_3371 = vector.load %arg6[%get3A_3369, %get3A_3370] : memref<12x768xf32, #tpu.memory_space<vmem>>, vector<1x768xf32>
      %add3A_3372 = arith.addf %mul3A_3368, %get3A_3371 : vector<1x768xf32>
      %swap3A_3373 = arith.constant 3 : index
      %swap3A_3374 = arith.constant 0 : index
      %swap3A_3375 = vector.load %arg28[%swap3A_3373, %swap3A_3374] : memref<12x768xf32, #tpu.memory_space<vmem>>, vector<1x768xf32>
      tpu.vector_store %arg28[%swap3A_3373, %swap3A_3374], %add3A_3372 {strides = array<i32>} : memref<12x768xf32, #tpu.memory_space<vmem>>, vector<1x768xf32>,
      %get3A_3376 = arith.constant 0 : index
      %get3A_3377 = arith.constant 1 : index
      %get3A_3378 = memref.load %arg26[%get3A_3376, %get3A_3377] : memref<4x4xf32, #tpu.memory_space<smem>>
      %slice3A_3379 = vector.extract_strided_slice %get3A_3186 {offsets = [17, 0], sizes = [1, 768], strides = [1, 1]} : vector<48x768xf32> to vector<1x768xf32>
      %mul3A_3380 = vector.broadcast %get3A_3378 : f32 to vector<1x768xf32>
      %mul3A_3381 = arith.mulf %mul3A_3380, %slice3A_3379 : vector<1x768xf32>
      %add3A_3382 = arith.constant 0.000000e+00 : f32
      %add3A_3383 = vector.broadcast %add3A_3382 : f32 to vector<1x768xf32>
      %add3A_3384 = arith.addf %add3A_3383, %mul3A_3381 : vector<1x768xf32>
      %get3A_3385 = arith.constant 1 : index
      %get3A_3386 = arith.constant 1 : index
      %get3A_3387 = memref.load %arg26[%get3A_3385, %get3A_3386] : memref<4x4xf32, #tpu.memory_space<smem>>
      %slice3A_3388 = vector.extract_strided_slice %get3A_3186 {offsets = [20, 0], sizes = [1, 768], strides = [1, 1]} : vector<48x768xf32> to vector<1x768xf32>
      %mul3A_3389 = vector.broadcast %get3A_3387 : f32 to vector<1x768xf32>
      %mul3A_3390 = arith.mulf %mul3A_3389, %slice3A_3388 : vector<1x768xf32>
      %add3A_3391 = arith.addf %add3A_3384, %mul3A_3390 : vector<1x768xf32>
      %get3A_3392 = arith.constant 2 : index
      %get3A_3393 = arith.constant 1 : index
      %get3A_3394 = memref.load %arg26[%get3A_3392, %get3A_3393] : memref<4x4xf32, #tpu.memory_space<smem>>
      %slice3A_3395 = vector.extract_strided_slice %get3A_3186 {offsets = [23, 0], sizes = [1, 768], strides = [1, 1]} : vector<48x768xf32> to vector<1x768xf32>
      %mul3A_3396 = vector.broadcast %get3A_3394 : f32 to vector<1x768xf32>
      %mul3A_3397 = arith.mulf %mul3A_3396, %slice3A_3395 : vector<1x768xf32>
      %add3A_3398 = arith.addf %add3A_3391, %mul3A_3397 : vector<1x768xf32>
      %get3A_3399 = arith.constant 3 : index
      %get3A_3400 = arith.constant 1 : index
      %get3A_3401 = memref.load %arg26[%get3A_3399, %get3A_3400] : memref<4x4xf32, #tpu.memory_space<smem>>
      %slice3A_3402 = vector.extract_strided_slice %get3A_3186 {offsets = [26, 0], sizes = [1, 768], strides = [1, 1]} : vector<48x768xf32> to vector<1x768xf32>
      %mul3A_3403 = vector.broadcast %get3A_3401 : f32 to vector<1x768xf32>
      %mul3A_3404 = arith.mulf %mul3A_3403, %slice3A_3402 : vector<1x768xf32>
      %add3A_3405 = arith.addf %add3A_3398, %mul3A_3404 : vector<1x768xf32>
      %mul3A_3406 = arith.mulf %add3A_3405, %div3A_3198 : vector<1x768xf32>
      %get3A_3407 = arith.constant 4 : index
      %get3A_3408 = arith.constant 0 : index
      %get3A_3409 = vector.load %arg6[%get3A_3407, %get3A_3408] : memref<12x768xf32, #tpu.memory_space<vmem>>, vector<1x768xf32>
      %add3A_3410 = arith.addf %mul3A_3406, %get3A_3409 : vector<1x768xf32>
      %swap3A_3411 = arith.constant 4 : index
      %swap3A_3412 = arith.constant 0 : index
      %swap3A_3413 = vector.load %arg28[%swap3A_3411, %swap3A_3412] : memref<12x768xf32, #tpu.memory_space<vmem>>, vector<1x768xf32>
      tpu.vector_store %arg28[%swap3A_3411, %swap3A_3412], %add3A_3410 {strides = array<i32>} : memref<12x768xf32, #tpu.memory_space<vmem>>, vector<1x768xf32>,
      %get3A_3414 = arith.constant 0 : index
      %get3A_3415 = arith.constant 1 : index
      %get3A_3416 = memref.load %arg26[%get3A_3414, %get3A_3415] : memref<4x4xf32, #tpu.memory_space<smem>>
      %slice3A_3417 = vector.extract_strided_slice %get3A_3186 {offsets = [18, 0], sizes = [1, 768], strides = [1, 1]} : vector<48x768xf32> to vector<1x768xf32>
      %mul3A_3418 = vector.broadcast %get3A_3416 : f32 to vector<1x768xf32>
      %mul3A_3419 = arith.mulf %mul3A_3418, %slice3A_3417 : vector<1x768xf32>
      %add3A_3420 = arith.constant 0.000000e+00 : f32
      %add3A_3421 = vector.broadcast %add3A_3420 : f32 to vector<1x768xf32>
      %add3A_3422 = arith.addf %add3A_3421, %mul3A_3419 : vector<1x768xf32>
      %get3A_3423 = arith.constant 1 : index
      %get3A_3424 = arith.constant 1 : index
      %get3A_3425 = memref.load %arg26[%get3A_3423, %get3A_3424] : memref<4x4xf32, #tpu.memory_space<smem>>
      %slice3A_3426 = vector.extract_strided_slice %get3A_3186 {offsets = [21, 0], sizes = [1, 768], strides = [1, 1]} : vector<48x768xf32> to vector<1x768xf32>
      %mul3A_3427 = vector.broadcast %get3A_3425 : f32 to vector<1x768xf32>
      %mul3A_3428 = arith.mulf %mul3A_3427, %slice3A_3426 : vector<1x768xf32>
      %add3A_3429 = arith.addf %add3A_3422, %mul3A_3428 : vector<1x768xf32>
      %get3A_3430 = arith.constant 2 : index
      %get3A_3431 = arith.constant 1 : index
      %get3A_3432 = memref.load %arg26[%get3A_3430, %get3A_3431] : memref<4x4xf32, #tpu.memory_space<smem>>
      %slice3A_3433 = vector.extract_strided_slice %get3A_3186 {offsets = [24, 0], sizes = [1, 768], strides = [1, 1]} : vector<48x768xf32> to vector<1x768xf32>
      %mul3A_3434 = vector.broadcast %get3A_3432 : f32 to vector<1x768xf32>
      %mul3A_3435 = arith.mulf %mul3A_3434, %slice3A_3433 : vector<1x768xf32>
      %add3A_3436 = arith.addf %add3A_3429, %mul3A_3435 : vector<1x768xf32>
      %get3A_3437 = arith.constant 3 : index
      %get3A_3438 = arith.constant 1 : index
      %get3A_3439 = memref.load %arg26[%get3A_3437, %get3A_3438] : memref<4x4xf32, #tpu.memory_space<smem>>
      %slice3A_3440 = vector.extract_strided_slice %get3A_3186 {offsets = [27, 0], sizes = [1, 768], strides = [1, 1]} : vector<48x768xf32> to vector<1x768xf32>
      %mul3A_3441 = vector.broadcast %get3A_3439 : f32 to vector<1x768xf32>
      %mul3A_3442 = arith.mulf %mul3A_3441, %slice3A_3440 : vector<1x768xf32>
      %add3A_3443 = arith.addf %add3A_3436, %mul3A_3442 : vector<1x768xf32>
      %mul3A_3444 = arith.mulf %add3A_3443, %div3A_3198 : vector<1x768xf32>
      %get3A_3445 = arith.constant 5 : index
      %get3A_3446 = arith.constant 0 : index
      %get3A_3447 = vector.load %arg6[%get3A_3445, %get3A_3446] : memref<12x768xf32, #tpu.memory_space<vmem>>, vector<1x768xf32>
      %add3A_3448 = arith.addf %mul3A_3444, %get3A_3447 : vector<1x768xf32>
      %swap3A_3449 = arith.constant 5 : index
      %swap3A_3450 = arith.constant 0 : index
      %swap3A_3451 = vector.load %arg28[%swap3A_3449, %swap3A_3450] : memref<12x768xf32, #tpu.memory_space<vmem>>, vector<1x768xf32>
      tpu.vector_store %arg28[%swap3A_3449, %swap3A_3450], %add3A_3448 {strides = array<i32>} : memref<12x768xf32, #tpu.memory_space<vmem>>, vector<1x768xf32>,
      %get3A_3452 = arith.constant 0 : index
      %get3A_3453 = arith.constant 2 : index
      %get3A_3454 = memref.load %arg26[%get3A_3452, %get3A_3453] : memref<4x4xf32, #tpu.memory_space<smem>>
      %slice3A_3455 = vector.extract_strided_slice %get3A_3186 {offsets = [16, 0], sizes = [1, 768], strides = [1, 1]} : vector<48x768xf32> to vector<1x768xf32>
      %mul3A_3456 = vector.broadcast %get3A_3454 : f32 to vector<1x768xf32>
      %mul3A_3457 = arith.mulf %mul3A_3456, %slice3A_3455 : vector<1x768xf32>
      %add3A_3458 = arith.constant 0.000000e+00 : f32
      %add3A_3459 = vector.broadcast %add3A_3458 : f32 to vector<1x768xf32>
      %add3A_3460 = arith.addf %add3A_3459, %mul3A_3457 : vector<1x768xf32>
      %get3A_3461 = arith.constant 1 : index
      %get3A_3462 = arith.constant 2 : index
      %get3A_3463 = memref.load %arg26[%get3A_3461, %get3A_3462] : memref<4x4xf32, #tpu.memory_space<smem>>
      %slice3A_3464 = vector.extract_strided_slice %get3A_3186 {offsets = [19, 0], sizes = [1, 768], strides = [1, 1]} : vector<48x768xf32> to vector<1x768xf32>
      %mul3A_3465 = vector.broadcast %get3A_3463 : f32 to vector<1x768xf32>
      %mul3A_3466 = arith.mulf %mul3A_3465, %slice3A_3464 : vector<1x768xf32>
      %add3A_3467 = arith.addf %add3A_3460, %mul3A_3466 : vector<1x768xf32>
      %get3A_3468 = arith.constant 2 : index
      %get3A_3469 = arith.constant 2 : index
      %get3A_3470 = memref.load %arg26[%get3A_3468, %get3A_3469] : memref<4x4xf32, #tpu.memory_space<smem>>
      %slice3A_3471 = vector.extract_strided_slice %get3A_3186 {offsets = [22, 0], sizes = [1, 768], strides = [1, 1]} : vector<48x768xf32> to vector<1x768xf32>
      %mul3A_3472 = vector.broadcast %get3A_3470 : f32 to vector<1x768xf32>
      %mul3A_3473 = arith.mulf %mul3A_3472, %slice3A_3471 : vector<1x768xf32>
      %add3A_3474 = arith.addf %add3A_3467, %mul3A_3473 : vector<1x768xf32>
      %get3A_3475 = arith.constant 3 : index
      %get3A_3476 = arith.constant 2 : index
      %get3A_3477 = memref.load %arg26[%get3A_3475, %get3A_3476] : memref<4x4xf32, #tpu.memory_space<smem>>
      %slice3A_3478 = vector.extract_strided_slice %get3A_3186 {offsets = [25, 0], sizes = [1, 768], strides = [1, 1]} : vector<48x768xf32> to vector<1x768xf32>
      %mul3A_3479 = vector.broadcast %get3A_3477 : f32 to vector<1x768xf32>
      %mul3A_3480 = arith.mulf %mul3A_3479, %slice3A_3478 : vector<1x768xf32>
      %add3A_3481 = arith.addf %add3A_3474, %mul3A_3480 : vector<1x768xf32>
      %mul3A_3482 = arith.mulf %add3A_3481, %div3A_3198 : vector<1x768xf32>
      %get3A_3483 = arith.constant 6 : index
      %get3A_3484 = arith.constant 0 : index
      %get3A_3485 = vector.load %arg6[%get3A_3483, %get3A_3484] : memref<12x768xf32, #tpu.memory_space<vmem>>, vector<1x768xf32>
      %add3A_3486 = arith.addf %mul3A_3482, %get3A_3485 : vector<1x768xf32>
      %swap3A_3487 = arith.constant 6 : index
      %swap3A_3488 = arith.constant 0 : index
      %swap3A_3489 = vector.load %arg28[%swap3A_3487, %swap3A_3488] : memref<12x768xf32, #tpu.memory_space<vmem>>, vector<1x768xf32>
      tpu.vector_store %arg28[%swap3A_3487, %swap3A_3488], %add3A_3486 {strides = array<i32>} : memref<12x768xf32, #tpu.memory_space<vmem>>, vector<1x768xf32>,
      %get3A_3490 = arith.constant 0 : index
      %get3A_3491 = arith.constant 2 : index
      %get3A_3492 = memref.load %arg26[%get3A_3490, %get3A_3491] : memref<4x4xf32, #tpu.memory_space<smem>>
      %slice3A_3493 = vector.extract_strided_slice %get3A_3186 {offsets = [17, 0], sizes = [1, 768], strides = [1, 1]} : vector<48x768xf32> to vector<1x768xf32>
      %mul3A_3494 = vector.broadcast %get3A_3492 : f32 to vector<1x768xf32>
      %mul3A_3495 = arith.mulf %mul3A_3494, %slice3A_3493 : vector<1x768xf32>
      %add3A_3496 = arith.constant 0.000000e+00 : f32
      %add3A_3497 = vector.broadcast %add3A_3496 : f32 to vector<1x768xf32>
      %add3A_3498 = arith.addf %add3A_3497, %mul3A_3495 : vector<1x768xf32>
      %get3A_3499 = arith.constant 1 : index
      %get3A_3500 = arith.constant 2 : index
      %get3A_3501 = memref.load %arg26[%get3A_3499, %get3A_3500] : memref<4x4xf32, #tpu.memory_space<smem>>
      %slice3A_3502 = vector.extract_strided_slice %get3A_3186 {offsets = [20, 0], sizes = [1, 768], strides = [1, 1]} : vector<48x768xf32> to vector<1x768xf32>
      %mul3A_3503 = vector.broadcast %get3A_3501 : f32 to vector<1x768xf32>
      %mul3A_3504 = arith.mulf %mul3A_3503, %slice3A_3502 : vector<1x768xf32>
      %add3A_3505 = arith.addf %add3A_3498, %mul3A_3504 : vector<1x768xf32>
      %get3A_3506 = arith.constant 2 : index
      %get3A_3507 = arith.constant 2 : index
      %get3A_3508 = memref.load %arg26[%get3A_3506, %get3A_3507] : memref<4x4xf32, #tpu.memory_space<smem>>
      %slice3A_3509 = vector.extract_strided_slice %get3A_3186 {offsets = [23, 0], sizes = [1, 768], strides = [1, 1]} : vector<48x768xf32> to vector<1x768xf32>
      %mul3A_3510 = vector.broadcast %get3A_3508 : f32 to vector<1x768xf32>
      %mul3A_3511 = arith.mulf %mul3A_3510, %slice3A_3509 : vector<1x768xf32>
      %add3A_3512 = arith.addf %add3A_3505, %mul3A_3511 : vector<1x768xf32>
      %get3A_3513 = arith.constant 3 : index
      %get3A_3514 = arith.constant 2 : index
      %get3A_3515 = memref.load %arg26[%get3A_3513, %get3A_3514] : memref<4x4xf32, #tpu.memory_space<smem>>
      %slice3A_3516 = vector.extract_strided_slice %get3A_3186 {offsets = [26, 0], sizes = [1, 768], strides = [1, 1]} : vector<48x768xf32> to vector<1x768xf32>
      %mul3A_3517 = vector.broadcast %get3A_3515 : f32 to vector<1x768xf32>
      %mul3A_3518 = arith.mulf %mul3A_3517, %slice3A_3516 : vector<1x768xf32>
      %add3A_3519 = arith.addf %add3A_3512, %mul3A_3518 : vector<1x768xf32>
      %mul3A_3520 = arith.mulf %add3A_3519, %div3A_3198 : vector<1x768xf32>
      %get3A_3521 = arith.constant 7 : index
      %get3A_3522 = arith.constant 0 : index
      %get3A_3523 = vector.load %arg6[%get3A_3521, %get3A_3522] : memref<12x768xf32, #tpu.memory_space<vmem>>, vector<1x768xf32>
      %add3A_3524 = arith.addf %mul3A_3520, %get3A_3523 : vector<1x768xf32>
      %swap3A_3525 = arith.constant 7 : index
      %swap3A_3526 = arith.constant 0 : index
      %swap3A_3527 = vector.load %arg28[%swap3A_3525, %swap3A_3526] : memref<12x768xf32, #tpu.memory_space<vmem>>, vector<1x768xf32>
      tpu.vector_store %arg28[%swap3A_3525, %swap3A_3526], %add3A_3524 {strides = array<i32>} : memref<12x768xf32, #tpu.memory_space<vmem>>, vector<1x768xf32>,
      %get3A_3528 = arith.constant 0 : index
      %get3A_3529 = arith.constant 2 : index
      %get3A_3530 = memref.load %arg26[%get3A_3528, %get3A_3529] : memref<4x4xf32, #tpu.memory_space<smem>>
      %slice3A_3531 = vector.extract_strided_slice %get3A_3186 {offsets = [18, 0], sizes = [1, 768], strides = [1, 1]} : vector<48x768xf32> to vector<1x768xf32>
      %mul3A_3532 = vector.broadcast %get3A_3530 : f32 to vector<1x768xf32>
      %mul3A_3533 = arith.mulf %mul3A_3532, %slice3A_3531 : vector<1x768xf32>
      %add3A_3534 = arith.constant 0.000000e+00 : f32
      %add3A_3535 = vector.broadcast %add3A_3534 : f32 to vector<1x768xf32>
      %add3A_3536 = arith.addf %add3A_3535, %mul3A_3533 : vector<1x768xf32>
      %get3A_3537 = arith.constant 1 : index
      %get3A_3538 = arith.constant 2 : index
      %get3A_3539 = memref.load %arg26[%get3A_3537, %get3A_3538] : memref<4x4xf32, #tpu.memory_space<smem>>
      %slice3A_3540 = vector.extract_strided_slice %get3A_3186 {offsets = [21, 0], sizes = [1, 768], strides = [1, 1]} : vector<48x768xf32> to vector<1x768xf32>
      %mul3A_3541 = vector.broadcast %get3A_3539 : f32 to vector<1x768xf32>
      %mul3A_3542 = arith.mulf %mul3A_3541, %slice3A_3540 : vector<1x768xf32>
      %add3A_3543 = arith.addf %add3A_3536, %mul3A_3542 : vector<1x768xf32>
      %get3A_3544 = arith.constant 2 : index
      %get3A_3545 = arith.constant 2 : index
      %get3A_3546 = memref.load %arg26[%get3A_3544, %get3A_3545] : memref<4x4xf32, #tpu.memory_space<smem>>
      %slice3A_3547 = vector.extract_strided_slice %get3A_3186 {offsets = [24, 0], sizes = [1, 768], strides = [1, 1]} : vector<48x768xf32> to vector<1x768xf32>
      %mul3A_3548 = vector.broadcast %get3A_3546 : f32 to vector<1x768xf32>
      %mul3A_3549 = arith.mulf %mul3A_3548, %slice3A_3547 : vector<1x768xf32>
      %add3A_3550 = arith.addf %add3A_3543, %mul3A_3549 : vector<1x768xf32>
      %get3A_3551 = arith.constant 3 : index
      %get3A_3552 = arith.constant 2 : index
      %get3A_3553 = memref.load %arg26[%get3A_3551, %get3A_3552] : memref<4x4xf32, #tpu.memory_space<smem>>
      %slice3A_3554 = vector.extract_strided_slice %get3A_3186 {offsets = [27, 0], sizes = [1, 768], strides = [1, 1]} : vector<48x768xf32> to vector<1x768xf32>
      %mul3A_3555 = vector.broadcast %get3A_3553 : f32 to vector<1x768xf32>
      %mul3A_3556 = arith.mulf %mul3A_3555, %slice3A_3554 : vector<1x768xf32>
      %add3A_3557 = arith.addf %add3A_3550, %mul3A_3556 : vector<1x768xf32>
      %mul3A_3558 = arith.mulf %add3A_3557, %div3A_3198 : vector<1x768xf32>
      %get3A_3559 = arith.constant 8 : index
      %get3A_3560 = arith.constant 0 : index
      %get3A_3561 = vector.load %arg6[%get3A_3559, %get3A_3560] : memref<12x768xf32, #tpu.memory_space<vmem>>, vector<1x768xf32>
      %add3A_3562 = arith.addf %mul3A_3558, %get3A_3561 : vector<1x768xf32>
      %swap3A_3563 = arith.constant 8 : index
      %swap3A_3564 = arith.constant 0 : index
      %swap3A_3565 = vector.load %arg28[%swap3A_3563, %swap3A_3564] : memref<12x768xf32, #tpu.memory_space<vmem>>, vector<1x768xf32>
      tpu.vector_store %arg28[%swap3A_3563, %swap3A_3564], %add3A_3562 {strides = array<i32>} : memref<12x768xf32, #tpu.memory_space<vmem>>, vector<1x768xf32>,
      %get3A_3566 = arith.constant 0 : index
      %get3A_3567 = arith.constant 3 : index
      %get3A_3568 = memref.load %arg26[%get3A_3566, %get3A_3567] : memref<4x4xf32, #tpu.memory_space<smem>>
      %slice3A_3569 = vector.extract_strided_slice %get3A_3186 {offsets = [16, 0], sizes = [1, 768], strides = [1, 1]} : vector<48x768xf32> to vector<1x768xf32>
      %mul3A_3570 = vector.broadcast %get3A_3568 : f32 to vector<1x768xf32>
      %mul3A_3571 = arith.mulf %mul3A_3570, %slice3A_3569 : vector<1x768xf32>
      %add3A_3572 = arith.constant 0.000000e+00 : f32
      %add3A_3573 = vector.broadcast %add3A_3572 : f32 to vector<1x768xf32>
      %add3A_3574 = arith.addf %add3A_3573, %mul3A_3571 : vector<1x768xf32>
      %get3A_3575 = arith.constant 1 : index
      %get3A_3576 = arith.constant 3 : index
      %get3A_3577 = memref.load %arg26[%get3A_3575, %get3A_3576] : memref<4x4xf32, #tpu.memory_space<smem>>
      %slice3A_3578 = vector.extract_strided_slice %get3A_3186 {offsets = [19, 0], sizes = [1, 768], strides = [1, 1]} : vector<48x768xf32> to vector<1x768xf32>
      %mul3A_3579 = vector.broadcast %get3A_3577 : f32 to vector<1x768xf32>
      %mul3A_3580 = arith.mulf %mul3A_3579, %slice3A_3578 : vector<1x768xf32>
      %add3A_3581 = arith.addf %add3A_3574, %mul3A_3580 : vector<1x768xf32>
      %get3A_3582 = arith.constant 2 : index
      %get3A_3583 = arith.constant 3 : index
      %get3A_3584 = memref.load %arg26[%get3A_3582, %get3A_3583] : memref<4x4xf32, #tpu.memory_space<smem>>
      %slice3A_3585 = vector.extract_strided_slice %get3A_3186 {offsets = [22, 0], sizes = [1, 768], strides = [1, 1]} : vector<48x768xf32> to vector<1x768xf32>
      %mul3A_3586 = vector.broadcast %get3A_3584 : f32 to vector<1x768xf32>
      %mul3A_3587 = arith.mulf %mul3A_3586, %slice3A_3585 : vector<1x768xf32>
      %add3A_3588 = arith.addf %add3A_3581, %mul3A_3587 : vector<1x768xf32>
      %get3A_3589 = arith.constant 3 : index
      %get3A_3590 = arith.constant 3 : index
      %get3A_3591 = memref.load %arg26[%get3A_3589, %get3A_3590] : memref<4x4xf32, #tpu.memory_space<smem>>
      %slice3A_3592 = vector.extract_strided_slice %get3A_3186 {offsets = [25, 0], sizes = [1, 768], strides = [1, 1]} : vector<48x768xf32> to vector<1x768xf32>
      %mul3A_3593 = vector.broadcast %get3A_3591 : f32 to vector<1x768xf32>
      %mul3A_3594 = arith.mulf %mul3A_3593, %slice3A_3592 : vector<1x768xf32>
      %add3A_3595 = arith.addf %add3A_3588, %mul3A_3594 : vector<1x768xf32>
      %mul3A_3596 = arith.mulf %add3A_3595, %div3A_3198 : vector<1x768xf32>
      %get3A_3597 = arith.constant 9 : index
      %get3A_3598 = arith.constant 0 : index
      %get3A_3599 = vector.load %arg6[%get3A_3597, %get3A_3598] : memref<12x768xf32, #tpu.memory_space<vmem>>, vector<1x768xf32>
      %add3A_3600 = arith.addf %mul3A_3596, %get3A_3599 : vector<1x768xf32>
      %swap3A_3601 = arith.constant 9 : index
      %swap3A_3602 = arith.constant 0 : index
      %swap3A_3603 = vector.load %arg28[%swap3A_3601, %swap3A_3602] : memref<12x768xf32, #tpu.memory_space<vmem>>, vector<1x768xf32>
      tpu.vector_store %arg28[%swap3A_3601, %swap3A_3602], %add3A_3600 {strides = array<i32>} : memref<12x768xf32, #tpu.memory_space<vmem>>, vector<1x768xf32>,
      %get3A_3604 = arith.constant 0 : index
      %get3A_3605 = arith.constant 3 : index
      %get3A_3606 = memref.load %arg26[%get3A_3604, %get3A_3605] : memref<4x4xf32, #tpu.memory_space<smem>>
      %slice3A_3607 = vector.extract_strided_slice %get3A_3186 {offsets = [17, 0], sizes = [1, 768], strides = [1, 1]} : vector<48x768xf32> to vector<1x768xf32>
      %mul3A_3608 = vector.broadcast %get3A_3606 : f32 to vector<1x768xf32>
      %mul3A_3609 = arith.mulf %mul3A_3608, %slice3A_3607 : vector<1x768xf32>
      %add3A_3610 = arith.constant 0.000000e+00 : f32
      %add3A_3611 = vector.broadcast %add3A_3610 : f32 to vector<1x768xf32>
      %add3A_3612 = arith.addf %add3A_3611, %mul3A_3609 : vector<1x768xf32>
      %get3A_3613 = arith.constant 1 : index
      %get3A_3614 = arith.constant 3 : index
      %get3A_3615 = memref.load %arg26[%get3A_3613, %get3A_3614] : memref<4x4xf32, #tpu.memory_space<smem>>
      %slice3A_3616 = vector.extract_strided_slice %get3A_3186 {offsets = [20, 0], sizes = [1, 768], strides = [1, 1]} : vector<48x768xf32> to vector<1x768xf32>
      %mul3A_3617 = vector.broadcast %get3A_3615 : f32 to vector<1x768xf32>
      %mul3A_3618 = arith.mulf %mul3A_3617, %slice3A_3616 : vector<1x768xf32>
      %add3A_3619 = arith.addf %add3A_3612, %mul3A_3618 : vector<1x768xf32>
      %get3A_3620 = arith.constant 2 : index
      %get3A_3621 = arith.constant 3 : index
      %get3A_3622 = memref.load %arg26[%get3A_3620, %get3A_3621] : memref<4x4xf32, #tpu.memory_space<smem>>
      %slice3A_3623 = vector.extract_strided_slice %get3A_3186 {offsets = [23, 0], sizes = [1, 768], strides = [1, 1]} : vector<48x768xf32> to vector<1x768xf32>
      %mul3A_3624 = vector.broadcast %get3A_3622 : f32 to vector<1x768xf32>
      %mul3A_3625 = arith.mulf %mul3A_3624, %slice3A_3623 : vector<1x768xf32>
      %add3A_3626 = arith.addf %add3A_3619, %mul3A_3625 : vector<1x768xf32>
      %get3A_3627 = arith.constant 3 : index
      %get3A_3628 = arith.constant 3 : index
      %get3A_3629 = memref.load %arg26[%get3A_3627, %get3A_3628] : memref<4x4xf32, #tpu.memory_space<smem>>
      %slice3A_3630 = vector.extract_strided_slice %get3A_3186 {offsets = [26, 0], sizes = [1, 768], strides = [1, 1]} : vector<48x768xf32> to vector<1x768xf32>
      %mul3A_3631 = vector.broadcast %get3A_3629 : f32 to vector<1x768xf32>
      %mul3A_3632 = arith.mulf %mul3A_3631, %slice3A_3630 : vector<1x768xf32>
      %add3A_3633 = arith.addf %add3A_3626, %mul3A_3632 : vector<1x768xf32>
      %mul3A_3634 = arith.mulf %add3A_3633, %div3A_3198 : vector<1x768xf32>
      %get3A_3635 = arith.constant 10 : index
      %get3A_3636 = arith.constant 0 : index
      %get3A_3637 = vector.load %arg6[%get3A_3635, %get3A_3636] : memref<12x768xf32, #tpu.memory_space<vmem>>, vector<1x768xf32>
      %add3A_3638 = arith.addf %mul3A_3634, %get3A_3637 : vector<1x768xf32>
      %swap3A_3639 = arith.constant 10 : index
      %swap3A_3640 = arith.constant 0 : index
      %swap3A_3641 = vector.load %arg28[%swap3A_3639, %swap3A_3640] : memref<12x768xf32, #tpu.memory_space<vmem>>, vector<1x768xf32>
      tpu.vector_store %arg28[%swap3A_3639, %swap3A_3640], %add3A_3638 {strides = array<i32>} : memref<12x768xf32, #tpu.memory_space<vmem>>, vector<1x768xf32>,
      %get3A_3642 = arith.constant 0 : index
      %get3A_3643 = arith.constant 3 : index
      %get3A_3644 = memref.load %arg26[%get3A_3642, %get3A_3643] : memref<4x4xf32, #tpu.memory_space<smem>>
      %slice3A_3645 = vector.extract_strided_slice %get3A_3186 {offsets = [18, 0], sizes = [1, 768], strides = [1, 1]} : vector<48x768xf32> to vector<1x768xf32>
      %mul3A_3646 = vector.broadcast %get3A_3644 : f32 to vector<1x768xf32>
      %mul3A_3647 = arith.mulf %mul3A_3646, %slice3A_3645 : vector<1x768xf32>
      %add3A_3648 = arith.constant 0.000000e+00 : f32
      %add3A_3649 = vector.broadcast %add3A_3648 : f32 to vector<1x768xf32>
      %add3A_3650 = arith.addf %add3A_3649, %mul3A_3647 : vector<1x768xf32>
      %get3A_3651 = arith.constant 1 : index
      %get3A_3652 = arith.constant 3 : index
      %get3A_3653 = memref.load %arg26[%get3A_3651, %get3A_3652] : memref<4x4xf32, #tpu.memory_space<smem>>
      %slice3A_3654 = vector.extract_strided_slice %get3A_3186 {offsets = [21, 0], sizes = [1, 768], strides = [1, 1]} : vector<48x768xf32> to vector<1x768xf32>
      %mul3A_3655 = vector.broadcast %get3A_3653 : f32 to vector<1x768xf32>
      %mul3A_3656 = arith.mulf %mul3A_3655, %slice3A_3654 : vector<1x768xf32>
      %add3A_3657 = arith.addf %add3A_3650, %mul3A_3656 : vector<1x768xf32>
      %get3A_3658 = arith.constant 2 : index
      %get3A_3659 = arith.constant 3 : index
      %get3A_3660 = memref.load %arg26[%get3A_3658, %get3A_3659] : memref<4x4xf32, #tpu.memory_space<smem>>
      %slice3A_3661 = vector.extract_strided_slice %get3A_3186 {offsets = [24, 0], sizes = [1, 768], strides = [1, 1]} : vector<48x768xf32> to vector<1x768xf32>
      %mul3A_3662 = vector.broadcast %get3A_3660 : f32 to vector<1x768xf32>
      %mul3A_3663 = arith.mulf %mul3A_3662, %slice3A_3661 : vector<1x768xf32>
      %add3A_3664 = arith.addf %add3A_3657, %mul3A_3663 : vector<1x768xf32>
      %get3A_3665 = arith.constant 3 : index
      %get3A_3666 = arith.constant 3 : index
      %get3A_3667 = memref.load %arg26[%get3A_3665, %get3A_3666] : memref<4x4xf32, #tpu.memory_space<smem>>
      %slice3A_3668 = vector.extract_strided_slice %get3A_3186 {offsets = [27, 0], sizes = [1, 768], strides = [1, 1]} : vector<48x768xf32> to vector<1x768xf32>
      %mul3A_3669 = vector.broadcast %get3A_3667 : f32 to vector<1x768xf32>
      %mul3A_3670 = arith.mulf %mul3A_3669, %slice3A_3668 : vector<1x768xf32>
      %add3A_3671 = arith.addf %add3A_3664, %mul3A_3670 : vector<1x768xf32>
      %mul3A_3672 = arith.mulf %add3A_3671, %div3A_3198 : vector<1x768xf32>
      %get3A_3673 = arith.constant 11 : index
      %get3A_3674 = arith.constant 0 : index
      %get3A_3675 = vector.load %arg6[%get3A_3673, %get3A_3674] : memref<12x768xf32, #tpu.memory_space<vmem>>, vector<1x768xf32>
      %add3A_3676 = arith.addf %mul3A_3672, %get3A_3675 : vector<1x768xf32>
      %swap3A_3677 = arith.constant 11 : index
      %swap3A_3678 = arith.constant 0 : index
      %swap3A_3679 = vector.load %arg28[%swap3A_3677, %swap3A_3678] : memref<12x768xf32, #tpu.memory_space<vmem>>, vector<1x768xf32>
      tpu.vector_store %arg28[%swap3A_3677, %swap3A_3678], %add3A_3676 {strides = array<i32>} : memref<12x768xf32, #tpu.memory_space<vmem>>, vector<1x768xf32>,
    } else {
    }
    return
  }
  func.func @transform_0(%arg0: i32) -> (i32, i32) {
    %c0_i32 = arith.constant 0 : i32
    %c0_i32_0 = arith.constant 0 : i32
    return %arg0, %c0_i32 : i32, i32
  }
  func.func @transform_1(%arg0: i32) -> (i32, i32, i32) {
    %c0_i32 = arith.constant 0 : i32
    %c0_i32_0 = arith.constant 0 : i32
    %c0_i32_1 = arith.constant 0 : i32
    return %arg0, %c0_i32, %c0_i32_0 : i32, i32, i32
  }
  func.func @transform_2(%arg0: i32) -> (i32, i32, i32) {
    %c0_i32 = arith.constant 0 : i32
    %c0_i32_0 = arith.constant 0 : i32
    %c0_i32_1 = arith.constant 0 : i32
    return %arg0, %c0_i32, %c0_i32_0 : i32, i32, i32
  }
  func.func @transform_3(%arg0: i32) -> (i32, i32) {
    %c0_i32 = arith.constant 0 : i32
    %c0_i32_0 = arith.constant 0 : i32
    return %c0_i32, %arg0 : i32, i32
  }
  func.func @transform_4(%arg0: i32) -> (i32, i32) {
    %c0_i32 = arith.constant 0 : i32
    %c0_i32_0 = arith.constant 0 : i32
    %c0_i32_1 = arith.constant 0 : i32
    return %c0_i32, %c0_i32_0 : i32, i32
  }
  func.func @transform_5(%arg0: i32) -> (i32, i32) {
    %c0_i32 = arith.constant 0 : i32
    %c0_i32_0 = arith.constant 0 : i32
    %c0_i32_1 = arith.constant 0 : i32
    return %c0_i32, %c0_i32_0 : i32, i32
  }
  func.func @transform_6(%arg0: i32) -> (i32, i32) {
    %c0_i32 = arith.constant 0 : i32
    %c0_i32_0 = arith.constant 0 : i32
    %c0_i32_1 = arith.constant 0 : i32
    return %c0_i32, %c0_i32_0 : i32, i32
  }
  func.func @transform_7(%arg0: i32) -> (i32, i32) {
    %c0_i32 = arith.constant 0 : i32
    %c0_i32_0 = arith.constant 0 : i32
    %c0_i32_1 = arith.constant 0 : i32
    return %c0_i32, %c0_i32_0 : i32, i32
  }
  func.func @transform_8(%arg0: i32) -> (i32, i32) {
    %c0_i32 = arith.constant 0 : i32
    %c0_i32_0 = arith.constant 0 : i32
    %c0_i32_1 = arith.constant 0 : i32
    return %c0_i32, %c0_i32_0 : i32, i32
  }
  func.func @transform_9(%arg0: i32) -> (i32, i32) {
    %c0_i32 = arith.constant 0 : i32
    %c0_i32_0 = arith.constant 0 : i32
    %c0_i32_1 = arith.constant 0 : i32
    return %c0_i32, %c0_i32_0 : i32, i32
  }
  func.func @transform_10(%arg0: i32) -> (i32, i32) {
    %c0_i32 = arith.constant 0 : i32
    %c0_i32_0 = arith.constant 0 : i32
    %c0_i32_1 = arith.constant 0 : i32
    return %c0_i32, %c0_i32_0 : i32, i32
  }
  func.func @transform_11(%arg0: i32) -> (i32, i32) {
    %c0_i32 = arith.constant 0 : i32
    %c0_i32_0 = arith.constant 0 : i32
    %c0_i32_1 = arith.constant 0 : i32
    return %c0_i32, %c0_i32_0 : i32, i32
  }
  func.func @transform_12(%arg0: i32) -> (i32, i32) {
    %c0_i32 = arith.constant 0 : i32
    %c0_i32_0 = arith.constant 0 : i32
    %c0_i32_1 = arith.constant 0 : i32
    return %c0_i32, %c0_i32_0 : i32, i32
  }
  func.func @transform_13(%arg0: i32) -> (i32, i32) {
    %c0_i32 = arith.constant 0 : i32
    %c0_i32_0 = arith.constant 0 : i32
    %c0_i32_1 = arith.constant 0 : i32
    return %c0_i32, %c0_i32_0 : i32, i32
  }
  func.func @transform_14(%arg0: i32) -> (i32, i32) {
    %c0_i32 = arith.constant 0 : i32
    %c0_i32_0 = arith.constant 0 : i32
    %c0_i32_1 = arith.constant 0 : i32
    return %c0_i32, %c0_i32_0 : i32, i32
  }
  func.func @transform_15(%arg0: i32) -> (i32, i32) {
    %c0_i32 = arith.constant 0 : i32
    %c0_i32_0 = arith.constant 0 : i32
    %c0_i32_1 = arith.constant 0 : i32
    return %c0_i32, %c0_i32_0 : i32, i32
  }
  func.func @transform_16(%arg0: i32) -> (i32, i32) {
    %c0_i32 = arith.constant 0 : i32
    %c0_i32_0 = arith.constant 0 : i32
    %c0_i32_1 = arith.constant 0 : i32
    return %c0_i32, %c0_i32_0 : i32, i32
  }
  func.func @transform_17(%arg0: i32) -> (i32, i32) {
    %c0_i32 = arith.constant 0 : i32
    %c0_i32_0 = arith.constant 0 : i32
    %c0_i32_1 = arith.constant 0 : i32
    return %c0_i32, %c0_i32_0 : i32, i32
  }
  func.func @transform_18(%arg0: i32) -> (i32, i32) {
    %c0_i32 = arith.constant 0 : i32
    %c0_i32_0 = arith.constant 0 : i32
    %c0_i32_1 = arith.constant 0 : i32
    return %c0_i32, %c0_i32_0 : i32, i32
  }
  func.func @transform_19(%arg0: i32) -> (i32, i32) {
    %c0_i32 = arith.constant 0 : i32
    %c0_i32_0 = arith.constant 0 : i32
    %c0_i32_1 = arith.constant 0 : i32
    return %c0_i32, %c0_i32_0 : i32, i32
  }
  func.func @transform_20(%arg0: i32) -> (i32, i32) {
    %c0_i32 = arith.constant 0 : i32
    %c0_i32_0 = arith.constant 0 : i32
    %c0_i32_1 = arith.constant 0 : i32
    return %c0_i32, %c0_i32_0 : i32, i32
  }
  func.func @transform_21(%arg0: i32) -> (i32, i32) {
    %c0_i32 = arith.constant 0 : i32
    %c0_i32_0 = arith.constant 0 : i32
    %c0_i32_1 = arith.constant 0 : i32
    return %c0_i32, %c0_i32_0 : i32, i32
  }
  func.func @transform_22(%arg0: i32) -> (i32, i32) {
    %c0_i32 = arith.constant 0 : i32
    %c0_i32_0 = arith.constant 0 : i32
    %c0_i32_1 = arith.constant 0 : i32
    return %c0_i32, %c0_i32_0 : i32, i32
  }
  func.func @transform_23(%arg0: i32) -> (i32, i32) {
    %c0_i32 = arith.constant 0 : i32
    %c0_i32_0 = arith.constant 0 : i32
    %c0_i32_1 = arith.constant 0 : i32
    return %c0_i32, %c0_i32_0 : i32, i32
  }
  func.func @transform_24(%arg0: i32) -> (i32, i32) {
    %c0_i32 = arith.constant 0 : i32
    %c0_i32_0 = arith.constant 0 : i32
    %c0_i32_1 = arith.constant 0 : i32
    return %c0_i32, %c0_i32_0 : i32, i32
  }
  func.func @transform_25(%arg0: i32) -> (i32, i32) {
    %c0_i32 = arith.constant 0 : i32
    %c0_i32_0 = arith.constant 0 : i32
    %c0_i32_1 = arith.constant 0 : i32
    return %c0_i32, %c0_i32_0 : i32, i32
  }
  func.func @transform_26(%arg0: i32) -> (i32, i32) {
    %c0_i32 = arith.constant 0 : i32
    %c0_i32_0 = arith.constant 0 : i32
    %c0_i32_1 = arith.constant 0 : i32
    return %c0_i32, %c0_i32_0 : i32, i32
  }
  func.func @transform_27(%arg0: i32) -> (i32, i32) {
    %c0_i32 = arith.constant 0 : i32
    %c0_i32_0 = arith.constant 0 : i32
    %c0_i32_1 = arith.constant 0 : i32
    return %c0_i32, %c0_i32_0 : i32, i32
  }
}

</mosaic_0001>

<sc_bundles>
// kernel: kernel.4.cloned.1.call-start
scs
__scs_entry_jumppad:
0x0: {  	(pc) =	sbr.rel $0x88, $3  }
0x1: {  	(tag) =	ssettag $0x0;
	lr =	simm.s32 $0x1  }
0x2: {  	[smem:$0x3F82] =	sst lr;
	_ =	strace $0xD0000000  }
0x3: {  	_ = 	snop  }
0x4: {  	_ = 	snop  }
0x5: {  	_ = 	snop  }
0x6: {  	_ = 	snop  }
0x7: {  	_ = 	snop  }
__scs_overlays_trampoline_lowered:
0x8: {  	[smem:$0x3F91] =	sst s0  }
0x9: {  	[smem:$0x3F92] =	sst s1  }
0xa: {  	[smem:$0x3F93] =	sst s2  }
0xb: {  	[smem:$0x3F94] =	sst s3  }
0xc: {  	[smem:$0x3F95] =	sst s4  }
0xd: {  	[smem:$0x3F96] =	sst s5  }
0xe: {  	[smem:$0x3F97] =	sst s6  }
0xf: {  	[smem:$0x3F98] =	sst s7  }
0x10: {  	[smem:$0x3F99] =	sst s8  }
0x11: {  	[smem:$0x3F9A] =	sst s9;
	s0 =	simm.s32 @!p0 $0x0  }
0x12: {  	s1 =	sld [smem:$0x3F80];
	s0 =	simm.s32 @p0 $0x1  }
0x13: {  	[smem:$0x3F9B] =	sst s0;
	s0 =	simm.s32 @!p1 $0x0  }
0x14: {  	s2 =	sld [smem:$0x3F7F];
	s0 =	simm.s32 @p1 $0x1  }
0x15: {  	[smem:$0x3F9C] =	sst s0;
	s0 =	simm.s32 @!p2 $0x0  }
0x16: {  	s3 =	sld [smem:$0x3FDB];
	s0 =	simm.s32 @p2 $0x1  }
0x17: {  	s4 =	simm.s32 $0x1BF5;
	[smem:$0x3F9E] =	sst s0  }
0x18: {  	s0 =	sld [smem:$0x3F81];
	_ =	swait.ge [sflag:s4], $0x0  }
0x19: {  	s7 =	sld [smem:$0x3F82]  }
0x1a: {  	s8 =	sadd.s32 $0xFFFFE003, lr  }
0x1b: {  	s9 =	sadd.s32 $0xFFFFFEF7, lr;
	s5 =	simm.s32 $0xFFFFFFFF;
	p2 =	slt.u32 s8, $0xFFFFF086  }
0x1c: {  	p1 =	slt.u32 s9, $0xF7A;
	s5 =	simm.s32 @!p2 $0x0  }
0x1d: {  	s5 =	simm.s32 @p1 $0x1;
	p0 =	seq.s32 s7, s2  }
0x1e: {  	s7 =	smul.u32 @!p0 $0xF7A, s2;
	p2 =	seq.s32 @!p0 s5, $0x0  }
0x1f: {  	s9 =	smul.u32 $0xF7A, s1;
	s8 =	simm.s32 @!p0 $0x1BF5;
	p2 =	por !p2, p0  }
0x20: {  	[sflag:s8] =	ssyncset.s32 @!p0 $0xFFFFF086;
	s6 =	sadd.s32 @!p0 s3, s7;
	s7 =	simm.s32 @!p0 $0x108  }
0x21: {  	s3 =	sadd.s32 s3, s9;
	s6 =	sadd.s32 @!p0 $0x88, s6;
	s7 =	simm.s32 @p2 $0x1082  }
0x22: {  	[simem:s7], [sflag:s8] =	dma.local @!p0 [hbm:s6], $0xF7A  }
0x23: {  	s9 =	sor.u32 $0xD0000000, s2;
	s6 =	simm.s32 $0x108;
	_ =	swait.ge @!p0 [sflag:s8], $0x0  }
0x24: {  	s3 =	sadd.s32 $0x88, s3;
	s6 =	simm.s32 @!p1 $0x1082;
	[sflag:s4] =	ssyncset.s32 $0xFFFFF086  }
0x25: {  	[simem:s6], [sflag:s4] =	dma.local [hbm:s3], $0xF7A  }
0x26: {  	[smem:$0x3F82] =	sst s1;
	(tag) =	ssettag s2;
	_ =	strace s9  }
0x27: {  	s1 =	sld [smem:$0x3F92]  }
0x28: {  	s2 =	sld [smem:$0x3F93]  }
0x29: {  	s4 =	sld [smem:$0x3F95]  }
0x2a: {  	p0 =	seq.s32 s5, $0x0;
	s5 =	sld [smem:$0x3F96]  }
0x2b: {  	s6 =	sld [smem:$0x3F97]  }
0x2c: {  	s7 =	sld [smem:$0x3F98]  }
0x2d: {  	s3 =	simm.s32 $0x108;
	s8 =	sld [smem:$0x3F99]  }
0x2e: {  	s3 =	simm.s32 @!p0 $0x1082;
	s9 =	sld [smem:$0x3F9A]  }
0x2f: {  	lr =	sadd.s32 s0, s3;
	s0 =	sld [smem:$0x3F91]  }
0x30: {  	s3 =	sld [smem:$0x3F94]  }
0x31: {  	[smem:$0x3F9D] =	sst s10  }
0x32: {  	s10 =	sld [smem:$0x3F9B];
	_ =	sdelay $0x3  }
0x33: {  	p0 =	seq.s32 s10, $0x1;
	s10 =	sld [smem:$0x3F9D];
	_ =	sdelay $0x3  }
0x34: {  	[smem:$0x3F9D] =	sst s10  }
0x35: {  	s10 =	sld [smem:$0x3F9C];
	_ =	sdelay $0x3  }
0x36: {  	p1 =	seq.s32 s10, $0x1;
	s10 =	sld [smem:$0x3F9D];
	_ =	sdelay $0x3  }
0x37: {  	[smem:$0x3F9D] =	sst s10  }
0x38: {  	s10 =	sld [smem:$0x3F9E]  }
0x39: {  	_ = 	snop;
	(pc) =	sbr.ind lr, $3  }
0x3a: {  	_ = 	snop  }
0x3b: {  	_ = 	snop  }
0x3c: {  	p2 =	seq.s32 s10, $0x1;
	s10 =	sld [smem:$0x3F9D]  }
0x3d: {  	_ =	shalt  }
0x3e: {  	_ =	shalt  }
0x3f: {  	_ =	shalt  }
0x40: {  	_ =	shalt  }
0x41: {  	_ =	shalt  }
0x42: {  	_ =	shalt  }
0x43: {  	_ =	shalt  }
0x44: {  	_ =	shalt  }
0x45: {  	_ =	shalt  }
0x46: {  	_ =	shalt  }
0x47: {  	_ =	shalt  }
0x48: {  	_ =	shalt  }
0x49: {  	_ =	shalt  }
0x4a: {  	_ =	shalt  }
0x4b: {  	_ =	shalt  }
0x4c: {  	_ =	shalt  }
0x4d: {  	_ =	shalt  }
0x4e: {  	_ =	shalt  }
0x4f: {  	_ =	shalt  }
0x50: {  	_ =	shalt  }
0x51: {  	_ =	shalt  }
0x52: {  	_ =	shalt  }
0x53: {  	_ =	shalt  }
0x54: {  	_ =	shalt  }
0x55: {  	_ =	shalt  }
0x56: {  	_ =	shalt  }
0x57: {  	_ =	shalt  }
0x58: {  	_ =	shalt  }
0x59: {  	_ =	shalt  }
0x5a: {  	_ =	shalt  }
0x5b: {  	_ =	shalt  }
0x5c: {  	_ =	shalt  }
0x5d: {  	_ =	shalt  }
0x5e: {  	_ =	shalt  }
0x5f: {  	_ =	shalt  }
0x60: {  	_ =	shalt  }
0x61: {  	_ =	shalt  }
0x62: {  	_ =	shalt  }
0x63: {  	_ =	shalt  }
0x64: {  	_ =	shalt  }
0x65: {  	_ =	shalt  }
0x66: {  	_ =	shalt  }
0x67: {  	_ =	shalt  }
0x68: {  	_ =	shalt  }
0x69: {  	_ =	shalt  }
0x6a: {  	_ =	shalt  }
0x6b: {  	_ =	shalt  }
0x6c: {  	_ =	shalt  }
0x6d: {  	_ =	shalt  }
0x6e: {  	_ =	shalt  }
0x6f: {  	_ =	shalt  }
0x70: {  	_ =	shalt  }
0x71: {  	_ =	shalt  }
0x72: {  	_ =	shalt  }
0x73: {  	_ =	shalt  }
0x74: {  	_ =	shalt  }
0x75: {  	_ =	shalt  }
0x76: {  	_ =	shalt  }
0x77: {  	_ =	shalt  }
0x78: {  	_ =	shalt  }
0x79: {  	_ =	shalt  }
0x7a: {  	_ =	shalt  }
0x7b: {  	_ =	shalt  }
0x7c: {  	_ =	shalt  }
0x7d: {  	_ =	shalt  }
0x7e: {  	_ =	shalt  }
0x7f: {  	_ =	shalt  }
0x80: {  	_ =	shalt  }
0x81: {  	_ =	shalt  }
0x82: {  	_ =	shalt  }
0x83: {  	_ =	shalt  }
0x84: {  	_ =	shalt  }
0x85: {  	_ =	shalt  }
0x86: {  	_ =	shalt  }
0x87: {  	_ =	shalt  }
.Lfunc_end0:
.L_simem_size_0:
called_computation_lowered:
.L_overlay_start_0:
0x88: {  	s2 =	sld [smem:$0x3FD9]  }
0x89: {  	s3 =	sld [smem:$0x3FFE];
	_ =	sdelay $0x1  }
0x8a: {  	s1 =	srdreg.scid  }
0x8b: {  	s0 =	sand.u32 $0x1, s1  }
0x8c: {  	s14 =	sshll.u32 s0, $0xA;
	s2 =	sadd.s32 s3, s2  }
0x8d: {  	s2 =	sadd.s32 s2, s14  }
0x8e: {  	[smem:$0x3FA9] =	sst s2  }
0x8f: {  	_ = 	snop  }
0x90: {  	s2 =	sld [smem:$0x3FD0];
	_ =	sdelay $0x2  }
0x91: {  	s4 =	simm.s32 $0xA;
	s5 =	simm.s32 $0x10;
	s15 =	sld [smem:$0x3FC8]  }
0x92: {  	[smem:s5], [sflag:s4] =	dma.local [hbm:s2], $0x1  }
0x93: {  	_ =	swait.eq [sflag:s4], $0x1  }
0x94: {  	[sflag:s4] =	ssyncset.done $0x0  }
0x95: {  	[sflag:s4] =	ssyncadd.s32 $0xFFFFFFFF  }
0x96: {  	s16 =	sld [smem:$0x10];
	(tm) =	ssettm $0x1  }
0x97: {  	s17 =	sld [smem:$0x3FFB];
	_ =	sdelay $0x3  }
0x98: {  	_ =	strace s17  }
0x99: {  	s4 =	sld [smem:$0x3FFC];
	_ =	sdelay $0x3  }
0x9a: {  	_ =	strace s4  }
0x9b: {  	s4 =	sld [smem:$0x3FFD];
	_ =	sdelay $0x3  }
0x9c: {  	_ =	strace s4  }
0x9d: {  	_ =	strace $0x8FFFFFFF  }
0x9e: {  	s18 =	sld [smem:$0x3FDB];
	_ =	sdelay $0x1  }
0x9f: {  	s19 =	simm.s32 $_scs_section_size  }
0xa0: {  	s6 =	simm.s32 $_size__tile_overlayer_lowered;
	s7 =	simm.s32 $_tile_overlayer_lowered  }
0xa1: {  	s22 =	simm.s32 $0x1BFF;
	s21 =	sshll.u32 s7, $0x1;
	s4 =	sadd.s32 s19, s18  }
0xa2: {  	s8 =	simm.s32 $0x0;
	s20 =	sshll.u32 s6, $0x1;
	s6 =	sadd.s32 s21, s4  }
0xa3: {  	[timem:s8], [sflag:s22] =	dma.local [hbm:s6], s20  }
0xa4: {  	_ =	swait.ge [sflag:s22], s20  }
0xa5: {  	s5 =	ssub.s32 $0x0, s20;
	[sflag:s22] =	ssyncset.done $0x0  }
0xa6: {  	[sflag:s22] =	ssyncadd.s32 s5;
	_ =	sdelay $0x1  }
0xa7: {  	s23 =	simm.s32 $0x1B8B  }
0xa8: {  	_ =	swait.ge [sflag:s23], $0x1  }
0xa9: {  	[sflag:s23] =	ssyncset.done $0x0  }
0xaa: {  	s25 =	simm.s32 $0x1B8E;
	s24 =	sld [smem:$0x3FFE];
	[sflag:s23] =	ssyncadd.s32 $0xFFFFFFFF  }
0xab: {  	s26 =	simm.s32 $execute0_lowered;
	[smem:$0x3FD2] =	sst s25  }
0xac: {  	s6 =	sshll.u32 s26, $0x1;
	_ =	strace $0x80000046;
	[dreg:$0x1] =	wrdreg $0xFFFFFFFF  }
0xad: {  	s28 =	simm.s32 $_size_execute0_lowered;
	s4 =	sadd.s32 s4, s6;
	[dreg:$0x0] =	wrdreg $0x0  }
0xae: {  	s6 =	sshll.u32 s28, $0x1;
	[dreg:$0x2] =	wrdreg s4  }
0xaf: {  	[dreg:$0x3] =	wrdreg s6  }
0xb0: {  	[dreg:$0x4] =	wrdreg $0xC0  }
0xb1: {  	_ =	task [dreg:s8], $0x5FFFF  }
0xb2: {  	[dreg:$0x1] =	wrdreg $0xFFFFFFFF  }
0xb3: {  	[dreg:$0x0] =	wrdreg $0x60  }
0xb4: {  	[dreg:$0x2] =	wrdreg s16  }
0xb5: {  	[dreg:$0x3] =	wrdreg s15  }
0xb6: {  	[dreg:$0x4] =	wrdreg s24  }
0xb7: {  	[dreg:$0x5] =	wrdreg $0x9  }
0xb8: {  	_ =	task.clear_ibuf [dreg:s8], $0x6FFFF;
	_ =	strace $0x90000046  }
0xb9: {  	s29 =	simm.s32 $0x9;
	_ =	strace $0x80000048  }
0xba: {  	_ =	swait.ge [sflag:s29], $0x1  }
0xbb: {  	[sflag:s29] =	ssyncadd.s32 $0xFFFFFFFF  }
0xbc: {  	_ =	strace $0x90000048  }
0xbd: {  	_ =	sfence  }
0xbe: {  	s30 =	sld [smem:$0x0];
	_ =	sdelay $0x2  }
0xbf: {  	s31 =	sshll.u32 s1, $0xD;
	s1 =	sshrl.u32 s1, $0x2  }
0xc0: {  	s3 =	sand.u32 $0x4000, s31;
	s1 =	sadd.s32 s1, s30  }
0xc1: {  	s0 =	sor.u32 s3, s0;
	s1 =	sshll.u32 s1, $0x11  }
0xc2: {  	s0 =	sor.u32 s1, s0  }
0xc3: {  	s0 =	sadd.s32 $0x8F2B, s0  }
0xc4: {  	[sflag:s0] =	ssyncadd.remote.s32 $0x1  }
0xc5: {  	_ =	sfence.sel $0xFFFF  }
0xc6: {  	[dreg:$0x0] =	wrdreg $0xFFFFFFFF;
	(pc) =	sbr.abs _section_cstart, $3  }
0xc7: {  	[dreg:$0x1] =	wrdreg $0xFFFFFFFF  }
0xc8: {  	_ =	task.clear_ibuf [dreg:s8], $0x2FFFF;
	_ =	strace $0x9FFFFFFF  }
0xc9: {  	(tm) =	ssettm $0x7FFFFFFF  }
tec
execute0_lowered:
.L_overlay_start_1:
0x0: {  	(tag) =	ssettag $0x1  }
0x1: {  	s4 =	rddreg [dreg:$0x0]  }
0x2: {  	s1 =	srdreg.scid;
	s0 =	stileid.u32  }
0x3: {  	s2 =	rddreg [dreg:$0x1];
	s1 =	sand.u32 $0x1, s1;
	s6 =	sshll.u32 s0, $0x1  }
0x4: {  	s5 =	rddreg [dreg:$0x2];
	s16 =	sor.u32 s1, s6  }
0x5: {  	s3 =	simm.s32 $0x0;
	s6 =	sshll.u32 s16, $0x8;
	s24 =	smul.u32 $0x6000, s16  }
0x6: {  	[smem:$0x7FF] =	sst s3;
	s17 =	sadd.s32 $0x3C00, s5;
	s4 =	sadd.s32 s4, s6  }
0x7: {  	_ =	strace $0x80000047;
	[dreg:$0x4] =	wrdreg s4;
	s4 =	sadd.s32 s17, s24  }
0x8: {  	s25 =	rddreg [dreg:$0x4];
	s26 =	sadd.s32 $0x800, s4  }
0x9: {  	s5 =	simm.s32 $0x3;
	[dreg:$0x5] =	wrdreg s26  }
0xa: {  	[tilespmem:s3], [sflag:$0x3] =	stream.linear.gather [hbm4b:s25+s3], $0x600, $0x38;
	[tilespmem:$0x8800] =	vst v63  }
0xb: {  	_ =	swait.ge [sflag:s5], $0x600  }
0xc: {  	[sflag:s5] =	ssyncset.done $0x0  }
0xd: {  	s7 =	simm.s32 $0x800;
	s6 =	simm.s32 $0x80;
	[sflag:s5] =	ssyncadd.s32 $0xFFFFFA00  }
0xe: {  	[tilespmem:s7], [sflag:$0x1] =	stream.indirect.gather [hbm4b:s2+s6], $0x80, s3, s6, $0xb8;
	[tilespmem:$0x8800] =	vst v63  }
0xf: {  	s8 =	simm.s32 $0x4800;
	s9 =	simm.s32 $0x1  }
0x10: {  	[tilespmem:s8], [sflag:$0x2] =	stream.indirect.gather [hbm4b:s2+s6], $0x80, s6, s6, $0xb8;
	[tilespmem:$0x8800] =	vst v63  }
0x11: {  	_ =	swait.ge [sflag:s9], $0x4000  }
0x12: {  	[sflag:s9] =	ssyncset.done $0x0  }
0x13: {  	[sflag:s9] =	ssyncadd.s32 $0xFFFFC000  }
0x14: {  	[hbm4b:s4+s3] =	stream.linear.scatter [tilespmem:s7], [sflag:$0x3], $0x4000, $0x38;
	[tilespmem:$0x8800] =	vst v63  }
0x15: {  	_ =	swait.ge [sflag:s5], $0x4000  }
0x16: {  	[sflag:s5] =	ssyncset.done $0x0  }
0x17: {  	s10 =	simm.s32 $0x100;
	s11 =	simm.s32 $0x2;
	[sflag:s5] =	ssyncadd.s32 $0xFFFFC000  }
0x18: {  	[tilespmem:s7], [sflag:$0x1] =	stream.indirect.gather [hbm4b:s2+s6], $0x80, s10, s6, $0xb8;
	[tilespmem:$0x8800] =	vst v63  }
0x19: {  	_ =	swait.ge [sflag:s11], $0x4000  }
0x1a: {  	[sflag:s11] =	ssyncset.done $0x0  }
0x1b: {  	s12 =	rddreg [dreg:$0x5];
	[sflag:s11] =	ssyncadd.s32 $0xFFFFC000  }
0x1c: {  	[hbm4b:s12+s3] =	stream.linear.scatter [tilespmem:s8], [sflag:$0x3], $0x4000, $0x38;
	[tilespmem:$0x8800] =	vst v63  }
0x1d: {  	_ =	swait.ge [sflag:s5], $0x4000  }
0x1e: {  	[sflag:s5] =	ssyncset.done $0x0  }
0x1f: {  	s12 =	simm.s32 $0x180;
	[sflag:s5] =	ssyncadd.s32 $0xFFFFC000  }
0x20: {  	[tilespmem:s8], [sflag:$0x2] =	stream.indirect.gather [hbm4b:s2+s6], $0x80, s12, s6, $0xb8;
	[tilespmem:$0x8800] =	vst v63  }
0x21: {  	_ =	swait.ge [sflag:s9], $0x4000  }
0x22: {  	[sflag:s9] =	ssyncset.done $0x0  }
0x23: {  	s13 =	sadd.s32 $0x1000, s4;
	[sflag:s9] =	ssyncadd.s32 $0xFFFFC000  }
0x24: {  	[hbm4b:s13+s3] =	stream.linear.scatter [tilespmem:s7], [sflag:$0x3], $0x4000, $0x38;
	[tilespmem:$0x8800] =	vst v63  }
0x25: {  	_ =	swait.ge [sflag:s5], $0x4000  }
0x26: {  	[sflag:s5] =	ssyncset.done $0x0  }
0x27: {  	s14 =	simm.s32 $0x200;
	[sflag:s5] =	ssyncadd.s32 $0xFFFFC000  }
0x28: {  	[tilespmem:s7], [sflag:$0x1] =	stream.indirect.gather [hbm4b:s2+s6], $0x80, s14, s6, $0xb8;
	[tilespmem:$0x8800] =	vst v63  }
0x29: {  	_ =	swait.ge [sflag:s11], $0x4000  }
0x2a: {  	[sflag:s11] =	ssyncset.done $0x0  }
0x2b: {  	s15 =	sadd.s32 $0x1800, s4;
	[sflag:s11] =	ssyncadd.s32 $0xFFFFC000  }
0x2c: {  	[hbm4b:s15+s3] =	stream.linear.scatter [tilespmem:s8], [sflag:$0x3], $0x4000, $0x38;
	[tilespmem:$0x8800] =	vst v63  }
0x2d: {  	_ =	swait.ge [sflag:s5], $0x4000  }
0x2e: {  	[sflag:s5] =	ssyncset.done $0x0  }
0x2f: {  	s18 =	smul.u32 $0x30000, s16;
	s16 =	simm.s32 $0x280;
	[sflag:s5] =	ssyncadd.s32 $0xFFFFC000  }
0x30: {  	[tilespmem:s8], [sflag:$0x2] =	stream.indirect.gather [hbm4b:s2+s6], $0x80, s16, s6, $0xb8;
	[tilespmem:$0x8800] =	vst v63  }
0x31: {  	s18 =	sshrl.u32 s18, $0x3;
	_ =	swait.ge [sflag:s9], $0x4000  }
0x32: {  	s31 =	sadd.s32 s17, s18;
	[sflag:s9] =	ssyncset.done $0x0  }
0x33: {  	s17 =	sadd.s32 $0x2000, s31;
	[sflag:s9] =	ssyncadd.s32 $0xFFFFC000  }
0x34: {  	[hbm4b:s17+s3] =	stream.linear.scatter [tilespmem:s7], [sflag:$0x3], $0x4000, $0x38;
	[tilespmem:$0x8800] =	vst v63  }
0x35: {  	_ =	swait.ge [sflag:s5], $0x4000  }
0x36: {  	[sflag:s5] =	ssyncset.done $0x0  }
0x37: {  	s18 =	simm.s32 $0x300;
	[sflag:s5] =	ssyncadd.s32 $0xFFFFC000  }
0x38: {  	[tilespmem:s7], [sflag:$0x1] =	stream.indirect.gather [hbm4b:s2+s6], $0x80, s18, s6, $0xb8;
	[tilespmem:$0x8800] =	vst v63  }
0x39: {  	_ =	swait.ge [sflag:s11], $0x4000  }
0x3a: {  	[sflag:s11] =	ssyncset.done $0x0  }
0x3b: {  	s19 =	sadd.s32 $0x2800, s31;
	[sflag:s11] =	ssyncadd.s32 $0xFFFFC000  }
0x3c: {  	[hbm4b:s19+s3] =	stream.linear.scatter [tilespmem:s8], [sflag:$0x3], $0x4000, $0x38;
	[tilespmem:$0x8800] =	vst v63  }
0x3d: {  	_ =	swait.ge [sflag:s5], $0x4000  }
0x3e: {  	[sflag:s5] =	ssyncset.done $0x0  }
0x3f: {  	s20 =	simm.s32 $0x380;
	[sflag:s5] =	ssyncadd.s32 $0xFFFFC000  }
0x40: {  	[tilespmem:s8], [sflag:$0x2] =	stream.indirect.gather [hbm4b:s2+s6], $0x80, s20, s6, $0xb8;
	[tilespmem:$0x8800] =	vst v63  }
0x41: {  	_ =	swait.ge [sflag:s9], $0x4000  }
0x42: {  	[sflag:s9] =	ssyncset.done $0x0  }
0x43: {  	s21 =	sadd.s32 $0x3000, s31;
	[sflag:s9] =	ssyncadd.s32 $0xFFFFC000  }
0x44: {  	[hbm4b:s21+s3] =	stream.linear.scatter [tilespmem:s7], [sflag:$0x3], $0x4000, $0x38;
	[tilespmem:$0x8800] =	vst v63  }
0x45: {  	_ =	swait.ge [sflag:s5], $0x4000  }
0x46: {  	[sflag:s5] =	ssyncset.done $0x0  }
0x47: {  	s22 =	simm.s32 $0x400;
	[sflag:s5] =	ssyncadd.s32 $0xFFFFC000  }
0x48: {  	[tilespmem:s7], [sflag:$0x1] =	stream.indirect.gather [hbm4b:s2+s6], $0x80, s22, s6, $0xb8;
	[tilespmem:$0x8800] =	vst v63  }
0x49: {  	_ =	swait.ge [sflag:s11], $0x4000  }
0x4a: {  	[sflag:s11] =	ssyncset.done $0x0  }
0x4b: {  	s23 =	sadd.s32 $0x3800, s31;
	[sflag:s11] =	ssyncadd.s32 $0xFFFFC000  }
0x4c: {  	[hbm4b:s23+s3] =	stream.linear.scatter [tilespmem:s8], [sflag:$0x3], $0x4000, $0x38;
	[tilespmem:$0x8800] =	vst v63  }
0x4d: {  	_ =	swait.ge [sflag:s5], $0x4000  }
0x4e: {  	[sflag:s5] =	ssyncset.done $0x0  }
0x4f: {  	s24 =	simm.s32 $0x480;
	[sflag:s5] =	ssyncadd.s32 $0xFFFFC000  }
0x50: {  	[tilespmem:s8], [sflag:$0x2] =	stream.indirect.gather [hbm4b:s2+s6], $0x80, s24, s6, $0xb8;
	[tilespmem:$0x8800] =	vst v63  }
0x51: {  	_ =	swait.ge [sflag:s9], $0x4000  }
0x52: {  	[sflag:s9] =	ssyncset.done $0x0  }
0x53: {  	s25 =	sadd.s32 $0x4000, s31;
	[sflag:s9] =	ssyncadd.s32 $0xFFFFC000  }
0x54: {  	[hbm4b:s25+s3] =	stream.linear.scatter [tilespmem:s7], [sflag:$0x3], $0x4000, $0x38;
	[tilespmem:$0x8800] =	vst v63  }
0x55: {  	_ =	swait.ge [sflag:s5], $0x4000  }
0x56: {  	[sflag:s5] =	ssyncset.done $0x0  }
0x57: {  	s26 =	simm.s32 $0x500;
	[sflag:s5] =	ssyncadd.s32 $0xFFFFC000  }
0x58: {  	[tilespmem:s7], [sflag:$0x1] =	stream.indirect.gather [hbm4b:s2+s6], $0x80, s26, s6, $0xb8;
	[tilespmem:$0x8800] =	vst v63  }
0x59: {  	_ =	swait.ge [sflag:s11], $0x4000  }
0x5a: {  	[sflag:s11] =	ssyncset.done $0x0  }
0x5b: {  	s28 =	sadd.s32 $0x4800, s31;
	[sflag:s11] =	ssyncadd.s32 $0xFFFFC000  }
0x5c: {  	[hbm4b:s28+s3] =	stream.linear.scatter [tilespmem:s8], [sflag:$0x3], $0x4000, $0x38;
	[tilespmem:$0x8800] =	vst v63  }
0x5d: {  	_ =	swait.ge [sflag:s5], $0x4000  }
0x5e: {  	[sflag:s5] =	ssyncset.done $0x0  }
0x5f: {  	s29 =	simm.s32 $0x580;
	[sflag:s5] =	ssyncadd.s32 $0xFFFFC000  }
0x60: {  	[tilespmem:s8], [sflag:$0x2] =	stream.indirect.gather [hbm4b:s2+s6], $0x80, s29, s6, $0xb8;
	[tilespmem:$0x8800] =	vst v63  }
0x61: {  	_ =	swait.ge [sflag:s9], $0x4000  }
0x62: {  	s1 =	ssub.s32 $0x2, s1;
	[sflag:s9] =	ssyncset.done $0x0  }
0x63: {  	s0 =	sshrl.u32 s1, $0x1;
	s30 =	sadd.s32 $0x5000, s31;
	[sflag:s9] =	ssyncadd.s32 $0xFFFFC000  }
0x64: {  	[hbm4b:s30+s3] =	stream.linear.scatter [tilespmem:s7], [sflag:$0x3], $0x4000, $0x38;
	[tilespmem:$0x8800] =	vst v63  }
0x65: {  	s0 =	ssub.s32 s1, s0;
	_ =	swait.ge [sflag:s5], $0x4000  }
0x66: {  	s0 =	smax.u32 s0, $0x1;
	[sflag:s5] =	ssyncset.done $0x0  }
0x67: {  	p0 =	sne.s32 s0, $0x1;
	[sflag:s5] =	ssyncadd.s32 $0xFFFFC000  }
.Ltmp0:
0x68: {  	_ =	swait.ge [sflag:s11], $0x4000;
	(pc) =	sbr.rel @!p0 .LBB2_2-.Ltmp0, $4  }
0x69: {  	[sflag:s11] =	ssyncset.done $0x0  }
0x6a: {  	s31 =	sadd.s32 $0x5800, s31;
	[sflag:s11] =	ssyncadd.s32 $0xFFFFC000  }
0x6b: {  	[hbm4b:s31+s3] =	stream.linear.scatter [tilespmem:s8], [sflag:$0x3], $0x4000, $0x38;
	[tilespmem:$0x8800] =	vst v63  }
0x6c: {  	s1 =	sadd.s32 $0xFFFFFFFF, s0;
	_ =	swait.ge [sflag:s5], $0x4000  }
.LBB2_1:
0x6d: {  	[sflag:s5] =	ssyncset.done $0x0  }
0x6e: {  	s0 =	rddreg [dreg:$0x4];
	[sflag:s5] =	ssyncadd.s32 $0xFFFFC000  }
0x6f: {  	[tilespmem:s3], [sflag:$0x3] =	stream.linear.gather [hbm4b:s0+s3], $0x600, $0x38;
	[tilespmem:$0x8800] =	vst v63  }
0x70: {  	_ =	swait.ge [sflag:s5], $0x600  }
0x71: {  	[sflag:s5] =	ssyncset.done $0x0  }
0x72: {  	[sflag:s5] =	ssyncadd.s32 $0xFFFFFA00  }
0x73: {  	[tilespmem:s7], [sflag:$0x1] =	stream.indirect.gather [hbm4b:s2+s6], $0x80, s3, s6, $0xb8;
	[tilespmem:$0x8800] =	vst v63  }
0x74: {  	_ = 	snop  }
0x75: {  	[tilespmem:s8], [sflag:$0x2] =	stream.indirect.gather [hbm4b:s2+s6], $0x80, s6, s6, $0xb8;
	[tilespmem:$0x8800] =	vst v63  }
0x76: {  	_ =	swait.ge [sflag:s9], $0x4000  }
0x77: {  	[sflag:s9] =	ssyncset.done $0x0  }
0x78: {  	[sflag:s9] =	ssyncadd.s32 $0xFFFFC000  }
0x79: {  	[hbm4b:s4+s3] =	stream.linear.scatter [tilespmem:s7], [sflag:$0x3], $0x4000, $0x38;
	[tilespmem:$0x8800] =	vst v63  }
0x7a: {  	_ =	swait.ge [sflag:s5], $0x4000  }
0x7b: {  	[sflag:s5] =	ssyncset.done $0x0  }
0x7c: {  	[sflag:s5] =	ssyncadd.s32 $0xFFFFC000  }
0x7d: {  	[tilespmem:s7], [sflag:$0x1] =	stream.indirect.gather [hbm4b:s2+s6], $0x80, s10, s6, $0xb8;
	[tilespmem:$0x8800] =	vst v63  }
0x7e: {  	_ =	swait.ge [sflag:s11], $0x4000  }
0x7f: {  	[sflag:s11] =	ssyncset.done $0x0  }
0x80: {  	s0 =	rddreg [dreg:$0x5];
	[sflag:s11] =	ssyncadd.s32 $0xFFFFC000  }
0x81: {  	[hbm4b:s0+s3] =	stream.linear.scatter [tilespmem:s8], [sflag:$0x3], $0x4000, $0x38;
	[tilespmem:$0x8800] =	vst v63  }
0x82: {  	_ =	swait.ge [sflag:s5], $0x4000  }
0x83: {  	[sflag:s5] =	ssyncset.done $0x0  }
0x84: {  	[sflag:s5] =	ssyncadd.s32 $0xFFFFC000  }
0x85: {  	[tilespmem:s8], [sflag:$0x2] =	stream.indirect.gather [hbm4b:s2+s6], $0x80, s12, s6, $0xb8;
	[tilespmem:$0x8800] =	vst v63  }
0x86: {  	_ =	swait.ge [sflag:s9], $0x4000  }
0x87: {  	[sflag:s9] =	ssyncset.done $0x0  }
0x88: {  	[sflag:s9] =	ssyncadd.s32 $0xFFFFC000  }
0x89: {  	[hbm4b:s13+s3] =	stream.linear.scatter [tilespmem:s7], [sflag:$0x3], $0x4000, $0x38;
	[tilespmem:$0x8800] =	vst v63  }
0x8a: {  	_ =	swait.ge [sflag:s5], $0x4000  }
0x8b: {  	[sflag:s5] =	ssyncset.done $0x0  }
0x8c: {  	[sflag:s5] =	ssyncadd.s32 $0xFFFFC000  }
0x8d: {  	[tilespmem:s7], [sflag:$0x1] =	stream.indirect.gather [hbm4b:s2+s6], $0x80, s14, s6, $0xb8;
	[tilespmem:$0x8800] =	vst v63  }
0x8e: {  	_ =	swait.ge [sflag:s11], $0x4000  }
0x8f: {  	[sflag:s11] =	ssyncset.done $0x0  }
0x90: {  	[sflag:s11] =	ssyncadd.s32 $0xFFFFC000  }
0x91: {  	[hbm4b:s15+s3] =	stream.linear.scatter [tilespmem:s8], [sflag:$0x3], $0x4000, $0x38;
	[tilespmem:$0x8800] =	vst v63  }
0x92: {  	_ =	swait.ge [sflag:s5], $0x4000  }
0x93: {  	[sflag:s5] =	ssyncset.done $0x0  }
0x94: {  	[sflag:s5] =	ssyncadd.s32 $0xFFFFC000  }
0x95: {  	[tilespmem:s8], [sflag:$0x2] =	stream.indirect.gather [hbm4b:s2+s6], $0x80, s16, s6, $0xb8;
	[tilespmem:$0x8800] =	vst v63  }
0x96: {  	_ =	swait.ge [sflag:s9], $0x4000  }
0x97: {  	[sflag:s9] =	ssyncset.done $0x0  }
0x98: {  	[sflag:s9] =	ssyncadd.s32 $0xFFFFC000  }
0x99: {  	[hbm4b:s17+s3] =	stream.linear.scatter [tilespmem:s7], [sflag:$0x3], $0x4000, $0x38;
	[tilespmem:$0x8800] =	vst v63  }
0x9a: {  	_ =	swait.ge [sflag:s5], $0x4000  }
0x9b: {  	[sflag:s5] =	ssyncset.done $0x0  }
0x9c: {  	[sflag:s5] =	ssyncadd.s32 $0xFFFFC000  }
0x9d: {  	[tilespmem:s7], [sflag:$0x1] =	stream.indirect.gather [hbm4b:s2+s6], $0x80, s18, s6, $0xb8;
	[tilespmem:$0x8800] =	vst v63  }
0x9e: {  	_ =	swait.ge [sflag:s11], $0x4000  }
0x9f: {  	[sflag:s11] =	ssyncset.done $0x0  }
0xa0: {  	[sflag:s11] =	ssyncadd.s32 $0xFFFFC000  }
0xa1: {  	[hbm4b:s19+s3] =	stream.linear.scatter [tilespmem:s8], [sflag:$0x3], $0x4000, $0x38;
	[tilespmem:$0x8800] =	vst v63  }
0xa2: {  	_ =	swait.ge [sflag:s5], $0x4000  }
0xa3: {  	[sflag:s5] =	ssyncset.done $0x0  }
0xa4: {  	[sflag:s5] =	ssyncadd.s32 $0xFFFFC000  }
0xa5: {  	[tilespmem:s8], [sflag:$0x2] =	stream.indirect.gather [hbm4b:s2+s6], $0x80, s20, s6, $0xb8;
	[tilespmem:$0x8800] =	vst v63  }
0xa6: {  	_ =	swait.ge [sflag:s9], $0x4000  }
0xa7: {  	[sflag:s9] =	ssyncset.done $0x0  }
0xa8: {  	[sflag:s9] =	ssyncadd.s32 $0xFFFFC000  }
0xa9: {  	[hbm4b:s21+s3] =	stream.linear.scatter [tilespmem:s7], [sflag:$0x3], $0x4000, $0x38;
	[tilespmem:$0x8800] =	vst v63  }
0xaa: {  	_ =	swait.ge [sflag:s5], $0x4000  }
0xab: {  	[sflag:s5] =	ssyncset.done $0x0  }
0xac: {  	[sflag:s5] =	ssyncadd.s32 $0xFFFFC000  }
0xad: {  	[tilespmem:s7], [sflag:$0x1] =	stream.indirect.gather [hbm4b:s2+s6], $0x80, s22, s6, $0xb8;
	[tilespmem:$0x8800] =	vst v63  }
0xae: {  	_ =	swait.ge [sflag:s11], $0x4000  }
0xaf: {  	[sflag:s11] =	ssyncset.done $0x0  }
0xb0: {  	[sflag:s11] =	ssyncadd.s32 $0xFFFFC000  }
0xb1: {  	[hbm4b:s23+s3] =	stream.linear.scatter [tilespmem:s8], [sflag:$0x3], $0x4000, $0x38;
	[tilespmem:$0x8800] =	vst v63  }
0xb2: {  	_ =	swait.ge [sflag:s5], $0x4000  }
0xb3: {  	[sflag:s5] =	ssyncset.done $0x0  }
0xb4: {  	[sflag:s5] =	ssyncadd.s32 $0xFFFFC000  }
0xb5: {  	[tilespmem:s8], [sflag:$0x2] =	stream.indirect.gather [hbm4b:s2+s6], $0x80, s24, s6, $0xb8;
	[tilespmem:$0x8800] =	vst v63  }
0xb6: {  	_ =	swait.ge [sflag:s9], $0x4000  }
0xb7: {  	[sflag:s9] =	ssyncset.done $0x0  }
0xb8: {  	[sflag:s9] =	ssyncadd.s32 $0xFFFFC000  }
0xb9: {  	[hbm4b:s25+s3] =	stream.linear.scatter [tilespmem:s7], [sflag:$0x3], $0x4000, $0x38;
	[tilespmem:$0x8800] =	vst v63  }
0xba: {  	_ =	swait.ge [sflag:s5], $0x4000  }
0xbb: {  	[sflag:s5] =	ssyncset.done $0x0  }
0xbc: {  	[sflag:s5] =	ssyncadd.s32 $0xFFFFC000  }
0xbd: {  	[tilespmem:s7], [sflag:$0x1] =	stream.indirect.gather [hbm4b:s2+s6], $0x80, s26, s6, $0xb8;
	[tilespmem:$0x8800] =	vst v63  }
0xbe: {  	_ =	swait.ge [sflag:s11], $0x4000  }
0xbf: {  	[sflag:s11] =	ssyncset.done $0x0  }
0xc0: {  	[sflag:s11] =	ssyncadd.s32 $0xFFFFC000  }
0xc1: {  	[hbm4b:s28+s3] =	stream.linear.scatter [tilespmem:s8], [sflag:$0x3], $0x4000, $0x38;
	[tilespmem:$0x8800] =	vst v63  }
0xc2: {  	_ =	swait.ge [sflag:s5], $0x4000  }
0xc3: {  	[sflag:s5] =	ssyncset.done $0x0  }
0xc4: {  	[sflag:s5] =	ssyncadd.s32 $0xFFFFC000  }
0xc5: {  	[tilespmem:s8], [sflag:$0x2] =	stream.indirect.gather [hbm4b:s2+s6], $0x80, s29, s6, $0xb8;
	[tilespmem:$0x8800] =	vst v63  }
0xc6: {  	_ =	swait.ge [sflag:s9], $0x4000  }
0xc7: {  	[sflag:s9] =	ssyncset.done $0x0  }
0xc8: {  	[sflag:s9] =	ssyncadd.s32 $0xFFFFC000  }
0xc9: {  	[hbm4b:s30+s3] =	stream.linear.scatter [tilespmem:s7], [sflag:$0x3], $0x4000, $0x38;
	[tilespmem:$0x8800] =	vst v63  }
0xca: {  	_ =	swait.ge [sflag:s5], $0x4000  }
0xcb: {  	[sflag:s5] =	ssyncset.done $0x0  }
0xcc: {  	p0 =	sne.s32 s1, $0x1;
	[sflag:s5] =	ssyncadd.s32 $0xFFFFC000  }
.Ltmp1:
0xcd: {  	_ =	swait.ge [sflag:s11], $0x4000;
	(pc) =	sbr.rel @p0 .LBB2_1-.Ltmp1, $4  }
0xce: {  	[sflag:s11] =	ssyncset.done $0x0  }
0xcf: {  	[sflag:s11] =	ssyncadd.s32 $0xFFFFC000  }
0xd0: {  	[hbm4b:s31+s3] =	stream.linear.scatter [tilespmem:s8], [sflag:$0x3], $0x4000, $0x38;
	[tilespmem:$0x8800] =	vst v63  }
0xd1: {  	s1 =	sadd.s32 $0xFFFFFFFF, s1;
	_ =	swait.ge [sflag:s5], $0x4000  }
.LBB2_2:
0xd2: {  	[sflag:s5] =	ssyncset.done $0x0  }
0xd3: {  	[sflag:s5] =	ssyncadd.s32 $0xFFFFC000  }
0xd4: {  	_ =	sfence.sel $0x180000  }
0xd5: {  	[bflag:$0x0] =	sbarrier.arrive $0xFFFF  }
0xd6: {  	_ =	strace $0x90000047  }
0xd7: {  	s0 =	stileid.u32;
	[bflag:$0x2] =	sbarrier.arrive $0xFFFF  }
0xd8: {  	p0 =	sne.s32 s0, $0x0;
	s0 =	rddreg [dreg:$0x3]  }
0xd9: {  	s0 =	sadd.s32 @!p0 $0x100000, s0  }
0xda: {  	[sflag:s0] =	ssyncadd.tile.s32 @!p0 $0x1;
	_ =	shalt  }
.Lfunc_end2:
_tile_overlayer_lowered:
.L_overlay_start_2:
0xdb: {  	(tag) =	ssettag $0x2  }
0xdc: {  	s0 =	rddreg [dreg:$0x0];
	s2 =	stileid.u32  }
0xdd: {  	s1 =	rddreg [dreg:$0x1];
	p0 =	sne.s32 s2, $0x0  }
0xde: {  	s3 =	rddreg [dreg:$0x2];
	[bflag:$0x3] =	sbarrier.arrive $0xFFFF;
	s2 =	simm.s32 @!p0 $0x1C03  }
0xdf: {  	[timem:s3], [sflag:s2] =	dma.local @!p0 [hbm:s0], s1  }
0xe0: {  	s0 =	simm.s32 @!p0 $0x3  }
0xe1: {  	_ =	swait.ge @!p0 [sflag:s0], s1  }
0xe2: {  	s1 =	ssub.s32 @!p0 $0x0, s1;
	[sflag:s0] =	ssyncset.done @!p0 $0x0  }
0xe3: {  	[sflag:s0] =	ssyncadd.s32 @!p0 s1  }
0xe4: {  	[bflag:$0x3] =	sbarrier.arrive $0xFFFF  }
0xe5: {  	_ =	shalt  }

</sc_bundles>
